<compile_context>
chip_gen: v7x
topology: tpu7x:2x2x1
jax: 0.10.2.dev20260603
libtpu: 0.0.44.dev20260713+nightly
codegen_flags: <defaults>
</compile_context>

<pallas_src>
import functools

import jax
import jax.numpy as jnp
from jax import lax
from jax.experimental import pallas as pl
from jax.experimental.pallas import tpu as pltpu
from jax.experimental.pallas import tpu_sc as plsc

B = 16384
NS = 4
HB = B // NS
D = 64
NW = 32
BPW = HB // NW
C = 64
NCHUNK = BPW // C

_MESH = plsc.VectorSubcoreMesh(core_axis_name="c", subcore_axis_name="s")

_IDX_T = [
    pltpu.VMEM((C,), jnp.int32),
    pltpu.VMEM((4 * C,), jnp.int32),
    pltpu.VMEM((5 * C,), jnp.int32),
]
_ROW_T = [
    pltpu.VMEM((C, D), jnp.float32),
    pltpu.VMEM((4 * C, D), jnp.float32),
    pltpu.VMEM((5 * C, D), jnp.float32),
]
_SEM_T = [pltpu.SemaphoreType.DMA] * 3


@functools.partial(
    pl.kernel,
    out_type=[
        jax.ShapeDtypeStruct((HB, 128), jnp.float32),
        jax.ShapeDtypeStruct((HB, 128), jnp.float32),
    ],
    mesh=_MESH,
    compiler_params=pltpu.CompilerParams(use_tc_tiling_on_sc=False),
    scratch_types=_IDX_T + _IDX_T + _ROW_T + _ROW_T + [
        pltpu.VMEM((C, 128), jnp.float32),
        pltpu.VMEM((C, 128), jnp.float32),
    ] + _SEM_T + _SEM_T,
)
def _sc_gather(emb, myi, ali, eni, z1, z2, *refs):
    idx_b = (refs[0:3], refs[3:6])
    row_b = (refs[6:9], refs[9:12])
    z1_v, z2_v = refs[12:14]
    sem_b = (refs[14:17], refs[17:20])
    wid = lax.axis_index("s") * 2 + lax.axis_index("c")
    base = wid * BPW

    def fire(c, slot):
        cb = base + c * C
        myi_v, ali_v, eni_v = idx_b[slot]
        myr_v, alr_v, enr_v = row_b[slot]
        s_my, s_al, s_en = sem_b[slot]
        pltpu.sync_copy(myi.at[pl.ds(cb, C)], myi_v)
        pltpu.sync_copy(ali.at[pl.ds(4 * cb, 4 * C)], ali_v)
        pltpu.sync_copy(eni.at[pl.ds(5 * cb, 5 * C)], eni_v)
        return (pltpu.async_copy(emb.at[myi_v], myr_v, s_my),
                pltpu.async_copy(emb.at[ali_v], alr_v, s_al),
                pltpu.async_copy(emb.at[eni_v], enr_v, s_en))

    cps = fire(0, 0)
    for c in range(NCHUNK):
        slot = c % 2
        cur = cps
        if c + 1 < NCHUNK:
            cps = fire(c + 1, 1 - slot)
        for cp in cur:
            cp.wait()
        myr_v, alr_v, enr_v = row_b[slot]

        def body(r, carry):
            for d in range(D // 16):
                sl = pl.ds(16 * d, 16)
                sh = pl.ds(64 + 16 * d, 16)
                z1_v[r, sl] = myr_v[r, sl]
                z1_v[r, sh] = (alr_v[4 * r, sl] + alr_v[4 * r + 1, sl]
                               + alr_v[4 * r + 2, sl] + alr_v[4 * r + 3, sl])
                z2_v[r, sl] = (enr_v[5 * r, sl] + enr_v[5 * r + 1, sl]
                               + enr_v[5 * r + 2, sl] + enr_v[5 * r + 3, sl]
                               + enr_v[5 * r + 4, sl])
            return carry

        lax.fori_loop(0, C, body, 0)
        cb = base + c * C
        pltpu.sync_copy(z1_v, z1.at[pl.ds(cb, C)])
        pltpu.sync_copy(z2_v, z2.at[pl.ds(cb, C)])


BM = 512
_T1 = (((1,), (1,)), ((), ()))


def _mlp_body(z1, z2, mi, tw, w1, b1, w2, b2, w3, b3, out):
    f32 = jnp.float32
    bf16 = jnp.bfloat16
    mi_ = mi[...]
    oh = jnp.concatenate(
        [(mi_[:, t:t + 1] == lax.broadcasted_iota(jnp.int32, (1, 17), 1)
          ).astype(bf16) for t in range(5)], axis=1)
    h1 = (lax.dot_general(z1[...].astype(bf16), w1[:, 0:128], _T1,
                          preferred_element_type=f32)
          + lax.dot_general(z2[...][:, 0:64].astype(bf16), w1[:, 128:192],
                            _T1, preferred_element_type=f32)
          + jnp.dot(oh, tw[...], preferred_element_type=f32) + b1[...])
    h1 = jnp.maximum(h1, 0.0).astype(bf16)
    h2 = jnp.maximum(
        lax.dot_general(h1, w2[...], _T1, preferred_element_type=f32)
        + b2[...], 0.0)
    o = lax.dot_general(w3[...], h2, _T1, preferred_element_type=f32)
    out[pl.ds(pl.program_id(0), 1), :] = o + b3[...]


def _mlp(z1, z2, misc_idx, tw, w1, b1, w2, b2, w3, b3):
    grid = (HB // BM,)
    return pl.pallas_call(
        _mlp_body,
        grid=grid,
        in_specs=[
            pl.BlockSpec((BM, 128), lambda i: (i, 0)),
            pl.BlockSpec((BM, 128), lambda i: (i, 0)),
            pl.BlockSpec((BM, 5), lambda i: (i, 0)),
            pl.BlockSpec((85, 256), lambda i: (0, 0)),
            pl.BlockSpec((256, 272), lambda i: (0, 0)),
            pl.BlockSpec((1, 256), lambda i: (0, 0)),
            pl.BlockSpec((128, 256), lambda i: (0, 0)),
            pl.BlockSpec((1, 128), lambda i: (0, 0)),
            pl.BlockSpec((1, 128), lambda i: (0, 0)),
            pl.BlockSpec((1, 1), lambda i: (0, 0)),
        ],
        out_specs=pl.BlockSpec((HB // BM, BM), lambda i: (0, 0)),
        out_shape=jax.ShapeDtypeStruct((HB // BM, BM), jnp.float32),
    )(z1, z2, misc_idx, tw, w1, b1, w2, b2, w3, b3)


def kernel(my_idx, ally_lists, enem_lists, misc_idx, emb_champ, emb_sp,
           emb_pri, emb_sub, emb_key, emb_pat, W1, b1, W2, b2, W3, b3):
    tbl = jax.scipy.linalg.block_diag(
        emb_sp[:17], emb_pri[:17], emb_sub[:17], emb_key[:17], emb_pat[:17])
    tw = (tbl @ W1[:, 192:272].T).astype(jnp.bfloat16)
    w1b = W1.astype(jnp.bfloat16)
    w2b = W2.astype(jnp.bfloat16)
    halves = []
    zs = []
    for h in range(NS):
        s = slice(h * HB, (h + 1) * HB)
        zs.append(_sc_gather(emb_champ, my_idx[s],
                             ally_lists[s].reshape(-1),
                             enem_lists[s].reshape(-1)))
    for h in range(NS):
        z1, z2 = zs[h]
        s = slice(h * HB, (h + 1) * HB)
        o = _mlp(z1, z2, misc_idx[s], tw, w1b, b1[None, :], w2b,
                 b2[None, :], W3, b3[None, None, 0])
        halves.append(o.reshape(HB))
    return jnp.concatenate(halves)

# --- scband reference (transcript-rebuilt; emitter-appended) ---
"""Pipeline reference for scband-comp-mlp-28664611733761 (READ-ONLY COPY).

The authoritative reference and input builder live on the scoring server;
editing this copy changes nothing except your own understanding.
"""

import jax, jax.numpy as jnp
import numpy as np

B = 16384
N_CHAMP = 100000
DIM_CHAMP = 64
DIM_MISC = 16
CARDS = [16, 16, 16, 16, 16]
IN_DIM = DIM_CHAMP * 3 + DIM_MISC * 5


def setup_inputs(seed: int = 0) -> dict:
    key = jax.random.key(seed)
    ks = jax.random.split(key, 20)
    my_idx = jax.random.randint(ks[0], (B,), 0, N_CHAMP, dtype=jnp.int32)
    ally_lists = jax.random.randint(ks[1], (B, 4), 0, N_CHAMP, dtype=jnp.int32)
    enem_lists = jax.random.randint(ks[2], (B, 5), 0, N_CHAMP, dtype=jnp.int32)
    misc_idx = jax.random.randint(ks[3], (B, 5), 0, 16, dtype=jnp.int32)
    emb_champ = jax.random.normal(ks[4], (N_CHAMP + 1, DIM_CHAMP), dtype=jnp.float32)
    emb_sp = jax.random.normal(ks[5], (CARDS[0] + 1, DIM_MISC), dtype=jnp.float32)
    emb_pri = jax.random.normal(ks[6], (CARDS[1] + 1, DIM_MISC), dtype=jnp.float32)
    emb_sub = jax.random.normal(ks[7], (CARDS[2] + 1, DIM_MISC), dtype=jnp.float32)
    emb_key = jax.random.normal(ks[8], (CARDS[3] + 1, DIM_MISC), dtype=jnp.float32)
    emb_pat = jax.random.normal(ks[9], (CARDS[4] + 1, DIM_MISC), dtype=jnp.float32)
    W1 = jax.random.normal(ks[10], (256, IN_DIM), dtype=jnp.float32) * 0.05
    b1 = jnp.zeros((256,), dtype=jnp.float32)
    W2 = jax.random.normal(ks[11], (128, 256), dtype=jnp.float32) * 0.05
    b2 = jnp.zeros((128,), dtype=jnp.float32)
    W3 = jax.random.normal(ks[12], (1, 128), dtype=jnp.float32) * 0.05
    b3 = jnp.zeros((1,), dtype=jnp.float32)
    return {"my_idx": my_idx, "ally_lists": ally_lists, "enem_lists": enem_lists,
            "misc_idx": misc_idx, "emb_champ": emb_champ, "emb_sp": emb_sp,
            "emb_pri": emb_pri, "emb_sub": emb_sub, "emb_key": emb_key,
            "emb_pat": emb_pat, "W1": W1, "b1": b1, "W2": W2, "b2": b2,
            "W3": W3, "b3": b3}


def _fix(idx, num_embeddings):
    return jnp.where(idx < 0, num_embeddings - 1, idx)


def reference(my_idx, ally_lists, enem_lists, misc_idx, emb_champ, emb_sp,
              emb_pri, emb_sub, emb_key, emb_pat, W1, b1, W2, b2, W3, b3):
    n_emb = emb_champ.shape[0]
    my_emb = jnp.take(emb_champ, _fix(my_idx, n_emb), axis=0)
    ally_sum = jnp.take(emb_champ, _fix(ally_lists, n_emb), axis=0).sum(axis=1)
    enem_sum = jnp.take(emb_champ, _fix(enem_lists, n_emb), axis=0).sum(axis=1)
    sp = jnp.take(emb_sp, _fix(misc_idx[:, 0], emb_sp.shape[0]), axis=0)
    pri = jnp.take(emb_pri, _fix(misc_idx[:, 1], emb_pri.shape[0]), axis=0)
    sub = jnp.take(emb_sub, _fix(misc_idx[:, 2], emb_sub.shape[0]), axis=0)
    key = jnp.take(emb_key, _fix(misc_idx[:, 3], emb_key.shape[0]), axis=0)
    pat = jnp.take(emb_pat, _fix(misc_idx[:, 4], emb_pat.shape[0]), axis=0)
    emb_misc = jnp.concatenate([sp, pri, sub, key, pat], axis=1)
    z = jnp.concatenate([my_emb, ally_sum, enem_sum, emb_misc], axis=1)
    h = jax.nn.relu(z @ W1.T + b1)
    h = jax.nn.relu(h @ W2.T + b2)
    out = (h @ W3.T + b3).squeeze(1)
    return out

if __name__ == "__main__":
    import jax
    _d = setup_inputs()
    print(jax.jit(kernel)(*tuple(_d.values())))

</pallas_src>

<mosaic_0001>
#map = affine_map<(d0, d1) -> (0, 0)>
#map1 = affine_map<(d0, d1) -> (0)>
module attributes {stable_mosaic.version = 14 : i64} {
  func.func @_sc_gather(%arg0: i32, %arg1: i32, %arg2: memref<100001x64xf32, #tpu.memory_space<hbm>>, %arg3: memref<4096xi32, #tpu.memory_space<hbm>>, %arg4: memref<16384xi32, #tpu.memory_space<hbm>>, %arg5: memref<20480xi32, #tpu.memory_space<hbm>>, %arg6: memref<4096x128xf32, #tpu.memory_space<hbm>>, %arg7: memref<4096x128xf32, #tpu.memory_space<hbm>>, %arg8: memref<64xi32, #tpu.memory_space<vmem>>, %arg9: memref<256xi32, #tpu.memory_space<vmem>>, %arg10: memref<320xi32, #tpu.memory_space<vmem>>, %arg11: memref<64xi32, #tpu.memory_space<vmem>>, %arg12: memref<256xi32, #tpu.memory_space<vmem>>, %arg13: memref<320xi32, #tpu.memory_space<vmem>>, %arg14: memref<64x64xf32, #tpu.memory_space<vmem>>, %arg15: memref<256x64xf32, #tpu.memory_space<vmem>>, %arg16: memref<320x64xf32, #tpu.memory_space<vmem>>, %arg17: memref<64x64xf32, #tpu.memory_space<vmem>>, %arg18: memref<256x64xf32, #tpu.memory_space<vmem>>, %arg19: memref<320x64xf32, #tpu.memory_space<vmem>>, %arg20: memref<64x128xf32, #tpu.memory_space<vmem>>, %arg21: memref<64x128xf32, #tpu.memory_space<vmem>>, %arg22: memref<!tpu.dma_semaphore, #tpu.memory_space<semaphore_mem>>, %arg23: memref<!tpu.dma_semaphore, #tpu.memory_space<semaphore_mem>>, %arg24: memref<!tpu.dma_semaphore, #tpu.memory_space<semaphore_mem>>, %arg25: memref<!tpu.dma_semaphore, #tpu.memory_space<semaphore_mem>>, %arg26: memref<!tpu.dma_semaphore, #tpu.memory_space<semaphore_mem>>, %arg27: memref<!tpu.dma_semaphore, #tpu.memory_space<semaphore_mem>>) attributes {dimension_semantics = [#tpu.dimension_semantics<core_parallel>, #tpu.dimension_semantics<subcore_parallel>], iteration_bounds = array<i64: 2, 16>, scalar_prefetch = 0 : i64, scratch_operands = 20 : i64, tpu.core_type = #tpu.core_type<sc_vector_subcore>, window_params = [{transform_indices = #map}, {transform_indices = #map1}, {transform_indices = #map1}, {transform_indices = #map1}, {transform_indices = #map}, {transform_indices = #map}]} {
    %mul3A = arith.constant 2 : i32
    %mul3A_0 = arith.muli %arg1, %mul3A : i32
    %add3A = arith.addi %mul3A_0, %arg0 : i32
    %mul3A_1 = arith.constant 128 : i32
    %mul3A_2 = arith.muli %add3A, %mul3A_1 : i32
    %add3A_3 = arith.constant 0 : i32
    %add3A_4 = arith.addi %mul3A_2, %add3A_3 : i32
    "tpu.region"() ({
      %run_scoped3A = tpu.sem_alloc : memref<!tpu.dma_semaphore, #tpu.memory_space<semaphore_mem>>
      %dma_start3A_64 = tpu.memref_slice %arg3[%add3A_4] : memref<4096xi32, #tpu.memory_space<hbm>> -> memref<64xi32, #tpu.memory_space<hbm>>
      %dma_start3A_65 = tpu.memref_slice %arg3[%add3A_4] : memref<4096xi32, #tpu.memory_space<hbm>> -> memref<64xi32, #tpu.memory_space<hbm>>
      tpu.enqueue_dma source(%dma_start3A_65 : memref<64xi32, #tpu.memory_space<hbm>>) target(%arg8 : memref<64xi32, #tpu.memory_space<vmem>>) target_semaphore(%run_scoped3A : memref<!tpu.dma_semaphore, #tpu.memory_space<semaphore_mem>>)
      %dma_wait3A_66 = tpu.memref_slice %arg3[%add3A_4] : memref<4096xi32, #tpu.memory_space<hbm>> -> memref<64xi32, #tpu.memory_space<hbm>>
      %dma_wait3A_67 = tpu.memref_slice %arg3[%add3A_4] : memref<4096xi32, #tpu.memory_space<hbm>> -> memref<64xi32, #tpu.memory_space<hbm>>
      tpu.wait_dma2 semaphore(%run_scoped3A : memref<!tpu.dma_semaphore, #tpu.memory_space<semaphore_mem>>) src(%dma_wait3A_67 : memref<64xi32, #tpu.memory_space<hbm>>) dst(%arg8 : memref<64xi32, #tpu.memory_space<vmem>>)
      tpu.yield
    }) : () -> ()
    %mul3A_5 = arith.constant 4 : i32
    %mul3A_6 = arith.muli %mul3A_5, %add3A_4 : i32
    "tpu.region"() ({
      %run_scoped3A = tpu.sem_alloc : memref<!tpu.dma_semaphore, #tpu.memory_space<semaphore_mem>>
      %dma_start3A_64 = tpu.memref_slice %arg4[%mul3A_6] : memref<16384xi32, #tpu.memory_space<hbm>> -> memref<256xi32, #tpu.memory_space<hbm>>
      %dma_start3A_65 = tpu.memref_slice %arg4[%mul3A_6] : memref<16384xi32, #tpu.memory_space<hbm>> -> memref<256xi32, #tpu.memory_space<hbm>>
      tpu.enqueue_dma source(%dma_start3A_65 : memref<256xi32, #tpu.memory_space<hbm>>) target(%arg9 : memref<256xi32, #tpu.memory_space<vmem>>) target_semaphore(%run_scoped3A : memref<!tpu.dma_semaphore, #tpu.memory_space<semaphore_mem>>)
      %dma_wait3A_66 = tpu.memref_slice %arg4[%mul3A_6] : memref<16384xi32, #tpu.memory_space<hbm>> -> memref<256xi32, #tpu.memory_space<hbm>>
      %dma_wait3A_67 = tpu.memref_slice %arg4[%mul3A_6] : memref<16384xi32, #tpu.memory_space<hbm>> -> memref<256xi32, #tpu.memory_space<hbm>>
      tpu.wait_dma2 semaphore(%run_scoped3A : memref<!tpu.dma_semaphore, #tpu.memory_space<semaphore_mem>>) src(%dma_wait3A_67 : memref<256xi32, #tpu.memory_space<hbm>>) dst(%arg9 : memref<256xi32, #tpu.memory_space<vmem>>)
      tpu.yield
    }) : () -> ()
    %mul3A_7 = arith.constant 5 : i32
    %mul3A_8 = arith.muli %mul3A_7, %add3A_4 : i32
    "tpu.region"() ({
      %run_scoped3A = tpu.sem_alloc : memref<!tpu.dma_semaphore, #tpu.memory_space<semaphore_mem>>
      %dma_start3A_64 = tpu.memref_slice %arg5[%mul3A_8] : memref<20480xi32, #tpu.memory_space<hbm>> -> memref<320xi32, #tpu.memory_space<hbm>>
      %dma_start3A_65 = tpu.memref_slice %arg5[%mul3A_8] : memref<20480xi32, #tpu.memory_space<hbm>> -> memref<320xi32, #tpu.memory_space<hbm>>
      tpu.enqueue_dma source(%dma_start3A_65 : memref<320xi32, #tpu.memory_space<hbm>>) target(%arg10 : memref<320xi32, #tpu.memory_space<vmem>>) target_semaphore(%run_scoped3A : memref<!tpu.dma_semaphore, #tpu.memory_space<semaphore_mem>>)
      %dma_wait3A_66 = tpu.memref_slice %arg5[%mul3A_8] : memref<20480xi32, #tpu.memory_space<hbm>> -> memref<320xi32, #tpu.memory_space<hbm>>
      %dma_wait3A_67 = tpu.memref_slice %arg5[%mul3A_8] : memref<20480xi32, #tpu.memory_space<hbm>> -> memref<320xi32, #tpu.memory_space<hbm>>
      tpu.wait_dma2 semaphore(%run_scoped3A : memref<!tpu.dma_semaphore, #tpu.memory_space<semaphore_mem>>) src(%dma_wait3A_67 : memref<320xi32, #tpu.memory_space<hbm>>) dst(%arg10 : memref<320xi32, #tpu.memory_space<vmem>>)
      tpu.yield
    }) : () -> ()
    %dma_start3A = arith.constant 0 : i32
    %dma_start3A_9 = arith.constant 0 : i32
    %dma_start3A_10 = tpu.memref_slice %arg2[%dma_start3A, %dma_start3A_9] : memref<100001x64xf32, #tpu.memory_space<hbm>> -> memref<100001x64xf32, #tpu.memory_space<hbm>>
    tpu.enqueue_indirect_dma source(%dma_start3A_10 : memref<100001x64xf32, #tpu.memory_space<hbm>>) target(%arg14 : memref<64x64xf32, #tpu.memory_space<vmem>>) offsets(%arg8 : memref<64xi32, #tpu.memory_space<vmem>>) semaphore(%arg22 : memref<!tpu.dma_semaphore, #tpu.memory_space<semaphore_mem>>)
    %dma_start3A_11 = arith.constant 0 : i32
    %dma_start3A_12 = arith.constant 0 : i32
    %dma_start3A_13 = tpu.memref_slice %arg2[%dma_start3A_11, %dma_start3A_12] : memref<100001x64xf32, #tpu.memory_space<hbm>> -> memref<100001x64xf32, #tpu.memory_space<hbm>>
    tpu.enqueue_indirect_dma source(%dma_start3A_13 : memref<100001x64xf32, #tpu.memory_space<hbm>>) target(%arg15 : memref<256x64xf32, #tpu.memory_space<vmem>>) offsets(%arg9 : memref<256xi32, #tpu.memory_space<vmem>>) semaphore(%arg23 : memref<!tpu.dma_semaphore, #tpu.memory_space<semaphore_mem>>)
    %dma_start3A_14 = arith.constant 0 : i32
    %dma_start3A_15 = arith.constant 0 : i32
    %dma_start3A_16 = tpu.memref_slice %arg2[%dma_start3A_14, %dma_start3A_15] : memref<100001x64xf32, #tpu.memory_space<hbm>> -> memref<100001x64xf32, #tpu.memory_space<hbm>>
    tpu.enqueue_indirect_dma source(%dma_start3A_16 : memref<100001x64xf32, #tpu.memory_space<hbm>>) target(%arg16 : memref<320x64xf32, #tpu.memory_space<vmem>>) offsets(%arg10 : memref<320xi32, #tpu.memory_space<vmem>>) semaphore(%arg24 : memref<!tpu.dma_semaphore, #tpu.memory_space<semaphore_mem>>)
    %add3A_17 = arith.constant 64 : i32
    %add3A_18 = arith.addi %mul3A_2, %add3A_17 : i32
    "tpu.region"() ({
      %run_scoped3A = tpu.sem_alloc : memref<!tpu.dma_semaphore, #tpu.memory_space<semaphore_mem>>
      %dma_start3A_64 = tpu.memref_slice %arg3[%add3A_18] : memref<4096xi32, #tpu.memory_space<hbm>> -> memref<64xi32, #tpu.memory_space<hbm>>
      %dma_start3A_65 = tpu.memref_slice %arg3[%add3A_18] : memref<4096xi32, #tpu.memory_space<hbm>> -> memref<64xi32, #tpu.memory_space<hbm>>
      tpu.enqueue_dma source(%dma_start3A_65 : memref<64xi32, #tpu.memory_space<hbm>>) target(%arg11 : memref<64xi32, #tpu.memory_space<vmem>>) target_semaphore(%run_scoped3A : memref<!tpu.dma_semaphore, #tpu.memory_space<semaphore_mem>>)
      %dma_wait3A_66 = tpu.memref_slice %arg3[%add3A_18] : memref<4096xi32, #tpu.memory_space<hbm>> -> memref<64xi32, #tpu.memory_space<hbm>>
      %dma_wait3A_67 = tpu.memref_slice %arg3[%add3A_18] : memref<4096xi32, #tpu.memory_space<hbm>> -> memref<64xi32, #tpu.memory_space<hbm>>
      tpu.wait_dma2 semaphore(%run_scoped3A : memref<!tpu.dma_semaphore, #tpu.memory_space<semaphore_mem>>) src(%dma_wait3A_67 : memref<64xi32, #tpu.memory_space<hbm>>) dst(%arg11 : memref<64xi32, #tpu.memory_space<vmem>>)
      tpu.yield
    }) : () -> ()
    %mul3A_19 = arith.constant 4 : i32
    %mul3A_20 = arith.muli %mul3A_19, %add3A_18 : i32
    "tpu.region"() ({
      %run_scoped3A = tpu.sem_alloc : memref<!tpu.dma_semaphore, #tpu.memory_space<semaphore_mem>>
      %dma_start3A_64 = tpu.memref_slice %arg4[%mul3A_20] : memref<16384xi32, #tpu.memory_space<hbm>> -> memref<256xi32, #tpu.memory_space<hbm>>
      %dma_start3A_65 = tpu.memref_slice %arg4[%mul3A_20] : memref<16384xi32, #tpu.memory_space<hbm>> -> memref<256xi32, #tpu.memory_space<hbm>>
      tpu.enqueue_dma source(%dma_start3A_65 : memref<256xi32, #tpu.memory_space<hbm>>) target(%arg12 : memref<256xi32, #tpu.memory_space<vmem>>) target_semaphore(%run_scoped3A : memref<!tpu.dma_semaphore, #tpu.memory_space<semaphore_mem>>)
      %dma_wait3A_66 = tpu.memref_slice %arg4[%mul3A_20] : memref<16384xi32, #tpu.memory_space<hbm>> -> memref<256xi32, #tpu.memory_space<hbm>>
      %dma_wait3A_67 = tpu.memref_slice %arg4[%mul3A_20] : memref<16384xi32, #tpu.memory_space<hbm>> -> memref<256xi32, #tpu.memory_space<hbm>>
      tpu.wait_dma2 semaphore(%run_scoped3A : memref<!tpu.dma_semaphore, #tpu.memory_space<semaphore_mem>>) src(%dma_wait3A_67 : memref<256xi32, #tpu.memory_space<hbm>>) dst(%arg12 : memref<256xi32, #tpu.memory_space<vmem>>)
      tpu.yield
    }) : () -> ()
    %mul3A_21 = arith.constant 5 : i32
    %mul3A_22 = arith.muli %mul3A_21, %add3A_18 : i32
    "tpu.region"() ({
      %run_scoped3A = tpu.sem_alloc : memref<!tpu.dma_semaphore, #tpu.memory_space<semaphore_mem>>
      %dma_start3A_64 = tpu.memref_slice %arg5[%mul3A_22] : memref<20480xi32, #tpu.memory_space<hbm>> -> memref<320xi32, #tpu.memory_space<hbm>>
      %dma_start3A_65 = tpu.memref_slice %arg5[%mul3A_22] : memref<20480xi32, #tpu.memory_space<hbm>> -> memref<320xi32, #tpu.memory_space<hbm>>
      tpu.enqueue_dma source(%dma_start3A_65 : memref<320xi32, #tpu.memory_space<hbm>>) target(%arg13 : memref<320xi32, #tpu.memory_space<vmem>>) target_semaphore(%run_scoped3A : memref<!tpu.dma_semaphore, #tpu.memory_space<semaphore_mem>>)
      %dma_wait3A_66 = tpu.memref_slice %arg5[%mul3A_22] : memref<20480xi32, #tpu.memory_space<hbm>> -> memref<320xi32, #tpu.memory_space<hbm>>
      %dma_wait3A_67 = tpu.memref_slice %arg5[%mul3A_22] : memref<20480xi32, #tpu.memory_space<hbm>> -> memref<320xi32, #tpu.memory_space<hbm>>
      tpu.wait_dma2 semaphore(%run_scoped3A : memref<!tpu.dma_semaphore, #tpu.memory_space<semaphore_mem>>) src(%dma_wait3A_67 : memref<320xi32, #tpu.memory_space<hbm>>) dst(%arg13 : memref<320xi32, #tpu.memory_space<vmem>>)
      tpu.yield
    }) : () -> ()
    %dma_start3A_23 = arith.constant 0 : i32
    %dma_start3A_24 = arith.constant 0 : i32
    %dma_start3A_25 = tpu.memref_slice %arg2[%dma_start3A_23, %dma_start3A_24] : memref<100001x64xf32, #tpu.memory_space<hbm>> -> memref<100001x64xf32, #tpu.memory_space<hbm>>
    tpu.enqueue_indirect_dma source(%dma_start3A_25 : memref<100001x64xf32, #tpu.memory_space<hbm>>) target(%arg17 : memref<64x64xf32, #tpu.memory_space<vmem>>) offsets(%arg11 : memref<64xi32, #tpu.memory_space<vmem>>) semaphore(%arg25 : memref<!tpu.dma_semaphore, #tpu.memory_space<semaphore_mem>>)
    %dma_start3A_26 = arith.constant 0 : i32
    %dma_start3A_27 = arith.constant 0 : i32
    %dma_start3A_28 = tpu.memref_slice %arg2[%dma_start3A_26, %dma_start3A_27] : memref<100001x64xf32, #tpu.memory_space<hbm>> -> memref<100001x64xf32, #tpu.memory_space<hbm>>
    tpu.enqueue_indirect_dma source(%dma_start3A_28 : memref<100001x64xf32, #tpu.memory_space<hbm>>) target(%arg18 : memref<256x64xf32, #tpu.memory_space<vmem>>) offsets(%arg12 : memref<256xi32, #tpu.memory_space<vmem>>) semaphore(%arg26 : memref<!tpu.dma_semaphore, #tpu.memory_space<semaphore_mem>>)
    %dma_start3A_29 = arith.constant 0 : i32
    %dma_start3A_30 = arith.constant 0 : i32
    %dma_start3A_31 = tpu.memref_slice %arg2[%dma_start3A_29, %dma_start3A_30] : memref<100001x64xf32, #tpu.memory_space<hbm>> -> memref<100001x64xf32, #tpu.memory_space<hbm>>
    tpu.enqueue_indirect_dma source(%dma_start3A_31 : memref<100001x64xf32, #tpu.memory_space<hbm>>) target(%arg19 : memref<320x64xf32, #tpu.memory_space<vmem>>) offsets(%arg13 : memref<320xi32, #tpu.memory_space<vmem>>) semaphore(%arg27 : memref<!tpu.dma_semaphore, #tpu.memory_space<semaphore_mem>>)
    %dma_wait3A = arith.constant 0 : i32
    %dma_wait3A_32 = arith.constant 0 : i32
    %dma_wait3A_33 = tpu.memref_slice %arg2[%dma_wait3A, %dma_wait3A_32] : memref<100001x64xf32, #tpu.memory_space<hbm>> -> memref<100001x64xf32, #tpu.memory_space<hbm>>
    tpu.wait_indirect_dma semaphore(%arg22 : memref<!tpu.dma_semaphore, #tpu.memory_space<semaphore_mem>>) src(%dma_wait3A_33 : memref<100001x64xf32, #tpu.memory_space<hbm>>) dst(%arg14 : memref<64x64xf32, #tpu.memory_space<vmem>>)
    %dma_wait3A_34 = arith.constant 0 : i32
    %dma_wait3A_35 = arith.constant 0 : i32
    %dma_wait3A_36 = tpu.memref_slice %arg2[%dma_wait3A_34, %dma_wait3A_35] : memref<100001x64xf32, #tpu.memory_space<hbm>> -> memref<100001x64xf32, #tpu.memory_space<hbm>>
    tpu.wait_indirect_dma semaphore(%arg23 : memref<!tpu.dma_semaphore, #tpu.memory_space<semaphore_mem>>) src(%dma_wait3A_36 : memref<100001x64xf32, #tpu.memory_space<hbm>>) dst(%arg15 : memref<256x64xf32, #tpu.memory_space<vmem>>)
    %dma_wait3A_37 = arith.constant 0 : i32
    %dma_wait3A_38 = arith.constant 0 : i32
    %dma_wait3A_39 = tpu.memref_slice %arg2[%dma_wait3A_37, %dma_wait3A_38] : memref<100001x64xf32, #tpu.memory_space<hbm>> -> memref<100001x64xf32, #tpu.memory_space<hbm>>
    tpu.wait_indirect_dma semaphore(%arg24 : memref<!tpu.dma_semaphore, #tpu.memory_space<semaphore_mem>>) src(%dma_wait3A_39 : memref<100001x64xf32, #tpu.memory_space<hbm>>) dst(%arg16 : memref<320x64xf32, #tpu.memory_space<vmem>>)
    %scan3A = arith.constant 0 : i32
    %scan3A_40 = arith.constant 0 : i32
    %scan3A_41 = arith.constant 64 : i32
    %scan3A_42 = arith.addi %scan3A_40, %scan3A_41 : i32
    %scan3A_43 = arith.constant 1 : i32
    scf.for %scan3A_64 = %scan3A_40 to %scan3A_42 step %scan3A_43  : i32 {
      %get3A = arith.index_cast %scan3A_64 : i32 to index
      %get3A_65 = arith.constant 0 : index
      %get3A_66 = tpu.vector_load %arg14[%get3A, %get3A_65] {strides = array<i32>} : memref<64x64xf32, #tpu.memory_space<vmem>>, vector<1x16xf32>,
      %get3A_67 = vector.shape_cast %get3A_66 : vector<1x16xf32> to vector<16xf32>
      %swap3A = arith.index_cast %scan3A_64 : i32 to index
      %swap3A_68 = arith.constant 0 : index
      %swap3A_69 = tpu.vector_load %arg20[%swap3A, %swap3A_68] {strides = array<i32>} : memref<64x128xf32, #tpu.memory_space<vmem>>, vector<1x16xf32>,
      %swap3A_70 = vector.shape_cast %swap3A_69 : vector<1x16xf32> to vector<16xf32>
      %swap3A_71 = vector.shape_cast %get3A_67 : vector<16xf32> to vector<1x16xf32>
      tpu.vector_store %arg20[%swap3A, %swap3A_68], %swap3A_71 {strides = array<i32>} : memref<64x128xf32, #tpu.memory_space<vmem>>, vector<1x16xf32>,
      %mul3A_72 = arith.constant 4 : i32
      %mul3A_73 = arith.muli %mul3A_72, %scan3A_64 : i32
      %get3A_74 = arith.index_cast %mul3A_73 : i32 to index
      %get3A_75 = arith.constant 0 : index
      %get3A_76 = tpu.vector_load %arg15[%get3A_74, %get3A_75] {strides = array<i32>} : memref<256x64xf32, #tpu.memory_space<vmem>>, vector<1x16xf32>,
      %get3A_77 = vector.shape_cast %get3A_76 : vector<1x16xf32> to vector<16xf32>
      %mul3A_78 = arith.constant 4 : i32
      %mul3A_79 = arith.muli %mul3A_78, %scan3A_64 : i32
      %add3A_80 = arith.constant 1 : i32
      %add3A_81 = arith.addi %mul3A_79, %add3A_80 : i32
      %get3A_82 = arith.index_cast %add3A_81 : i32 to index
      %get3A_83 = arith.constant 0 : index
      %get3A_84 = tpu.vector_load %arg15[%get3A_82, %get3A_83] {strides = array<i32>} : memref<256x64xf32, #tpu.memory_space<vmem>>, vector<1x16xf32>,
      %get3A_85 = vector.shape_cast %get3A_84 : vector<1x16xf32> to vector<16xf32>
      %add3A_86 = arith.addf %get3A_77, %get3A_85 : vector<16xf32>
      %mul3A_87 = arith.constant 4 : i32
      %mul3A_88 = arith.muli %mul3A_87, %scan3A_64 : i32
      %add3A_89 = arith.constant 2 : i32
      %add3A_90 = arith.addi %mul3A_88, %add3A_89 : i32
      %get3A_91 = arith.index_cast %add3A_90 : i32 to index
      %get3A_92 = arith.constant 0 : index
      %get3A_93 = tpu.vector_load %arg15[%get3A_91, %get3A_92] {strides = array<i32>} : memref<256x64xf32, #tpu.memory_space<vmem>>, vector<1x16xf32>,
      %get3A_94 = vector.shape_cast %get3A_93 : vector<1x16xf32> to vector<16xf32>
      %add3A_95 = arith.addf %add3A_86, %get3A_94 : vector<16xf32>
      %mul3A_96 = arith.constant 4 : i32
      %mul3A_97 = arith.muli %mul3A_96, %scan3A_64 : i32
      %add3A_98 = arith.constant 3 : i32
      %add3A_99 = arith.addi %mul3A_97, %add3A_98 : i32
      %get3A_100 = arith.index_cast %add3A_99 : i32 to index
      %get3A_101 = arith.constant 0 : index
      %get3A_102 = tpu.vector_load %arg15[%get3A_100, %get3A_101] {strides = array<i32>} : memref<256x64xf32, #tpu.memory_space<vmem>>, vector<1x16xf32>,
      %get3A_103 = vector.shape_cast %get3A_102 : vector<1x16xf32> to vector<16xf32>
      %add3A_104 = arith.addf %add3A_95, %get3A_103 : vector<16xf32>
      %swap3A_105 = arith.index_cast %scan3A_64 : i32 to index
      %swap3A_106 = arith.constant 64 : index
      %swap3A_107 = tpu.vector_load %arg20[%swap3A_105, %swap3A_106] {strides = array<i32>} : memref<64x128xf32, #tpu.memory_space<vmem>>, vector<1x16xf32>,
      %swap3A_108 = vector.shape_cast %swap3A_107 : vector<1x16xf32> to vector<16xf32>
      %swap3A_109 = vector.shape_cast %add3A_104 : vector<16xf32> to vector<1x16xf32>
      tpu.vector_store %arg20[%swap3A_105, %swap3A_106], %swap3A_109 {strides = array<i32>} : memref<64x128xf32, #tpu.memory_space<vmem>>, vector<1x16xf32>,
      %mul3A_110 = arith.constant 5 : i32
      %mul3A_111 = arith.muli %mul3A_110, %scan3A_64 : i32
      %get3A_112 = arith.index_cast %mul3A_111 : i32 to index
      %get3A_113 = arith.constant 0 : index
      %get3A_114 = tpu.vector_load %arg16[%get3A_112, %get3A_113] {strides = array<i32>} : memref<320x64xf32, #tpu.memory_space<vmem>>, vector<1x16xf32>,
      %get3A_115 = vector.shape_cast %get3A_114 : vector<1x16xf32> to vector<16xf32>
      %mul3A_116 = arith.constant 5 : i32
      %mul3A_117 = arith.muli %mul3A_116, %scan3A_64 : i32
      %add3A_118 = arith.constant 1 : i32
      %add3A_119 = arith.addi %mul3A_117, %add3A_118 : i32
      %get3A_120 = arith.index_cast %add3A_119 : i32 to index
      %get3A_121 = arith.constant 0 : index
      %get3A_122 = tpu.vector_load %arg16[%get3A_120, %get3A_121] {strides = array<i32>} : memref<320x64xf32, #tpu.memory_space<vmem>>, vector<1x16xf32>,
      %get3A_123 = vector.shape_cast %get3A_122 : vector<1x16xf32> to vector<16xf32>
      %add3A_124 = arith.addf %get3A_115, %get3A_123 : vector<16xf32>
      %mul3A_125 = arith.constant 5 : i32
      %mul3A_126 = arith.muli %mul3A_125, %scan3A_64 : i32
      %add3A_127 = arith.constant 2 : i32
      %add3A_128 = arith.addi %mul3A_126, %add3A_127 : i32
      %get3A_129 = arith.index_cast %add3A_128 : i32 to index
      %get3A_130 = arith.constant 0 : index
      %get3A_131 = tpu.vector_load %arg16[%get3A_129, %get3A_130] {strides = array<i32>} : memref<320x64xf32, #tpu.memory_space<vmem>>, vector<1x16xf32>,
      %get3A_132 = vector.shape_cast %get3A_131 : vector<1x16xf32> to vector<16xf32>
      %add3A_133 = arith.addf %add3A_124, %get3A_132 : vector<16xf32>
      %mul3A_134 = arith.constant 5 : i32
      %mul3A_135 = arith.muli %mul3A_134, %scan3A_64 : i32
      %add3A_136 = arith.constant 3 : i32
      %add3A_137 = arith.addi %mul3A_135, %add3A_136 : i32
      %get3A_138 = arith.index_cast %add3A_137 : i32 to index
      %get3A_139 = arith.constant 0 : index
      %get3A_140 = tpu.vector_load %arg16[%get3A_138, %get3A_139] {strides = array<i32>} : memref<320x64xf32, #tpu.memory_space<vmem>>, vector<1x16xf32>,
      %get3A_141 = vector.shape_cast %get3A_140 : vector<1x16xf32> to vector<16xf32>
      %add3A_142 = arith.addf %add3A_133, %get3A_141 : vector<16xf32>
      %mul3A_143 = arith.constant 5 : i32
      %mul3A_144 = arith.muli %mul3A_143, %scan3A_64 : i32
      %add3A_145 = arith.constant 4 : i32
      %add3A_146 = arith.addi %mul3A_144, %add3A_145 : i32
      %get3A_147 = arith.index_cast %add3A_146 : i32 to index
      %get3A_148 = arith.constant 0 : index
      %get3A_149 = tpu.vector_load %arg16[%get3A_147, %get3A_148] {strides = array<i32>} : memref<320x64xf32, #tpu.memory_space<vmem>>, vector<1x16xf32>,
      %get3A_150 = vector.shape_cast %get3A_149 : vector<1x16xf32> to vector<16xf32>
      %add3A_151 = arith.addf %add3A_142, %get3A_150 : vector<16xf32>
      %swap3A_152 = arith.index_cast %scan3A_64 : i32 to index
      %swap3A_153 = arith.constant 0 : index
      %swap3A_154 = tpu.vector_load %arg21[%swap3A_152, %swap3A_153] {strides = array<i32>} : memref<64x128xf32, #tpu.memory_space<vmem>>, vector<1x16xf32>,
      %swap3A_155 = vector.shape_cast %swap3A_154 : vector<1x16xf32> to vector<16xf32>
      %swap3A_156 = vector.shape_cast %add3A_151 : vector<16xf32> to vector<1x16xf32>
      tpu.vector_store %arg21[%swap3A_152, %swap3A_153], %swap3A_156 {strides = array<i32>} : memref<64x128xf32, #tpu.memory_space<vmem>>, vector<1x16xf32>,
      %get3A_157 = arith.index_cast %scan3A_64 : i32 to index
      %get3A_158 = arith.constant 16 : index
      %get3A_159 = tpu.vector_load %arg14[%get3A_157, %get3A_158] {strides = array<i32>} : memref<64x64xf32, #tpu.memory_space<vmem>>, vector<1x16xf32>,
      %get3A_160 = vector.shape_cast %get3A_159 : vector<1x16xf32> to vector<16xf32>
      %swap3A_161 = arith.index_cast %scan3A_64 : i32 to index
      %swap3A_162 = arith.constant 16 : index
      %swap3A_163 = tpu.vector_load %arg20[%swap3A_161, %swap3A_162] {strides = array<i32>} : memref<64x128xf32, #tpu.memory_space<vmem>>, vector<1x16xf32>,
      %swap3A_164 = vector.shape_cast %swap3A_163 : vector<1x16xf32> to vector<16xf32>
      %swap3A_165 = vector.shape_cast %get3A_160 : vector<16xf32> to vector<1x16xf32>
      tpu.vector_store %arg20[%swap3A_161, %swap3A_162], %swap3A_165 {strides = array<i32>} : memref<64x128xf32, #tpu.memory_space<vmem>>, vector<1x16xf32>,
      %mul3A_166 = arith.constant 4 : i32
      %mul3A_167 = arith.muli %mul3A_166, %scan3A_64 : i32
      %get3A_168 = arith.index_cast %mul3A_167 : i32 to index
      %get3A_169 = arith.constant 16 : index
      %get3A_170 = tpu.vector_load %arg15[%get3A_168, %get3A_169] {strides = array<i32>} : memref<256x64xf32, #tpu.memory_space<vmem>>, vector<1x16xf32>,
      %get3A_171 = vector.shape_cast %get3A_170 : vector<1x16xf32> to vector<16xf32>
      %mul3A_172 = arith.constant 4 : i32
      %mul3A_173 = arith.muli %mul3A_172, %scan3A_64 : i32
      %add3A_174 = arith.constant 1 : i32
      %add3A_175 = arith.addi %mul3A_173, %add3A_174 : i32
      %get3A_176 = arith.index_cast %add3A_175 : i32 to index
      %get3A_177 = arith.constant 16 : index
      %get3A_178 = tpu.vector_load %arg15[%get3A_176, %get3A_177] {strides = array<i32>} : memref<256x64xf32, #tpu.memory_space<vmem>>, vector<1x16xf32>,
      %get3A_179 = vector.shape_cast %get3A_178 : vector<1x16xf32> to vector<16xf32>
      %add3A_180 = arith.addf %get3A_171, %get3A_179 : vector<16xf32>
      %mul3A_181 = arith.constant 4 : i32
      %mul3A_182 = arith.muli %mul3A_181, %scan3A_64 : i32
      %add3A_183 = arith.constant 2 : i32
      %add3A_184 = arith.addi %mul3A_182, %add3A_183 : i32
      %get3A_185 = arith.index_cast %add3A_184 : i32 to index
      %get3A_186 = arith.constant 16 : index
      %get3A_187 = tpu.vector_load %arg15[%get3A_185, %get3A_186] {strides = array<i32>} : memref<256x64xf32, #tpu.memory_space<vmem>>, vector<1x16xf32>,
      %get3A_188 = vector.shape_cast %get3A_187 : vector<1x16xf32> to vector<16xf32>
      %add3A_189 = arith.addf %add3A_180, %get3A_188 : vector<16xf32>
      %mul3A_190 = arith.constant 4 : i32
      %mul3A_191 = arith.muli %mul3A_190, %scan3A_64 : i32
      %add3A_192 = arith.constant 3 : i32
      %add3A_193 = arith.addi %mul3A_191, %add3A_192 : i32
      %get3A_194 = arith.index_cast %add3A_193 : i32 to index
      %get3A_195 = arith.constant 16 : index
      %get3A_196 = tpu.vector_load %arg15[%get3A_194, %get3A_195] {strides = array<i32>} : memref<256x64xf32, #tpu.memory_space<vmem>>, vector<1x16xf32>,
      %get3A_197 = vector.shape_cast %get3A_196 : vector<1x16xf32> to vector<16xf32>
      %add3A_198 = arith.addf %add3A_189, %get3A_197 : vector<16xf32>
      %swap3A_199 = arith.index_cast %scan3A_64 : i32 to index
      %swap3A_200 = arith.constant 80 : index
      %swap3A_201 = tpu.vector_load %arg20[%swap3A_199, %swap3A_200] {strides = array<i32>} : memref<64x128xf32, #tpu.memory_space<vmem>>, vector<1x16xf32>,
      %swap3A_202 = vector.shape_cast %swap3A_201 : vector<1x16xf32> to vector<16xf32>
      %swap3A_203 = vector.shape_cast %add3A_198 : vector<16xf32> to vector<1x16xf32>
      tpu.vector_store %arg20[%swap3A_199, %swap3A_200], %swap3A_203 {strides = array<i32>} : memref<64x128xf32, #tpu.memory_space<vmem>>, vector<1x16xf32>,
      %mul3A_204 = arith.constant 5 : i32
      %mul3A_205 = arith.muli %mul3A_204, %scan3A_64 : i32
      %get3A_206 = arith.index_cast %mul3A_205 : i32 to index
      %get3A_207 = arith.constant 16 : index
      %get3A_208 = tpu.vector_load %arg16[%get3A_206, %get3A_207] {strides = array<i32>} : memref<320x64xf32, #tpu.memory_space<vmem>>, vector<1x16xf32>,
      %get3A_209 = vector.shape_cast %get3A_208 : vector<1x16xf32> to vector<16xf32>
      %mul3A_210 = arith.constant 5 : i32
      %mul3A_211 = arith.muli %mul3A_210, %scan3A_64 : i32
      %add3A_212 = arith.constant 1 : i32
      %add3A_213 = arith.addi %mul3A_211, %add3A_212 : i32
      %get3A_214 = arith.index_cast %add3A_213 : i32 to index
      %get3A_215 = arith.constant 16 : index
      %get3A_216 = tpu.vector_load %arg16[%get3A_214, %get3A_215] {strides = array<i32>} : memref<320x64xf32, #tpu.memory_space<vmem>>, vector<1x16xf32>,
      %get3A_217 = vector.shape_cast %get3A_216 : vector<1x16xf32> to vector<16xf32>
      %add3A_218 = arith.addf %get3A_209, %get3A_217 : vector<16xf32>
      %mul3A_219 = arith.constant 5 : i32
      %mul3A_220 = arith.muli %mul3A_219, %scan3A_64 : i32
      %add3A_221 = arith.constant 2 : i32
      %add3A_222 = arith.addi %mul3A_220, %add3A_221 : i32
      %get3A_223 = arith.index_cast %add3A_222 : i32 to index
      %get3A_224 = arith.constant 16 : index
      %get3A_225 = tpu.vector_load %arg16[%get3A_223, %get3A_224] {strides = array<i32>} : memref<320x64xf32, #tpu.memory_space<vmem>>, vector<1x16xf32>,
      %get3A_226 = vector.shape_cast %get3A_225 : vector<1x16xf32> to vector<16xf32>
      %add3A_227 = arith.addf %add3A_218, %get3A_226 : vector<16xf32>
      %mul3A_228 = arith.constant 5 : i32
      %mul3A_229 = arith.muli %mul3A_228, %scan3A_64 : i32
      %add3A_230 = arith.constant 3 : i32
      %add3A_231 = arith.addi %mul3A_229, %add3A_230 : i32
      %get3A_232 = arith.index_cast %add3A_231 : i32 to index
      %get3A_233 = arith.constant 16 : index
      %get3A_234 = tpu.vector_load %arg16[%get3A_232, %get3A_233] {strides = array<i32>} : memref<320x64xf32, #tpu.memory_space<vmem>>, vector<1x16xf32>,
      %get3A_235 = vector.shape_cast %get3A_234 : vector<1x16xf32> to vector<16xf32>
      %add3A_236 = arith.addf %add3A_227, %get3A_235 : vector<16xf32>
      %mul3A_237 = arith.constant 5 : i32
      %mul3A_238 = arith.muli %mul3A_237, %scan3A_64 : i32
      %add3A_239 = arith.constant 4 : i32
      %add3A_240 = arith.addi %mul3A_238, %add3A_239 : i32
      %get3A_241 = arith.index_cast %add3A_240 : i32 to index
      %get3A_242 = arith.constant 16 : index
      %get3A_243 = tpu.vector_load %arg16[%get3A_241, %get3A_242] {strides = array<i32>} : memref<320x64xf32, #tpu.memory_space<vmem>>, vector<1x16xf32>,
      %get3A_244 = vector.shape_cast %get3A_243 : vector<1x16xf32> to vector<16xf32>
      %add3A_245 = arith.addf %add3A_236, %get3A_244 : vector<16xf32>
      %swap3A_246 = arith.index_cast %scan3A_64 : i32 to index
      %swap3A_247 = arith.constant 16 : index
      %swap3A_248 = tpu.vector_load %arg21[%swap3A_246, %swap3A_247] {strides = array<i32>} : memref<64x128xf32, #tpu.memory_space<vmem>>, vector<1x16xf32>,
      %swap3A_249 = vector.shape_cast %swap3A_248 : vector<1x16xf32> to vector<16xf32>
      %swap3A_250 = vector.shape_cast %add3A_245 : vector<16xf32> to vector<1x16xf32>
      tpu.vector_store %arg21[%swap3A_246, %swap3A_247], %swap3A_250 {strides = array<i32>} : memref<64x128xf32, #tpu.memory_space<vmem>>, vector<1x16xf32>,
      %get3A_251 = arith.index_cast %scan3A_64 : i32 to index
      %get3A_252 = arith.constant 32 : index
      %get3A_253 = tpu.vector_load %arg14[%get3A_251, %get3A_252] {strides = array<i32>} : memref<64x64xf32, #tpu.memory_space<vmem>>, vector<1x16xf32>,
      %get3A_254 = vector.shape_cast %get3A_253 : vector<1x16xf32> to vector<16xf32>
      %swap3A_255 = arith.index_cast %scan3A_64 : i32 to index
      %swap3A_256 = arith.constant 32 : index
      %swap3A_257 = tpu.vector_load %arg20[%swap3A_255, %swap3A_256] {strides = array<i32>} : memref<64x128xf32, #tpu.memory_space<vmem>>, vector<1x16xf32>,
      %swap3A_258 = vector.shape_cast %swap3A_257 : vector<1x16xf32> to vector<16xf32>
      %swap3A_259 = vector.shape_cast %get3A_254 : vector<16xf32> to vector<1x16xf32>
      tpu.vector_store %arg20[%swap3A_255, %swap3A_256], %swap3A_259 {strides = array<i32>} : memref<64x128xf32, #tpu.memory_space<vmem>>, vector<1x16xf32>,
      %mul3A_260 = arith.constant 4 : i32
      %mul3A_261 = arith.muli %mul3A_260, %scan3A_64 : i32
      %get3A_262 = arith.index_cast %mul3A_261 : i32 to index
      %get3A_263 = arith.constant 32 : index
      %get3A_264 = tpu.vector_load %arg15[%get3A_262, %get3A_263] {strides = array<i32>} : memref<256x64xf32, #tpu.memory_space<vmem>>, vector<1x16xf32>,
      %get3A_265 = vector.shape_cast %get3A_264 : vector<1x16xf32> to vector<16xf32>
      %mul3A_266 = arith.constant 4 : i32
      %mul3A_267 = arith.muli %mul3A_266, %scan3A_64 : i32
      %add3A_268 = arith.constant 1 : i32
      %add3A_269 = arith.addi %mul3A_267, %add3A_268 : i32
      %get3A_270 = arith.index_cast %add3A_269 : i32 to index
      %get3A_271 = arith.constant 32 : index
      %get3A_272 = tpu.vector_load %arg15[%get3A_270, %get3A_271] {strides = array<i32>} : memref<256x64xf32, #tpu.memory_space<vmem>>, vector<1x16xf32>,
      %get3A_273 = vector.shape_cast %get3A_272 : vector<1x16xf32> to vector<16xf32>
      %add3A_274 = arith.addf %get3A_265, %get3A_273 : vector<16xf32>
      %mul3A_275 = arith.constant 4 : i32
      %mul3A_276 = arith.muli %mul3A_275, %scan3A_64 : i32
      %add3A_277 = arith.constant 2 : i32
      %add3A_278 = arith.addi %mul3A_276, %add3A_277 : i32
      %get3A_279 = arith.index_cast %add3A_278 : i32 to index
      %get3A_280 = arith.constant 32 : index
      %get3A_281 = tpu.vector_load %arg15[%get3A_279, %get3A_280] {strides = array<i32>} : memref<256x64xf32, #tpu.memory_space<vmem>>, vector<1x16xf32>,
      %get3A_282 = vector.shape_cast %get3A_281 : vector<1x16xf32> to vector<16xf32>
      %add3A_283 = arith.addf %add3A_274, %get3A_282 : vector<16xf32>
      %mul3A_284 = arith.constant 4 : i32
      %mul3A_285 = arith.muli %mul3A_284, %scan3A_64 : i32
      %add3A_286 = arith.constant 3 : i32
      %add3A_287 = arith.addi %mul3A_285, %add3A_286 : i32
      %get3A_288 = arith.index_cast %add3A_287 : i32 to index
      %get3A_289 = arith.constant 32 : index
      %get3A_290 = tpu.vector_load %arg15[%get3A_288, %get3A_289] {strides = array<i32>} : memref<256x64xf32, #tpu.memory_space<vmem>>, vector<1x16xf32>,
      %get3A_291 = vector.shape_cast %get3A_290 : vector<1x16xf32> to vector<16xf32>
      %add3A_292 = arith.addf %add3A_283, %get3A_291 : vector<16xf32>
      %swap3A_293 = arith.index_cast %scan3A_64 : i32 to index
      %swap3A_294 = arith.constant 96 : index
      %swap3A_295 = tpu.vector_load %arg20[%swap3A_293, %swap3A_294] {strides = array<i32>} : memref<64x128xf32, #tpu.memory_space<vmem>>, vector<1x16xf32>,
      %swap3A_296 = vector.shape_cast %swap3A_295 : vector<1x16xf32> to vector<16xf32>
      %swap3A_297 = vector.shape_cast %add3A_292 : vector<16xf32> to vector<1x16xf32>
      tpu.vector_store %arg20[%swap3A_293, %swap3A_294], %swap3A_297 {strides = array<i32>} : memref<64x128xf32, #tpu.memory_space<vmem>>, vector<1x16xf32>,
      %mul3A_298 = arith.constant 5 : i32
      %mul3A_299 = arith.muli %mul3A_298, %scan3A_64 : i32
      %get3A_300 = arith.index_cast %mul3A_299 : i32 to index
      %get3A_301 = arith.constant 32 : index
      %get3A_302 = tpu.vector_load %arg16[%get3A_300, %get3A_301] {strides = array<i32>} : memref<320x64xf32, #tpu.memory_space<vmem>>, vector<1x16xf32>,
      %get3A_303 = vector.shape_cast %get3A_302 : vector<1x16xf32> to vector<16xf32>
      %mul3A_304 = arith.constant 5 : i32
      %mul3A_305 = arith.muli %mul3A_304, %scan3A_64 : i32
      %add3A_306 = arith.constant 1 : i32
      %add3A_307 = arith.addi %mul3A_305, %add3A_306 : i32
      %get3A_308 = arith.index_cast %add3A_307 : i32 to index
      %get3A_309 = arith.constant 32 : index
      %get3A_310 = tpu.vector_load %arg16[%get3A_308, %get3A_309] {strides = array<i32>} : memref<320x64xf32, #tpu.memory_space<vmem>>, vector<1x16xf32>,
      %get3A_311 = vector.shape_cast %get3A_310 : vector<1x16xf32> to vector<16xf32>
      %add3A_312 = arith.addf %get3A_303, %get3A_311 : vector<16xf32>
      %mul3A_313 = arith.constant 5 : i32
      %mul3A_314 = arith.muli %mul3A_313, %scan3A_64 : i32
      %add3A_315 = arith.constant 2 : i32
      %add3A_316 = arith.addi %mul3A_314, %add3A_315 : i32
      %get3A_317 = arith.index_cast %add3A_316 : i32 to index
      %get3A_318 = arith.constant 32 : index
      %get3A_319 = tpu.vector_load %arg16[%get3A_317, %get3A_318] {strides = array<i32>} : memref<320x64xf32, #tpu.memory_space<vmem>>, vector<1x16xf32>,
      %get3A_320 = vector.shape_cast %get3A_319 : vector<1x16xf32> to vector<16xf32>
      %add3A_321 = arith.addf %add3A_312, %get3A_320 : vector<16xf32>
      %mul3A_322 = arith.constant 5 : i32
      %mul3A_323 = arith.muli %mul3A_322, %scan3A_64 : i32
      %add3A_324 = arith.constant 3 : i32
      %add3A_325 = arith.addi %mul3A_323, %add3A_324 : i32
      %get3A_326 = arith.index_cast %add3A_325 : i32 to index
      %get3A_327 = arith.constant 32 : index
      %get3A_328 = tpu.vector_load %arg16[%get3A_326, %get3A_327] {strides = array<i32>} : memref<320x64xf32, #tpu.memory_space<vmem>>, vector<1x16xf32>,
      %get3A_329 = vector.shape_cast %get3A_328 : vector<1x16xf32> to vector<16xf32>
      %add3A_330 = arith.addf %add3A_321, %get3A_329 : vector<16xf32>
      %mul3A_331 = arith.constant 5 : i32
      %mul3A_332 = arith.muli %mul3A_331, %scan3A_64 : i32
      %add3A_333 = arith.constant 4 : i32
      %add3A_334 = arith.addi %mul3A_332, %add3A_333 : i32
      %get3A_335 = arith.index_cast %add3A_334 : i32 to index
      %get3A_336 = arith.constant 32 : index
      %get3A_337 = tpu.vector_load %arg16[%get3A_335, %get3A_336] {strides = array<i32>} : memref<320x64xf32, #tpu.memory_space<vmem>>, vector<1x16xf32>,
      %get3A_338 = vector.shape_cast %get3A_337 : vector<1x16xf32> to vector<16xf32>
      %add3A_339 = arith.addf %add3A_330, %get3A_338 : vector<16xf32>
      %swap3A_340 = arith.index_cast %scan3A_64 : i32 to index
      %swap3A_341 = arith.constant 32 : index
      %swap3A_342 = tpu.vector_load %arg21[%swap3A_340, %swap3A_341] {strides = array<i32>} : memref<64x128xf32, #tpu.memory_space<vmem>>, vector<1x16xf32>,
      %swap3A_343 = vector.shape_cast %swap3A_342 : vector<1x16xf32> to vector<16xf32>
      %swap3A_344 = vector.shape_cast %add3A_339 : vector<16xf32> to vector<1x16xf32>
      tpu.vector_store %arg21[%swap3A_340, %swap3A_341], %swap3A_344 {strides = array<i32>} : memref<64x128xf32, #tpu.memory_space<vmem>>, vector<1x16xf32>,
      %get3A_345 = arith.index_cast %scan3A_64 : i32 to index
      %get3A_346 = arith.constant 48 : index
      %get3A_347 = tpu.vector_load %arg14[%get3A_345, %get3A_346] {strides = array<i32>} : memref<64x64xf32, #tpu.memory_space<vmem>>, vector<1x16xf32>,
      %get3A_348 = vector.shape_cast %get3A_347 : vector<1x16xf32> to vector<16xf32>
      %swap3A_349 = arith.index_cast %scan3A_64 : i32 to index
      %swap3A_350 = arith.constant 48 : index
      %swap3A_351 = tpu.vector_load %arg20[%swap3A_349, %swap3A_350] {strides = array<i32>} : memref<64x128xf32, #tpu.memory_space<vmem>>, vector<1x16xf32>,
      %swap3A_352 = vector.shape_cast %swap3A_351 : vector<1x16xf32> to vector<16xf32>
      %swap3A_353 = vector.shape_cast %get3A_348 : vector<16xf32> to vector<1x16xf32>
      tpu.vector_store %arg20[%swap3A_349, %swap3A_350], %swap3A_353 {strides = array<i32>} : memref<64x128xf32, #tpu.memory_space<vmem>>, vector<1x16xf32>,
      %mul3A_354 = arith.constant 4 : i32
      %mul3A_355 = arith.muli %mul3A_354, %scan3A_64 : i32
      %get3A_356 = arith.index_cast %mul3A_355 : i32 to index
      %get3A_357 = arith.constant 48 : index
      %get3A_358 = tpu.vector_load %arg15[%get3A_356, %get3A_357] {strides = array<i32>} : memref<256x64xf32, #tpu.memory_space<vmem>>, vector<1x16xf32>,
      %get3A_359 = vector.shape_cast %get3A_358 : vector<1x16xf32> to vector<16xf32>
      %mul3A_360 = arith.constant 4 : i32
      %mul3A_361 = arith.muli %mul3A_360, %scan3A_64 : i32
      %add3A_362 = arith.constant 1 : i32
      %add3A_363 = arith.addi %mul3A_361, %add3A_362 : i32
      %get3A_364 = arith.index_cast %add3A_363 : i32 to index
      %get3A_365 = arith.constant 48 : index
      %get3A_366 = tpu.vector_load %arg15[%get3A_364, %get3A_365] {strides = array<i32>} : memref<256x64xf32, #tpu.memory_space<vmem>>, vector<1x16xf32>,
      %get3A_367 = vector.shape_cast %get3A_366 : vector<1x16xf32> to vector<16xf32>
      %add3A_368 = arith.addf %get3A_359, %get3A_367 : vector<16xf32>
      %mul3A_369 = arith.constant 4 : i32
      %mul3A_370 = arith.muli %mul3A_369, %scan3A_64 : i32
      %add3A_371 = arith.constant 2 : i32
      %add3A_372 = arith.addi %mul3A_370, %add3A_371 : i32
      %get3A_373 = arith.index_cast %add3A_372 : i32 to index
      %get3A_374 = arith.constant 48 : index
      %get3A_375 = tpu.vector_load %arg15[%get3A_373, %get3A_374] {strides = array<i32>} : memref<256x64xf32, #tpu.memory_space<vmem>>, vector<1x16xf32>,
      %get3A_376 = vector.shape_cast %get3A_375 : vector<1x16xf32> to vector<16xf32>
      %add3A_377 = arith.addf %add3A_368, %get3A_376 : vector<16xf32>
      %mul3A_378 = arith.constant 4 : i32
      %mul3A_379 = arith.muli %mul3A_378, %scan3A_64 : i32
      %add3A_380 = arith.constant 3 : i32
      %add3A_381 = arith.addi %mul3A_379, %add3A_380 : i32
      %get3A_382 = arith.index_cast %add3A_381 : i32 to index
      %get3A_383 = arith.constant 48 : index
      %get3A_384 = tpu.vector_load %arg15[%get3A_382, %get3A_383] {strides = array<i32>} : memref<256x64xf32, #tpu.memory_space<vmem>>, vector<1x16xf32>,
      %get3A_385 = vector.shape_cast %get3A_384 : vector<1x16xf32> to vector<16xf32>
      %add3A_386 = arith.addf %add3A_377, %get3A_385 : vector<16xf32>
      %swap3A_387 = arith.index_cast %scan3A_64 : i32 to index
      %swap3A_388 = arith.constant 112 : index
      %swap3A_389 = tpu.vector_load %arg20[%swap3A_387, %swap3A_388] {strides = array<i32>} : memref<64x128xf32, #tpu.memory_space<vmem>>, vector<1x16xf32>,
      %swap3A_390 = vector.shape_cast %swap3A_389 : vector<1x16xf32> to vector<16xf32>
      %swap3A_391 = vector.shape_cast %add3A_386 : vector<16xf32> to vector<1x16xf32>
      tpu.vector_store %arg20[%swap3A_387, %swap3A_388], %swap3A_391 {strides = array<i32>} : memref<64x128xf32, #tpu.memory_space<vmem>>, vector<1x16xf32>,
      %mul3A_392 = arith.constant 5 : i32
      %mul3A_393 = arith.muli %mul3A_392, %scan3A_64 : i32
      %get3A_394 = arith.index_cast %mul3A_393 : i32 to index
      %get3A_395 = arith.constant 48 : index
      %get3A_396 = tpu.vector_load %arg16[%get3A_394, %get3A_395] {strides = array<i32>} : memref<320x64xf32, #tpu.memory_space<vmem>>, vector<1x16xf32>,
      %get3A_397 = vector.shape_cast %get3A_396 : vector<1x16xf32> to vector<16xf32>
      %mul3A_398 = arith.constant 5 : i32
      %mul3A_399 = arith.muli %mul3A_398, %scan3A_64 : i32
      %add3A_400 = arith.constant 1 : i32
      %add3A_401 = arith.addi %mul3A_399, %add3A_400 : i32
      %get3A_402 = arith.index_cast %add3A_401 : i32 to index
      %get3A_403 = arith.constant 48 : index
      %get3A_404 = tpu.vector_load %arg16[%get3A_402, %get3A_403] {strides = array<i32>} : memref<320x64xf32, #tpu.memory_space<vmem>>, vector<1x16xf32>,
      %get3A_405 = vector.shape_cast %get3A_404 : vector<1x16xf32> to vector<16xf32>
      %add3A_406 = arith.addf %get3A_397, %get3A_405 : vector<16xf32>
      %mul3A_407 = arith.constant 5 : i32
      %mul3A_408 = arith.muli %mul3A_407, %scan3A_64 : i32
      %add3A_409 = arith.constant 2 : i32
      %add3A_410 = arith.addi %mul3A_408, %add3A_409 : i32
      %get3A_411 = arith.index_cast %add3A_410 : i32 to index
      %get3A_412 = arith.constant 48 : index
      %get3A_413 = tpu.vector_load %arg16[%get3A_411, %get3A_412] {strides = array<i32>} : memref<320x64xf32, #tpu.memory_space<vmem>>, vector<1x16xf32>,
      %get3A_414 = vector.shape_cast %get3A_413 : vector<1x16xf32> to vector<16xf32>
      %add3A_415 = arith.addf %add3A_406, %get3A_414 : vector<16xf32>
      %mul3A_416 = arith.constant 5 : i32
      %mul3A_417 = arith.muli %mul3A_416, %scan3A_64 : i32
      %add3A_418 = arith.constant 3 : i32
      %add3A_419 = arith.addi %mul3A_417, %add3A_418 : i32
      %get3A_420 = arith.index_cast %add3A_419 : i32 to index
      %get3A_421 = arith.constant 48 : index
      %get3A_422 = tpu.vector_load %arg16[%get3A_420, %get3A_421] {strides = array<i32>} : memref<320x64xf32, #tpu.memory_space<vmem>>, vector<1x16xf32>,
      %get3A_423 = vector.shape_cast %get3A_422 : vector<1x16xf32> to vector<16xf32>
      %add3A_424 = arith.addf %add3A_415, %get3A_423 : vector<16xf32>
      %mul3A_425 = arith.constant 5 : i32
      %mul3A_426 = arith.muli %mul3A_425, %scan3A_64 : i32
      %add3A_427 = arith.constant 4 : i32
      %add3A_428 = arith.addi %mul3A_426, %add3A_427 : i32
      %get3A_429 = arith.index_cast %add3A_428 : i32 to index
      %get3A_430 = arith.constant 48 : index
      %get3A_431 = tpu.vector_load %arg16[%get3A_429, %get3A_430] {strides = array<i32>} : memref<320x64xf32, #tpu.memory_space<vmem>>, vector<1x16xf32>,
      %get3A_432 = vector.shape_cast %get3A_431 : vector<1x16xf32> to vector<16xf32>
      %add3A_433 = arith.addf %add3A_424, %get3A_432 : vector<16xf32>
      %swap3A_434 = arith.index_cast %scan3A_64 : i32 to index
      %swap3A_435 = arith.constant 48 : index
      %swap3A_436 = tpu.vector_load %arg21[%swap3A_434, %swap3A_435] {strides = array<i32>} : memref<64x128xf32, #tpu.memory_space<vmem>>, vector<1x16xf32>,
      %swap3A_437 = vector.shape_cast %swap3A_436 : vector<1x16xf32> to vector<16xf32>
      %swap3A_438 = vector.shape_cast %add3A_433 : vector<16xf32> to vector<1x16xf32>
      tpu.vector_store %arg21[%swap3A_434, %swap3A_435], %swap3A_438 {strides = array<i32>} : memref<64x128xf32, #tpu.memory_space<vmem>>, vector<1x16xf32>,
    }
    %scan3A_44 = arith.constant 64 : i32
    %add3A_45 = arith.constant 0 : i32
    %add3A_46 = arith.addi %mul3A_2, %add3A_45 : i32
    "tpu.region"() ({
      %run_scoped3A = tpu.sem_alloc : memref<!tpu.dma_semaphore, #tpu.memory_space<semaphore_mem>>
      %dma_start3A_64 = arith.constant 0 : i32
      %dma_start3A_65 = tpu.memref_slice %arg6[%add3A_46, %dma_start3A_64] : memref<4096x128xf32, #tpu.memory_space<hbm>> -> memref<64x128xf32, #tpu.memory_space<hbm>>
      %dma_start3A_66 = arith.constant 0 : i32
      %dma_start3A_67 = tpu.memref_slice %arg6[%add3A_46, %dma_start3A_66] : memref<4096x128xf32, #tpu.memory_space<hbm>> -> memref<64x128xf32, #tpu.memory_space<hbm>>
      tpu.enqueue_dma source(%arg20 : memref<64x128xf32, #tpu.memory_space<vmem>>) target(%dma_start3A_67 : memref<64x128xf32, #tpu.memory_space<hbm>>) target_semaphore(%run_scoped3A : memref<!tpu.dma_semaphore, #tpu.memory_space<semaphore_mem>>)
      %dma_wait3A_68 = arith.constant 0 : i32
      %dma_wait3A_69 = tpu.memref_slice %arg6[%add3A_46, %dma_wait3A_68] : memref<4096x128xf32, #tpu.memory_space<hbm>> -> memref<64x128xf32, #tpu.memory_space<hbm>>
      %dma_wait3A_70 = arith.constant 0 : i32
      %dma_wait3A_71 = tpu.memref_slice %arg6[%add3A_46, %dma_wait3A_70] : memref<4096x128xf32, #tpu.memory_space<hbm>> -> memref<64x128xf32, #tpu.memory_space<hbm>>
      tpu.wait_dma2 semaphore(%run_scoped3A : memref<!tpu.dma_semaphore, #tpu.memory_space<semaphore_mem>>) src(%arg20 : memref<64x128xf32, #tpu.memory_space<vmem>>) dst(%dma_wait3A_71 : memref<64x128xf32, #tpu.memory_space<hbm>>)
      tpu.yield
    }) : () -> ()
    "tpu.region"() ({
      %run_scoped3A = tpu.sem_alloc : memref<!tpu.dma_semaphore, #tpu.memory_space<semaphore_mem>>
      %dma_start3A_64 = arith.constant 0 : i32
      %dma_start3A_65 = tpu.memref_slice %arg7[%add3A_46, %dma_start3A_64] : memref<4096x128xf32, #tpu.memory_space<hbm>> -> memref<64x128xf32, #tpu.memory_space<hbm>>
      %dma_start3A_66 = arith.constant 0 : i32
      %dma_start3A_67 = tpu.memref_slice %arg7[%add3A_46, %dma_start3A_66] : memref<4096x128xf32, #tpu.memory_space<hbm>> -> memref<64x128xf32, #tpu.memory_space<hbm>>
      tpu.enqueue_dma source(%arg21 : memref<64x128xf32, #tpu.memory_space<vmem>>) target(%dma_start3A_67 : memref<64x128xf32, #tpu.memory_space<hbm>>) target_semaphore(%run_scoped3A : memref<!tpu.dma_semaphore, #tpu.memory_space<semaphore_mem>>)
      %dma_wait3A_68 = arith.constant 0 : i32
      %dma_wait3A_69 = tpu.memref_slice %arg7[%add3A_46, %dma_wait3A_68] : memref<4096x128xf32, #tpu.memory_space<hbm>> -> memref<64x128xf32, #tpu.memory_space<hbm>>
      %dma_wait3A_70 = arith.constant 0 : i32
      %dma_wait3A_71 = tpu.memref_slice %arg7[%add3A_46, %dma_wait3A_70] : memref<4096x128xf32, #tpu.memory_space<hbm>> -> memref<64x128xf32, #tpu.memory_space<hbm>>
      tpu.wait_dma2 semaphore(%run_scoped3A : memref<!tpu.dma_semaphore, #tpu.memory_space<semaphore_mem>>) src(%arg21 : memref<64x128xf32, #tpu.memory_space<vmem>>) dst(%dma_wait3A_71 : memref<64x128xf32, #tpu.memory_space<hbm>>)
      tpu.yield
    }) : () -> ()
    %dma_wait3A_47 = arith.constant 0 : i32
    %dma_wait3A_48 = arith.constant 0 : i32
    %dma_wait3A_49 = tpu.memref_slice %arg2[%dma_wait3A_47, %dma_wait3A_48] : memref<100001x64xf32, #tpu.memory_space<hbm>> -> memref<100001x64xf32, #tpu.memory_space<hbm>>
    tpu.wait_indirect_dma semaphore(%arg25 : memref<!tpu.dma_semaphore, #tpu.memory_space<semaphore_mem>>) src(%dma_wait3A_49 : memref<100001x64xf32, #tpu.memory_space<hbm>>) dst(%arg17 : memref<64x64xf32, #tpu.memory_space<vmem>>)
    %dma_wait3A_50 = arith.constant 0 : i32
    %dma_wait3A_51 = arith.constant 0 : i32
    %dma_wait3A_52 = tpu.memref_slice %arg2[%dma_wait3A_50, %dma_wait3A_51] : memref<100001x64xf32, #tpu.memory_space<hbm>> -> memref<100001x64xf32, #tpu.memory_space<hbm>>
    tpu.wait_indirect_dma semaphore(%arg26 : memref<!tpu.dma_semaphore, #tpu.memory_space<semaphore_mem>>) src(%dma_wait3A_52 : memref<100001x64xf32, #tpu.memory_space<hbm>>) dst(%arg18 : memref<256x64xf32, #tpu.memory_space<vmem>>)
    %dma_wait3A_53 = arith.constant 0 : i32
    %dma_wait3A_54 = arith.constant 0 : i32
    %dma_wait3A_55 = tpu.memref_slice %arg2[%dma_wait3A_53, %dma_wait3A_54] : memref<100001x64xf32, #tpu.memory_space<hbm>> -> memref<100001x64xf32, #tpu.memory_space<hbm>>
    tpu.wait_indirect_dma semaphore(%arg27 : memref<!tpu.dma_semaphore, #tpu.memory_space<semaphore_mem>>) src(%dma_wait3A_55 : memref<100001x64xf32, #tpu.memory_space<hbm>>) dst(%arg19 : memref<320x64xf32, #tpu.memory_space<vmem>>)
    %scan3A_56 = arith.constant 0 : i32
    %scan3A_57 = arith.constant 0 : i32
    %scan3A_58 = arith.constant 64 : i32
    %scan3A_59 = arith.addi %scan3A_57, %scan3A_58 : i32
    %scan3A_60 = arith.constant 1 : i32
    scf.for %scan3A_64 = %scan3A_57 to %scan3A_59 step %scan3A_60  : i32 {
      %get3A = arith.index_cast %scan3A_64 : i32 to index
      %get3A_65 = arith.constant 0 : index
      %get3A_66 = tpu.vector_load %arg17[%get3A, %get3A_65] {strides = array<i32>} : memref<64x64xf32, #tpu.memory_space<vmem>>, vector<1x16xf32>,
      %get3A_67 = vector.shape_cast %get3A_66 : vector<1x16xf32> to vector<16xf32>
      %swap3A = arith.index_cast %scan3A_64 : i32 to index
      %swap3A_68 = arith.constant 0 : index
      %swap3A_69 = tpu.vector_load %arg20[%swap3A, %swap3A_68] {strides = array<i32>} : memref<64x128xf32, #tpu.memory_space<vmem>>, vector<1x16xf32>,
      %swap3A_70 = vector.shape_cast %swap3A_69 : vector<1x16xf32> to vector<16xf32>
      %swap3A_71 = vector.shape_cast %get3A_67 : vector<16xf32> to vector<1x16xf32>
      tpu.vector_store %arg20[%swap3A, %swap3A_68], %swap3A_71 {strides = array<i32>} : memref<64x128xf32, #tpu.memory_space<vmem>>, vector<1x16xf32>,
      %mul3A_72 = arith.constant 4 : i32
      %mul3A_73 = arith.muli %mul3A_72, %scan3A_64 : i32
      %get3A_74 = arith.index_cast %mul3A_73 : i32 to index
      %get3A_75 = arith.constant 0 : index
      %get3A_76 = tpu.vector_load %arg18[%get3A_74, %get3A_75] {strides = array<i32>} : memref<256x64xf32, #tpu.memory_space<vmem>>, vector<1x16xf32>,
      %get3A_77 = vector.shape_cast %get3A_76 : vector<1x16xf32> to vector<16xf32>
      %mul3A_78 = arith.constant 4 : i32
      %mul3A_79 = arith.muli %mul3A_78, %scan3A_64 : i32
      %add3A_80 = arith.constant 1 : i32
      %add3A_81 = arith.addi %mul3A_79, %add3A_80 : i32
      %get3A_82 = arith.index_cast %add3A_81 : i32 to index
      %get3A_83 = arith.constant 0 : index
      %get3A_84 = tpu.vector_load %arg18[%get3A_82, %get3A_83] {strides = array<i32>} : memref<256x64xf32, #tpu.memory_space<vmem>>, vector<1x16xf32>,
      %get3A_85 = vector.shape_cast %get3A_84 : vector<1x16xf32> to vector<16xf32>
      %add3A_86 = arith.addf %get3A_77, %get3A_85 : vector<16xf32>
      %mul3A_87 = arith.constant 4 : i32
      %mul3A_88 = arith.muli %mul3A_87, %scan3A_64 : i32
      %add3A_89 = arith.constant 2 : i32
      %add3A_90 = arith.addi %mul3A_88, %add3A_89 : i32
      %get3A_91 = arith.index_cast %add3A_90 : i32 to index
      %get3A_92 = arith.constant 0 : index
      %get3A_93 = tpu.vector_load %arg18[%get3A_91, %get3A_92] {strides = array<i32>} : memref<256x64xf32, #tpu.memory_space<vmem>>, vector<1x16xf32>,
      %get3A_94 = vector.shape_cast %get3A_93 : vector<1x16xf32> to vector<16xf32>
      %add3A_95 = arith.addf %add3A_86, %get3A_94 : vector<16xf32>
      %mul3A_96 = arith.constant 4 : i32
      %mul3A_97 = arith.muli %mul3A_96, %scan3A_64 : i32
      %add3A_98 = arith.constant 3 : i32
      %add3A_99 = arith.addi %mul3A_97, %add3A_98 : i32
      %get3A_100 = arith.index_cast %add3A_99 : i32 to index
      %get3A_101 = arith.constant 0 : index
      %get3A_102 = tpu.vector_load %arg18[%get3A_100, %get3A_101] {strides = array<i32>} : memref<256x64xf32, #tpu.memory_space<vmem>>, vector<1x16xf32>,
      %get3A_103 = vector.shape_cast %get3A_102 : vector<1x16xf32> to vector<16xf32>
      %add3A_104 = arith.addf %add3A_95, %get3A_103 : vector<16xf32>
      %swap3A_105 = arith.index_cast %scan3A_64 : i32 to index
      %swap3A_106 = arith.constant 64 : index
      %swap3A_107 = tpu.vector_load %arg20[%swap3A_105, %swap3A_106] {strides = array<i32>} : memref<64x128xf32, #tpu.memory_space<vmem>>, vector<1x16xf32>,
      %swap3A_108 = vector.shape_cast %swap3A_107 : vector<1x16xf32> to vector<16xf32>
      %swap3A_109 = vector.shape_cast %add3A_104 : vector<16xf32> to vector<1x16xf32>
      tpu.vector_store %arg20[%swap3A_105, %swap3A_106], %swap3A_109 {strides = array<i32>} : memref<64x128xf32, #tpu.memory_space<vmem>>, vector<1x16xf32>,
      %mul3A_110 = arith.constant 5 : i32
      %mul3A_111 = arith.muli %mul3A_110, %scan3A_64 : i32
      %get3A_112 = arith.index_cast %mul3A_111 : i32 to index
      %get3A_113 = arith.constant 0 : index
      %get3A_114 = tpu.vector_load %arg19[%get3A_112, %get3A_113] {strides = array<i32>} : memref<320x64xf32, #tpu.memory_space<vmem>>, vector<1x16xf32>,
      %get3A_115 = vector.shape_cast %get3A_114 : vector<1x16xf32> to vector<16xf32>
      %mul3A_116 = arith.constant 5 : i32
      %mul3A_117 = arith.muli %mul3A_116, %scan3A_64 : i32
      %add3A_118 = arith.constant 1 : i32
      %add3A_119 = arith.addi %mul3A_117, %add3A_118 : i32
      %get3A_120 = arith.index_cast %add3A_119 : i32 to index
      %get3A_121 = arith.constant 0 : index
      %get3A_122 = tpu.vector_load %arg19[%get3A_120, %get3A_121] {strides = array<i32>} : memref<320x64xf32, #tpu.memory_space<vmem>>, vector<1x16xf32>,
      %get3A_123 = vector.shape_cast %get3A_122 : vector<1x16xf32> to vector<16xf32>
      %add3A_124 = arith.addf %get3A_115, %get3A_123 : vector<16xf32>
      %mul3A_125 = arith.constant 5 : i32
      %mul3A_126 = arith.muli %mul3A_125, %scan3A_64 : i32
      %add3A_127 = arith.constant 2 : i32
      %add3A_128 = arith.addi %mul3A_126, %add3A_127 : i32
      %get3A_129 = arith.index_cast %add3A_128 : i32 to index
      %get3A_130 = arith.constant 0 : index
      %get3A_131 = tpu.vector_load %arg19[%get3A_129, %get3A_130] {strides = array<i32>} : memref<320x64xf32, #tpu.memory_space<vmem>>, vector<1x16xf32>,
      %get3A_132 = vector.shape_cast %get3A_131 : vector<1x16xf32> to vector<16xf32>
      %add3A_133 = arith.addf %add3A_124, %get3A_132 : vector<16xf32>
      %mul3A_134 = arith.constant 5 : i32
      %mul3A_135 = arith.muli %mul3A_134, %scan3A_64 : i32
      %add3A_136 = arith.constant 3 : i32
      %add3A_137 = arith.addi %mul3A_135, %add3A_136 : i32
      %get3A_138 = arith.index_cast %add3A_137 : i32 to index
      %get3A_139 = arith.constant 0 : index
      %get3A_140 = tpu.vector_load %arg19[%get3A_138, %get3A_139] {strides = array<i32>} : memref<320x64xf32, #tpu.memory_space<vmem>>, vector<1x16xf32>,
      %get3A_141 = vector.shape_cast %get3A_140 : vector<1x16xf32> to vector<16xf32>
      %add3A_142 = arith.addf %add3A_133, %get3A_141 : vector<16xf32>
      %mul3A_143 = arith.constant 5 : i32
      %mul3A_144 = arith.muli %mul3A_143, %scan3A_64 : i32
      %add3A_145 = arith.constant 4 : i32
      %add3A_146 = arith.addi %mul3A_144, %add3A_145 : i32
      %get3A_147 = arith.index_cast %add3A_146 : i32 to index
      %get3A_148 = arith.constant 0 : index
      %get3A_149 = tpu.vector_load %arg19[%get3A_147, %get3A_148] {strides = array<i32>} : memref<320x64xf32, #tpu.memory_space<vmem>>, vector<1x16xf32>,
      %get3A_150 = vector.shape_cast %get3A_149 : vector<1x16xf32> to vector<16xf32>
      %add3A_151 = arith.addf %add3A_142, %get3A_150 : vector<16xf32>
      %swap3A_152 = arith.index_cast %scan3A_64 : i32 to index
      %swap3A_153 = arith.constant 0 : index
      %swap3A_154 = tpu.vector_load %arg21[%swap3A_152, %swap3A_153] {strides = array<i32>} : memref<64x128xf32, #tpu.memory_space<vmem>>, vector<1x16xf32>,
      %swap3A_155 = vector.shape_cast %swap3A_154 : vector<1x16xf32> to vector<16xf32>
      %swap3A_156 = vector.shape_cast %add3A_151 : vector<16xf32> to vector<1x16xf32>
      tpu.vector_store %arg21[%swap3A_152, %swap3A_153], %swap3A_156 {strides = array<i32>} : memref<64x128xf32, #tpu.memory_space<vmem>>, vector<1x16xf32>,
      %get3A_157 = arith.index_cast %scan3A_64 : i32 to index
      %get3A_158 = arith.constant 16 : index
      %get3A_159 = tpu.vector_load %arg17[%get3A_157, %get3A_158] {strides = array<i32>} : memref<64x64xf32, #tpu.memory_space<vmem>>, vector<1x16xf32>,
      %get3A_160 = vector.shape_cast %get3A_159 : vector<1x16xf32> to vector<16xf32>
      %swap3A_161 = arith.index_cast %scan3A_64 : i32 to index
      %swap3A_162 = arith.constant 16 : index
      %swap3A_163 = tpu.vector_load %arg20[%swap3A_161, %swap3A_162] {strides = array<i32>} : memref<64x128xf32, #tpu.memory_space<vmem>>, vector<1x16xf32>,
      %swap3A_164 = vector.shape_cast %swap3A_163 : vector<1x16xf32> to vector<16xf32>
      %swap3A_165 = vector.shape_cast %get3A_160 : vector<16xf32> to vector<1x16xf32>
      tpu.vector_store %arg20[%swap3A_161, %swap3A_162], %swap3A_165 {strides = array<i32>} : memref<64x128xf32, #tpu.memory_space<vmem>>, vector<1x16xf32>,
      %mul3A_166 = arith.constant 4 : i32
      %mul3A_167 = arith.muli %mul3A_166, %scan3A_64 : i32
      %get3A_168 = arith.index_cast %mul3A_167 : i32 to index
      %get3A_169 = arith.constant 16 : index
      %get3A_170 = tpu.vector_load %arg18[%get3A_168, %get3A_169] {strides = array<i32>} : memref<256x64xf32, #tpu.memory_space<vmem>>, vector<1x16xf32>,
      %get3A_171 = vector.shape_cast %get3A_170 : vector<1x16xf32> to vector<16xf32>
      %mul3A_172 = arith.constant 4 : i32
      %mul3A_173 = arith.muli %mul3A_172, %scan3A_64 : i32
      %add3A_174 = arith.constant 1 : i32
      %add3A_175 = arith.addi %mul3A_173, %add3A_174 : i32
      %get3A_176 = arith.index_cast %add3A_175 : i32 to index
      %get3A_177 = arith.constant 16 : index
      %get3A_178 = tpu.vector_load %arg18[%get3A_176, %get3A_177] {strides = array<i32>} : memref<256x64xf32, #tpu.memory_space<vmem>>, vector<1x16xf32>,
      %get3A_179 = vector.shape_cast %get3A_178 : vector<1x16xf32> to vector<16xf32>
      %add3A_180 = arith.addf %get3A_171, %get3A_179 : vector<16xf32>
      %mul3A_181 = arith.constant 4 : i32
      %mul3A_182 = arith.muli %mul3A_181, %scan3A_64 : i32
      %add3A_183 = arith.constant 2 : i32
      %add3A_184 = arith.addi %mul3A_182, %add3A_183 : i32
      %get3A_185 = arith.index_cast %add3A_184 : i32 to index
      %get3A_186 = arith.constant 16 : index
      %get3A_187 = tpu.vector_load %arg18[%get3A_185, %get3A_186] {strides = array<i32>} : memref<256x64xf32, #tpu.memory_space<vmem>>, vector<1x16xf32>,
      %get3A_188 = vector.shape_cast %get3A_187 : vector<1x16xf32> to vector<16xf32>
      %add3A_189 = arith.addf %add3A_180, %get3A_188 : vector<16xf32>
      %mul3A_190 = arith.constant 4 : i32
      %mul3A_191 = arith.muli %mul3A_190, %scan3A_64 : i32
      %add3A_192 = arith.constant 3 : i32
      %add3A_193 = arith.addi %mul3A_191, %add3A_192 : i32
      %get3A_194 = arith.index_cast %add3A_193 : i32 to index
      %get3A_195 = arith.constant 16 : index
      %get3A_196 = tpu.vector_load %arg18[%get3A_194, %get3A_195] {strides = array<i32>} : memref<256x64xf32, #tpu.memory_space<vmem>>, vector<1x16xf32>,
      %get3A_197 = vector.shape_cast %get3A_196 : vector<1x16xf32> to vector<16xf32>
      %add3A_198 = arith.addf %add3A_189, %get3A_197 : vector<16xf32>
      %swap3A_199 = arith.index_cast %scan3A_64 : i32 to index
      %swap3A_200 = arith.constant 80 : index
      %swap3A_201 = tpu.vector_load %arg20[%swap3A_199, %swap3A_200] {strides = array<i32>} : memref<64x128xf32, #tpu.memory_space<vmem>>, vector<1x16xf32>,
      %swap3A_202 = vector.shape_cast %swap3A_201 : vector<1x16xf32> to vector<16xf32>
      %swap3A_203 = vector.shape_cast %add3A_198 : vector<16xf32> to vector<1x16xf32>
      tpu.vector_store %arg20[%swap3A_199, %swap3A_200], %swap3A_203 {strides = array<i32>} : memref<64x128xf32, #tpu.memory_space<vmem>>, vector<1x16xf32>,
      %mul3A_204 = arith.constant 5 : i32
      %mul3A_205 = arith.muli %mul3A_204, %scan3A_64 : i32
      %get3A_206 = arith.index_cast %mul3A_205 : i32 to index
      %get3A_207 = arith.constant 16 : index
      %get3A_208 = tpu.vector_load %arg19[%get3A_206, %get3A_207] {strides = array<i32>} : memref<320x64xf32, #tpu.memory_space<vmem>>, vector<1x16xf32>,
      %get3A_209 = vector.shape_cast %get3A_208 : vector<1x16xf32> to vector<16xf32>
      %mul3A_210 = arith.constant 5 : i32
      %mul3A_211 = arith.muli %mul3A_210, %scan3A_64 : i32
      %add3A_212 = arith.constant 1 : i32
      %add3A_213 = arith.addi %mul3A_211, %add3A_212 : i32
      %get3A_214 = arith.index_cast %add3A_213 : i32 to index
      %get3A_215 = arith.constant 16 : index
      %get3A_216 = tpu.vector_load %arg19[%get3A_214, %get3A_215] {strides = array<i32>} : memref<320x64xf32, #tpu.memory_space<vmem>>, vector<1x16xf32>,
      %get3A_217 = vector.shape_cast %get3A_216 : vector<1x16xf32> to vector<16xf32>
      %add3A_218 = arith.addf %get3A_209, %get3A_217 : vector<16xf32>
      %mul3A_219 = arith.constant 5 : i32
      %mul3A_220 = arith.muli %mul3A_219, %scan3A_64 : i32
      %add3A_221 = arith.constant 2 : i32
      %add3A_222 = arith.addi %mul3A_220, %add3A_221 : i32
      %get3A_223 = arith.index_cast %add3A_222 : i32 to index
      %get3A_224 = arith.constant 16 : index
      %get3A_225 = tpu.vector_load %arg19[%get3A_223, %get3A_224] {strides = array<i32>} : memref<320x64xf32, #tpu.memory_space<vmem>>, vector<1x16xf32>,
      %get3A_226 = vector.shape_cast %get3A_225 : vector<1x16xf32> to vector<16xf32>
      %add3A_227 = arith.addf %add3A_218, %get3A_226 : vector<16xf32>
      %mul3A_228 = arith.constant 5 : i32
      %mul3A_229 = arith.muli %mul3A_228, %scan3A_64 : i32
      %add3A_230 = arith.constant 3 : i32
      %add3A_231 = arith.addi %mul3A_229, %add3A_230 : i32
      %get3A_232 = arith.index_cast %add3A_231 : i32 to index
      %get3A_233 = arith.constant 16 : index
      %get3A_234 = tpu.vector_load %arg19[%get3A_232, %get3A_233] {strides = array<i32>} : memref<320x64xf32, #tpu.memory_space<vmem>>, vector<1x16xf32>,
      %get3A_235 = vector.shape_cast %get3A_234 : vector<1x16xf32> to vector<16xf32>
      %add3A_236 = arith.addf %add3A_227, %get3A_235 : vector<16xf32>
      %mul3A_237 = arith.constant 5 : i32
      %mul3A_238 = arith.muli %mul3A_237, %scan3A_64 : i32
      %add3A_239 = arith.constant 4 : i32
      %add3A_240 = arith.addi %mul3A_238, %add3A_239 : i32
      %get3A_241 = arith.index_cast %add3A_240 : i32 to index
      %get3A_242 = arith.constant 16 : index
      %get3A_243 = tpu.vector_load %arg19[%get3A_241, %get3A_242] {strides = array<i32>} : memref<320x64xf32, #tpu.memory_space<vmem>>, vector<1x16xf32>,
      %get3A_244 = vector.shape_cast %get3A_243 : vector<1x16xf32> to vector<16xf32>
      %add3A_245 = arith.addf %add3A_236, %get3A_244 : vector<16xf32>
      %swap3A_246 = arith.index_cast %scan3A_64 : i32 to index
      %swap3A_247 = arith.constant 16 : index
      %swap3A_248 = tpu.vector_load %arg21[%swap3A_246, %swap3A_247] {strides = array<i32>} : memref<64x128xf32, #tpu.memory_space<vmem>>, vector<1x16xf32>,
      %swap3A_249 = vector.shape_cast %swap3A_248 : vector<1x16xf32> to vector<16xf32>
      %swap3A_250 = vector.shape_cast %add3A_245 : vector<16xf32> to vector<1x16xf32>
      tpu.vector_store %arg21[%swap3A_246, %swap3A_247], %swap3A_250 {strides = array<i32>} : memref<64x128xf32, #tpu.memory_space<vmem>>, vector<1x16xf32>,
      %get3A_251 = arith.index_cast %scan3A_64 : i32 to index
      %get3A_252 = arith.constant 32 : index
      %get3A_253 = tpu.vector_load %arg17[%get3A_251, %get3A_252] {strides = array<i32>} : memref<64x64xf32, #tpu.memory_space<vmem>>, vector<1x16xf32>,
      %get3A_254 = vector.shape_cast %get3A_253 : vector<1x16xf32> to vector<16xf32>
      %swap3A_255 = arith.index_cast %scan3A_64 : i32 to index
      %swap3A_256 = arith.constant 32 : index
      %swap3A_257 = tpu.vector_load %arg20[%swap3A_255, %swap3A_256] {strides = array<i32>} : memref<64x128xf32, #tpu.memory_space<vmem>>, vector<1x16xf32>,
      %swap3A_258 = vector.shape_cast %swap3A_257 : vector<1x16xf32> to vector<16xf32>
      %swap3A_259 = vector.shape_cast %get3A_254 : vector<16xf32> to vector<1x16xf32>
      tpu.vector_store %arg20[%swap3A_255, %swap3A_256], %swap3A_259 {strides = array<i32>} : memref<64x128xf32, #tpu.memory_space<vmem>>, vector<1x16xf32>,
      %mul3A_260 = arith.constant 4 : i32
      %mul3A_261 = arith.muli %mul3A_260, %scan3A_64 : i32
      %get3A_262 = arith.index_cast %mul3A_261 : i32 to index
      %get3A_263 = arith.constant 32 : index
      %get3A_264 = tpu.vector_load %arg18[%get3A_262, %get3A_263] {strides = array<i32>} : memref<256x64xf32, #tpu.memory_space<vmem>>, vector<1x16xf32>,
      %get3A_265 = vector.shape_cast %get3A_264 : vector<1x16xf32> to vector<16xf32>
      %mul3A_266 = arith.constant 4 : i32
      %mul3A_267 = arith.muli %mul3A_266, %scan3A_64 : i32
      %add3A_268 = arith.constant 1 : i32
      %add3A_269 = arith.addi %mul3A_267, %add3A_268 : i32
      %get3A_270 = arith.index_cast %add3A_269 : i32 to index
      %get3A_271 = arith.constant 32 : index
      %get3A_272 = tpu.vector_load %arg18[%get3A_270, %get3A_271] {strides = array<i32>} : memref<256x64xf32, #tpu.memory_space<vmem>>, vector<1x16xf32>,
      %get3A_273 = vector.shape_cast %get3A_272 : vector<1x16xf32> to vector<16xf32>
      %add3A_274 = arith.addf %get3A_265, %get3A_273 : vector<16xf32>
      %mul3A_275 = arith.constant 4 : i32
      %mul3A_276 = arith.muli %mul3A_275, %scan3A_64 : i32
      %add3A_277 = arith.constant 2 : i32
      %add3A_278 = arith.addi %mul3A_276, %add3A_277 : i32
      %get3A_279 = arith.index_cast %add3A_278 : i32 to index
      %get3A_280 = arith.constant 32 : index
      %get3A_281 = tpu.vector_load %arg18[%get3A_279, %get3A_280] {strides = array<i32>} : memref<256x64xf32, #tpu.memory_space<vmem>>, vector<1x16xf32>,
      %get3A_282 = vector.shape_cast %get3A_281 : vector<1x16xf32> to vector<16xf32>
      %add3A_283 = arith.addf %add3A_274, %get3A_282 : vector<16xf32>
      %mul3A_284 = arith.constant 4 : i32
      %mul3A_285 = arith.muli %mul3A_284, %scan3A_64 : i32
      %add3A_286 = arith.constant 3 : i32
      %add3A_287 = arith.addi %mul3A_285, %add3A_286 : i32
      %get3A_288 = arith.index_cast %add3A_287 : i32 to index
      %get3A_289 = arith.constant 32 : index
      %get3A_290 = tpu.vector_load %arg18[%get3A_288, %get3A_289] {strides = array<i32>} : memref<256x64xf32, #tpu.memory_space<vmem>>, vector<1x16xf32>,
      %get3A_291 = vector.shape_cast %get3A_290 : vector<1x16xf32> to vector<16xf32>
      %add3A_292 = arith.addf %add3A_283, %get3A_291 : vector<16xf32>
      %swap3A_293 = arith.index_cast %scan3A_64 : i32 to index
      %swap3A_294 = arith.constant 96 : index
      %swap3A_295 = tpu.vector_load %arg20[%swap3A_293, %swap3A_294] {strides = array<i32>} : memref<64x128xf32, #tpu.memory_space<vmem>>, vector<1x16xf32>,
      %swap3A_296 = vector.shape_cast %swap3A_295 : vector<1x16xf32> to vector<16xf32>
      %swap3A_297 = vector.shape_cast %add3A_292 : vector<16xf32> to vector<1x16xf32>
      tpu.vector_store %arg20[%swap3A_293, %swap3A_294], %swap3A_297 {strides = array<i32>} : memref<64x128xf32, #tpu.memory_space<vmem>>, vector<1x16xf32>,
      %mul3A_298 = arith.constant 5 : i32
      %mul3A_299 = arith.muli %mul3A_298, %scan3A_64 : i32
      %get3A_300 = arith.index_cast %mul3A_299 : i32 to index
      %get3A_301 = arith.constant 32 : index
      %get3A_302 = tpu.vector_load %arg19[%get3A_300, %get3A_301] {strides = array<i32>} : memref<320x64xf32, #tpu.memory_space<vmem>>, vector<1x16xf32>,
      %get3A_303 = vector.shape_cast %get3A_302 : vector<1x16xf32> to vector<16xf32>
      %mul3A_304 = arith.constant 5 : i32
      %mul3A_305 = arith.muli %mul3A_304, %scan3A_64 : i32
      %add3A_306 = arith.constant 1 : i32
      %add3A_307 = arith.addi %mul3A_305, %add3A_306 : i32
      %get3A_308 = arith.index_cast %add3A_307 : i32 to index
      %get3A_309 = arith.constant 32 : index
      %get3A_310 = tpu.vector_load %arg19[%get3A_308, %get3A_309] {strides = array<i32>} : memref<320x64xf32, #tpu.memory_space<vmem>>, vector<1x16xf32>,
      %get3A_311 = vector.shape_cast %get3A_310 : vector<1x16xf32> to vector<16xf32>
      %add3A_312 = arith.addf %get3A_303, %get3A_311 : vector<16xf32>
      %mul3A_313 = arith.constant 5 : i32
      %mul3A_314 = arith.muli %mul3A_313, %scan3A_64 : i32
      %add3A_315 = arith.constant 2 : i32
      %add3A_316 = arith.addi %mul3A_314, %add3A_315 : i32
      %get3A_317 = arith.index_cast %add3A_316 : i32 to index
      %get3A_318 = arith.constant 32 : index
      %get3A_319 = tpu.vector_load %arg19[%get3A_317, %get3A_318] {strides = array<i32>} : memref<320x64xf32, #tpu.memory_space<vmem>>, vector<1x16xf32>,
      %get3A_320 = vector.shape_cast %get3A_319 : vector<1x16xf32> to vector<16xf32>
      %add3A_321 = arith.addf %add3A_312, %get3A_320 : vector<16xf32>
      %mul3A_322 = arith.constant 5 : i32
      %mul3A_323 = arith.muli %mul3A_322, %scan3A_64 : i32
      %add3A_324 = arith.constant 3 : i32
      %add3A_325 = arith.addi %mul3A_323, %add3A_324 : i32
      %get3A_326 = arith.index_cast %add3A_325 : i32 to index
      %get3A_327 = arith.constant 32 : index
      %get3A_328 = tpu.vector_load %arg19[%get3A_326, %get3A_327] {strides = array<i32>} : memref<320x64xf32, #tpu.memory_space<vmem>>, vector<1x16xf32>,
      %get3A_329 = vector.shape_cast %get3A_328 : vector<1x16xf32> to vector<16xf32>
      %add3A_330 = arith.addf %add3A_321, %get3A_329 : vector<16xf32>
      %mul3A_331 = arith.constant 5 : i32
      %mul3A_332 = arith.muli %mul3A_331, %scan3A_64 : i32
      %add3A_333 = arith.constant 4 : i32
      %add3A_334 = arith.addi %mul3A_332, %add3A_333 : i32
      %get3A_335 = arith.index_cast %add3A_334 : i32 to index
      %get3A_336 = arith.constant 32 : index
      %get3A_337 = tpu.vector_load %arg19[%get3A_335, %get3A_336] {strides = array<i32>} : memref<320x64xf32, #tpu.memory_space<vmem>>, vector<1x16xf32>,
      %get3A_338 = vector.shape_cast %get3A_337 : vector<1x16xf32> to vector<16xf32>
      %add3A_339 = arith.addf %add3A_330, %get3A_338 : vector<16xf32>
      %swap3A_340 = arith.index_cast %scan3A_64 : i32 to index
      %swap3A_341 = arith.constant 32 : index
      %swap3A_342 = tpu.vector_load %arg21[%swap3A_340, %swap3A_341] {strides = array<i32>} : memref<64x128xf32, #tpu.memory_space<vmem>>, vector<1x16xf32>,
      %swap3A_343 = vector.shape_cast %swap3A_342 : vector<1x16xf32> to vector<16xf32>
      %swap3A_344 = vector.shape_cast %add3A_339 : vector<16xf32> to vector<1x16xf32>
      tpu.vector_store %arg21[%swap3A_340, %swap3A_341], %swap3A_344 {strides = array<i32>} : memref<64x128xf32, #tpu.memory_space<vmem>>, vector<1x16xf32>,
      %get3A_345 = arith.index_cast %scan3A_64 : i32 to index
      %get3A_346 = arith.constant 48 : index
      %get3A_347 = tpu.vector_load %arg17[%get3A_345, %get3A_346] {strides = array<i32>} : memref<64x64xf32, #tpu.memory_space<vmem>>, vector<1x16xf32>,
      %get3A_348 = vector.shape_cast %get3A_347 : vector<1x16xf32> to vector<16xf32>
      %swap3A_349 = arith.index_cast %scan3A_64 : i32 to index
      %swap3A_350 = arith.constant 48 : index
      %swap3A_351 = tpu.vector_load %arg20[%swap3A_349, %swap3A_350] {strides = array<i32>} : memref<64x128xf32, #tpu.memory_space<vmem>>, vector<1x16xf32>,
      %swap3A_352 = vector.shape_cast %swap3A_351 : vector<1x16xf32> to vector<16xf32>
      %swap3A_353 = vector.shape_cast %get3A_348 : vector<16xf32> to vector<1x16xf32>
      tpu.vector_store %arg20[%swap3A_349, %swap3A_350], %swap3A_353 {strides = array<i32>} : memref<64x128xf32, #tpu.memory_space<vmem>>, vector<1x16xf32>,
      %mul3A_354 = arith.constant 4 : i32
      %mul3A_355 = arith.muli %mul3A_354, %scan3A_64 : i32
      %get3A_356 = arith.index_cast %mul3A_355 : i32 to index
      %get3A_357 = arith.constant 48 : index
      %get3A_358 = tpu.vector_load %arg18[%get3A_356, %get3A_357] {strides = array<i32>} : memref<256x64xf32, #tpu.memory_space<vmem>>, vector<1x16xf32>,
      %get3A_359 = vector.shape_cast %get3A_358 : vector<1x16xf32> to vector<16xf32>
      %mul3A_360 = arith.constant 4 : i32
      %mul3A_361 = arith.muli %mul3A_360, %scan3A_64 : i32
      %add3A_362 = arith.constant 1 : i32
      %add3A_363 = arith.addi %mul3A_361, %add3A_362 : i32
      %get3A_364 = arith.index_cast %add3A_363 : i32 to index
      %get3A_365 = arith.constant 48 : index
      %get3A_366 = tpu.vector_load %arg18[%get3A_364, %get3A_365] {strides = array<i32>} : memref<256x64xf32, #tpu.memory_space<vmem>>, vector<1x16xf32>,
      %get3A_367 = vector.shape_cast %get3A_366 : vector<1x16xf32> to vector<16xf32>
      %add3A_368 = arith.addf %get3A_359, %get3A_367 : vector<16xf32>
      %mul3A_369 = arith.constant 4 : i32
      %mul3A_370 = arith.muli %mul3A_369, %scan3A_64 : i32
      %add3A_371 = arith.constant 2 : i32
      %add3A_372 = arith.addi %mul3A_370, %add3A_371 : i32
      %get3A_373 = arith.index_cast %add3A_372 : i32 to index
      %get3A_374 = arith.constant 48 : index
      %get3A_375 = tpu.vector_load %arg18[%get3A_373, %get3A_374] {strides = array<i32>} : memref<256x64xf32, #tpu.memory_space<vmem>>, vector<1x16xf32>,
      %get3A_376 = vector.shape_cast %get3A_375 : vector<1x16xf32> to vector<16xf32>
      %add3A_377 = arith.addf %add3A_368, %get3A_376 : vector<16xf32>
      %mul3A_378 = arith.constant 4 : i32
      %mul3A_379 = arith.muli %mul3A_378, %scan3A_64 : i32
      %add3A_380 = arith.constant 3 : i32
      %add3A_381 = arith.addi %mul3A_379, %add3A_380 : i32
      %get3A_382 = arith.index_cast %add3A_381 : i32 to index
      %get3A_383 = arith.constant 48 : index
      %get3A_384 = tpu.vector_load %arg18[%get3A_382, %get3A_383] {strides = array<i32>} : memref<256x64xf32, #tpu.memory_space<vmem>>, vector<1x16xf32>,
      %get3A_385 = vector.shape_cast %get3A_384 : vector<1x16xf32> to vector<16xf32>
      %add3A_386 = arith.addf %add3A_377, %get3A_385 : vector<16xf32>
      %swap3A_387 = arith.index_cast %scan3A_64 : i32 to index
      %swap3A_388 = arith.constant 112 : index
      %swap3A_389 = tpu.vector_load %arg20[%swap3A_387, %swap3A_388] {strides = array<i32>} : memref<64x128xf32, #tpu.memory_space<vmem>>, vector<1x16xf32>,
      %swap3A_390 = vector.shape_cast %swap3A_389 : vector<1x16xf32> to vector<16xf32>
      %swap3A_391 = vector.shape_cast %add3A_386 : vector<16xf32> to vector<1x16xf32>
      tpu.vector_store %arg20[%swap3A_387, %swap3A_388], %swap3A_391 {strides = array<i32>} : memref<64x128xf32, #tpu.memory_space<vmem>>, vector<1x16xf32>,
      %mul3A_392 = arith.constant 5 : i32
      %mul3A_393 = arith.muli %mul3A_392, %scan3A_64 : i32
      %get3A_394 = arith.index_cast %mul3A_393 : i32 to index
      %get3A_395 = arith.constant 48 : index
      %get3A_396 = tpu.vector_load %arg19[%get3A_394, %get3A_395] {strides = array<i32>} : memref<320x64xf32, #tpu.memory_space<vmem>>, vector<1x16xf32>,
      %get3A_397 = vector.shape_cast %get3A_396 : vector<1x16xf32> to vector<16xf32>
      %mul3A_398 = arith.constant 5 : i32
      %mul3A_399 = arith.muli %mul3A_398, %scan3A_64 : i32
      %add3A_400 = arith.constant 1 : i32
      %add3A_401 = arith.addi %mul3A_399, %add3A_400 : i32
      %get3A_402 = arith.index_cast %add3A_401 : i32 to index
      %get3A_403 = arith.constant 48 : index
      %get3A_404 = tpu.vector_load %arg19[%get3A_402, %get3A_403] {strides = array<i32>} : memref<320x64xf32, #tpu.memory_space<vmem>>, vector<1x16xf32>,
      %get3A_405 = vector.shape_cast %get3A_404 : vector<1x16xf32> to vector<16xf32>
      %add3A_406 = arith.addf %get3A_397, %get3A_405 : vector<16xf32>
      %mul3A_407 = arith.constant 5 : i32
      %mul3A_408 = arith.muli %mul3A_407, %scan3A_64 : i32
      %add3A_409 = arith.constant 2 : i32
      %add3A_410 = arith.addi %mul3A_408, %add3A_409 : i32
      %get3A_411 = arith.index_cast %add3A_410 : i32 to index
      %get3A_412 = arith.constant 48 : index
      %get3A_413 = tpu.vector_load %arg19[%get3A_411, %get3A_412] {strides = array<i32>} : memref<320x64xf32, #tpu.memory_space<vmem>>, vector<1x16xf32>,
      %get3A_414 = vector.shape_cast %get3A_413 : vector<1x16xf32> to vector<16xf32>
      %add3A_415 = arith.addf %add3A_406, %get3A_414 : vector<16xf32>
      %mul3A_416 = arith.constant 5 : i32
      %mul3A_417 = arith.muli %mul3A_416, %scan3A_64 : i32
      %add3A_418 = arith.constant 3 : i32
      %add3A_419 = arith.addi %mul3A_417, %add3A_418 : i32
      %get3A_420 = arith.index_cast %add3A_419 : i32 to index
      %get3A_421 = arith.constant 48 : index
      %get3A_422 = tpu.vector_load %arg19[%get3A_420, %get3A_421] {strides = array<i32>} : memref<320x64xf32, #tpu.memory_space<vmem>>, vector<1x16xf32>,
      %get3A_423 = vector.shape_cast %get3A_422 : vector<1x16xf32> to vector<16xf32>
      %add3A_424 = arith.addf %add3A_415, %get3A_423 : vector<16xf32>
      %mul3A_425 = arith.constant 5 : i32
      %mul3A_426 = arith.muli %mul3A_425, %scan3A_64 : i32
      %add3A_427 = arith.constant 4 : i32
      %add3A_428 = arith.addi %mul3A_426, %add3A_427 : i32
      %get3A_429 = arith.index_cast %add3A_428 : i32 to index
      %get3A_430 = arith.constant 48 : index
      %get3A_431 = tpu.vector_load %arg19[%get3A_429, %get3A_430] {strides = array<i32>} : memref<320x64xf32, #tpu.memory_space<vmem>>, vector<1x16xf32>,
      %get3A_432 = vector.shape_cast %get3A_431 : vector<1x16xf32> to vector<16xf32>
      %add3A_433 = arith.addf %add3A_424, %get3A_432 : vector<16xf32>
      %swap3A_434 = arith.index_cast %scan3A_64 : i32 to index
      %swap3A_435 = arith.constant 48 : index
      %swap3A_436 = tpu.vector_load %arg21[%swap3A_434, %swap3A_435] {strides = array<i32>} : memref<64x128xf32, #tpu.memory_space<vmem>>, vector<1x16xf32>,
      %swap3A_437 = vector.shape_cast %swap3A_436 : vector<1x16xf32> to vector<16xf32>
      %swap3A_438 = vector.shape_cast %add3A_433 : vector<16xf32> to vector<1x16xf32>
      tpu.vector_store %arg21[%swap3A_434, %swap3A_435], %swap3A_438 {strides = array<i32>} : memref<64x128xf32, #tpu.memory_space<vmem>>, vector<1x16xf32>,
    }
    %scan3A_61 = arith.constant 64 : i32
    %add3A_62 = arith.constant 64 : i32
    %add3A_63 = arith.addi %mul3A_2, %add3A_62 : i32
    "tpu.region"() ({
      %run_scoped3A = tpu.sem_alloc : memref<!tpu.dma_semaphore, #tpu.memory_space<semaphore_mem>>
      %dma_start3A_64 = arith.constant 0 : i32
      %dma_start3A_65 = tpu.memref_slice %arg6[%add3A_63, %dma_start3A_64] : memref<4096x128xf32, #tpu.memory_space<hbm>> -> memref<64x128xf32, #tpu.memory_space<hbm>>
      %dma_start3A_66 = arith.constant 0 : i32
      %dma_start3A_67 = tpu.memref_slice %arg6[%add3A_63, %dma_start3A_66] : memref<4096x128xf32, #tpu.memory_space<hbm>> -> memref<64x128xf32, #tpu.memory_space<hbm>>
      tpu.enqueue_dma source(%arg20 : memref<64x128xf32, #tpu.memory_space<vmem>>) target(%dma_start3A_67 : memref<64x128xf32, #tpu.memory_space<hbm>>) target_semaphore(%run_scoped3A : memref<!tpu.dma_semaphore, #tpu.memory_space<semaphore_mem>>)
      %dma_wait3A_68 = arith.constant 0 : i32
      %dma_wait3A_69 = tpu.memref_slice %arg6[%add3A_63, %dma_wait3A_68] : memref<4096x128xf32, #tpu.memory_space<hbm>> -> memref<64x128xf32, #tpu.memory_space<hbm>>
      %dma_wait3A_70 = arith.constant 0 : i32
      %dma_wait3A_71 = tpu.memref_slice %arg6[%add3A_63, %dma_wait3A_70] : memref<4096x128xf32, #tpu.memory_space<hbm>> -> memref<64x128xf32, #tpu.memory_space<hbm>>
      tpu.wait_dma2 semaphore(%run_scoped3A : memref<!tpu.dma_semaphore, #tpu.memory_space<semaphore_mem>>) src(%arg20 : memref<64x128xf32, #tpu.memory_space<vmem>>) dst(%dma_wait3A_71 : memref<64x128xf32, #tpu.memory_space<hbm>>)
      tpu.yield
    }) : () -> ()
    "tpu.region"() ({
      %run_scoped3A = tpu.sem_alloc : memref<!tpu.dma_semaphore, #tpu.memory_space<semaphore_mem>>
      %dma_start3A_64 = arith.constant 0 : i32
      %dma_start3A_65 = tpu.memref_slice %arg7[%add3A_63, %dma_start3A_64] : memref<4096x128xf32, #tpu.memory_space<hbm>> -> memref<64x128xf32, #tpu.memory_space<hbm>>
      %dma_start3A_66 = arith.constant 0 : i32
      %dma_start3A_67 = tpu.memref_slice %arg7[%add3A_63, %dma_start3A_66] : memref<4096x128xf32, #tpu.memory_space<hbm>> -> memref<64x128xf32, #tpu.memory_space<hbm>>
      tpu.enqueue_dma source(%arg21 : memref<64x128xf32, #tpu.memory_space<vmem>>) target(%dma_start3A_67 : memref<64x128xf32, #tpu.memory_space<hbm>>) target_semaphore(%run_scoped3A : memref<!tpu.dma_semaphore, #tpu.memory_space<semaphore_mem>>)
      %dma_wait3A_68 = arith.constant 0 : i32
      %dma_wait3A_69 = tpu.memref_slice %arg7[%add3A_63, %dma_wait3A_68] : memref<4096x128xf32, #tpu.memory_space<hbm>> -> memref<64x128xf32, #tpu.memory_space<hbm>>
      %dma_wait3A_70 = arith.constant 0 : i32
      %dma_wait3A_71 = tpu.memref_slice %arg7[%add3A_63, %dma_wait3A_70] : memref<4096x128xf32, #tpu.memory_space<hbm>> -> memref<64x128xf32, #tpu.memory_space<hbm>>
      tpu.wait_dma2 semaphore(%run_scoped3A : memref<!tpu.dma_semaphore, #tpu.memory_space<semaphore_mem>>) src(%arg21 : memref<64x128xf32, #tpu.memory_space<vmem>>) dst(%dma_wait3A_71 : memref<64x128xf32, #tpu.memory_space<hbm>>)
      tpu.yield
    }) : () -> ()
    return
  }
}

#map = affine_map<(d0, d1) -> (0, 0)>
#map1 = affine_map<(d0, d1) -> (0)>
module attributes {stable_mosaic.version = 14 : i64} {
  func.func @_sc_gather(%arg0: i32, %arg1: i32, %arg2: memref<100001x64xf32, #tpu.memory_space<hbm>>, %arg3: memref<4096xi32, #tpu.memory_space<hbm>>, %arg4: memref<16384xi32, #tpu.memory_space<hbm>>, %arg5: memref<20480xi32, #tpu.memory_space<hbm>>, %arg6: memref<4096x128xf32, #tpu.memory_space<hbm>>, %arg7: memref<4096x128xf32, #tpu.memory_space<hbm>>, %arg8: memref<64xi32, #tpu.memory_space<vmem>>, %arg9: memref<256xi32, #tpu.memory_space<vmem>>, %arg10: memref<320xi32, #tpu.memory_space<vmem>>, %arg11: memref<64xi32, #tpu.memory_space<vmem>>, %arg12: memref<256xi32, #tpu.memory_space<vmem>>, %arg13: memref<320xi32, #tpu.memory_space<vmem>>, %arg14: memref<64x64xf32, #tpu.memory_space<vmem>>, %arg15: memref<256x64xf32, #tpu.memory_space<vmem>>, %arg16: memref<320x64xf32, #tpu.memory_space<vmem>>, %arg17: memref<64x64xf32, #tpu.memory_space<vmem>>, %arg18: memref<256x64xf32, #tpu.memory_space<vmem>>, %arg19: memref<320x64xf32, #tpu.memory_space<vmem>>, %arg20: memref<64x128xf32, #tpu.memory_space<vmem>>, %arg21: memref<64x128xf32, #tpu.memory_space<vmem>>, %arg22: memref<!tpu.dma_semaphore, #tpu.memory_space<semaphore_mem>>, %arg23: memref<!tpu.dma_semaphore, #tpu.memory_space<semaphore_mem>>, %arg24: memref<!tpu.dma_semaphore, #tpu.memory_space<semaphore_mem>>, %arg25: memref<!tpu.dma_semaphore, #tpu.memory_space<semaphore_mem>>, %arg26: memref<!tpu.dma_semaphore, #tpu.memory_space<semaphore_mem>>, %arg27: memref<!tpu.dma_semaphore, #tpu.memory_space<semaphore_mem>>) attributes {dimension_semantics = [#tpu.dimension_semantics<core_parallel>, #tpu.dimension_semantics<subcore_parallel>], iteration_bounds = array<i64: 2, 16>, scalar_prefetch = 0 : i64, scratch_operands = 20 : i64, tpu.core_type = #tpu.core_type<sc_vector_subcore>, window_params = [{transform_indices = #map}, {transform_indices = #map1}, {transform_indices = #map1}, {transform_indices = #map1}, {transform_indices = #map}, {transform_indices = #map}]} {
    %mul3A = arith.constant 2 : i32
    %mul3A_0 = arith.muli %arg1, %mul3A : i32
    %add3A = arith.addi %mul3A_0, %arg0 : i32
    %mul3A_1 = arith.constant 128 : i32
    %mul3A_2 = arith.muli %add3A, %mul3A_1 : i32
    %add3A_3 = arith.constant 0 : i32
    %add3A_4 = arith.addi %mul3A_2, %add3A_3 : i32
    "tpu.region"() ({
      %run_scoped3A = tpu.sem_alloc : memref<!tpu.dma_semaphore, #tpu.memory_space<semaphore_mem>>
      %dma_start3A_64 = tpu.memref_slice %arg3[%add3A_4] : memref<4096xi32, #tpu.memory_space<hbm>> -> memref<64xi32, #tpu.memory_space<hbm>>
      %dma_start3A_65 = tpu.memref_slice %arg3[%add3A_4] : memref<4096xi32, #tpu.memory_space<hbm>> -> memref<64xi32, #tpu.memory_space<hbm>>
      tpu.enqueue_dma source(%dma_start3A_65 : memref<64xi32, #tpu.memory_space<hbm>>) target(%arg8 : memref<64xi32, #tpu.memory_space<vmem>>) target_semaphore(%run_scoped3A : memref<!tpu.dma_semaphore, #tpu.memory_space<semaphore_mem>>)
      %dma_wait3A_66 = tpu.memref_slice %arg3[%add3A_4] : memref<4096xi32, #tpu.memory_space<hbm>> -> memref<64xi32, #tpu.memory_space<hbm>>
      %dma_wait3A_67 = tpu.memref_slice %arg3[%add3A_4] : memref<4096xi32, #tpu.memory_space<hbm>> -> memref<64xi32, #tpu.memory_space<hbm>>
      tpu.wait_dma2 semaphore(%run_scoped3A : memref<!tpu.dma_semaphore, #tpu.memory_space<semaphore_mem>>) src(%dma_wait3A_67 : memref<64xi32, #tpu.memory_space<hbm>>) dst(%arg8 : memref<64xi32, #tpu.memory_space<vmem>>)
      tpu.yield
    }) : () -> ()
    %mul3A_5 = arith.constant 4 : i32
    %mul3A_6 = arith.muli %mul3A_5, %add3A_4 : i32
    "tpu.region"() ({
      %run_scoped3A = tpu.sem_alloc : memref<!tpu.dma_semaphore, #tpu.memory_space<semaphore_mem>>
      %dma_start3A_64 = tpu.memref_slice %arg4[%mul3A_6] : memref<16384xi32, #tpu.memory_space<hbm>> -> memref<256xi32, #tpu.memory_space<hbm>>
      %dma_start3A_65 = tpu.memref_slice %arg4[%mul3A_6] : memref<16384xi32, #tpu.memory_space<hbm>> -> memref<256xi32, #tpu.memory_space<hbm>>
      tpu.enqueue_dma source(%dma_start3A_65 : memref<256xi32, #tpu.memory_space<hbm>>) target(%arg9 : memref<256xi32, #tpu.memory_space<vmem>>) target_semaphore(%run_scoped3A : memref<!tpu.dma_semaphore, #tpu.memory_space<semaphore_mem>>)
      %dma_wait3A_66 = tpu.memref_slice %arg4[%mul3A_6] : memref<16384xi32, #tpu.memory_space<hbm>> -> memref<256xi32, #tpu.memory_space<hbm>>
      %dma_wait3A_67 = tpu.memref_slice %arg4[%mul3A_6] : memref<16384xi32, #tpu.memory_space<hbm>> -> memref<256xi32, #tpu.memory_space<hbm>>
      tpu.wait_dma2 semaphore(%run_scoped3A : memref<!tpu.dma_semaphore, #tpu.memory_space<semaphore_mem>>) src(%dma_wait3A_67 : memref<256xi32, #tpu.memory_space<hbm>>) dst(%arg9 : memref<256xi32, #tpu.memory_space<vmem>>)
      tpu.yield
    }) : () -> ()
    %mul3A_7 = arith.constant 5 : i32
    %mul3A_8 = arith.muli %mul3A_7, %add3A_4 : i32
    "tpu.region"() ({
      %run_scoped3A = tpu.sem_alloc : memref<!tpu.dma_semaphore, #tpu.memory_space<semaphore_mem>>
      %dma_start3A_64 = tpu.memref_slice %arg5[%mul3A_8] : memref<20480xi32, #tpu.memory_space<hbm>> -> memref<320xi32, #tpu.memory_space<hbm>>
      %dma_start3A_65 = tpu.memref_slice %arg5[%mul3A_8] : memref<20480xi32, #tpu.memory_space<hbm>> -> memref<320xi32, #tpu.memory_space<hbm>>
      tpu.enqueue_dma source(%dma_start3A_65 : memref<320xi32, #tpu.memory_space<hbm>>) target(%arg10 : memref<320xi32, #tpu.memory_space<vmem>>) target_semaphore(%run_scoped3A : memref<!tpu.dma_semaphore, #tpu.memory_space<semaphore_mem>>)
      %dma_wait3A_66 = tpu.memref_slice %arg5[%mul3A_8] : memref<20480xi32, #tpu.memory_space<hbm>> -> memref<320xi32, #tpu.memory_space<hbm>>
      %dma_wait3A_67 = tpu.memref_slice %arg5[%mul3A_8] : memref<20480xi32, #tpu.memory_space<hbm>> -> memref<320xi32, #tpu.memory_space<hbm>>
      tpu.wait_dma2 semaphore(%run_scoped3A : memref<!tpu.dma_semaphore, #tpu.memory_space<semaphore_mem>>) src(%dma_wait3A_67 : memref<320xi32, #tpu.memory_space<hbm>>) dst(%arg10 : memref<320xi32, #tpu.memory_space<vmem>>)
      tpu.yield
    }) : () -> ()
    %dma_start3A = arith.constant 0 : i32
    %dma_start3A_9 = arith.constant 0 : i32
    %dma_start3A_10 = tpu.memref_slice %arg2[%dma_start3A, %dma_start3A_9] : memref<100001x64xf32, #tpu.memory_space<hbm>> -> memref<100001x64xf32, #tpu.memory_space<hbm>>
    tpu.enqueue_indirect_dma source(%dma_start3A_10 : memref<100001x64xf32, #tpu.memory_space<hbm>>) target(%arg14 : memref<64x64xf32, #tpu.memory_space<vmem>>) offsets(%arg8 : memref<64xi32, #tpu.memory_space<vmem>>) semaphore(%arg22 : memref<!tpu.dma_semaphore, #tpu.memory_space<semaphore_mem>>)
    %dma_start3A_11 = arith.constant 0 : i32
    %dma_start3A_12 = arith.constant 0 : i32
    %dma_start3A_13 = tpu.memref_slice %arg2[%dma_start3A_11, %dma_start3A_12] : memref<100001x64xf32, #tpu.memory_space<hbm>> -> memref<100001x64xf32, #tpu.memory_space<hbm>>
    tpu.enqueue_indirect_dma source(%dma_start3A_13 : memref<100001x64xf32, #tpu.memory_space<hbm>>) target(%arg15 : memref<256x64xf32, #tpu.memory_space<vmem>>) offsets(%arg9 : memref<256xi32, #tpu.memory_space<vmem>>) semaphore(%arg23 : memref<!tpu.dma_semaphore, #tpu.memory_space<semaphore_mem>>)
    %dma_start3A_14 = arith.constant 0 : i32
    %dma_start3A_15 = arith.constant 0 : i32
    %dma_start3A_16 = tpu.memref_slice %arg2[%dma_start3A_14, %dma_start3A_15] : memref<100001x64xf32, #tpu.memory_space<hbm>> -> memref<100001x64xf32, #tpu.memory_space<hbm>>
    tpu.enqueue_indirect_dma source(%dma_start3A_16 : memref<100001x64xf32, #tpu.memory_space<hbm>>) target(%arg16 : memref<320x64xf32, #tpu.memory_space<vmem>>) offsets(%arg10 : memref<320xi32, #tpu.memory_space<vmem>>) semaphore(%arg24 : memref<!tpu.dma_semaphore, #tpu.memory_space<semaphore_mem>>)
    %add3A_17 = arith.constant 64 : i32
    %add3A_18 = arith.addi %mul3A_2, %add3A_17 : i32
    "tpu.region"() ({
      %run_scoped3A = tpu.sem_alloc : memref<!tpu.dma_semaphore, #tpu.memory_space<semaphore_mem>>
      %dma_start3A_64 = tpu.memref_slice %arg3[%add3A_18] : memref<4096xi32, #tpu.memory_space<hbm>> -> memref<64xi32, #tpu.memory_space<hbm>>
      %dma_start3A_65 = tpu.memref_slice %arg3[%add3A_18] : memref<4096xi32, #tpu.memory_space<hbm>> -> memref<64xi32, #tpu.memory_space<hbm>>
      tpu.enqueue_dma source(%dma_start3A_65 : memref<64xi32, #tpu.memory_space<hbm>>) target(%arg11 : memref<64xi32, #tpu.memory_space<vmem>>) target_semaphore(%run_scoped3A : memref<!tpu.dma_semaphore, #tpu.memory_space<semaphore_mem>>)
      %dma_wait3A_66 = tpu.memref_slice %arg3[%add3A_18] : memref<4096xi32, #tpu.memory_space<hbm>> -> memref<64xi32, #tpu.memory_space<hbm>>
      %dma_wait3A_67 = tpu.memref_slice %arg3[%add3A_18] : memref<4096xi32, #tpu.memory_space<hbm>> -> memref<64xi32, #tpu.memory_space<hbm>>
      tpu.wait_dma2 semaphore(%run_scoped3A : memref<!tpu.dma_semaphore, #tpu.memory_space<semaphore_mem>>) src(%dma_wait3A_67 : memref<64xi32, #tpu.memory_space<hbm>>) dst(%arg11 : memref<64xi32, #tpu.memory_space<vmem>>)
      tpu.yield
    }) : () -> ()
    %mul3A_19 = arith.constant 4 : i32
    %mul3A_20 = arith.muli %mul3A_19, %add3A_18 : i32
    "tpu.region"() ({
      %run_scoped3A = tpu.sem_alloc : memref<!tpu.dma_semaphore, #tpu.memory_space<semaphore_mem>>
      %dma_start3A_64 = tpu.memref_slice %arg4[%mul3A_20] : memref<16384xi32, #tpu.memory_space<hbm>> -> memref<256xi32, #tpu.memory_space<hbm>>
      %dma_start3A_65 = tpu.memref_slice %arg4[%mul3A_20] : memref<16384xi32, #tpu.memory_space<hbm>> -> memref<256xi32, #tpu.memory_space<hbm>>
      tpu.enqueue_dma source(%dma_start3A_65 : memref<256xi32, #tpu.memory_space<hbm>>) target(%arg12 : memref<256xi32, #tpu.memory_space<vmem>>) target_semaphore(%run_scoped3A : memref<!tpu.dma_semaphore, #tpu.memory_space<semaphore_mem>>)
      %dma_wait3A_66 = tpu.memref_slice %arg4[%mul3A_20] : memref<16384xi32, #tpu.memory_space<hbm>> -> memref<256xi32, #tpu.memory_space<hbm>>
      %dma_wait3A_67 = tpu.memref_slice %arg4[%mul3A_20] : memref<16384xi32, #tpu.memory_space<hbm>> -> memref<256xi32, #tpu.memory_space<hbm>>
      tpu.wait_dma2 semaphore(%run_scoped3A : memref<!tpu.dma_semaphore, #tpu.memory_space<semaphore_mem>>) src(%dma_wait3A_67 : memref<256xi32, #tpu.memory_space<hbm>>) dst(%arg12 : memref<256xi32, #tpu.memory_space<vmem>>)
      tpu.yield
    }) : () -> ()
    %mul3A_21 = arith.constant 5 : i32
    %mul3A_22 = arith.muli %mul3A_21, %add3A_18 : i32
    "tpu.region"() ({
      %run_scoped3A = tpu.sem_alloc : memref<!tpu.dma_semaphore, #tpu.memory_space<semaphore_mem>>
      %dma_start3A_64 = tpu.memref_slice %arg5[%mul3A_22] : memref<20480xi32, #tpu.memory_space<hbm>> -> memref<320xi32, #tpu.memory_space<hbm>>
      %dma_start3A_65 = tpu.memref_slice %arg5[%mul3A_22] : memref<20480xi32, #tpu.memory_space<hbm>> -> memref<320xi32, #tpu.memory_space<hbm>>
      tpu.enqueue_dma source(%dma_start3A_65 : memref<320xi32, #tpu.memory_space<hbm>>) target(%arg13 : memref<320xi32, #tpu.memory_space<vmem>>) target_semaphore(%run_scoped3A : memref<!tpu.dma_semaphore, #tpu.memory_space<semaphore_mem>>)
      %dma_wait3A_66 = tpu.memref_slice %arg5[%mul3A_22] : memref<20480xi32, #tpu.memory_space<hbm>> -> memref<320xi32, #tpu.memory_space<hbm>>
      %dma_wait3A_67 = tpu.memref_slice %arg5[%mul3A_22] : memref<20480xi32, #tpu.memory_space<hbm>> -> memref<320xi32, #tpu.memory_space<hbm>>
      tpu.wait_dma2 semaphore(%run_scoped3A : memref<!tpu.dma_semaphore, #tpu.memory_space<semaphore_mem>>) src(%dma_wait3A_67 : memref<320xi32, #tpu.memory_space<hbm>>) dst(%arg13 : memref<320xi32, #tpu.memory_space<vmem>>)
      tpu.yield
    }) : () -> ()
    %dma_start3A_23 = arith.constant 0 : i32
    %dma_start3A_24 = arith.constant 0 : i32
    %dma_start3A_25 = tpu.memref_slice %arg2[%dma_start3A_23, %dma_start3A_24] : memref<100001x64xf32, #tpu.memory_space<hbm>> -> memref<100001x64xf32, #tpu.memory_space<hbm>>
    tpu.enqueue_indirect_dma source(%dma_start3A_25 : memref<100001x64xf32, #tpu.memory_space<hbm>>) target(%arg17 : memref<64x64xf32, #tpu.memory_space<vmem>>) offsets(%arg11 : memref<64xi32, #tpu.memory_space<vmem>>) semaphore(%arg25 : memref<!tpu.dma_semaphore, #tpu.memory_space<semaphore_mem>>)
    %dma_start3A_26 = arith.constant 0 : i32
    %dma_start3A_27 = arith.constant 0 : i32
    %dma_start3A_28 = tpu.memref_slice %arg2[%dma_start3A_26, %dma_start3A_27] : memref<100001x64xf32, #tpu.memory_space<hbm>> -> memref<100001x64xf32, #tpu.memory_space<hbm>>
    tpu.enqueue_indirect_dma source(%dma_start3A_28 : memref<100001x64xf32, #tpu.memory_space<hbm>>) target(%arg18 : memref<256x64xf32, #tpu.memory_space<vmem>>) offsets(%arg12 : memref<256xi32, #tpu.memory_space<vmem>>) semaphore(%arg26 : memref<!tpu.dma_semaphore, #tpu.memory_space<semaphore_mem>>)
    %dma_start3A_29 = arith.constant 0 : i32
    %dma_start3A_30 = arith.constant 0 : i32
    %dma_start3A_31 = tpu.memref_slice %arg2[%dma_start3A_29, %dma_start3A_30] : memref<100001x64xf32, #tpu.memory_space<hbm>> -> memref<100001x64xf32, #tpu.memory_space<hbm>>
    tpu.enqueue_indirect_dma source(%dma_start3A_31 : memref<100001x64xf32, #tpu.memory_space<hbm>>) target(%arg19 : memref<320x64xf32, #tpu.memory_space<vmem>>) offsets(%arg13 : memref<320xi32, #tpu.memory_space<vmem>>) semaphore(%arg27 : memref<!tpu.dma_semaphore, #tpu.memory_space<semaphore_mem>>)
    %dma_wait3A = arith.constant 0 : i32
    %dma_wait3A_32 = arith.constant 0 : i32
    %dma_wait3A_33 = tpu.memref_slice %arg2[%dma_wait3A, %dma_wait3A_32] : memref<100001x64xf32, #tpu.memory_space<hbm>> -> memref<100001x64xf32, #tpu.memory_space<hbm>>
    tpu.wait_indirect_dma semaphore(%arg22 : memref<!tpu.dma_semaphore, #tpu.memory_space<semaphore_mem>>) src(%dma_wait3A_33 : memref<100001x64xf32, #tpu.memory_space<hbm>>) dst(%arg14 : memref<64x64xf32, #tpu.memory_space<vmem>>)
    %dma_wait3A_34 = arith.constant 0 : i32
    %dma_wait3A_35 = arith.constant 0 : i32
    %dma_wait3A_36 = tpu.memref_slice %arg2[%dma_wait3A_34, %dma_wait3A_35] : memref<100001x64xf32, #tpu.memory_space<hbm>> -> memref<100001x64xf32, #tpu.memory_space<hbm>>
    tpu.wait_indirect_dma semaphore(%arg23 : memref<!tpu.dma_semaphore, #tpu.memory_space<semaphore_mem>>) src(%dma_wait3A_36 : memref<100001x64xf32, #tpu.memory_space<hbm>>) dst(%arg15 : memref<256x64xf32, #tpu.memory_space<vmem>>)
    %dma_wait3A_37 = arith.constant 0 : i32
    %dma_wait3A_38 = arith.constant 0 : i32
    %dma_wait3A_39 = tpu.memref_slice %arg2[%dma_wait3A_37, %dma_wait3A_38] : memref<100001x64xf32, #tpu.memory_space<hbm>> -> memref<100001x64xf32, #tpu.memory_space<hbm>>
    tpu.wait_indirect_dma semaphore(%arg24 : memref<!tpu.dma_semaphore, #tpu.memory_space<semaphore_mem>>) src(%dma_wait3A_39 : memref<100001x64xf32, #tpu.memory_space<hbm>>) dst(%arg16 : memref<320x64xf32, #tpu.memory_space<vmem>>)
    %scan3A = arith.constant 0 : i32
    %scan3A_40 = arith.constant 0 : i32
    %scan3A_41 = arith.constant 64 : i32
    %scan3A_42 = arith.addi %scan3A_40, %scan3A_41 : i32
    %scan3A_43 = arith.constant 1 : i32
    scf.for %scan3A_64 = %scan3A_40 to %scan3A_42 step %scan3A_43  : i32 {
      %get3A = arith.index_cast %scan3A_64 : i32 to index
      %get3A_65 = arith.constant 0 : index
      %get3A_66 = tpu.vector_load %arg14[%get3A, %get3A_65] {strides = array<i32>} : memref<64x64xf32, #tpu.memory_space<vmem>>, vector<1x16xf32>,
      %get3A_67 = vector.shape_cast %get3A_66 : vector<1x16xf32> to vector<16xf32>
      %swap3A = arith.index_cast %scan3A_64 : i32 to index
      %swap3A_68 = arith.constant 0 : index
      %swap3A_69 = tpu.vector_load %arg20[%swap3A, %swap3A_68] {strides = array<i32>} : memref<64x128xf32, #tpu.memory_space<vmem>>, vector<1x16xf32>,
      %swap3A_70 = vector.shape_cast %swap3A_69 : vector<1x16xf32> to vector<16xf32>
      %swap3A_71 = vector.shape_cast %get3A_67 : vector<16xf32> to vector<1x16xf32>
      tpu.vector_store %arg20[%swap3A, %swap3A_68], %swap3A_71 {strides = array<i32>} : memref<64x128xf32, #tpu.memory_space<vmem>>, vector<1x16xf32>,
      %mul3A_72 = arith.constant 4 : i32
      %mul3A_73 = arith.muli %mul3A_72, %scan3A_64 : i32
      %get3A_74 = arith.index_cast %mul3A_73 : i32 to index
      %get3A_75 = arith.constant 0 : index
      %get3A_76 = tpu.vector_load %arg15[%get3A_74, %get3A_75] {strides = array<i32>} : memref<256x64xf32, #tpu.memory_space<vmem>>, vector<1x16xf32>,
      %get3A_77 = vector.shape_cast %get3A_76 : vector<1x16xf32> to vector<16xf32>
      %mul3A_78 = arith.constant 4 : i32
      %mul3A_79 = arith.muli %mul3A_78, %scan3A_64 : i32
      %add3A_80 = arith.constant 1 : i32
      %add3A_81 = arith.addi %mul3A_79, %add3A_80 : i32
      %get3A_82 = arith.index_cast %add3A_81 : i32 to index
      %get3A_83 = arith.constant 0 : index
      %get3A_84 = tpu.vector_load %arg15[%get3A_82, %get3A_83] {strides = array<i32>} : memref<256x64xf32, #tpu.memory_space<vmem>>, vector<1x16xf32>,
      %get3A_85 = vector.shape_cast %get3A_84 : vector<1x16xf32> to vector<16xf32>
      %add3A_86 = arith.addf %get3A_77, %get3A_85 : vector<16xf32>
      %mul3A_87 = arith.constant 4 : i32
      %mul3A_88 = arith.muli %mul3A_87, %scan3A_64 : i32
      %add3A_89 = arith.constant 2 : i32
      %add3A_90 = arith.addi %mul3A_88, %add3A_89 : i32
      %get3A_91 = arith.index_cast %add3A_90 : i32 to index
      %get3A_92 = arith.constant 0 : index
      %get3A_93 = tpu.vector_load %arg15[%get3A_91, %get3A_92] {strides = array<i32>} : memref<256x64xf32, #tpu.memory_space<vmem>>, vector<1x16xf32>,
      %get3A_94 = vector.shape_cast %get3A_93 : vector<1x16xf32> to vector<16xf32>
      %add3A_95 = arith.addf %add3A_86, %get3A_94 : vector<16xf32>
      %mul3A_96 = arith.constant 4 : i32
      %mul3A_97 = arith.muli %mul3A_96, %scan3A_64 : i32
      %add3A_98 = arith.constant 3 : i32
      %add3A_99 = arith.addi %mul3A_97, %add3A_98 : i32
      %get3A_100 = arith.index_cast %add3A_99 : i32 to index
      %get3A_101 = arith.constant 0 : index
      %get3A_102 = tpu.vector_load %arg15[%get3A_100, %get3A_101] {strides = array<i32>} : memref<256x64xf32, #tpu.memory_space<vmem>>, vector<1x16xf32>,
      %get3A_103 = vector.shape_cast %get3A_102 : vector<1x16xf32> to vector<16xf32>
      %add3A_104 = arith.addf %add3A_95, %get3A_103 : vector<16xf32>
      %swap3A_105 = arith.index_cast %scan3A_64 : i32 to index
      %swap3A_106 = arith.constant 64 : index
      %swap3A_107 = tpu.vector_load %arg20[%swap3A_105, %swap3A_106] {strides = array<i32>} : memref<64x128xf32, #tpu.memory_space<vmem>>, vector<1x16xf32>,
      %swap3A_108 = vector.shape_cast %swap3A_107 : vector<1x16xf32> to vector<16xf32>
      %swap3A_109 = vector.shape_cast %add3A_104 : vector<16xf32> to vector<1x16xf32>
      tpu.vector_store %arg20[%swap3A_105, %swap3A_106], %swap3A_109 {strides = array<i32>} : memref<64x128xf32, #tpu.memory_space<vmem>>, vector<1x16xf32>,
      %mul3A_110 = arith.constant 5 : i32
      %mul3A_111 = arith.muli %mul3A_110, %scan3A_64 : i32
      %get3A_112 = arith.index_cast %mul3A_111 : i32 to index
      %get3A_113 = arith.constant 0 : index
      %get3A_114 = tpu.vector_load %arg16[%get3A_112, %get3A_113] {strides = array<i32>} : memref<320x64xf32, #tpu.memory_space<vmem>>, vector<1x16xf32>,
      %get3A_115 = vector.shape_cast %get3A_114 : vector<1x16xf32> to vector<16xf32>
      %mul3A_116 = arith.constant 5 : i32
      %mul3A_117 = arith.muli %mul3A_116, %scan3A_64 : i32
      %add3A_118 = arith.constant 1 : i32
      %add3A_119 = arith.addi %mul3A_117, %add3A_118 : i32
      %get3A_120 = arith.index_cast %add3A_119 : i32 to index
      %get3A_121 = arith.constant 0 : index
      %get3A_122 = tpu.vector_load %arg16[%get3A_120, %get3A_121] {strides = array<i32>} : memref<320x64xf32, #tpu.memory_space<vmem>>, vector<1x16xf32>,
      %get3A_123 = vector.shape_cast %get3A_122 : vector<1x16xf32> to vector<16xf32>
      %add3A_124 = arith.addf %get3A_115, %get3A_123 : vector<16xf32>
      %mul3A_125 = arith.constant 5 : i32
      %mul3A_126 = arith.muli %mul3A_125, %scan3A_64 : i32
      %add3A_127 = arith.constant 2 : i32
      %add3A_128 = arith.addi %mul3A_126, %add3A_127 : i32
      %get3A_129 = arith.index_cast %add3A_128 : i32 to index
      %get3A_130 = arith.constant 0 : index
      %get3A_131 = tpu.vector_load %arg16[%get3A_129, %get3A_130] {strides = array<i32>} : memref<320x64xf32, #tpu.memory_space<vmem>>, vector<1x16xf32>,
      %get3A_132 = vector.shape_cast %get3A_131 : vector<1x16xf32> to vector<16xf32>
      %add3A_133 = arith.addf %add3A_124, %get3A_132 : vector<16xf32>
      %mul3A_134 = arith.constant 5 : i32
      %mul3A_135 = arith.muli %mul3A_134, %scan3A_64 : i32
      %add3A_136 = arith.constant 3 : i32
      %add3A_137 = arith.addi %mul3A_135, %add3A_136 : i32
      %get3A_138 = arith.index_cast %add3A_137 : i32 to index
      %get3A_139 = arith.constant 0 : index
      %get3A_140 = tpu.vector_load %arg16[%get3A_138, %get3A_139] {strides = array<i32>} : memref<320x64xf32, #tpu.memory_space<vmem>>, vector<1x16xf32>,
      %get3A_141 = vector.shape_cast %get3A_140 : vector<1x16xf32> to vector<16xf32>
      %add3A_142 = arith.addf %add3A_133, %get3A_141 : vector<16xf32>
      %mul3A_143 = arith.constant 5 : i32
      %mul3A_144 = arith.muli %mul3A_143, %scan3A_64 : i32
      %add3A_145 = arith.constant 4 : i32
      %add3A_146 = arith.addi %mul3A_144, %add3A_145 : i32
      %get3A_147 = arith.index_cast %add3A_146 : i32 to index
      %get3A_148 = arith.constant 0 : index
      %get3A_149 = tpu.vector_load %arg16[%get3A_147, %get3A_148] {strides = array<i32>} : memref<320x64xf32, #tpu.memory_space<vmem>>, vector<1x16xf32>,
      %get3A_150 = vector.shape_cast %get3A_149 : vector<1x16xf32> to vector<16xf32>
      %add3A_151 = arith.addf %add3A_142, %get3A_150 : vector<16xf32>
      %swap3A_152 = arith.index_cast %scan3A_64 : i32 to index
      %swap3A_153 = arith.constant 0 : index
      %swap3A_154 = tpu.vector_load %arg21[%swap3A_152, %swap3A_153] {strides = array<i32>} : memref<64x128xf32, #tpu.memory_space<vmem>>, vector<1x16xf32>,
      %swap3A_155 = vector.shape_cast %swap3A_154 : vector<1x16xf32> to vector<16xf32>
      %swap3A_156 = vector.shape_cast %add3A_151 : vector<16xf32> to vector<1x16xf32>
      tpu.vector_store %arg21[%swap3A_152, %swap3A_153], %swap3A_156 {strides = array<i32>} : memref<64x128xf32, #tpu.memory_space<vmem>>, vector<1x16xf32>,
      %get3A_157 = arith.index_cast %scan3A_64 : i32 to index
      %get3A_158 = arith.constant 16 : index
      %get3A_159 = tpu.vector_load %arg14[%get3A_157, %get3A_158] {strides = array<i32>} : memref<64x64xf32, #tpu.memory_space<vmem>>, vector<1x16xf32>,
      %get3A_160 = vector.shape_cast %get3A_159 : vector<1x16xf32> to vector<16xf32>
      %swap3A_161 = arith.index_cast %scan3A_64 : i32 to index
      %swap3A_162 = arith.constant 16 : index
      %swap3A_163 = tpu.vector_load %arg20[%swap3A_161, %swap3A_162] {strides = array<i32>} : memref<64x128xf32, #tpu.memory_space<vmem>>, vector<1x16xf32>,
      %swap3A_164 = vector.shape_cast %swap3A_163 : vector<1x16xf32> to vector<16xf32>
      %swap3A_165 = vector.shape_cast %get3A_160 : vector<16xf32> to vector<1x16xf32>
      tpu.vector_store %arg20[%swap3A_161, %swap3A_162], %swap3A_165 {strides = array<i32>} : memref<64x128xf32, #tpu.memory_space<vmem>>, vector<1x16xf32>,
      %mul3A_166 = arith.constant 4 : i32
      %mul3A_167 = arith.muli %mul3A_166, %scan3A_64 : i32
      %get3A_168 = arith.index_cast %mul3A_167 : i32 to index
      %get3A_169 = arith.constant 16 : index
      %get3A_170 = tpu.vector_load %arg15[%get3A_168, %get3A_169] {strides = array<i32>} : memref<256x64xf32, #tpu.memory_space<vmem>>, vector<1x16xf32>,
      %get3A_171 = vector.shape_cast %get3A_170 : vector<1x16xf32> to vector<16xf32>
      %mul3A_172 = arith.constant 4 : i32
      %mul3A_173 = arith.muli %mul3A_172, %scan3A_64 : i32
      %add3A_174 = arith.constant 1 : i32
      %add3A_175 = arith.addi %mul3A_173, %add3A_174 : i32
      %get3A_176 = arith.index_cast %add3A_175 : i32 to index
      %get3A_177 = arith.constant 16 : index
      %get3A_178 = tpu.vector_load %arg15[%get3A_176, %get3A_177] {strides = array<i32>} : memref<256x64xf32, #tpu.memory_space<vmem>>, vector<1x16xf32>,
      %get3A_179 = vector.shape_cast %get3A_178 : vector<1x16xf32> to vector<16xf32>
      %add3A_180 = arith.addf %get3A_171, %get3A_179 : vector<16xf32>
      %mul3A_181 = arith.constant 4 : i32
      %mul3A_182 = arith.muli %mul3A_181, %scan3A_64 : i32
      %add3A_183 = arith.constant 2 : i32
      %add3A_184 = arith.addi %mul3A_182, %add3A_183 : i32
      %get3A_185 = arith.index_cast %add3A_184 : i32 to index
      %get3A_186 = arith.constant 16 : index
      %get3A_187 = tpu.vector_load %arg15[%get3A_185, %get3A_186] {strides = array<i32>} : memref<256x64xf32, #tpu.memory_space<vmem>>, vector<1x16xf32>,
      %get3A_188 = vector.shape_cast %get3A_187 : vector<1x16xf32> to vector<16xf32>
      %add3A_189 = arith.addf %add3A_180, %get3A_188 : vector<16xf32>
      %mul3A_190 = arith.constant 4 : i32
      %mul3A_191 = arith.muli %mul3A_190, %scan3A_64 : i32
      %add3A_192 = arith.constant 3 : i32
      %add3A_193 = arith.addi %mul3A_191, %add3A_192 : i32
      %get3A_194 = arith.index_cast %add3A_193 : i32 to index
      %get3A_195 = arith.constant 16 : index
      %get3A_196 = tpu.vector_load %arg15[%get3A_194, %get3A_195] {strides = array<i32>} : memref<256x64xf32, #tpu.memory_space<vmem>>, vector<1x16xf32>,
      %get3A_197 = vector.shape_cast %get3A_196 : vector<1x16xf32> to vector<16xf32>
      %add3A_198 = arith.addf %add3A_189, %get3A_197 : vector<16xf32>
      %swap3A_199 = arith.index_cast %scan3A_64 : i32 to index
      %swap3A_200 = arith.constant 80 : index
      %swap3A_201 = tpu.vector_load %arg20[%swap3A_199, %swap3A_200] {strides = array<i32>} : memref<64x128xf32, #tpu.memory_space<vmem>>, vector<1x16xf32>,
      %swap3A_202 = vector.shape_cast %swap3A_201 : vector<1x16xf32> to vector<16xf32>
      %swap3A_203 = vector.shape_cast %add3A_198 : vector<16xf32> to vector<1x16xf32>
      tpu.vector_store %arg20[%swap3A_199, %swap3A_200], %swap3A_203 {strides = array<i32>} : memref<64x128xf32, #tpu.memory_space<vmem>>, vector<1x16xf32>,
      %mul3A_204 = arith.constant 5 : i32
      %mul3A_205 = arith.muli %mul3A_204, %scan3A_64 : i32
      %get3A_206 = arith.index_cast %mul3A_205 : i32 to index
      %get3A_207 = arith.constant 16 : index
      %get3A_208 = tpu.vector_load %arg16[%get3A_206, %get3A_207] {strides = array<i32>} : memref<320x64xf32, #tpu.memory_space<vmem>>, vector<1x16xf32>,
      %get3A_209 = vector.shape_cast %get3A_208 : vector<1x16xf32> to vector<16xf32>
      %mul3A_210 = arith.constant 5 : i32
      %mul3A_211 = arith.muli %mul3A_210, %scan3A_64 : i32
      %add3A_212 = arith.constant 1 : i32
      %add3A_213 = arith.addi %mul3A_211, %add3A_212 : i32
      %get3A_214 = arith.index_cast %add3A_213 : i32 to index
      %get3A_215 = arith.constant 16 : index
      %get3A_216 = tpu.vector_load %arg16[%get3A_214, %get3A_215] {strides = array<i32>} : memref<320x64xf32, #tpu.memory_space<vmem>>, vector<1x16xf32>,
      %get3A_217 = vector.shape_cast %get3A_216 : vector<1x16xf32> to vector<16xf32>
      %add3A_218 = arith.addf %get3A_209, %get3A_217 : vector<16xf32>
      %mul3A_219 = arith.constant 5 : i32
      %mul3A_220 = arith.muli %mul3A_219, %scan3A_64 : i32
      %add3A_221 = arith.constant 2 : i32
      %add3A_222 = arith.addi %mul3A_220, %add3A_221 : i32
      %get3A_223 = arith.index_cast %add3A_222 : i32 to index
      %get3A_224 = arith.constant 16 : index
      %get3A_225 = tpu.vector_load %arg16[%get3A_223, %get3A_224] {strides = array<i32>} : memref<320x64xf32, #tpu.memory_space<vmem>>, vector<1x16xf32>,
      %get3A_226 = vector.shape_cast %get3A_225 : vector<1x16xf32> to vector<16xf32>
      %add3A_227 = arith.addf %add3A_218, %get3A_226 : vector<16xf32>
      %mul3A_228 = arith.constant 5 : i32
      %mul3A_229 = arith.muli %mul3A_228, %scan3A_64 : i32
      %add3A_230 = arith.constant 3 : i32
      %add3A_231 = arith.addi %mul3A_229, %add3A_230 : i32
      %get3A_232 = arith.index_cast %add3A_231 : i32 to index
      %get3A_233 = arith.constant 16 : index
      %get3A_234 = tpu.vector_load %arg16[%get3A_232, %get3A_233] {strides = array<i32>} : memref<320x64xf32, #tpu.memory_space<vmem>>, vector<1x16xf32>,
      %get3A_235 = vector.shape_cast %get3A_234 : vector<1x16xf32> to vector<16xf32>
      %add3A_236 = arith.addf %add3A_227, %get3A_235 : vector<16xf32>
      %mul3A_237 = arith.constant 5 : i32
      %mul3A_238 = arith.muli %mul3A_237, %scan3A_64 : i32
      %add3A_239 = arith.constant 4 : i32
      %add3A_240 = arith.addi %mul3A_238, %add3A_239 : i32
      %get3A_241 = arith.index_cast %add3A_240 : i32 to index
      %get3A_242 = arith.constant 16 : index
      %get3A_243 = tpu.vector_load %arg16[%get3A_241, %get3A_242] {strides = array<i32>} : memref<320x64xf32, #tpu.memory_space<vmem>>, vector<1x16xf32>,
      %get3A_244 = vector.shape_cast %get3A_243 : vector<1x16xf32> to vector<16xf32>
      %add3A_245 = arith.addf %add3A_236, %get3A_244 : vector<16xf32>
      %swap3A_246 = arith.index_cast %scan3A_64 : i32 to index
      %swap3A_247 = arith.constant 16 : index
      %swap3A_248 = tpu.vector_load %arg21[%swap3A_246, %swap3A_247] {strides = array<i32>} : memref<64x128xf32, #tpu.memory_space<vmem>>, vector<1x16xf32>,
      %swap3A_249 = vector.shape_cast %swap3A_248 : vector<1x16xf32> to vector<16xf32>
      %swap3A_250 = vector.shape_cast %add3A_245 : vector<16xf32> to vector<1x16xf32>
      tpu.vector_store %arg21[%swap3A_246, %swap3A_247], %swap3A_250 {strides = array<i32>} : memref<64x128xf32, #tpu.memory_space<vmem>>, vector<1x16xf32>,
      %get3A_251 = arith.index_cast %scan3A_64 : i32 to index
      %get3A_252 = arith.constant 32 : index
      %get3A_253 = tpu.vector_load %arg14[%get3A_251, %get3A_252] {strides = array<i32>} : memref<64x64xf32, #tpu.memory_space<vmem>>, vector<1x16xf32>,
      %get3A_254 = vector.shape_cast %get3A_253 : vector<1x16xf32> to vector<16xf32>
      %swap3A_255 = arith.index_cast %scan3A_64 : i32 to index
      %swap3A_256 = arith.constant 32 : index
      %swap3A_257 = tpu.vector_load %arg20[%swap3A_255, %swap3A_256] {strides = array<i32>} : memref<64x128xf32, #tpu.memory_space<vmem>>, vector<1x16xf32>,
      %swap3A_258 = vector.shape_cast %swap3A_257 : vector<1x16xf32> to vector<16xf32>
      %swap3A_259 = vector.shape_cast %get3A_254 : vector<16xf32> to vector<1x16xf32>
      tpu.vector_store %arg20[%swap3A_255, %swap3A_256], %swap3A_259 {strides = array<i32>} : memref<64x128xf32, #tpu.memory_space<vmem>>, vector<1x16xf32>,
      %mul3A_260 = arith.constant 4 : i32
      %mul3A_261 = arith.muli %mul3A_260, %scan3A_64 : i32
      %get3A_262 = arith.index_cast %mul3A_261 : i32 to index
      %get3A_263 = arith.constant 32 : index
      %get3A_264 = tpu.vector_load %arg15[%get3A_262, %get3A_263] {strides = array<i32>} : memref<256x64xf32, #tpu.memory_space<vmem>>, vector<1x16xf32>,
      %get3A_265 = vector.shape_cast %get3A_264 : vector<1x16xf32> to vector<16xf32>
      %mul3A_266 = arith.constant 4 : i32
      %mul3A_267 = arith.muli %mul3A_266, %scan3A_64 : i32
      %add3A_268 = arith.constant 1 : i32
      %add3A_269 = arith.addi %mul3A_267, %add3A_268 : i32
      %get3A_270 = arith.index_cast %add3A_269 : i32 to index
      %get3A_271 = arith.constant 32 : index
      %get3A_272 = tpu.vector_load %arg15[%get3A_270, %get3A_271] {strides = array<i32>} : memref<256x64xf32, #tpu.memory_space<vmem>>, vector<1x16xf32>,
      %get3A_273 = vector.shape_cast %get3A_272 : vector<1x16xf32> to vector<16xf32>
      %add3A_274 = arith.addf %get3A_265, %get3A_273 : vector<16xf32>
      %mul3A_275 = arith.constant 4 : i32
      %mul3A_276 = arith.muli %mul3A_275, %scan3A_64 : i32
      %add3A_277 = arith.constant 2 : i32
      %add3A_278 = arith.addi %mul3A_276, %add3A_277 : i32
      %get3A_279 = arith.index_cast %add3A_278 : i32 to index
      %get3A_280 = arith.constant 32 : index
      %get3A_281 = tpu.vector_load %arg15[%get3A_279, %get3A_280] {strides = array<i32>} : memref<256x64xf32, #tpu.memory_space<vmem>>, vector<1x16xf32>,
      %get3A_282 = vector.shape_cast %get3A_281 : vector<1x16xf32> to vector<16xf32>
      %add3A_283 = arith.addf %add3A_274, %get3A_282 : vector<16xf32>
      %mul3A_284 = arith.constant 4 : i32
      %mul3A_285 = arith.muli %mul3A_284, %scan3A_64 : i32
      %add3A_286 = arith.constant 3 : i32
      %add3A_287 = arith.addi %mul3A_285, %add3A_286 : i32
      %get3A_288 = arith.index_cast %add3A_287 : i32 to index
      %get3A_289 = arith.constant 32 : index
      %get3A_290 = tpu.vector_load %arg15[%get3A_288, %get3A_289] {strides = array<i32>} : memref<256x64xf32, #tpu.memory_space<vmem>>, vector<1x16xf32>,
      %get3A_291 = vector.shape_cast %get3A_290 : vector<1x16xf32> to vector<16xf32>
      %add3A_292 = arith.addf %add3A_283, %get3A_291 : vector<16xf32>
      %swap3A_293 = arith.index_cast %scan3A_64 : i32 to index
      %swap3A_294 = arith.constant 96 : index
      %swap3A_295 = tpu.vector_load %arg20[%swap3A_293, %swap3A_294] {strides = array<i32>} : memref<64x128xf32, #tpu.memory_space<vmem>>, vector<1x16xf32>,
      %swap3A_296 = vector.shape_cast %swap3A_295 : vector<1x16xf32> to vector<16xf32>
      %swap3A_297 = vector.shape_cast %add3A_292 : vector<16xf32> to vector<1x16xf32>
      tpu.vector_store %arg20[%swap3A_293, %swap3A_294], %swap3A_297 {strides = array<i32>} : memref<64x128xf32, #tpu.memory_space<vmem>>, vector<1x16xf32>,
      %mul3A_298 = arith.constant 5 : i32
      %mul3A_299 = arith.muli %mul3A_298, %scan3A_64 : i32
      %get3A_300 = arith.index_cast %mul3A_299 : i32 to index
      %get3A_301 = arith.constant 32 : index
      %get3A_302 = tpu.vector_load %arg16[%get3A_300, %get3A_301] {strides = array<i32>} : memref<320x64xf32, #tpu.memory_space<vmem>>, vector<1x16xf32>,
      %get3A_303 = vector.shape_cast %get3A_302 : vector<1x16xf32> to vector<16xf32>
      %mul3A_304 = arith.constant 5 : i32
      %mul3A_305 = arith.muli %mul3A_304, %scan3A_64 : i32
      %add3A_306 = arith.constant 1 : i32
      %add3A_307 = arith.addi %mul3A_305, %add3A_306 : i32
      %get3A_308 = arith.index_cast %add3A_307 : i32 to index
      %get3A_309 = arith.constant 32 : index
      %get3A_310 = tpu.vector_load %arg16[%get3A_308, %get3A_309] {strides = array<i32>} : memref<320x64xf32, #tpu.memory_space<vmem>>, vector<1x16xf32>,
      %get3A_311 = vector.shape_cast %get3A_310 : vector<1x16xf32> to vector<16xf32>
      %add3A_312 = arith.addf %get3A_303, %get3A_311 : vector<16xf32>
      %mul3A_313 = arith.constant 5 : i32
      %mul3A_314 = arith.muli %mul3A_313, %scan3A_64 : i32
      %add3A_315 = arith.constant 2 : i32
      %add3A_316 = arith.addi %mul3A_314, %add3A_315 : i32
      %get3A_317 = arith.index_cast %add3A_316 : i32 to index
      %get3A_318 = arith.constant 32 : index
      %get3A_319 = tpu.vector_load %arg16[%get3A_317, %get3A_318] {strides = array<i32>} : memref<320x64xf32, #tpu.memory_space<vmem>>, vector<1x16xf32>,
      %get3A_320 = vector.shape_cast %get3A_319 : vector<1x16xf32> to vector<16xf32>
      %add3A_321 = arith.addf %add3A_312, %get3A_320 : vector<16xf32>
      %mul3A_322 = arith.constant 5 : i32
      %mul3A_323 = arith.muli %mul3A_322, %scan3A_64 : i32
      %add3A_324 = arith.constant 3 : i32
      %add3A_325 = arith.addi %mul3A_323, %add3A_324 : i32
      %get3A_326 = arith.index_cast %add3A_325 : i32 to index
      %get3A_327 = arith.constant 32 : index
      %get3A_328 = tpu.vector_load %arg16[%get3A_326, %get3A_327] {strides = array<i32>} : memref<320x64xf32, #tpu.memory_space<vmem>>, vector<1x16xf32>,
      %get3A_329 = vector.shape_cast %get3A_328 : vector<1x16xf32> to vector<16xf32>
      %add3A_330 = arith.addf %add3A_321, %get3A_329 : vector<16xf32>
      %mul3A_331 = arith.constant 5 : i32
      %mul3A_332 = arith.muli %mul3A_331, %scan3A_64 : i32
      %add3A_333 = arith.constant 4 : i32
      %add3A_334 = arith.addi %mul3A_332, %add3A_333 : i32
      %get3A_335 = arith.index_cast %add3A_334 : i32 to index
      %get3A_336 = arith.constant 32 : index
      %get3A_337 = tpu.vector_load %arg16[%get3A_335, %get3A_336] {strides = array<i32>} : memref<320x64xf32, #tpu.memory_space<vmem>>, vector<1x16xf32>,
      %get3A_338 = vector.shape_cast %get3A_337 : vector<1x16xf32> to vector<16xf32>
      %add3A_339 = arith.addf %add3A_330, %get3A_338 : vector<16xf32>
      %swap3A_340 = arith.index_cast %scan3A_64 : i32 to index
      %swap3A_341 = arith.constant 32 : index
      %swap3A_342 = tpu.vector_load %arg21[%swap3A_340, %swap3A_341] {strides = array<i32>} : memref<64x128xf32, #tpu.memory_space<vmem>>, vector<1x16xf32>,
      %swap3A_343 = vector.shape_cast %swap3A_342 : vector<1x16xf32> to vector<16xf32>
      %swap3A_344 = vector.shape_cast %add3A_339 : vector<16xf32> to vector<1x16xf32>
      tpu.vector_store %arg21[%swap3A_340, %swap3A_341], %swap3A_344 {strides = array<i32>} : memref<64x128xf32, #tpu.memory_space<vmem>>, vector<1x16xf32>,
      %get3A_345 = arith.index_cast %scan3A_64 : i32 to index
      %get3A_346 = arith.constant 48 : index
      %get3A_347 = tpu.vector_load %arg14[%get3A_345, %get3A_346] {strides = array<i32>} : memref<64x64xf32, #tpu.memory_space<vmem>>, vector<1x16xf32>,
      %get3A_348 = vector.shape_cast %get3A_347 : vector<1x16xf32> to vector<16xf32>
      %swap3A_349 = arith.index_cast %scan3A_64 : i32 to index
      %swap3A_350 = arith.constant 48 : index
      %swap3A_351 = tpu.vector_load %arg20[%swap3A_349, %swap3A_350] {strides = array<i32>} : memref<64x128xf32, #tpu.memory_space<vmem>>, vector<1x16xf32>,
      %swap3A_352 = vector.shape_cast %swap3A_351 : vector<1x16xf32> to vector<16xf32>
      %swap3A_353 = vector.shape_cast %get3A_348 : vector<16xf32> to vector<1x16xf32>
      tpu.vector_store %arg20[%swap3A_349, %swap3A_350], %swap3A_353 {strides = array<i32>} : memref<64x128xf32, #tpu.memory_space<vmem>>, vector<1x16xf32>,
      %mul3A_354 = arith.constant 4 : i32
      %mul3A_355 = arith.muli %mul3A_354, %scan3A_64 : i32
      %get3A_356 = arith.index_cast %mul3A_355 : i32 to index
      %get3A_357 = arith.constant 48 : index
      %get3A_358 = tpu.vector_load %arg15[%get3A_356, %get3A_357] {strides = array<i32>} : memref<256x64xf32, #tpu.memory_space<vmem>>, vector<1x16xf32>,
      %get3A_359 = vector.shape_cast %get3A_358 : vector<1x16xf32> to vector<16xf32>
      %mul3A_360 = arith.constant 4 : i32
      %mul3A_361 = arith.muli %mul3A_360, %scan3A_64 : i32
      %add3A_362 = arith.constant 1 : i32
      %add3A_363 = arith.addi %mul3A_361, %add3A_362 : i32
      %get3A_364 = arith.index_cast %add3A_363 : i32 to index
      %get3A_365 = arith.constant 48 : index
      %get3A_366 = tpu.vector_load %arg15[%get3A_364, %get3A_365] {strides = array<i32>} : memref<256x64xf32, #tpu.memory_space<vmem>>, vector<1x16xf32>,
      %get3A_367 = vector.shape_cast %get3A_366 : vector<1x16xf32> to vector<16xf32>
      %add3A_368 = arith.addf %get3A_359, %get3A_367 : vector<16xf32>
      %mul3A_369 = arith.constant 4 : i32
      %mul3A_370 = arith.muli %mul3A_369, %scan3A_64 : i32
      %add3A_371 = arith.constant 2 : i32
      %add3A_372 = arith.addi %mul3A_370, %add3A_371 : i32
      %get3A_373 = arith.index_cast %add3A_372 : i32 to index
      %get3A_374 = arith.constant 48 : index
      %get3A_375 = tpu.vector_load %arg15[%get3A_373, %get3A_374] {strides = array<i32>} : memref<256x64xf32, #tpu.memory_space<vmem>>, vector<1x16xf32>,
      %get3A_376 = vector.shape_cast %get3A_375 : vector<1x16xf32> to vector<16xf32>
      %add3A_377 = arith.addf %add3A_368, %get3A_376 : vector<16xf32>
      %mul3A_378 = arith.constant 4 : i32
      %mul3A_379 = arith.muli %mul3A_378, %scan3A_64 : i32
      %add3A_380 = arith.constant 3 : i32
      %add3A_381 = arith.addi %mul3A_379, %add3A_380 : i32
      %get3A_382 = arith.index_cast %add3A_381 : i32 to index
      %get3A_383 = arith.constant 48 : index
      %get3A_384 = tpu.vector_load %arg15[%get3A_382, %get3A_383] {strides = array<i32>} : memref<256x64xf32, #tpu.memory_space<vmem>>, vector<1x16xf32>,
      %get3A_385 = vector.shape_cast %get3A_384 : vector<1x16xf32> to vector<16xf32>
      %add3A_386 = arith.addf %add3A_377, %get3A_385 : vector<16xf32>
      %swap3A_387 = arith.index_cast %scan3A_64 : i32 to index
      %swap3A_388 = arith.constant 112 : index
      %swap3A_389 = tpu.vector_load %arg20[%swap3A_387, %swap3A_388] {strides = array<i32>} : memref<64x128xf32, #tpu.memory_space<vmem>>, vector<1x16xf32>,
      %swap3A_390 = vector.shape_cast %swap3A_389 : vector<1x16xf32> to vector<16xf32>
      %swap3A_391 = vector.shape_cast %add3A_386 : vector<16xf32> to vector<1x16xf32>
      tpu.vector_store %arg20[%swap3A_387, %swap3A_388], %swap3A_391 {strides = array<i32>} : memref<64x128xf32, #tpu.memory_space<vmem>>, vector<1x16xf32>,
      %mul3A_392 = arith.constant 5 : i32
      %mul3A_393 = arith.muli %mul3A_392, %scan3A_64 : i32
      %get3A_394 = arith.index_cast %mul3A_393 : i32 to index
      %get3A_395 = arith.constant 48 : index
      %get3A_396 = tpu.vector_load %arg16[%get3A_394, %get3A_395] {strides = array<i32>} : memref<320x64xf32, #tpu.memory_space<vmem>>, vector<1x16xf32>,
      %get3A_397 = vector.shape_cast %get3A_396 : vector<1x16xf32> to vector<16xf32>
      %mul3A_398 = arith.constant 5 : i32
      %mul3A_399 = arith.muli %mul3A_398, %scan3A_64 : i32
      %add3A_400 = arith.constant 1 : i32
      %add3A_401 = arith.addi %mul3A_399, %add3A_400 : i32
      %get3A_402 = arith.index_cast %add3A_401 : i32 to index
      %get3A_403 = arith.constant 48 : index
      %get3A_404 = tpu.vector_load %arg16[%get3A_402, %get3A_403] {strides = array<i32>} : memref<320x64xf32, #tpu.memory_space<vmem>>, vector<1x16xf32>,
      %get3A_405 = vector.shape_cast %get3A_404 : vector<1x16xf32> to vector<16xf32>
      %add3A_406 = arith.addf %get3A_397, %get3A_405 : vector<16xf32>
      %mul3A_407 = arith.constant 5 : i32
      %mul3A_408 = arith.muli %mul3A_407, %scan3A_64 : i32
      %add3A_409 = arith.constant 2 : i32
      %add3A_410 = arith.addi %mul3A_408, %add3A_409 : i32
      %get3A_411 = arith.index_cast %add3A_410 : i32 to index
      %get3A_412 = arith.constant 48 : index
      %get3A_413 = tpu.vector_load %arg16[%get3A_411, %get3A_412] {strides = array<i32>} : memref<320x64xf32, #tpu.memory_space<vmem>>, vector<1x16xf32>,
      %get3A_414 = vector.shape_cast %get3A_413 : vector<1x16xf32> to vector<16xf32>
      %add3A_415 = arith.addf %add3A_406, %get3A_414 : vector<16xf32>
      %mul3A_416 = arith.constant 5 : i32
      %mul3A_417 = arith.muli %mul3A_416, %scan3A_64 : i32
      %add3A_418 = arith.constant 3 : i32
      %add3A_419 = arith.addi %mul3A_417, %add3A_418 : i32
      %get3A_420 = arith.index_cast %add3A_419 : i32 to index
      %get3A_421 = arith.constant 48 : index
      %get3A_422 = tpu.vector_load %arg16[%get3A_420, %get3A_421] {strides = array<i32>} : memref<320x64xf32, #tpu.memory_space<vmem>>, vector<1x16xf32>,
      %get3A_423 = vector.shape_cast %get3A_422 : vector<1x16xf32> to vector<16xf32>
      %add3A_424 = arith.addf %add3A_415, %get3A_423 : vector<16xf32>
      %mul3A_425 = arith.constant 5 : i32
      %mul3A_426 = arith.muli %mul3A_425, %scan3A_64 : i32
      %add3A_427 = arith.constant 4 : i32
      %add3A_428 = arith.addi %mul3A_426, %add3A_427 : i32
      %get3A_429 = arith.index_cast %add3A_428 : i32 to index
      %get3A_430 = arith.constant 48 : index
      %get3A_431 = tpu.vector_load %arg16[%get3A_429, %get3A_430] {strides = array<i32>} : memref<320x64xf32, #tpu.memory_space<vmem>>, vector<1x16xf32>,
      %get3A_432 = vector.shape_cast %get3A_431 : vector<1x16xf32> to vector<16xf32>
      %add3A_433 = arith.addf %add3A_424, %get3A_432 : vector<16xf32>
      %swap3A_434 = arith.index_cast %scan3A_64 : i32 to index
      %swap3A_435 = arith.constant 48 : index
      %swap3A_436 = tpu.vector_load %arg21[%swap3A_434, %swap3A_435] {strides = array<i32>} : memref<64x128xf32, #tpu.memory_space<vmem>>, vector<1x16xf32>,
      %swap3A_437 = vector.shape_cast %swap3A_436 : vector<1x16xf32> to vector<16xf32>
      %swap3A_438 = vector.shape_cast %add3A_433 : vector<16xf32> to vector<1x16xf32>
      tpu.vector_store %arg21[%swap3A_434, %swap3A_435], %swap3A_438 {strides = array<i32>} : memref<64x128xf32, #tpu.memory_space<vmem>>, vector<1x16xf32>,
    }
    %scan3A_44 = arith.constant 64 : i32
    %add3A_45 = arith.constant 0 : i32
    %add3A_46 = arith.addi %mul3A_2, %add3A_45 : i32
    "tpu.region"() ({
      %run_scoped3A = tpu.sem_alloc : memref<!tpu.dma_semaphore, #tpu.memory_space<semaphore_mem>>
      %dma_start3A_64 = arith.constant 0 : i32
      %dma_start3A_65 = tpu.memref_slice %arg6[%add3A_46, %dma_start3A_64] : memref<4096x128xf32, #tpu.memory_space<hbm>> -> memref<64x128xf32, #tpu.memory_space<hbm>>
      %dma_start3A_66 = arith.constant 0 : i32
      %dma_start3A_67 = tpu.memref_slice %arg6[%add3A_46, %dma_start3A_66] : memref<4096x128xf32, #tpu.memory_space<hbm>> -> memref<64x128xf32, #tpu.memory_space<hbm>>
      tpu.enqueue_dma source(%arg20 : memref<64x128xf32, #tpu.memory_space<vmem>>) target(%dma_start3A_67 : memref<64x128xf32, #tpu.memory_space<hbm>>) target_semaphore(%run_scoped3A : memref<!tpu.dma_semaphore, #tpu.memory_space<semaphore_mem>>)
      %dma_wait3A_68 = arith.constant 0 : i32
      %dma_wait3A_69 = tpu.memref_slice %arg6[%add3A_46, %dma_wait3A_68] : memref<4096x128xf32, #tpu.memory_space<hbm>> -> memref<64x128xf32, #tpu.memory_space<hbm>>
      %dma_wait3A_70 = arith.constant 0 : i32
      %dma_wait3A_71 = tpu.memref_slice %arg6[%add3A_46, %dma_wait3A_70] : memref<4096x128xf32, #tpu.memory_space<hbm>> -> memref<64x128xf32, #tpu.memory_space<hbm>>
      tpu.wait_dma2 semaphore(%run_scoped3A : memref<!tpu.dma_semaphore, #tpu.memory_space<semaphore_mem>>) src(%arg20 : memref<64x128xf32, #tpu.memory_space<vmem>>) dst(%dma_wait3A_71 : memref<64x128xf32, #tpu.memory_space<hbm>>)
      tpu.yield
    }) : () -> ()
    "tpu.region"() ({
      %run_scoped3A = tpu.sem_alloc : memref<!tpu.dma_semaphore, #tpu.memory_space<semaphore_mem>>
      %dma_start3A_64 = arith.constant 0 : i32
      %dma_start3A_65 = tpu.memref_slice %arg7[%add3A_46, %dma_start3A_64] : memref<4096x128xf32, #tpu.memory_space<hbm>> -> memref<64x128xf32, #tpu.memory_space<hbm>>
      %dma_start3A_66 = arith.constant 0 : i32
      %dma_start3A_67 = tpu.memref_slice %arg7[%add3A_46, %dma_start3A_66] : memref<4096x128xf32, #tpu.memory_space<hbm>> -> memref<64x128xf32, #tpu.memory_space<hbm>>
      tpu.enqueue_dma source(%arg21 : memref<64x128xf32, #tpu.memory_space<vmem>>) target(%dma_start3A_67 : memref<64x128xf32, #tpu.memory_space<hbm>>) target_semaphore(%run_scoped3A : memref<!tpu.dma_semaphore, #tpu.memory_space<semaphore_mem>>)
      %dma_wait3A_68 = arith.constant 0 : i32
      %dma_wait3A_69 = tpu.memref_slice %arg7[%add3A_46, %dma_wait3A_68] : memref<4096x128xf32, #tpu.memory_space<hbm>> -> memref<64x128xf32, #tpu.memory_space<hbm>>
      %dma_wait3A_70 = arith.constant 0 : i32
      %dma_wait3A_71 = tpu.memref_slice %arg7[%add3A_46, %dma_wait3A_70] : memref<4096x128xf32, #tpu.memory_space<hbm>> -> memref<64x128xf32, #tpu.memory_space<hbm>>
      tpu.wait_dma2 semaphore(%run_scoped3A : memref<!tpu.dma_semaphore, #tpu.memory_space<semaphore_mem>>) src(%arg21 : memref<64x128xf32, #tpu.memory_space<vmem>>) dst(%dma_wait3A_71 : memref<64x128xf32, #tpu.memory_space<hbm>>)
      tpu.yield
    }) : () -> ()
    %dma_wait3A_47 = arith.constant 0 : i32
    %dma_wait3A_48 = arith.constant 0 : i32
    %dma_wait3A_49 = tpu.memref_slice %arg2[%dma_wait3A_47, %dma_wait3A_48] : memref<100001x64xf32, #tpu.memory_space<hbm>> -> memref<100001x64xf32, #tpu.memory_space<hbm>>
    tpu.wait_indirect_dma semaphore(%arg25 : memref<!tpu.dma_semaphore, #tpu.memory_space<semaphore_mem>>) src(%dma_wait3A_49 : memref<100001x64xf32, #tpu.memory_space<hbm>>) dst(%arg17 : memref<64x64xf32, #tpu.memory_space<vmem>>)
    %dma_wait3A_50 = arith.constant 0 : i32
    %dma_wait3A_51 = arith.constant 0 : i32
    %dma_wait3A_52 = tpu.memref_slice %arg2[%dma_wait3A_50, %dma_wait3A_51] : memref<100001x64xf32, #tpu.memory_space<hbm>> -> memref<100001x64xf32, #tpu.memory_space<hbm>>
    tpu.wait_indirect_dma semaphore(%arg26 : memref<!tpu.dma_semaphore, #tpu.memory_space<semaphore_mem>>) src(%dma_wait3A_52 : memref<100001x64xf32, #tpu.memory_space<hbm>>) dst(%arg18 : memref<256x64xf32, #tpu.memory_space<vmem>>)
    %dma_wait3A_53 = arith.constant 0 : i32
    %dma_wait3A_54 = arith.constant 0 : i32
    %dma_wait3A_55 = tpu.memref_slice %arg2[%dma_wait3A_53, %dma_wait3A_54] : memref<100001x64xf32, #tpu.memory_space<hbm>> -> memref<100001x64xf32, #tpu.memory_space<hbm>>
    tpu.wait_indirect_dma semaphore(%arg27 : memref<!tpu.dma_semaphore, #tpu.memory_space<semaphore_mem>>) src(%dma_wait3A_55 : memref<100001x64xf32, #tpu.memory_space<hbm>>) dst(%arg19 : memref<320x64xf32, #tpu.memory_space<vmem>>)
    %scan3A_56 = arith.constant 0 : i32
    %scan3A_57 = arith.constant 0 : i32
    %scan3A_58 = arith.constant 64 : i32
    %scan3A_59 = arith.addi %scan3A_57, %scan3A_58 : i32
    %scan3A_60 = arith.constant 1 : i32
    scf.for %scan3A_64 = %scan3A_57 to %scan3A_59 step %scan3A_60  : i32 {
      %get3A = arith.index_cast %scan3A_64 : i32 to index
      %get3A_65 = arith.constant 0 : index
      %get3A_66 = tpu.vector_load %arg17[%get3A, %get3A_65] {strides = array<i32>} : memref<64x64xf32, #tpu.memory_space<vmem>>, vector<1x16xf32>,
      %get3A_67 = vector.shape_cast %get3A_66 : vector<1x16xf32> to vector<16xf32>
      %swap3A = arith.index_cast %scan3A_64 : i32 to index
      %swap3A_68 = arith.constant 0 : index
      %swap3A_69 = tpu.vector_load %arg20[%swap3A, %swap3A_68] {strides = array<i32>} : memref<64x128xf32, #tpu.memory_space<vmem>>, vector<1x16xf32>,
      %swap3A_70 = vector.shape_cast %swap3A_69 : vector<1x16xf32> to vector<16xf32>
      %swap3A_71 = vector.shape_cast %get3A_67 : vector<16xf32> to vector<1x16xf32>
      tpu.vector_store %arg20[%swap3A, %swap3A_68], %swap3A_71 {strides = array<i32>} : memref<64x128xf32, #tpu.memory_space<vmem>>, vector<1x16xf32>,
      %mul3A_72 = arith.constant 4 : i32
      %mul3A_73 = arith.muli %mul3A_72, %scan3A_64 : i32
      %get3A_74 = arith.index_cast %mul3A_73 : i32 to index
      %get3A_75 = arith.constant 0 : index
      %get3A_76 = tpu.vector_load %arg18[%get3A_74, %get3A_75] {strides = array<i32>} : memref<256x64xf32, #tpu.memory_space<vmem>>, vector<1x16xf32>,
      %get3A_77 = vector.shape_cast %get3A_76 : vector<1x16xf32> to vector<16xf32>
      %mul3A_78 = arith.constant 4 : i32
      %mul3A_79 = arith.muli %mul3A_78, %scan3A_64 : i32
      %add3A_80 = arith.constant 1 : i32
      %add3A_81 = arith.addi %mul3A_79, %add3A_80 : i32
      %get3A_82 = arith.index_cast %add3A_81 : i32 to index
      %get3A_83 = arith.constant 0 : index
      %get3A_84 = tpu.vector_load %arg18[%get3A_82, %get3A_83] {strides = array<i32>} : memref<256x64xf32, #tpu.memory_space<vmem>>, vector<1x16xf32>,
      %get3A_85 = vector.shape_cast %get3A_84 : vector<1x16xf32> to vector<16xf32>
      %add3A_86 = arith.addf %get3A_77, %get3A_85 : vector<16xf32>
      %mul3A_87 = arith.constant 4 : i32
      %mul3A_88 = arith.muli %mul3A_87, %scan3A_64 : i32
      %add3A_89 = arith.constant 2 : i32
      %add3A_90 = arith.addi %mul3A_88, %add3A_89 : i32
      %get3A_91 = arith.index_cast %add3A_90 : i32 to index
      %get3A_92 = arith.constant 0 : index
      %get3A_93 = tpu.vector_load %arg18[%get3A_91, %get3A_92] {strides = array<i32>} : memref<256x64xf32, #tpu.memory_space<vmem>>, vector<1x16xf32>,
      %get3A_94 = vector.shape_cast %get3A_93 : vector<1x16xf32> to vector<16xf32>
      %add3A_95 = arith.addf %add3A_86, %get3A_94 : vector<16xf32>
      %mul3A_96 = arith.constant 4 : i32
      %mul3A_97 = arith.muli %mul3A_96, %scan3A_64 : i32
      %add3A_98 = arith.constant 3 : i32
      %add3A_99 = arith.addi %mul3A_97, %add3A_98 : i32
      %get3A_100 = arith.index_cast %add3A_99 : i32 to index
      %get3A_101 = arith.constant 0 : index
      %get3A_102 = tpu.vector_load %arg18[%get3A_100, %get3A_101] {strides = array<i32>} : memref<256x64xf32, #tpu.memory_space<vmem>>, vector<1x16xf32>,
      %get3A_103 = vector.shape_cast %get3A_102 : vector<1x16xf32> to vector<16xf32>
      %add3A_104 = arith.addf %add3A_95, %get3A_103 : vector<16xf32>
      %swap3A_105 = arith.index_cast %scan3A_64 : i32 to index
      %swap3A_106 = arith.constant 64 : index
      %swap3A_107 = tpu.vector_load %arg20[%swap3A_105, %swap3A_106] {strides = array<i32>} : memref<64x128xf32, #tpu.memory_space<vmem>>, vector<1x16xf32>,
      %swap3A_108 = vector.shape_cast %swap3A_107 : vector<1x16xf32> to vector<16xf32>
      %swap3A_109 = vector.shape_cast %add3A_104 : vector<16xf32> to vector<1x16xf32>
      tpu.vector_store %arg20[%swap3A_105, %swap3A_106], %swap3A_109 {strides = array<i32>} : memref<64x128xf32, #tpu.memory_space<vmem>>, vector<1x16xf32>,
      %mul3A_110 = arith.constant 5 : i32
      %mul3A_111 = arith.muli %mul3A_110, %scan3A_64 : i32
      %get3A_112 = arith.index_cast %mul3A_111 : i32 to index
      %get3A_113 = arith.constant 0 : index
      %get3A_114 = tpu.vector_load %arg19[%get3A_112, %get3A_113] {strides = array<i32>} : memref<320x64xf32, #tpu.memory_space<vmem>>, vector<1x16xf32>,
      %get3A_115 = vector.shape_cast %get3A_114 : vector<1x16xf32> to vector<16xf32>
      %mul3A_116 = arith.constant 5 : i32
      %mul3A_117 = arith.muli %mul3A_116, %scan3A_64 : i32
      %add3A_118 = arith.constant 1 : i32
      %add3A_119 = arith.addi %mul3A_117, %add3A_118 : i32
      %get3A_120 = arith.index_cast %add3A_119 : i32 to index
      %get3A_121 = arith.constant 0 : index
      %get3A_122 = tpu.vector_load %arg19[%get3A_120, %get3A_121] {strides = array<i32>} : memref<320x64xf32, #tpu.memory_space<vmem>>, vector<1x16xf32>,
      %get3A_123 = vector.shape_cast %get3A_122 : vector<1x16xf32> to vector<16xf32>
      %add3A_124 = arith.addf %get3A_115, %get3A_123 : vector<16xf32>
      %mul3A_125 = arith.constant 5 : i32
      %mul3A_126 = arith.muli %mul3A_125, %scan3A_64 : i32
      %add3A_127 = arith.constant 2 : i32
      %add3A_128 = arith.addi %mul3A_126, %add3A_127 : i32
      %get3A_129 = arith.index_cast %add3A_128 : i32 to index
      %get3A_130 = arith.constant 0 : index
      %get3A_131 = tpu.vector_load %arg19[%get3A_129, %get3A_130] {strides = array<i32>} : memref<320x64xf32, #tpu.memory_space<vmem>>, vector<1x16xf32>,
      %get3A_132 = vector.shape_cast %get3A_131 : vector<1x16xf32> to vector<16xf32>
      %add3A_133 = arith.addf %add3A_124, %get3A_132 : vector<16xf32>
      %mul3A_134 = arith.constant 5 : i32
      %mul3A_135 = arith.muli %mul3A_134, %scan3A_64 : i32
      %add3A_136 = arith.constant 3 : i32
      %add3A_137 = arith.addi %mul3A_135, %add3A_136 : i32
      %get3A_138 = arith.index_cast %add3A_137 : i32 to index
      %get3A_139 = arith.constant 0 : index
      %get3A_140 = tpu.vector_load %arg19[%get3A_138, %get3A_139] {strides = array<i32>} : memref<320x64xf32, #tpu.memory_space<vmem>>, vector<1x16xf32>,
      %get3A_141 = vector.shape_cast %get3A_140 : vector<1x16xf32> to vector<16xf32>
      %add3A_142 = arith.addf %add3A_133, %get3A_141 : vector<16xf32>
      %mul3A_143 = arith.constant 5 : i32
      %mul3A_144 = arith.muli %mul3A_143, %scan3A_64 : i32
      %add3A_145 = arith.constant 4 : i32
      %add3A_146 = arith.addi %mul3A_144, %add3A_145 : i32
      %get3A_147 = arith.index_cast %add3A_146 : i32 to index
      %get3A_148 = arith.constant 0 : index
      %get3A_149 = tpu.vector_load %arg19[%get3A_147, %get3A_148] {strides = array<i32>} : memref<320x64xf32, #tpu.memory_space<vmem>>, vector<1x16xf32>,
      %get3A_150 = vector.shape_cast %get3A_149 : vector<1x16xf32> to vector<16xf32>
      %add3A_151 = arith.addf %add3A_142, %get3A_150 : vector<16xf32>
      %swap3A_152 = arith.index_cast %scan3A_64 : i32 to index
      %swap3A_153 = arith.constant 0 : index
      %swap3A_154 = tpu.vector_load %arg21[%swap3A_152, %swap3A_153] {strides = array<i32>} : memref<64x128xf32, #tpu.memory_space<vmem>>, vector<1x16xf32>,
      %swap3A_155 = vector.shape_cast %swap3A_154 : vector<1x16xf32> to vector<16xf32>
      %swap3A_156 = vector.shape_cast %add3A_151 : vector<16xf32> to vector<1x16xf32>
      tpu.vector_store %arg21[%swap3A_152, %swap3A_153], %swap3A_156 {strides = array<i32>} : memref<64x128xf32, #tpu.memory_space<vmem>>, vector<1x16xf32>,
      %get3A_157 = arith.index_cast %scan3A_64 : i32 to index
      %get3A_158 = arith.constant 16 : index
      %get3A_159 = tpu.vector_load %arg17[%get3A_157, %get3A_158] {strides = array<i32>} : memref<64x64xf32, #tpu.memory_space<vmem>>, vector<1x16xf32>,
      %get3A_160 = vector.shape_cast %get3A_159 : vector<1x16xf32> to vector<16xf32>
      %swap3A_161 = arith.index_cast %scan3A_64 : i32 to index
      %swap3A_162 = arith.constant 16 : index
      %swap3A_163 = tpu.vector_load %arg20[%swap3A_161, %swap3A_162] {strides = array<i32>} : memref<64x128xf32, #tpu.memory_space<vmem>>, vector<1x16xf32>,
      %swap3A_164 = vector.shape_cast %swap3A_163 : vector<1x16xf32> to vector<16xf32>
      %swap3A_165 = vector.shape_cast %get3A_160 : vector<16xf32> to vector<1x16xf32>
      tpu.vector_store %arg20[%swap3A_161, %swap3A_162], %swap3A_165 {strides = array<i32>} : memref<64x128xf32, #tpu.memory_space<vmem>>, vector<1x16xf32>,
      %mul3A_166 = arith.constant 4 : i32
      %mul3A_167 = arith.muli %mul3A_166, %scan3A_64 : i32
      %get3A_168 = arith.index_cast %mul3A_167 : i32 to index
      %get3A_169 = arith.constant 16 : index
      %get3A_170 = tpu.vector_load %arg18[%get3A_168, %get3A_169] {strides = array<i32>} : memref<256x64xf32, #tpu.memory_space<vmem>>, vector<1x16xf32>,
      %get3A_171 = vector.shape_cast %get3A_170 : vector<1x16xf32> to vector<16xf32>
      %mul3A_172 = arith.constant 4 : i32
      %mul3A_173 = arith.muli %mul3A_172, %scan3A_64 : i32
      %add3A_174 = arith.constant 1 : i32
      %add3A_175 = arith.addi %mul3A_173, %add3A_174 : i32
      %get3A_176 = arith.index_cast %add3A_175 : i32 to index
      %get3A_177 = arith.constant 16 : index
      %get3A_178 = tpu.vector_load %arg18[%get3A_176, %get3A_177] {strides = array<i32>} : memref<256x64xf32, #tpu.memory_space<vmem>>, vector<1x16xf32>,
      %get3A_179 = vector.shape_cast %get3A_178 : vector<1x16xf32> to vector<16xf32>
      %add3A_180 = arith.addf %get3A_171, %get3A_179 : vector<16xf32>
      %mul3A_181 = arith.constant 4 : i32
      %mul3A_182 = arith.muli %mul3A_181, %scan3A_64 : i32
      %add3A_183 = arith.constant 2 : i32
      %add3A_184 = arith.addi %mul3A_182, %add3A_183 : i32
      %get3A_185 = arith.index_cast %add3A_184 : i32 to index
      %get3A_186 = arith.constant 16 : index
      %get3A_187 = tpu.vector_load %arg18[%get3A_185, %get3A_186] {strides = array<i32>} : memref<256x64xf32, #tpu.memory_space<vmem>>, vector<1x16xf32>,
      %get3A_188 = vector.shape_cast %get3A_187 : vector<1x16xf32> to vector<16xf32>
      %add3A_189 = arith.addf %add3A_180, %get3A_188 : vector<16xf32>
      %mul3A_190 = arith.constant 4 : i32
      %mul3A_191 = arith.muli %mul3A_190, %scan3A_64 : i32
      %add3A_192 = arith.constant 3 : i32
      %add3A_193 = arith.addi %mul3A_191, %add3A_192 : i32
      %get3A_194 = arith.index_cast %add3A_193 : i32 to index
      %get3A_195 = arith.constant 16 : index
      %get3A_196 = tpu.vector_load %arg18[%get3A_194, %get3A_195] {strides = array<i32>} : memref<256x64xf32, #tpu.memory_space<vmem>>, vector<1x16xf32>,
      %get3A_197 = vector.shape_cast %get3A_196 : vector<1x16xf32> to vector<16xf32>
      %add3A_198 = arith.addf %add3A_189, %get3A_197 : vector<16xf32>
      %swap3A_199 = arith.index_cast %scan3A_64 : i32 to index
      %swap3A_200 = arith.constant 80 : index
      %swap3A_201 = tpu.vector_load %arg20[%swap3A_199, %swap3A_200] {strides = array<i32>} : memref<64x128xf32, #tpu.memory_space<vmem>>, vector<1x16xf32>,
      %swap3A_202 = vector.shape_cast %swap3A_201 : vector<1x16xf32> to vector<16xf32>
      %swap3A_203 = vector.shape_cast %add3A_198 : vector<16xf32> to vector<1x16xf32>
      tpu.vector_store %arg20[%swap3A_199, %swap3A_200], %swap3A_203 {strides = array<i32>} : memref<64x128xf32, #tpu.memory_space<vmem>>, vector<1x16xf32>,
      %mul3A_204 = arith.constant 5 : i32
      %mul3A_205 = arith.muli %mul3A_204, %scan3A_64 : i32
      %get3A_206 = arith.index_cast %mul3A_205 : i32 to index
      %get3A_207 = arith.constant 16 : index
      %get3A_208 = tpu.vector_load %arg19[%get3A_206, %get3A_207] {strides = array<i32>} : memref<320x64xf32, #tpu.memory_space<vmem>>, vector<1x16xf32>,
      %get3A_209 = vector.shape_cast %get3A_208 : vector<1x16xf32> to vector<16xf32>
      %mul3A_210 = arith.constant 5 : i32
      %mul3A_211 = arith.muli %mul3A_210, %scan3A_64 : i32
      %add3A_212 = arith.constant 1 : i32
      %add3A_213 = arith.addi %mul3A_211, %add3A_212 : i32
      %get3A_214 = arith.index_cast %add3A_213 : i32 to index
      %get3A_215 = arith.constant 16 : index
      %get3A_216 = tpu.vector_load %arg19[%get3A_214, %get3A_215] {strides = array<i32>} : memref<320x64xf32, #tpu.memory_space<vmem>>, vector<1x16xf32>,
      %get3A_217 = vector.shape_cast %get3A_216 : vector<1x16xf32> to vector<16xf32>
      %add3A_218 = arith.addf %get3A_209, %get3A_217 : vector<16xf32>
      %mul3A_219 = arith.constant 5 : i32
      %mul3A_220 = arith.muli %mul3A_219, %scan3A_64 : i32
      %add3A_221 = arith.constant 2 : i32
      %add3A_222 = arith.addi %mul3A_220, %add3A_221 : i32
      %get3A_223 = arith.index_cast %add3A_222 : i32 to index
      %get3A_224 = arith.constant 16 : index
      %get3A_225 = tpu.vector_load %arg19[%get3A_223, %get3A_224] {strides = array<i32>} : memref<320x64xf32, #tpu.memory_space<vmem>>, vector<1x16xf32>,
      %get3A_226 = vector.shape_cast %get3A_225 : vector<1x16xf32> to vector<16xf32>
      %add3A_227 = arith.addf %add3A_218, %get3A_226 : vector<16xf32>
      %mul3A_228 = arith.constant 5 : i32
      %mul3A_229 = arith.muli %mul3A_228, %scan3A_64 : i32
      %add3A_230 = arith.constant 3 : i32
      %add3A_231 = arith.addi %mul3A_229, %add3A_230 : i32
      %get3A_232 = arith.index_cast %add3A_231 : i32 to index
      %get3A_233 = arith.constant 16 : index
      %get3A_234 = tpu.vector_load %arg19[%get3A_232, %get3A_233] {strides = array<i32>} : memref<320x64xf32, #tpu.memory_space<vmem>>, vector<1x16xf32>,
      %get3A_235 = vector.shape_cast %get3A_234 : vector<1x16xf32> to vector<16xf32>
      %add3A_236 = arith.addf %add3A_227, %get3A_235 : vector<16xf32>
      %mul3A_237 = arith.constant 5 : i32
      %mul3A_238 = arith.muli %mul3A_237, %scan3A_64 : i32
      %add3A_239 = arith.constant 4 : i32
      %add3A_240 = arith.addi %mul3A_238, %add3A_239 : i32
      %get3A_241 = arith.index_cast %add3A_240 : i32 to index
      %get3A_242 = arith.constant 16 : index
      %get3A_243 = tpu.vector_load %arg19[%get3A_241, %get3A_242] {strides = array<i32>} : memref<320x64xf32, #tpu.memory_space<vmem>>, vector<1x16xf32>,
      %get3A_244 = vector.shape_cast %get3A_243 : vector<1x16xf32> to vector<16xf32>
      %add3A_245 = arith.addf %add3A_236, %get3A_244 : vector<16xf32>
      %swap3A_246 = arith.index_cast %scan3A_64 : i32 to index
      %swap3A_247 = arith.constant 16 : index
      %swap3A_248 = tpu.vector_load %arg21[%swap3A_246, %swap3A_247] {strides = array<i32>} : memref<64x128xf32, #tpu.memory_space<vmem>>, vector<1x16xf32>,
      %swap3A_249 = vector.shape_cast %swap3A_248 : vector<1x16xf32> to vector<16xf32>
      %swap3A_250 = vector.shape_cast %add3A_245 : vector<16xf32> to vector<1x16xf32>
      tpu.vector_store %arg21[%swap3A_246, %swap3A_247], %swap3A_250 {strides = array<i32>} : memref<64x128xf32, #tpu.memory_space<vmem>>, vector<1x16xf32>,
      %get3A_251 = arith.index_cast %scan3A_64 : i32 to index
      %get3A_252 = arith.constant 32 : index
      %get3A_253 = tpu.vector_load %arg17[%get3A_251, %get3A_252] {strides = array<i32>} : memref<64x64xf32, #tpu.memory_space<vmem>>, vector<1x16xf32>,
      %get3A_254 = vector.shape_cast %get3A_253 : vector<1x16xf32> to vector<16xf32>
      %swap3A_255 = arith.index_cast %scan3A_64 : i32 to index
      %swap3A_256 = arith.constant 32 : index
      %swap3A_257 = tpu.vector_load %arg20[%swap3A_255, %swap3A_256] {strides = array<i32>} : memref<64x128xf32, #tpu.memory_space<vmem>>, vector<1x16xf32>,
      %swap3A_258 = vector.shape_cast %swap3A_257 : vector<1x16xf32> to vector<16xf32>
      %swap3A_259 = vector.shape_cast %get3A_254 : vector<16xf32> to vector<1x16xf32>
      tpu.vector_store %arg20[%swap3A_255, %swap3A_256], %swap3A_259 {strides = array<i32>} : memref<64x128xf32, #tpu.memory_space<vmem>>, vector<1x16xf32>,
      %mul3A_260 = arith.constant 4 : i32
      %mul3A_261 = arith.muli %mul3A_260, %scan3A_64 : i32
      %get3A_262 = arith.index_cast %mul3A_261 : i32 to index
      %get3A_263 = arith.constant 32 : index
      %get3A_264 = tpu.vector_load %arg18[%get3A_262, %get3A_263] {strides = array<i32>} : memref<256x64xf32, #tpu.memory_space<vmem>>, vector<1x16xf32>,
      %get3A_265 = vector.shape_cast %get3A_264 : vector<1x16xf32> to vector<16xf32>
      %mul3A_266 = arith.constant 4 : i32
      %mul3A_267 = arith.muli %mul3A_266, %scan3A_64 : i32
      %add3A_268 = arith.constant 1 : i32
      %add3A_269 = arith.addi %mul3A_267, %add3A_268 : i32
      %get3A_270 = arith.index_cast %add3A_269 : i32 to index
      %get3A_271 = arith.constant 32 : index
      %get3A_272 = tpu.vector_load %arg18[%get3A_270, %get3A_271] {strides = array<i32>} : memref<256x64xf32, #tpu.memory_space<vmem>>, vector<1x16xf32>,
      %get3A_273 = vector.shape_cast %get3A_272 : vector<1x16xf32> to vector<16xf32>
      %add3A_274 = arith.addf %get3A_265, %get3A_273 : vector<16xf32>
      %mul3A_275 = arith.constant 4 : i32
      %mul3A_276 = arith.muli %mul3A_275, %scan3A_64 : i32
      %add3A_277 = arith.constant 2 : i32
      %add3A_278 = arith.addi %mul3A_276, %add3A_277 : i32
      %get3A_279 = arith.index_cast %add3A_278 : i32 to index
      %get3A_280 = arith.constant 32 : index
      %get3A_281 = tpu.vector_load %arg18[%get3A_279, %get3A_280] {strides = array<i32>} : memref<256x64xf32, #tpu.memory_space<vmem>>, vector<1x16xf32>,
      %get3A_282 = vector.shape_cast %get3A_281 : vector<1x16xf32> to vector<16xf32>
      %add3A_283 = arith.addf %add3A_274, %get3A_282 : vector<16xf32>
      %mul3A_284 = arith.constant 4 : i32
      %mul3A_285 = arith.muli %mul3A_284, %scan3A_64 : i32
      %add3A_286 = arith.constant 3 : i32
      %add3A_287 = arith.addi %mul3A_285, %add3A_286 : i32
      %get3A_288 = arith.index_cast %add3A_287 : i32 to index
      %get3A_289 = arith.constant 32 : index
      %get3A_290 = tpu.vector_load %arg18[%get3A_288, %get3A_289] {strides = array<i32>} : memref<256x64xf32, #tpu.memory_space<vmem>>, vector<1x16xf32>,
      %get3A_291 = vector.shape_cast %get3A_290 : vector<1x16xf32> to vector<16xf32>
      %add3A_292 = arith.addf %add3A_283, %get3A_291 : vector<16xf32>
      %swap3A_293 = arith.index_cast %scan3A_64 : i32 to index
      %swap3A_294 = arith.constant 96 : index
      %swap3A_295 = tpu.vector_load %arg20[%swap3A_293, %swap3A_294] {strides = array<i32>} : memref<64x128xf32, #tpu.memory_space<vmem>>, vector<1x16xf32>,
      %swap3A_296 = vector.shape_cast %swap3A_295 : vector<1x16xf32> to vector<16xf32>
      %swap3A_297 = vector.shape_cast %add3A_292 : vector<16xf32> to vector<1x16xf32>
      tpu.vector_store %arg20[%swap3A_293, %swap3A_294], %swap3A_297 {strides = array<i32>} : memref<64x128xf32, #tpu.memory_space<vmem>>, vector<1x16xf32>,
      %mul3A_298 = arith.constant 5 : i32
      %mul3A_299 = arith.muli %mul3A_298, %scan3A_64 : i32
      %get3A_300 = arith.index_cast %mul3A_299 : i32 to index
      %get3A_301 = arith.constant 32 : index
      %get3A_302 = tpu.vector_load %arg19[%get3A_300, %get3A_301] {strides = array<i32>} : memref<320x64xf32, #tpu.memory_space<vmem>>, vector<1x16xf32>,
      %get3A_303 = vector.shape_cast %get3A_302 : vector<1x16xf32> to vector<16xf32>
      %mul3A_304 = arith.constant 5 : i32
      %mul3A_305 = arith.muli %mul3A_304, %scan3A_64 : i32
      %add3A_306 = arith.constant 1 : i32
      %add3A_307 = arith.addi %mul3A_305, %add3A_306 : i32
      %get3A_308 = arith.index_cast %add3A_307 : i32 to index
      %get3A_309 = arith.constant 32 : index
      %get3A_310 = tpu.vector_load %arg19[%get3A_308, %get3A_309] {strides = array<i32>} : memref<320x64xf32, #tpu.memory_space<vmem>>, vector<1x16xf32>,
      %get3A_311 = vector.shape_cast %get3A_310 : vector<1x16xf32> to vector<16xf32>
      %add3A_312 = arith.addf %get3A_303, %get3A_311 : vector<16xf32>
      %mul3A_313 = arith.constant 5 : i32
      %mul3A_314 = arith.muli %mul3A_313, %scan3A_64 : i32
      %add3A_315 = arith.constant 2 : i32
      %add3A_316 = arith.addi %mul3A_314, %add3A_315 : i32
      %get3A_317 = arith.index_cast %add3A_316 : i32 to index
      %get3A_318 = arith.constant 32 : index
      %get3A_319 = tpu.vector_load %arg19[%get3A_317, %get3A_318] {strides = array<i32>} : memref<320x64xf32, #tpu.memory_space<vmem>>, vector<1x16xf32>,
      %get3A_320 = vector.shape_cast %get3A_319 : vector<1x16xf32> to vector<16xf32>
      %add3A_321 = arith.addf %add3A_312, %get3A_320 : vector<16xf32>
      %mul3A_322 = arith.constant 5 : i32
      %mul3A_323 = arith.muli %mul3A_322, %scan3A_64 : i32
      %add3A_324 = arith.constant 3 : i32
      %add3A_325 = arith.addi %mul3A_323, %add3A_324 : i32
      %get3A_326 = arith.index_cast %add3A_325 : i32 to index
      %get3A_327 = arith.constant 32 : index
      %get3A_328 = tpu.vector_load %arg19[%get3A_326, %get3A_327] {strides = array<i32>} : memref<320x64xf32, #tpu.memory_space<vmem>>, vector<1x16xf32>,
      %get3A_329 = vector.shape_cast %get3A_328 : vector<1x16xf32> to vector<16xf32>
      %add3A_330 = arith.addf %add3A_321, %get3A_329 : vector<16xf32>
      %mul3A_331 = arith.constant 5 : i32
      %mul3A_332 = arith.muli %mul3A_331, %scan3A_64 : i32
      %add3A_333 = arith.constant 4 : i32
      %add3A_334 = arith.addi %mul3A_332, %add3A_333 : i32
      %get3A_335 = arith.index_cast %add3A_334 : i32 to index
      %get3A_336 = arith.constant 32 : index
      %get3A_337 = tpu.vector_load %arg19[%get3A_335, %get3A_336] {strides = array<i32>} : memref<320x64xf32, #tpu.memory_space<vmem>>, vector<1x16xf32>,
      %get3A_338 = vector.shape_cast %get3A_337 : vector<1x16xf32> to vector<16xf32>
      %add3A_339 = arith.addf %add3A_330, %get3A_338 : vector<16xf32>
      %swap3A_340 = arith.index_cast %scan3A_64 : i32 to index
      %swap3A_341 = arith.constant 32 : index
      %swap3A_342 = tpu.vector_load %arg21[%swap3A_340, %swap3A_341] {strides = array<i32>} : memref<64x128xf32, #tpu.memory_space<vmem>>, vector<1x16xf32>,
      %swap3A_343 = vector.shape_cast %swap3A_342 : vector<1x16xf32> to vector<16xf32>
      %swap3A_344 = vector.shape_cast %add3A_339 : vector<16xf32> to vector<1x16xf32>
      tpu.vector_store %arg21[%swap3A_340, %swap3A_341], %swap3A_344 {strides = array<i32>} : memref<64x128xf32, #tpu.memory_space<vmem>>, vector<1x16xf32>,
      %get3A_345 = arith.index_cast %scan3A_64 : i32 to index
      %get3A_346 = arith.constant 48 : index
      %get3A_347 = tpu.vector_load %arg17[%get3A_345, %get3A_346] {strides = array<i32>} : memref<64x64xf32, #tpu.memory_space<vmem>>, vector<1x16xf32>,
      %get3A_348 = vector.shape_cast %get3A_347 : vector<1x16xf32> to vector<16xf32>
      %swap3A_349 = arith.index_cast %scan3A_64 : i32 to index
      %swap3A_350 = arith.constant 48 : index
      %swap3A_351 = tpu.vector_load %arg20[%swap3A_349, %swap3A_350] {strides = array<i32>} : memref<64x128xf32, #tpu.memory_space<vmem>>, vector<1x16xf32>,
      %swap3A_352 = vector.shape_cast %swap3A_351 : vector<1x16xf32> to vector<16xf32>
      %swap3A_353 = vector.shape_cast %get3A_348 : vector<16xf32> to vector<1x16xf32>
      tpu.vector_store %arg20[%swap3A_349, %swap3A_350], %swap3A_353 {strides = array<i32>} : memref<64x128xf32, #tpu.memory_space<vmem>>, vector<1x16xf32>,
      %mul3A_354 = arith.constant 4 : i32
      %mul3A_355 = arith.muli %mul3A_354, %scan3A_64 : i32
      %get3A_356 = arith.index_cast %mul3A_355 : i32 to index
      %get3A_357 = arith.constant 48 : index
      %get3A_358 = tpu.vector_load %arg18[%get3A_356, %get3A_357] {strides = array<i32>} : memref<256x64xf32, #tpu.memory_space<vmem>>, vector<1x16xf32>,
      %get3A_359 = vector.shape_cast %get3A_358 : vector<1x16xf32> to vector<16xf32>
      %mul3A_360 = arith.constant 4 : i32
      %mul3A_361 = arith.muli %mul3A_360, %scan3A_64 : i32
      %add3A_362 = arith.constant 1 : i32
      %add3A_363 = arith.addi %mul3A_361, %add3A_362 : i32
      %get3A_364 = arith.index_cast %add3A_363 : i32 to index
      %get3A_365 = arith.constant 48 : index
      %get3A_366 = tpu.vector_load %arg18[%get3A_364, %get3A_365] {strides = array<i32>} : memref<256x64xf32, #tpu.memory_space<vmem>>, vector<1x16xf32>,
      %get3A_367 = vector.shape_cast %get3A_366 : vector<1x16xf32> to vector<16xf32>
      %add3A_368 = arith.addf %get3A_359, %get3A_367 : vector<16xf32>
      %mul3A_369 = arith.constant 4 : i32
      %mul3A_370 = arith.muli %mul3A_369, %scan3A_64 : i32
      %add3A_371 = arith.constant 2 : i32
      %add3A_372 = arith.addi %mul3A_370, %add3A_371 : i32
      %get3A_373 = arith.index_cast %add3A_372 : i32 to index
      %get3A_374 = arith.constant 48 : index
      %get3A_375 = tpu.vector_load %arg18[%get3A_373, %get3A_374] {strides = array<i32>} : memref<256x64xf32, #tpu.memory_space<vmem>>, vector<1x16xf32>,
      %get3A_376 = vector.shape_cast %get3A_375 : vector<1x16xf32> to vector<16xf32>
      %add3A_377 = arith.addf %add3A_368, %get3A_376 : vector<16xf32>
      %mul3A_378 = arith.constant 4 : i32
      %mul3A_379 = arith.muli %mul3A_378, %scan3A_64 : i32
      %add3A_380 = arith.constant 3 : i32
      %add3A_381 = arith.addi %mul3A_379, %add3A_380 : i32
      %get3A_382 = arith.index_cast %add3A_381 : i32 to index
      %get3A_383 = arith.constant 48 : index
      %get3A_384 = tpu.vector_load %arg18[%get3A_382, %get3A_383] {strides = array<i32>} : memref<256x64xf32, #tpu.memory_space<vmem>>, vector<1x16xf32>,
      %get3A_385 = vector.shape_cast %get3A_384 : vector<1x16xf32> to vector<16xf32>
      %add3A_386 = arith.addf %add3A_377, %get3A_385 : vector<16xf32>
      %swap3A_387 = arith.index_cast %scan3A_64 : i32 to index
      %swap3A_388 = arith.constant 112 : index
      %swap3A_389 = tpu.vector_load %arg20[%swap3A_387, %swap3A_388] {strides = array<i32>} : memref<64x128xf32, #tpu.memory_space<vmem>>, vector<1x16xf32>,
      %swap3A_390 = vector.shape_cast %swap3A_389 : vector<1x16xf32> to vector<16xf32>
      %swap3A_391 = vector.shape_cast %add3A_386 : vector<16xf32> to vector<1x16xf32>
      tpu.vector_store %arg20[%swap3A_387, %swap3A_388], %swap3A_391 {strides = array<i32>} : memref<64x128xf32, #tpu.memory_space<vmem>>, vector<1x16xf32>,
      %mul3A_392 = arith.constant 5 : i32
      %mul3A_393 = arith.muli %mul3A_392, %scan3A_64 : i32
      %get3A_394 = arith.index_cast %mul3A_393 : i32 to index
      %get3A_395 = arith.constant 48 : index
      %get3A_396 = tpu.vector_load %arg19[%get3A_394, %get3A_395] {strides = array<i32>} : memref<320x64xf32, #tpu.memory_space<vmem>>, vector<1x16xf32>,
      %get3A_397 = vector.shape_cast %get3A_396 : vector<1x16xf32> to vector<16xf32>
      %mul3A_398 = arith.constant 5 : i32
      %mul3A_399 = arith.muli %mul3A_398, %scan3A_64 : i32
      %add3A_400 = arith.constant 1 : i32
      %add3A_401 = arith.addi %mul3A_399, %add3A_400 : i32
      %get3A_402 = arith.index_cast %add3A_401 : i32 to index
      %get3A_403 = arith.constant 48 : index
      %get3A_404 = tpu.vector_load %arg19[%get3A_402, %get3A_403] {strides = array<i32>} : memref<320x64xf32, #tpu.memory_space<vmem>>, vector<1x16xf32>,
      %get3A_405 = vector.shape_cast %get3A_404 : vector<1x16xf32> to vector<16xf32>
      %add3A_406 = arith.addf %get3A_397, %get3A_405 : vector<16xf32>
      %mul3A_407 = arith.constant 5 : i32
      %mul3A_408 = arith.muli %mul3A_407, %scan3A_64 : i32
      %add3A_409 = arith.constant 2 : i32
      %add3A_410 = arith.addi %mul3A_408, %add3A_409 : i32
      %get3A_411 = arith.index_cast %add3A_410 : i32 to index
      %get3A_412 = arith.constant 48 : index
      %get3A_413 = tpu.vector_load %arg19[%get3A_411, %get3A_412] {strides = array<i32>} : memref<320x64xf32, #tpu.memory_space<vmem>>, vector<1x16xf32>,
      %get3A_414 = vector.shape_cast %get3A_413 : vector<1x16xf32> to vector<16xf32>
      %add3A_415 = arith.addf %add3A_406, %get3A_414 : vector<16xf32>
      %mul3A_416 = arith.constant 5 : i32
      %mul3A_417 = arith.muli %mul3A_416, %scan3A_64 : i32
      %add3A_418 = arith.constant 3 : i32
      %add3A_419 = arith.addi %mul3A_417, %add3A_418 : i32
      %get3A_420 = arith.index_cast %add3A_419 : i32 to index
      %get3A_421 = arith.constant 48 : index
      %get3A_422 = tpu.vector_load %arg19[%get3A_420, %get3A_421] {strides = array<i32>} : memref<320x64xf32, #tpu.memory_space<vmem>>, vector<1x16xf32>,
      %get3A_423 = vector.shape_cast %get3A_422 : vector<1x16xf32> to vector<16xf32>
      %add3A_424 = arith.addf %add3A_415, %get3A_423 : vector<16xf32>
      %mul3A_425 = arith.constant 5 : i32
      %mul3A_426 = arith.muli %mul3A_425, %scan3A_64 : i32
      %add3A_427 = arith.constant 4 : i32
      %add3A_428 = arith.addi %mul3A_426, %add3A_427 : i32
      %get3A_429 = arith.index_cast %add3A_428 : i32 to index
      %get3A_430 = arith.constant 48 : index
      %get3A_431 = tpu.vector_load %arg19[%get3A_429, %get3A_430] {strides = array<i32>} : memref<320x64xf32, #tpu.memory_space<vmem>>, vector<1x16xf32>,
      %get3A_432 = vector.shape_cast %get3A_431 : vector<1x16xf32> to vector<16xf32>
      %add3A_433 = arith.addf %add3A_424, %get3A_432 : vector<16xf32>
      %swap3A_434 = arith.index_cast %scan3A_64 : i32 to index
      %swap3A_435 = arith.constant 48 : index
      %swap3A_436 = tpu.vector_load %arg21[%swap3A_434, %swap3A_435] {strides = array<i32>} : memref<64x128xf32, #tpu.memory_space<vmem>>, vector<1x16xf32>,
      %swap3A_437 = vector.shape_cast %swap3A_436 : vector<1x16xf32> to vector<16xf32>
      %swap3A_438 = vector.shape_cast %add3A_433 : vector<16xf32> to vector<1x16xf32>
      tpu.vector_store %arg21[%swap3A_434, %swap3A_435], %swap3A_438 {strides = array<i32>} : memref<64x128xf32, #tpu.memory_space<vmem>>, vector<1x16xf32>,
    }
    %scan3A_61 = arith.constant 64 : i32
    %add3A_62 = arith.constant 64 : i32
    %add3A_63 = arith.addi %mul3A_2, %add3A_62 : i32
    "tpu.region"() ({
      %run_scoped3A = tpu.sem_alloc : memref<!tpu.dma_semaphore, #tpu.memory_space<semaphore_mem>>
      %dma_start3A_64 = arith.constant 0 : i32
      %dma_start3A_65 = tpu.memref_slice %arg6[%add3A_63, %dma_start3A_64] : memref<4096x128xf32, #tpu.memory_space<hbm>> -> memref<64x128xf32, #tpu.memory_space<hbm>>
      %dma_start3A_66 = arith.constant 0 : i32
      %dma_start3A_67 = tpu.memref_slice %arg6[%add3A_63, %dma_start3A_66] : memref<4096x128xf32, #tpu.memory_space<hbm>> -> memref<64x128xf32, #tpu.memory_space<hbm>>
      tpu.enqueue_dma source(%arg20 : memref<64x128xf32, #tpu.memory_space<vmem>>) target(%dma_start3A_67 : memref<64x128xf32, #tpu.memory_space<hbm>>) target_semaphore(%run_scoped3A : memref<!tpu.dma_semaphore, #tpu.memory_space<semaphore_mem>>)
      %dma_wait3A_68 = arith.constant 0 : i32
      %dma_wait3A_69 = tpu.memref_slice %arg6[%add3A_63, %dma_wait3A_68] : memref<4096x128xf32, #tpu.memory_space<hbm>> -> memref<64x128xf32, #tpu.memory_space<hbm>>
      %dma_wait3A_70 = arith.constant 0 : i32
      %dma_wait3A_71 = tpu.memref_slice %arg6[%add3A_63, %dma_wait3A_70] : memref<4096x128xf32, #tpu.memory_space<hbm>> -> memref<64x128xf32, #tpu.memory_space<hbm>>
      tpu.wait_dma2 semaphore(%run_scoped3A : memref<!tpu.dma_semaphore, #tpu.memory_space<semaphore_mem>>) src(%arg20 : memref<64x128xf32, #tpu.memory_space<vmem>>) dst(%dma_wait3A_71 : memref<64x128xf32, #tpu.memory_space<hbm>>)
      tpu.yield
    }) : () -> ()
    "tpu.region"() ({
      %run_scoped3A = tpu.sem_alloc : memref<!tpu.dma_semaphore, #tpu.memory_space<semaphore_mem>>
      %dma_start3A_64 = arith.constant 0 : i32
      %dma_start3A_65 = tpu.memref_slice %arg7[%add3A_63, %dma_start3A_64] : memref<4096x128xf32, #tpu.memory_space<hbm>> -> memref<64x128xf32, #tpu.memory_space<hbm>>
      %dma_start3A_66 = arith.constant 0 : i32
      %dma_start3A_67 = tpu.memref_slice %arg7[%add3A_63, %dma_start3A_66] : memref<4096x128xf32, #tpu.memory_space<hbm>> -> memref<64x128xf32, #tpu.memory_space<hbm>>
      tpu.enqueue_dma source(%arg21 : memref<64x128xf32, #tpu.memory_space<vmem>>) target(%dma_start3A_67 : memref<64x128xf32, #tpu.memory_space<hbm>>) target_semaphore(%run_scoped3A : memref<!tpu.dma_semaphore, #tpu.memory_space<semaphore_mem>>)
      %dma_wait3A_68 = arith.constant 0 : i32
      %dma_wait3A_69 = tpu.memref_slice %arg7[%add3A_63, %dma_wait3A_68] : memref<4096x128xf32, #tpu.memory_space<hbm>> -> memref<64x128xf32, #tpu.memory_space<hbm>>
      %dma_wait3A_70 = arith.constant 0 : i32
      %dma_wait3A_71 = tpu.memref_slice %arg7[%add3A_63, %dma_wait3A_70] : memref<4096x128xf32, #tpu.memory_space<hbm>> -> memref<64x128xf32, #tpu.memory_space<hbm>>
      tpu.wait_dma2 semaphore(%run_scoped3A : memref<!tpu.dma_semaphore, #tpu.memory_space<semaphore_mem>>) src(%arg21 : memref<64x128xf32, #tpu.memory_space<vmem>>) dst(%dma_wait3A_71 : memref<64x128xf32, #tpu.memory_space<hbm>>)
      tpu.yield
    }) : () -> ()
    return
  }
}

#map = affine_map<(d0, d1) -> (0, 0)>
#map1 = affine_map<(d0, d1) -> (0)>
module attributes {stable_mosaic.version = 14 : i64} {
  func.func @_sc_gather(%arg0: i32, %arg1: i32, %arg2: memref<100001x64xf32, #tpu.memory_space<hbm>>, %arg3: memref<4096xi32, #tpu.memory_space<hbm>>, %arg4: memref<16384xi32, #tpu.memory_space<hbm>>, %arg5: memref<20480xi32, #tpu.memory_space<hbm>>, %arg6: memref<4096x128xf32, #tpu.memory_space<hbm>>, %arg7: memref<4096x128xf32, #tpu.memory_space<hbm>>, %arg8: memref<64xi32, #tpu.memory_space<vmem>>, %arg9: memref<256xi32, #tpu.memory_space<vmem>>, %arg10: memref<320xi32, #tpu.memory_space<vmem>>, %arg11: memref<64xi32, #tpu.memory_space<vmem>>, %arg12: memref<256xi32, #tpu.memory_space<vmem>>, %arg13: memref<320xi32, #tpu.memory_space<vmem>>, %arg14: memref<64x64xf32, #tpu.memory_space<vmem>>, %arg15: memref<256x64xf32, #tpu.memory_space<vmem>>, %arg16: memref<320x64xf32, #tpu.memory_space<vmem>>, %arg17: memref<64x64xf32, #tpu.memory_space<vmem>>, %arg18: memref<256x64xf32, #tpu.memory_space<vmem>>, %arg19: memref<320x64xf32, #tpu.memory_space<vmem>>, %arg20: memref<64x128xf32, #tpu.memory_space<vmem>>, %arg21: memref<64x128xf32, #tpu.memory_space<vmem>>, %arg22: memref<!tpu.dma_semaphore, #tpu.memory_space<semaphore_mem>>, %arg23: memref<!tpu.dma_semaphore, #tpu.memory_space<semaphore_mem>>, %arg24: memref<!tpu.dma_semaphore, #tpu.memory_space<semaphore_mem>>, %arg25: memref<!tpu.dma_semaphore, #tpu.memory_space<semaphore_mem>>, %arg26: memref<!tpu.dma_semaphore, #tpu.memory_space<semaphore_mem>>, %arg27: memref<!tpu.dma_semaphore, #tpu.memory_space<semaphore_mem>>) attributes {dimension_semantics = [#tpu.dimension_semantics<core_parallel>, #tpu.dimension_semantics<subcore_parallel>], iteration_bounds = array<i64: 2, 16>, scalar_prefetch = 0 : i64, scratch_operands = 20 : i64, tpu.core_type = #tpu.core_type<sc_vector_subcore>, window_params = [{transform_indices = #map}, {transform_indices = #map1}, {transform_indices = #map1}, {transform_indices = #map1}, {transform_indices = #map}, {transform_indices = #map}]} {
    %mul3A = arith.constant 2 : i32
    %mul3A_0 = arith.muli %arg1, %mul3A : i32
    %add3A = arith.addi %mul3A_0, %arg0 : i32
    %mul3A_1 = arith.constant 128 : i32
    %mul3A_2 = arith.muli %add3A, %mul3A_1 : i32
    %add3A_3 = arith.constant 0 : i32
    %add3A_4 = arith.addi %mul3A_2, %add3A_3 : i32
    "tpu.region"() ({
      %run_scoped3A = tpu.sem_alloc : memref<!tpu.dma_semaphore, #tpu.memory_space<semaphore_mem>>
      %dma_start3A_64 = tpu.memref_slice %arg3[%add3A_4] : memref<4096xi32, #tpu.memory_space<hbm>> -> memref<64xi32, #tpu.memory_space<hbm>>
      %dma_start3A_65 = tpu.memref_slice %arg3[%add3A_4] : memref<4096xi32, #tpu.memory_space<hbm>> -> memref<64xi32, #tpu.memory_space<hbm>>
      tpu.enqueue_dma source(%dma_start3A_65 : memref<64xi32, #tpu.memory_space<hbm>>) target(%arg8 : memref<64xi32, #tpu.memory_space<vmem>>) target_semaphore(%run_scoped3A : memref<!tpu.dma_semaphore, #tpu.memory_space<semaphore_mem>>)
      %dma_wait3A_66 = tpu.memref_slice %arg3[%add3A_4] : memref<4096xi32, #tpu.memory_space<hbm>> -> memref<64xi32, #tpu.memory_space<hbm>>
      %dma_wait3A_67 = tpu.memref_slice %arg3[%add3A_4] : memref<4096xi32, #tpu.memory_space<hbm>> -> memref<64xi32, #tpu.memory_space<hbm>>
      tpu.wait_dma2 semaphore(%run_scoped3A : memref<!tpu.dma_semaphore, #tpu.memory_space<semaphore_mem>>) src(%dma_wait3A_67 : memref<64xi32, #tpu.memory_space<hbm>>) dst(%arg8 : memref<64xi32, #tpu.memory_space<vmem>>)
      tpu.yield
    }) : () -> ()
    %mul3A_5 = arith.constant 4 : i32
    %mul3A_6 = arith.muli %mul3A_5, %add3A_4 : i32
    "tpu.region"() ({
      %run_scoped3A = tpu.sem_alloc : memref<!tpu.dma_semaphore, #tpu.memory_space<semaphore_mem>>
      %dma_start3A_64 = tpu.memref_slice %arg4[%mul3A_6] : memref<16384xi32, #tpu.memory_space<hbm>> -> memref<256xi32, #tpu.memory_space<hbm>>
      %dma_start3A_65 = tpu.memref_slice %arg4[%mul3A_6] : memref<16384xi32, #tpu.memory_space<hbm>> -> memref<256xi32, #tpu.memory_space<hbm>>
      tpu.enqueue_dma source(%dma_start3A_65 : memref<256xi32, #tpu.memory_space<hbm>>) target(%arg9 : memref<256xi32, #tpu.memory_space<vmem>>) target_semaphore(%run_scoped3A : memref<!tpu.dma_semaphore, #tpu.memory_space<semaphore_mem>>)
      %dma_wait3A_66 = tpu.memref_slice %arg4[%mul3A_6] : memref<16384xi32, #tpu.memory_space<hbm>> -> memref<256xi32, #tpu.memory_space<hbm>>
      %dma_wait3A_67 = tpu.memref_slice %arg4[%mul3A_6] : memref<16384xi32, #tpu.memory_space<hbm>> -> memref<256xi32, #tpu.memory_space<hbm>>
      tpu.wait_dma2 semaphore(%run_scoped3A : memref<!tpu.dma_semaphore, #tpu.memory_space<semaphore_mem>>) src(%dma_wait3A_67 : memref<256xi32, #tpu.memory_space<hbm>>) dst(%arg9 : memref<256xi32, #tpu.memory_space<vmem>>)
      tpu.yield
    }) : () -> ()
    %mul3A_7 = arith.constant 5 : i32
    %mul3A_8 = arith.muli %mul3A_7, %add3A_4 : i32
    "tpu.region"() ({
      %run_scoped3A = tpu.sem_alloc : memref<!tpu.dma_semaphore, #tpu.memory_space<semaphore_mem>>
      %dma_start3A_64 = tpu.memref_slice %arg5[%mul3A_8] : memref<20480xi32, #tpu.memory_space<hbm>> -> memref<320xi32, #tpu.memory_space<hbm>>
      %dma_start3A_65 = tpu.memref_slice %arg5[%mul3A_8] : memref<20480xi32, #tpu.memory_space<hbm>> -> memref<320xi32, #tpu.memory_space<hbm>>
      tpu.enqueue_dma source(%dma_start3A_65 : memref<320xi32, #tpu.memory_space<hbm>>) target(%arg10 : memref<320xi32, #tpu.memory_space<vmem>>) target_semaphore(%run_scoped3A : memref<!tpu.dma_semaphore, #tpu.memory_space<semaphore_mem>>)
      %dma_wait3A_66 = tpu.memref_slice %arg5[%mul3A_8] : memref<20480xi32, #tpu.memory_space<hbm>> -> memref<320xi32, #tpu.memory_space<hbm>>
      %dma_wait3A_67 = tpu.memref_slice %arg5[%mul3A_8] : memref<20480xi32, #tpu.memory_space<hbm>> -> memref<320xi32, #tpu.memory_space<hbm>>
      tpu.wait_dma2 semaphore(%run_scoped3A : memref<!tpu.dma_semaphore, #tpu.memory_space<semaphore_mem>>) src(%dma_wait3A_67 : memref<320xi32, #tpu.memory_space<hbm>>) dst(%arg10 : memref<320xi32, #tpu.memory_space<vmem>>)
      tpu.yield
    }) : () -> ()
    %dma_start3A = arith.constant 0 : i32
    %dma_start3A_9 = arith.constant 0 : i32
    %dma_start3A_10 = tpu.memref_slice %arg2[%dma_start3A, %dma_start3A_9] : memref<100001x64xf32, #tpu.memory_space<hbm>> -> memref<100001x64xf32, #tpu.memory_space<hbm>>
    tpu.enqueue_indirect_dma source(%dma_start3A_10 : memref<100001x64xf32, #tpu.memory_space<hbm>>) target(%arg14 : memref<64x64xf32, #tpu.memory_space<vmem>>) offsets(%arg8 : memref<64xi32, #tpu.memory_space<vmem>>) semaphore(%arg22 : memref<!tpu.dma_semaphore, #tpu.memory_space<semaphore_mem>>)
    %dma_start3A_11 = arith.constant 0 : i32
    %dma_start3A_12 = arith.constant 0 : i32
    %dma_start3A_13 = tpu.memref_slice %arg2[%dma_start3A_11, %dma_start3A_12] : memref<100001x64xf32, #tpu.memory_space<hbm>> -> memref<100001x64xf32, #tpu.memory_space<hbm>>
    tpu.enqueue_indirect_dma source(%dma_start3A_13 : memref<100001x64xf32, #tpu.memory_space<hbm>>) target(%arg15 : memref<256x64xf32, #tpu.memory_space<vmem>>) offsets(%arg9 : memref<256xi32, #tpu.memory_space<vmem>>) semaphore(%arg23 : memref<!tpu.dma_semaphore, #tpu.memory_space<semaphore_mem>>)
    %dma_start3A_14 = arith.constant 0 : i32
    %dma_start3A_15 = arith.constant 0 : i32
    %dma_start3A_16 = tpu.memref_slice %arg2[%dma_start3A_14, %dma_start3A_15] : memref<100001x64xf32, #tpu.memory_space<hbm>> -> memref<100001x64xf32, #tpu.memory_space<hbm>>
    tpu.enqueue_indirect_dma source(%dma_start3A_16 : memref<100001x64xf32, #tpu.memory_space<hbm>>) target(%arg16 : memref<320x64xf32, #tpu.memory_space<vmem>>) offsets(%arg10 : memref<320xi32, #tpu.memory_space<vmem>>) semaphore(%arg24 : memref<!tpu.dma_semaphore, #tpu.memory_space<semaphore_mem>>)
    %add3A_17 = arith.constant 64 : i32
    %add3A_18 = arith.addi %mul3A_2, %add3A_17 : i32
    "tpu.region"() ({
      %run_scoped3A = tpu.sem_alloc : memref<!tpu.dma_semaphore, #tpu.memory_space<semaphore_mem>>
      %dma_start3A_64 = tpu.memref_slice %arg3[%add3A_18] : memref<4096xi32, #tpu.memory_space<hbm>> -> memref<64xi32, #tpu.memory_space<hbm>>
      %dma_start3A_65 = tpu.memref_slice %arg3[%add3A_18] : memref<4096xi32, #tpu.memory_space<hbm>> -> memref<64xi32, #tpu.memory_space<hbm>>
      tpu.enqueue_dma source(%dma_start3A_65 : memref<64xi32, #tpu.memory_space<hbm>>) target(%arg11 : memref<64xi32, #tpu.memory_space<vmem>>) target_semaphore(%run_scoped3A : memref<!tpu.dma_semaphore, #tpu.memory_space<semaphore_mem>>)
      %dma_wait3A_66 = tpu.memref_slice %arg3[%add3A_18] : memref<4096xi32, #tpu.memory_space<hbm>> -> memref<64xi32, #tpu.memory_space<hbm>>
      %dma_wait3A_67 = tpu.memref_slice %arg3[%add3A_18] : memref<4096xi32, #tpu.memory_space<hbm>> -> memref<64xi32, #tpu.memory_space<hbm>>
      tpu.wait_dma2 semaphore(%run_scoped3A : memref<!tpu.dma_semaphore, #tpu.memory_space<semaphore_mem>>) src(%dma_wait3A_67 : memref<64xi32, #tpu.memory_space<hbm>>) dst(%arg11 : memref<64xi32, #tpu.memory_space<vmem>>)
      tpu.yield
    }) : () -> ()
    %mul3A_19 = arith.constant 4 : i32
    %mul3A_20 = arith.muli %mul3A_19, %add3A_18 : i32
    "tpu.region"() ({
      %run_scoped3A = tpu.sem_alloc : memref<!tpu.dma_semaphore, #tpu.memory_space<semaphore_mem>>
      %dma_start3A_64 = tpu.memref_slice %arg4[%mul3A_20] : memref<16384xi32, #tpu.memory_space<hbm>> -> memref<256xi32, #tpu.memory_space<hbm>>
      %dma_start3A_65 = tpu.memref_slice %arg4[%mul3A_20] : memref<16384xi32, #tpu.memory_space<hbm>> -> memref<256xi32, #tpu.memory_space<hbm>>
      tpu.enqueue_dma source(%dma_start3A_65 : memref<256xi32, #tpu.memory_space<hbm>>) target(%arg12 : memref<256xi32, #tpu.memory_space<vmem>>) target_semaphore(%run_scoped3A : memref<!tpu.dma_semaphore, #tpu.memory_space<semaphore_mem>>)
      %dma_wait3A_66 = tpu.memref_slice %arg4[%mul3A_20] : memref<16384xi32, #tpu.memory_space<hbm>> -> memref<256xi32, #tpu.memory_space<hbm>>
      %dma_wait3A_67 = tpu.memref_slice %arg4[%mul3A_20] : memref<16384xi32, #tpu.memory_space<hbm>> -> memref<256xi32, #tpu.memory_space<hbm>>
      tpu.wait_dma2 semaphore(%run_scoped3A : memref<!tpu.dma_semaphore, #tpu.memory_space<semaphore_mem>>) src(%dma_wait3A_67 : memref<256xi32, #tpu.memory_space<hbm>>) dst(%arg12 : memref<256xi32, #tpu.memory_space<vmem>>)
      tpu.yield
    }) : () -> ()
    %mul3A_21 = arith.constant 5 : i32
    %mul3A_22 = arith.muli %mul3A_21, %add3A_18 : i32
    "tpu.region"() ({
      %run_scoped3A = tpu.sem_alloc : memref<!tpu.dma_semaphore, #tpu.memory_space<semaphore_mem>>
      %dma_start3A_64 = tpu.memref_slice %arg5[%mul3A_22] : memref<20480xi32, #tpu.memory_space<hbm>> -> memref<320xi32, #tpu.memory_space<hbm>>
      %dma_start3A_65 = tpu.memref_slice %arg5[%mul3A_22] : memref<20480xi32, #tpu.memory_space<hbm>> -> memref<320xi32, #tpu.memory_space<hbm>>
      tpu.enqueue_dma source(%dma_start3A_65 : memref<320xi32, #tpu.memory_space<hbm>>) target(%arg13 : memref<320xi32, #tpu.memory_space<vmem>>) target_semaphore(%run_scoped3A : memref<!tpu.dma_semaphore, #tpu.memory_space<semaphore_mem>>)
      %dma_wait3A_66 = tpu.memref_slice %arg5[%mul3A_22] : memref<20480xi32, #tpu.memory_space<hbm>> -> memref<320xi32, #tpu.memory_space<hbm>>
      %dma_wait3A_67 = tpu.memref_slice %arg5[%mul3A_22] : memref<20480xi32, #tpu.memory_space<hbm>> -> memref<320xi32, #tpu.memory_space<hbm>>
      tpu.wait_dma2 semaphore(%run_scoped3A : memref<!tpu.dma_semaphore, #tpu.memory_space<semaphore_mem>>) src(%dma_wait3A_67 : memref<320xi32, #tpu.memory_space<hbm>>) dst(%arg13 : memref<320xi32, #tpu.memory_space<vmem>>)
      tpu.yield
    }) : () -> ()
    %dma_start3A_23 = arith.constant 0 : i32
    %dma_start3A_24 = arith.constant 0 : i32
    %dma_start3A_25 = tpu.memref_slice %arg2[%dma_start3A_23, %dma_start3A_24] : memref<100001x64xf32, #tpu.memory_space<hbm>> -> memref<100001x64xf32, #tpu.memory_space<hbm>>
    tpu.enqueue_indirect_dma source(%dma_start3A_25 : memref<100001x64xf32, #tpu.memory_space<hbm>>) target(%arg17 : memref<64x64xf32, #tpu.memory_space<vmem>>) offsets(%arg11 : memref<64xi32, #tpu.memory_space<vmem>>) semaphore(%arg25 : memref<!tpu.dma_semaphore, #tpu.memory_space<semaphore_mem>>)
    %dma_start3A_26 = arith.constant 0 : i32
    %dma_start3A_27 = arith.constant 0 : i32
    %dma_start3A_28 = tpu.memref_slice %arg2[%dma_start3A_26, %dma_start3A_27] : memref<100001x64xf32, #tpu.memory_space<hbm>> -> memref<100001x64xf32, #tpu.memory_space<hbm>>
    tpu.enqueue_indirect_dma source(%dma_start3A_28 : memref<100001x64xf32, #tpu.memory_space<hbm>>) target(%arg18 : memref<256x64xf32, #tpu.memory_space<vmem>>) offsets(%arg12 : memref<256xi32, #tpu.memory_space<vmem>>) semaphore(%arg26 : memref<!tpu.dma_semaphore, #tpu.memory_space<semaphore_mem>>)
    %dma_start3A_29 = arith.constant 0 : i32
    %dma_start3A_30 = arith.constant 0 : i32
    %dma_start3A_31 = tpu.memref_slice %arg2[%dma_start3A_29, %dma_start3A_30] : memref<100001x64xf32, #tpu.memory_space<hbm>> -> memref<100001x64xf32, #tpu.memory_space<hbm>>
    tpu.enqueue_indirect_dma source(%dma_start3A_31 : memref<100001x64xf32, #tpu.memory_space<hbm>>) target(%arg19 : memref<320x64xf32, #tpu.memory_space<vmem>>) offsets(%arg13 : memref<320xi32, #tpu.memory_space<vmem>>) semaphore(%arg27 : memref<!tpu.dma_semaphore, #tpu.memory_space<semaphore_mem>>)
    %dma_wait3A = arith.constant 0 : i32
    %dma_wait3A_32 = arith.constant 0 : i32
    %dma_wait3A_33 = tpu.memref_slice %arg2[%dma_wait3A, %dma_wait3A_32] : memref<100001x64xf32, #tpu.memory_space<hbm>> -> memref<100001x64xf32, #tpu.memory_space<hbm>>
    tpu.wait_indirect_dma semaphore(%arg22 : memref<!tpu.dma_semaphore, #tpu.memory_space<semaphore_mem>>) src(%dma_wait3A_33 : memref<100001x64xf32, #tpu.memory_space<hbm>>) dst(%arg14 : memref<64x64xf32, #tpu.memory_space<vmem>>)
    %dma_wait3A_34 = arith.constant 0 : i32
    %dma_wait3A_35 = arith.constant 0 : i32
    %dma_wait3A_36 = tpu.memref_slice %arg2[%dma_wait3A_34, %dma_wait3A_35] : memref<100001x64xf32, #tpu.memory_space<hbm>> -> memref<100001x64xf32, #tpu.memory_space<hbm>>
    tpu.wait_indirect_dma semaphore(%arg23 : memref<!tpu.dma_semaphore, #tpu.memory_space<semaphore_mem>>) src(%dma_wait3A_36 : memref<100001x64xf32, #tpu.memory_space<hbm>>) dst(%arg15 : memref<256x64xf32, #tpu.memory_space<vmem>>)
    %dma_wait3A_37 = arith.constant 0 : i32
    %dma_wait3A_38 = arith.constant 0 : i32
    %dma_wait3A_39 = tpu.memref_slice %arg2[%dma_wait3A_37, %dma_wait3A_38] : memref<100001x64xf32, #tpu.memory_space<hbm>> -> memref<100001x64xf32, #tpu.memory_space<hbm>>
    tpu.wait_indirect_dma semaphore(%arg24 : memref<!tpu.dma_semaphore, #tpu.memory_space<semaphore_mem>>) src(%dma_wait3A_39 : memref<100001x64xf32, #tpu.memory_space<hbm>>) dst(%arg16 : memref<320x64xf32, #tpu.memory_space<vmem>>)
    %scan3A = arith.constant 0 : i32
    %scan3A_40 = arith.constant 0 : i32
    %scan3A_41 = arith.constant 64 : i32
    %scan3A_42 = arith.addi %scan3A_40, %scan3A_41 : i32
    %scan3A_43 = arith.constant 1 : i32
    scf.for %scan3A_64 = %scan3A_40 to %scan3A_42 step %scan3A_43  : i32 {
      %get3A = arith.index_cast %scan3A_64 : i32 to index
      %get3A_65 = arith.constant 0 : index
      %get3A_66 = tpu.vector_load %arg14[%get3A, %get3A_65] {strides = array<i32>} : memref<64x64xf32, #tpu.memory_space<vmem>>, vector<1x16xf32>,
      %get3A_67 = vector.shape_cast %get3A_66 : vector<1x16xf32> to vector<16xf32>
      %swap3A = arith.index_cast %scan3A_64 : i32 to index
      %swap3A_68 = arith.constant 0 : index
      %swap3A_69 = tpu.vector_load %arg20[%swap3A, %swap3A_68] {strides = array<i32>} : memref<64x128xf32, #tpu.memory_space<vmem>>, vector<1x16xf32>,
      %swap3A_70 = vector.shape_cast %swap3A_69 : vector<1x16xf32> to vector<16xf32>
      %swap3A_71 = vector.shape_cast %get3A_67 : vector<16xf32> to vector<1x16xf32>
      tpu.vector_store %arg20[%swap3A, %swap3A_68], %swap3A_71 {strides = array<i32>} : memref<64x128xf32, #tpu.memory_space<vmem>>, vector<1x16xf32>,
      %mul3A_72 = arith.constant 4 : i32
      %mul3A_73 = arith.muli %mul3A_72, %scan3A_64 : i32
      %get3A_74 = arith.index_cast %mul3A_73 : i32 to index
      %get3A_75 = arith.constant 0 : index
      %get3A_76 = tpu.vector_load %arg15[%get3A_74, %get3A_75] {strides = array<i32>} : memref<256x64xf32, #tpu.memory_space<vmem>>, vector<1x16xf32>,
      %get3A_77 = vector.shape_cast %get3A_76 : vector<1x16xf32> to vector<16xf32>
      %mul3A_78 = arith.constant 4 : i32
      %mul3A_79 = arith.muli %mul3A_78, %scan3A_64 : i32
      %add3A_80 = arith.constant 1 : i32
      %add3A_81 = arith.addi %mul3A_79, %add3A_80 : i32
      %get3A_82 = arith.index_cast %add3A_81 : i32 to index
      %get3A_83 = arith.constant 0 : index
      %get3A_84 = tpu.vector_load %arg15[%get3A_82, %get3A_83] {strides = array<i32>} : memref<256x64xf32, #tpu.memory_space<vmem>>, vector<1x16xf32>,
      %get3A_85 = vector.shape_cast %get3A_84 : vector<1x16xf32> to vector<16xf32>
      %add3A_86 = arith.addf %get3A_77, %get3A_85 : vector<16xf32>
      %mul3A_87 = arith.constant 4 : i32
      %mul3A_88 = arith.muli %mul3A_87, %scan3A_64 : i32
      %add3A_89 = arith.constant 2 : i32
      %add3A_90 = arith.addi %mul3A_88, %add3A_89 : i32
      %get3A_91 = arith.index_cast %add3A_90 : i32 to index
      %get3A_92 = arith.constant 0 : index
      %get3A_93 = tpu.vector_load %arg15[%get3A_91, %get3A_92] {strides = array<i32>} : memref<256x64xf32, #tpu.memory_space<vmem>>, vector<1x16xf32>,
      %get3A_94 = vector.shape_cast %get3A_93 : vector<1x16xf32> to vector<16xf32>
      %add3A_95 = arith.addf %add3A_86, %get3A_94 : vector<16xf32>
      %mul3A_96 = arith.constant 4 : i32
      %mul3A_97 = arith.muli %mul3A_96, %scan3A_64 : i32
      %add3A_98 = arith.constant 3 : i32
      %add3A_99 = arith.addi %mul3A_97, %add3A_98 : i32
      %get3A_100 = arith.index_cast %add3A_99 : i32 to index
      %get3A_101 = arith.constant 0 : index
      %get3A_102 = tpu.vector_load %arg15[%get3A_100, %get3A_101] {strides = array<i32>} : memref<256x64xf32, #tpu.memory_space<vmem>>, vector<1x16xf32>,
      %get3A_103 = vector.shape_cast %get3A_102 : vector<1x16xf32> to vector<16xf32>
      %add3A_104 = arith.addf %add3A_95, %get3A_103 : vector<16xf32>
      %swap3A_105 = arith.index_cast %scan3A_64 : i32 to index
      %swap3A_106 = arith.constant 64 : index
      %swap3A_107 = tpu.vector_load %arg20[%swap3A_105, %swap3A_106] {strides = array<i32>} : memref<64x128xf32, #tpu.memory_space<vmem>>, vector<1x16xf32>,
      %swap3A_108 = vector.shape_cast %swap3A_107 : vector<1x16xf32> to vector<16xf32>
      %swap3A_109 = vector.shape_cast %add3A_104 : vector<16xf32> to vector<1x16xf32>
      tpu.vector_store %arg20[%swap3A_105, %swap3A_106], %swap3A_109 {strides = array<i32>} : memref<64x128xf32, #tpu.memory_space<vmem>>, vector<1x16xf32>,
      %mul3A_110 = arith.constant 5 : i32
      %mul3A_111 = arith.muli %mul3A_110, %scan3A_64 : i32
      %get3A_112 = arith.index_cast %mul3A_111 : i32 to index
      %get3A_113 = arith.constant 0 : index
      %get3A_114 = tpu.vector_load %arg16[%get3A_112, %get3A_113] {strides = array<i32>} : memref<320x64xf32, #tpu.memory_space<vmem>>, vector<1x16xf32>,
      %get3A_115 = vector.shape_cast %get3A_114 : vector<1x16xf32> to vector<16xf32>
      %mul3A_116 = arith.constant 5 : i32
      %mul3A_117 = arith.muli %mul3A_116, %scan3A_64 : i32
      %add3A_118 = arith.constant 1 : i32
      %add3A_119 = arith.addi %mul3A_117, %add3A_118 : i32
      %get3A_120 = arith.index_cast %add3A_119 : i32 to index
      %get3A_121 = arith.constant 0 : index
      %get3A_122 = tpu.vector_load %arg16[%get3A_120, %get3A_121] {strides = array<i32>} : memref<320x64xf32, #tpu.memory_space<vmem>>, vector<1x16xf32>,
      %get3A_123 = vector.shape_cast %get3A_122 : vector<1x16xf32> to vector<16xf32>
      %add3A_124 = arith.addf %get3A_115, %get3A_123 : vector<16xf32>
      %mul3A_125 = arith.constant 5 : i32
      %mul3A_126 = arith.muli %mul3A_125, %scan3A_64 : i32
      %add3A_127 = arith.constant 2 : i32
      %add3A_128 = arith.addi %mul3A_126, %add3A_127 : i32
      %get3A_129 = arith.index_cast %add3A_128 : i32 to index
      %get3A_130 = arith.constant 0 : index
      %get3A_131 = tpu.vector_load %arg16[%get3A_129, %get3A_130] {strides = array<i32>} : memref<320x64xf32, #tpu.memory_space<vmem>>, vector<1x16xf32>,
      %get3A_132 = vector.shape_cast %get3A_131 : vector<1x16xf32> to vector<16xf32>
      %add3A_133 = arith.addf %add3A_124, %get3A_132 : vector<16xf32>
      %mul3A_134 = arith.constant 5 : i32
      %mul3A_135 = arith.muli %mul3A_134, %scan3A_64 : i32
      %add3A_136 = arith.constant 3 : i32
      %add3A_137 = arith.addi %mul3A_135, %add3A_136 : i32
      %get3A_138 = arith.index_cast %add3A_137 : i32 to index
      %get3A_139 = arith.constant 0 : index
      %get3A_140 = tpu.vector_load %arg16[%get3A_138, %get3A_139] {strides = array<i32>} : memref<320x64xf32, #tpu.memory_space<vmem>>, vector<1x16xf32>,
      %get3A_141 = vector.shape_cast %get3A_140 : vector<1x16xf32> to vector<16xf32>
      %add3A_142 = arith.addf %add3A_133, %get3A_141 : vector<16xf32>
      %mul3A_143 = arith.constant 5 : i32
      %mul3A_144 = arith.muli %mul3A_143, %scan3A_64 : i32
      %add3A_145 = arith.constant 4 : i32
      %add3A_146 = arith.addi %mul3A_144, %add3A_145 : i32
      %get3A_147 = arith.index_cast %add3A_146 : i32 to index
      %get3A_148 = arith.constant 0 : index
      %get3A_149 = tpu.vector_load %arg16[%get3A_147, %get3A_148] {strides = array<i32>} : memref<320x64xf32, #tpu.memory_space<vmem>>, vector<1x16xf32>,
      %get3A_150 = vector.shape_cast %get3A_149 : vector<1x16xf32> to vector<16xf32>
      %add3A_151 = arith.addf %add3A_142, %get3A_150 : vector<16xf32>
      %swap3A_152 = arith.index_cast %scan3A_64 : i32 to index
      %swap3A_153 = arith.constant 0 : index
      %swap3A_154 = tpu.vector_load %arg21[%swap3A_152, %swap3A_153] {strides = array<i32>} : memref<64x128xf32, #tpu.memory_space<vmem>>, vector<1x16xf32>,
      %swap3A_155 = vector.shape_cast %swap3A_154 : vector<1x16xf32> to vector<16xf32>
      %swap3A_156 = vector.shape_cast %add3A_151 : vector<16xf32> to vector<1x16xf32>
      tpu.vector_store %arg21[%swap3A_152, %swap3A_153], %swap3A_156 {strides = array<i32>} : memref<64x128xf32, #tpu.memory_space<vmem>>, vector<1x16xf32>,
      %get3A_157 = arith.index_cast %scan3A_64 : i32 to index
      %get3A_158 = arith.constant 16 : index
      %get3A_159 = tpu.vector_load %arg14[%get3A_157, %get3A_158] {strides = array<i32>} : memref<64x64xf32, #tpu.memory_space<vmem>>, vector<1x16xf32>,
      %get3A_160 = vector.shape_cast %get3A_159 : vector<1x16xf32> to vector<16xf32>
      %swap3A_161 = arith.index_cast %scan3A_64 : i32 to index
      %swap3A_162 = arith.constant 16 : index
      %swap3A_163 = tpu.vector_load %arg20[%swap3A_161, %swap3A_162] {strides = array<i32>} : memref<64x128xf32, #tpu.memory_space<vmem>>, vector<1x16xf32>,
      %swap3A_164 = vector.shape_cast %swap3A_163 : vector<1x16xf32> to vector<16xf32>
      %swap3A_165 = vector.shape_cast %get3A_160 : vector<16xf32> to vector<1x16xf32>
      tpu.vector_store %arg20[%swap3A_161, %swap3A_162], %swap3A_165 {strides = array<i32>} : memref<64x128xf32, #tpu.memory_space<vmem>>, vector<1x16xf32>,
      %mul3A_166 = arith.constant 4 : i32
      %mul3A_167 = arith.muli %mul3A_166, %scan3A_64 : i32
      %get3A_168 = arith.index_cast %mul3A_167 : i32 to index
      %get3A_169 = arith.constant 16 : index
      %get3A_170 = tpu.vector_load %arg15[%get3A_168, %get3A_169] {strides = array<i32>} : memref<256x64xf32, #tpu.memory_space<vmem>>, vector<1x16xf32>,
      %get3A_171 = vector.shape_cast %get3A_170 : vector<1x16xf32> to vector<16xf32>
      %mul3A_172 = arith.constant 4 : i32
      %mul3A_173 = arith.muli %mul3A_172, %scan3A_64 : i32
      %add3A_174 = arith.constant 1 : i32
      %add3A_175 = arith.addi %mul3A_173, %add3A_174 : i32
      %get3A_176 = arith.index_cast %add3A_175 : i32 to index
      %get3A_177 = arith.constant 16 : index
      %get3A_178 = tpu.vector_load %arg15[%get3A_176, %get3A_177] {strides = array<i32>} : memref<256x64xf32, #tpu.memory_space<vmem>>, vector<1x16xf32>,
      %get3A_179 = vector.shape_cast %get3A_178 : vector<1x16xf32> to vector<16xf32>
      %add3A_180 = arith.addf %get3A_171, %get3A_179 : vector<16xf32>
      %mul3A_181 = arith.constant 4 : i32
      %mul3A_182 = arith.muli %mul3A_181, %scan3A_64 : i32
      %add3A_183 = arith.constant 2 : i32
      %add3A_184 = arith.addi %mul3A_182, %add3A_183 : i32
      %get3A_185 = arith.index_cast %add3A_184 : i32 to index
      %get3A_186 = arith.constant 16 : index
      %get3A_187 = tpu.vector_load %arg15[%get3A_185, %get3A_186] {strides = array<i32>} : memref<256x64xf32, #tpu.memory_space<vmem>>, vector<1x16xf32>,
      %get3A_188 = vector.shape_cast %get3A_187 : vector<1x16xf32> to vector<16xf32>
      %add3A_189 = arith.addf %add3A_180, %get3A_188 : vector<16xf32>
      %mul3A_190 = arith.constant 4 : i32
      %mul3A_191 = arith.muli %mul3A_190, %scan3A_64 : i32
      %add3A_192 = arith.constant 3 : i32
      %add3A_193 = arith.addi %mul3A_191, %add3A_192 : i32
      %get3A_194 = arith.index_cast %add3A_193 : i32 to index
      %get3A_195 = arith.constant 16 : index
      %get3A_196 = tpu.vector_load %arg15[%get3A_194, %get3A_195] {strides = array<i32>} : memref<256x64xf32, #tpu.memory_space<vmem>>, vector<1x16xf32>,
      %get3A_197 = vector.shape_cast %get3A_196 : vector<1x16xf32> to vector<16xf32>
      %add3A_198 = arith.addf %add3A_189, %get3A_197 : vector<16xf32>
      %swap3A_199 = arith.index_cast %scan3A_64 : i32 to index
      %swap3A_200 = arith.constant 80 : index
      %swap3A_201 = tpu.vector_load %arg20[%swap3A_199, %swap3A_200] {strides = array<i32>} : memref<64x128xf32, #tpu.memory_space<vmem>>, vector<1x16xf32>,
      %swap3A_202 = vector.shape_cast %swap3A_201 : vector<1x16xf32> to vector<16xf32>
      %swap3A_203 = vector.shape_cast %add3A_198 : vector<16xf32> to vector<1x16xf32>
      tpu.vector_store %arg20[%swap3A_199, %swap3A_200], %swap3A_203 {strides = array<i32>} : memref<64x128xf32, #tpu.memory_space<vmem>>, vector<1x16xf32>,
      %mul3A_204 = arith.constant 5 : i32
      %mul3A_205 = arith.muli %mul3A_204, %scan3A_64 : i32
      %get3A_206 = arith.index_cast %mul3A_205 : i32 to index
      %get3A_207 = arith.constant 16 : index
      %get3A_208 = tpu.vector_load %arg16[%get3A_206, %get3A_207] {strides = array<i32>} : memref<320x64xf32, #tpu.memory_space<vmem>>, vector<1x16xf32>,
      %get3A_209 = vector.shape_cast %get3A_208 : vector<1x16xf32> to vector<16xf32>
      %mul3A_210 = arith.constant 5 : i32
      %mul3A_211 = arith.muli %mul3A_210, %scan3A_64 : i32
      %add3A_212 = arith.constant 1 : i32
      %add3A_213 = arith.addi %mul3A_211, %add3A_212 : i32
      %get3A_214 = arith.index_cast %add3A_213 : i32 to index
      %get3A_215 = arith.constant 16 : index
      %get3A_216 = tpu.vector_load %arg16[%get3A_214, %get3A_215] {strides = array<i32>} : memref<320x64xf32, #tpu.memory_space<vmem>>, vector<1x16xf32>,
      %get3A_217 = vector.shape_cast %get3A_216 : vector<1x16xf32> to vector<16xf32>
      %add3A_218 = arith.addf %get3A_209, %get3A_217 : vector<16xf32>
      %mul3A_219 = arith.constant 5 : i32
      %mul3A_220 = arith.muli %mul3A_219, %scan3A_64 : i32
      %add3A_221 = arith.constant 2 : i32
      %add3A_222 = arith.addi %mul3A_220, %add3A_221 : i32
      %get3A_223 = arith.index_cast %add3A_222 : i32 to index
      %get3A_224 = arith.constant 16 : index
      %get3A_225 = tpu.vector_load %arg16[%get3A_223, %get3A_224] {strides = array<i32>} : memref<320x64xf32, #tpu.memory_space<vmem>>, vector<1x16xf32>,
      %get3A_226 = vector.shape_cast %get3A_225 : vector<1x16xf32> to vector<16xf32>
      %add3A_227 = arith.addf %add3A_218, %get3A_226 : vector<16xf32>
      %mul3A_228 = arith.constant 5 : i32
      %mul3A_229 = arith.muli %mul3A_228, %scan3A_64 : i32
      %add3A_230 = arith.constant 3 : i32
      %add3A_231 = arith.addi %mul3A_229, %add3A_230 : i32
      %get3A_232 = arith.index_cast %add3A_231 : i32 to index
      %get3A_233 = arith.constant 16 : index
      %get3A_234 = tpu.vector_load %arg16[%get3A_232, %get3A_233] {strides = array<i32>} : memref<320x64xf32, #tpu.memory_space<vmem>>, vector<1x16xf32>,
      %get3A_235 = vector.shape_cast %get3A_234 : vector<1x16xf32> to vector<16xf32>
      %add3A_236 = arith.addf %add3A_227, %get3A_235 : vector<16xf32>
      %mul3A_237 = arith.constant 5 : i32
      %mul3A_238 = arith.muli %mul3A_237, %scan3A_64 : i32
      %add3A_239 = arith.constant 4 : i32
      %add3A_240 = arith.addi %mul3A_238, %add3A_239 : i32
      %get3A_241 = arith.index_cast %add3A_240 : i32 to index
      %get3A_242 = arith.constant 16 : index
      %get3A_243 = tpu.vector_load %arg16[%get3A_241, %get3A_242] {strides = array<i32>} : memref<320x64xf32, #tpu.memory_space<vmem>>, vector<1x16xf32>,
      %get3A_244 = vector.shape_cast %get3A_243 : vector<1x16xf32> to vector<16xf32>
      %add3A_245 = arith.addf %add3A_236, %get3A_244 : vector<16xf32>
      %swap3A_246 = arith.index_cast %scan3A_64 : i32 to index
      %swap3A_247 = arith.constant 16 : index
      %swap3A_248 = tpu.vector_load %arg21[%swap3A_246, %swap3A_247] {strides = array<i32>} : memref<64x128xf32, #tpu.memory_space<vmem>>, vector<1x16xf32>,
      %swap3A_249 = vector.shape_cast %swap3A_248 : vector<1x16xf32> to vector<16xf32>
      %swap3A_250 = vector.shape_cast %add3A_245 : vector<16xf32> to vector<1x16xf32>
      tpu.vector_store %arg21[%swap3A_246, %swap3A_247], %swap3A_250 {strides = array<i32>} : memref<64x128xf32, #tpu.memory_space<vmem>>, vector<1x16xf32>,
      %get3A_251 = arith.index_cast %scan3A_64 : i32 to index
      %get3A_252 = arith.constant 32 : index
      %get3A_253 = tpu.vector_load %arg14[%get3A_251, %get3A_252] {strides = array<i32>} : memref<64x64xf32, #tpu.memory_space<vmem>>, vector<1x16xf32>,
      %get3A_254 = vector.shape_cast %get3A_253 : vector<1x16xf32> to vector<16xf32>
      %swap3A_255 = arith.index_cast %scan3A_64 : i32 to index
      %swap3A_256 = arith.constant 32 : index
      %swap3A_257 = tpu.vector_load %arg20[%swap3A_255, %swap3A_256] {strides = array<i32>} : memref<64x128xf32, #tpu.memory_space<vmem>>, vector<1x16xf32>,
      %swap3A_258 = vector.shape_cast %swap3A_257 : vector<1x16xf32> to vector<16xf32>
      %swap3A_259 = vector.shape_cast %get3A_254 : vector<16xf32> to vector<1x16xf32>
      tpu.vector_store %arg20[%swap3A_255, %swap3A_256], %swap3A_259 {strides = array<i32>} : memref<64x128xf32, #tpu.memory_space<vmem>>, vector<1x16xf32>,
      %mul3A_260 = arith.constant 4 : i32
      %mul3A_261 = arith.muli %mul3A_260, %scan3A_64 : i32
      %get3A_262 = arith.index_cast %mul3A_261 : i32 to index
      %get3A_263 = arith.constant 32 : index
      %get3A_264 = tpu.vector_load %arg15[%get3A_262, %get3A_263] {strides = array<i32>} : memref<256x64xf32, #tpu.memory_space<vmem>>, vector<1x16xf32>,
      %get3A_265 = vector.shape_cast %get3A_264 : vector<1x16xf32> to vector<16xf32>
      %mul3A_266 = arith.constant 4 : i32
      %mul3A_267 = arith.muli %mul3A_266, %scan3A_64 : i32
      %add3A_268 = arith.constant 1 : i32
      %add3A_269 = arith.addi %mul3A_267, %add3A_268 : i32
      %get3A_270 = arith.index_cast %add3A_269 : i32 to index
      %get3A_271 = arith.constant 32 : index
      %get3A_272 = tpu.vector_load %arg15[%get3A_270, %get3A_271] {strides = array<i32>} : memref<256x64xf32, #tpu.memory_space<vmem>>, vector<1x16xf32>,
      %get3A_273 = vector.shape_cast %get3A_272 : vector<1x16xf32> to vector<16xf32>
      %add3A_274 = arith.addf %get3A_265, %get3A_273 : vector<16xf32>
      %mul3A_275 = arith.constant 4 : i32
      %mul3A_276 = arith.muli %mul3A_275, %scan3A_64 : i32
      %add3A_277 = arith.constant 2 : i32
      %add3A_278 = arith.addi %mul3A_276, %add3A_277 : i32
      %get3A_279 = arith.index_cast %add3A_278 : i32 to index
      %get3A_280 = arith.constant 32 : index
      %get3A_281 = tpu.vector_load %arg15[%get3A_279, %get3A_280] {strides = array<i32>} : memref<256x64xf32, #tpu.memory_space<vmem>>, vector<1x16xf32>,
      %get3A_282 = vector.shape_cast %get3A_281 : vector<1x16xf32> to vector<16xf32>
      %add3A_283 = arith.addf %add3A_274, %get3A_282 : vector<16xf32>
      %mul3A_284 = arith.constant 4 : i32
      %mul3A_285 = arith.muli %mul3A_284, %scan3A_64 : i32
      %add3A_286 = arith.constant 3 : i32
      %add3A_287 = arith.addi %mul3A_285, %add3A_286 : i32
      %get3A_288 = arith.index_cast %add3A_287 : i32 to index
      %get3A_289 = arith.constant 32 : index
      %get3A_290 = tpu.vector_load %arg15[%get3A_288, %get3A_289] {strides = array<i32>} : memref<256x64xf32, #tpu.memory_space<vmem>>, vector<1x16xf32>,
      %get3A_291 = vector.shape_cast %get3A_290 : vector<1x16xf32> to vector<16xf32>
      %add3A_292 = arith.addf %add3A_283, %get3A_291 : vector<16xf32>
      %swap3A_293 = arith.index_cast %scan3A_64 : i32 to index
      %swap3A_294 = arith.constant 96 : index
      %swap3A_295 = tpu.vector_load %arg20[%swap3A_293, %swap3A_294] {strides = array<i32>} : memref<64x128xf32, #tpu.memory_space<vmem>>, vector<1x16xf32>,
      %swap3A_296 = vector.shape_cast %swap3A_295 : vector<1x16xf32> to vector<16xf32>
      %swap3A_297 = vector.shape_cast %add3A_292 : vector<16xf32> to vector<1x16xf32>
      tpu.vector_store %arg20[%swap3A_293, %swap3A_294], %swap3A_297 {strides = array<i32>} : memref<64x128xf32, #tpu.memory_space<vmem>>, vector<1x16xf32>,
      %mul3A_298 = arith.constant 5 : i32
      %mul3A_299 = arith.muli %mul3A_298, %scan3A_64 : i32
      %get3A_300 = arith.index_cast %mul3A_299 : i32 to index
      %get3A_301 = arith.constant 32 : index
      %get3A_302 = tpu.vector_load %arg16[%get3A_300, %get3A_301] {strides = array<i32>} : memref<320x64xf32, #tpu.memory_space<vmem>>, vector<1x16xf32>,
      %get3A_303 = vector.shape_cast %get3A_302 : vector<1x16xf32> to vector<16xf32>
      %mul3A_304 = arith.constant 5 : i32
      %mul3A_305 = arith.muli %mul3A_304, %scan3A_64 : i32
      %add3A_306 = arith.constant 1 : i32
      %add3A_307 = arith.addi %mul3A_305, %add3A_306 : i32
      %get3A_308 = arith.index_cast %add3A_307 : i32 to index
      %get3A_309 = arith.constant 32 : index
      %get3A_310 = tpu.vector_load %arg16[%get3A_308, %get3A_309] {strides = array<i32>} : memref<320x64xf32, #tpu.memory_space<vmem>>, vector<1x16xf32>,
      %get3A_311 = vector.shape_cast %get3A_310 : vector<1x16xf32> to vector<16xf32>
      %add3A_312 = arith.addf %get3A_303, %get3A_311 : vector<16xf32>
      %mul3A_313 = arith.constant 5 : i32
      %mul3A_314 = arith.muli %mul3A_313, %scan3A_64 : i32
      %add3A_315 = arith.constant 2 : i32
      %add3A_316 = arith.addi %mul3A_314, %add3A_315 : i32
      %get3A_317 = arith.index_cast %add3A_316 : i32 to index
      %get3A_318 = arith.constant 32 : index
      %get3A_319 = tpu.vector_load %arg16[%get3A_317, %get3A_318] {strides = array<i32>} : memref<320x64xf32, #tpu.memory_space<vmem>>, vector<1x16xf32>,
      %get3A_320 = vector.shape_cast %get3A_319 : vector<1x16xf32> to vector<16xf32>
      %add3A_321 = arith.addf %add3A_312, %get3A_320 : vector<16xf32>
      %mul3A_322 = arith.constant 5 : i32
      %mul3A_323 = arith.muli %mul3A_322, %scan3A_64 : i32
      %add3A_324 = arith.constant 3 : i32
      %add3A_325 = arith.addi %mul3A_323, %add3A_324 : i32
      %get3A_326 = arith.index_cast %add3A_325 : i32 to index
      %get3A_327 = arith.constant 32 : index
      %get3A_328 = tpu.vector_load %arg16[%get3A_326, %get3A_327] {strides = array<i32>} : memref<320x64xf32, #tpu.memory_space<vmem>>, vector<1x16xf32>,
      %get3A_329 = vector.shape_cast %get3A_328 : vector<1x16xf32> to vector<16xf32>
      %add3A_330 = arith.addf %add3A_321, %get3A_329 : vector<16xf32>
      %mul3A_331 = arith.constant 5 : i32
      %mul3A_332 = arith.muli %mul3A_331, %scan3A_64 : i32
      %add3A_333 = arith.constant 4 : i32
      %add3A_334 = arith.addi %mul3A_332, %add3A_333 : i32
      %get3A_335 = arith.index_cast %add3A_334 : i32 to index
      %get3A_336 = arith.constant 32 : index
      %get3A_337 = tpu.vector_load %arg16[%get3A_335, %get3A_336] {strides = array<i32>} : memref<320x64xf32, #tpu.memory_space<vmem>>, vector<1x16xf32>,
      %get3A_338 = vector.shape_cast %get3A_337 : vector<1x16xf32> to vector<16xf32>
      %add3A_339 = arith.addf %add3A_330, %get3A_338 : vector<16xf32>
      %swap3A_340 = arith.index_cast %scan3A_64 : i32 to index
      %swap3A_341 = arith.constant 32 : index
      %swap3A_342 = tpu.vector_load %arg21[%swap3A_340, %swap3A_341] {strides = array<i32>} : memref<64x128xf32, #tpu.memory_space<vmem>>, vector<1x16xf32>,
      %swap3A_343 = vector.shape_cast %swap3A_342 : vector<1x16xf32> to vector<16xf32>
      %swap3A_344 = vector.shape_cast %add3A_339 : vector<16xf32> to vector<1x16xf32>
      tpu.vector_store %arg21[%swap3A_340, %swap3A_341], %swap3A_344 {strides = array<i32>} : memref<64x128xf32, #tpu.memory_space<vmem>>, vector<1x16xf32>,
      %get3A_345 = arith.index_cast %scan3A_64 : i32 to index
      %get3A_346 = arith.constant 48 : index
      %get3A_347 = tpu.vector_load %arg14[%get3A_345, %get3A_346] {strides = array<i32>} : memref<64x64xf32, #tpu.memory_space<vmem>>, vector<1x16xf32>,
      %get3A_348 = vector.shape_cast %get3A_347 : vector<1x16xf32> to vector<16xf32>
      %swap3A_349 = arith.index_cast %scan3A_64 : i32 to index
      %swap3A_350 = arith.constant 48 : index
      %swap3A_351 = tpu.vector_load %arg20[%swap3A_349, %swap3A_350] {strides = array<i32>} : memref<64x128xf32, #tpu.memory_space<vmem>>, vector<1x16xf32>,
      %swap3A_352 = vector.shape_cast %swap3A_351 : vector<1x16xf32> to vector<16xf32>
      %swap3A_353 = vector.shape_cast %get3A_348 : vector<16xf32> to vector<1x16xf32>
      tpu.vector_store %arg20[%swap3A_349, %swap3A_350], %swap3A_353 {strides = array<i32>} : memref<64x128xf32, #tpu.memory_space<vmem>>, vector<1x16xf32>,
      %mul3A_354 = arith.constant 4 : i32
      %mul3A_355 = arith.muli %mul3A_354, %scan3A_64 : i32
      %get3A_356 = arith.index_cast %mul3A_355 : i32 to index
      %get3A_357 = arith.constant 48 : index
      %get3A_358 = tpu.vector_load %arg15[%get3A_356, %get3A_357] {strides = array<i32>} : memref<256x64xf32, #tpu.memory_space<vmem>>, vector<1x16xf32>,
      %get3A_359 = vector.shape_cast %get3A_358 : vector<1x16xf32> to vector<16xf32>
      %mul3A_360 = arith.constant 4 : i32
      %mul3A_361 = arith.muli %mul3A_360, %scan3A_64 : i32
      %add3A_362 = arith.constant 1 : i32
      %add3A_363 = arith.addi %mul3A_361, %add3A_362 : i32
      %get3A_364 = arith.index_cast %add3A_363 : i32 to index
      %get3A_365 = arith.constant 48 : index
      %get3A_366 = tpu.vector_load %arg15[%get3A_364, %get3A_365] {strides = array<i32>} : memref<256x64xf32, #tpu.memory_space<vmem>>, vector<1x16xf32>,
      %get3A_367 = vector.shape_cast %get3A_366 : vector<1x16xf32> to vector<16xf32>
      %add3A_368 = arith.addf %get3A_359, %get3A_367 : vector<16xf32>
      %mul3A_369 = arith.constant 4 : i32
      %mul3A_370 = arith.muli %mul3A_369, %scan3A_64 : i32
      %add3A_371 = arith.constant 2 : i32
      %add3A_372 = arith.addi %mul3A_370, %add3A_371 : i32
      %get3A_373 = arith.index_cast %add3A_372 : i32 to index
      %get3A_374 = arith.constant 48 : index
      %get3A_375 = tpu.vector_load %arg15[%get3A_373, %get3A_374] {strides = array<i32>} : memref<256x64xf32, #tpu.memory_space<vmem>>, vector<1x16xf32>,
      %get3A_376 = vector.shape_cast %get3A_375 : vector<1x16xf32> to vector<16xf32>
      %add3A_377 = arith.addf %add3A_368, %get3A_376 : vector<16xf32>
      %mul3A_378 = arith.constant 4 : i32
      %mul3A_379 = arith.muli %mul3A_378, %scan3A_64 : i32
      %add3A_380 = arith.constant 3 : i32
      %add3A_381 = arith.addi %mul3A_379, %add3A_380 : i32
      %get3A_382 = arith.index_cast %add3A_381 : i32 to index
      %get3A_383 = arith.constant 48 : index
      %get3A_384 = tpu.vector_load %arg15[%get3A_382, %get3A_383] {strides = array<i32>} : memref<256x64xf32, #tpu.memory_space<vmem>>, vector<1x16xf32>,
      %get3A_385 = vector.shape_cast %get3A_384 : vector<1x16xf32> to vector<16xf32>
      %add3A_386 = arith.addf %add3A_377, %get3A_385 : vector<16xf32>
      %swap3A_387 = arith.index_cast %scan3A_64 : i32 to index
      %swap3A_388 = arith.constant 112 : index
      %swap3A_389 = tpu.vector_load %arg20[%swap3A_387, %swap3A_388] {strides = array<i32>} : memref<64x128xf32, #tpu.memory_space<vmem>>, vector<1x16xf32>,
      %swap3A_390 = vector.shape_cast %swap3A_389 : vector<1x16xf32> to vector<16xf32>
      %swap3A_391 = vector.shape_cast %add3A_386 : vector<16xf32> to vector<1x16xf32>
      tpu.vector_store %arg20[%swap3A_387, %swap3A_388], %swap3A_391 {strides = array<i32>} : memref<64x128xf32, #tpu.memory_space<vmem>>, vector<1x16xf32>,
      %mul3A_392 = arith.constant 5 : i32
      %mul3A_393 = arith.muli %mul3A_392, %scan3A_64 : i32
      %get3A_394 = arith.index_cast %mul3A_393 : i32 to index
      %get3A_395 = arith.constant 48 : index
      %get3A_396 = tpu.vector_load %arg16[%get3A_394, %get3A_395] {strides = array<i32>} : memref<320x64xf32, #tpu.memory_space<vmem>>, vector<1x16xf32>,
      %get3A_397 = vector.shape_cast %get3A_396 : vector<1x16xf32> to vector<16xf32>
      %mul3A_398 = arith.constant 5 : i32
      %mul3A_399 = arith.muli %mul3A_398, %scan3A_64 : i32
      %add3A_400 = arith.constant 1 : i32
      %add3A_401 = arith.addi %mul3A_399, %add3A_400 : i32
      %get3A_402 = arith.index_cast %add3A_401 : i32 to index
      %get3A_403 = arith.constant 48 : index
      %get3A_404 = tpu.vector_load %arg16[%get3A_402, %get3A_403] {strides = array<i32>} : memref<320x64xf32, #tpu.memory_space<vmem>>, vector<1x16xf32>,
      %get3A_405 = vector.shape_cast %get3A_404 : vector<1x16xf32> to vector<16xf32>
      %add3A_406 = arith.addf %get3A_397, %get3A_405 : vector<16xf32>
      %mul3A_407 = arith.constant 5 : i32
      %mul3A_408 = arith.muli %mul3A_407, %scan3A_64 : i32
      %add3A_409 = arith.constant 2 : i32
      %add3A_410 = arith.addi %mul3A_408, %add3A_409 : i32
      %get3A_411 = arith.index_cast %add3A_410 : i32 to index
      %get3A_412 = arith.constant 48 : index
      %get3A_413 = tpu.vector_load %arg16[%get3A_411, %get3A_412] {strides = array<i32>} : memref<320x64xf32, #tpu.memory_space<vmem>>, vector<1x16xf32>,
      %get3A_414 = vector.shape_cast %get3A_413 : vector<1x16xf32> to vector<16xf32>
      %add3A_415 = arith.addf %add3A_406, %get3A_414 : vector<16xf32>
      %mul3A_416 = arith.constant 5 : i32
      %mul3A_417 = arith.muli %mul3A_416, %scan3A_64 : i32
      %add3A_418 = arith.constant 3 : i32
      %add3A_419 = arith.addi %mul3A_417, %add3A_418 : i32
      %get3A_420 = arith.index_cast %add3A_419 : i32 to index
      %get3A_421 = arith.constant 48 : index
      %get3A_422 = tpu.vector_load %arg16[%get3A_420, %get3A_421] {strides = array<i32>} : memref<320x64xf32, #tpu.memory_space<vmem>>, vector<1x16xf32>,
      %get3A_423 = vector.shape_cast %get3A_422 : vector<1x16xf32> to vector<16xf32>
      %add3A_424 = arith.addf %add3A_415, %get3A_423 : vector<16xf32>
      %mul3A_425 = arith.constant 5 : i32
      %mul3A_426 = arith.muli %mul3A_425, %scan3A_64 : i32
      %add3A_427 = arith.constant 4 : i32
      %add3A_428 = arith.addi %mul3A_426, %add3A_427 : i32
      %get3A_429 = arith.index_cast %add3A_428 : i32 to index
      %get3A_430 = arith.constant 48 : index
      %get3A_431 = tpu.vector_load %arg16[%get3A_429, %get3A_430] {strides = array<i32>} : memref<320x64xf32, #tpu.memory_space<vmem>>, vector<1x16xf32>,
      %get3A_432 = vector.shape_cast %get3A_431 : vector<1x16xf32> to vector<16xf32>
      %add3A_433 = arith.addf %add3A_424, %get3A_432 : vector<16xf32>
      %swap3A_434 = arith.index_cast %scan3A_64 : i32 to index
      %swap3A_435 = arith.constant 48 : index
      %swap3A_436 = tpu.vector_load %arg21[%swap3A_434, %swap3A_435] {strides = array<i32>} : memref<64x128xf32, #tpu.memory_space<vmem>>, vector<1x16xf32>,
      %swap3A_437 = vector.shape_cast %swap3A_436 : vector<1x16xf32> to vector<16xf32>
      %swap3A_438 = vector.shape_cast %add3A_433 : vector<16xf32> to vector<1x16xf32>
      tpu.vector_store %arg21[%swap3A_434, %swap3A_435], %swap3A_438 {strides = array<i32>} : memref<64x128xf32, #tpu.memory_space<vmem>>, vector<1x16xf32>,
    }
    %scan3A_44 = arith.constant 64 : i32
    %add3A_45 = arith.constant 0 : i32
    %add3A_46 = arith.addi %mul3A_2, %add3A_45 : i32
    "tpu.region"() ({
      %run_scoped3A = tpu.sem_alloc : memref<!tpu.dma_semaphore, #tpu.memory_space<semaphore_mem>>
      %dma_start3A_64 = arith.constant 0 : i32
      %dma_start3A_65 = tpu.memref_slice %arg6[%add3A_46, %dma_start3A_64] : memref<4096x128xf32, #tpu.memory_space<hbm>> -> memref<64x128xf32, #tpu.memory_space<hbm>>
      %dma_start3A_66 = arith.constant 0 : i32
      %dma_start3A_67 = tpu.memref_slice %arg6[%add3A_46, %dma_start3A_66] : memref<4096x128xf32, #tpu.memory_space<hbm>> -> memref<64x128xf32, #tpu.memory_space<hbm>>
      tpu.enqueue_dma source(%arg20 : memref<64x128xf32, #tpu.memory_space<vmem>>) target(%dma_start3A_67 : memref<64x128xf32, #tpu.memory_space<hbm>>) target_semaphore(%run_scoped3A : memref<!tpu.dma_semaphore, #tpu.memory_space<semaphore_mem>>)
      %dma_wait3A_68 = arith.constant 0 : i32
      %dma_wait3A_69 = tpu.memref_slice %arg6[%add3A_46, %dma_wait3A_68] : memref<4096x128xf32, #tpu.memory_space<hbm>> -> memref<64x128xf32, #tpu.memory_space<hbm>>
      %dma_wait3A_70 = arith.constant 0 : i32
      %dma_wait3A_71 = tpu.memref_slice %arg6[%add3A_46, %dma_wait3A_70] : memref<4096x128xf32, #tpu.memory_space<hbm>> -> memref<64x128xf32, #tpu.memory_space<hbm>>
      tpu.wait_dma2 semaphore(%run_scoped3A : memref<!tpu.dma_semaphore, #tpu.memory_space<semaphore_mem>>) src(%arg20 : memref<64x128xf32, #tpu.memory_space<vmem>>) dst(%dma_wait3A_71 : memref<64x128xf32, #tpu.memory_space<hbm>>)
      tpu.yield
    }) : () -> ()
    "tpu.region"() ({
      %run_scoped3A = tpu.sem_alloc : memref<!tpu.dma_semaphore, #tpu.memory_space<semaphore_mem>>
      %dma_start3A_64 = arith.constant 0 : i32
      %dma_start3A_65 = tpu.memref_slice %arg7[%add3A_46, %dma_start3A_64] : memref<4096x128xf32, #tpu.memory_space<hbm>> -> memref<64x128xf32, #tpu.memory_space<hbm>>
      %dma_start3A_66 = arith.constant 0 : i32
      %dma_start3A_67 = tpu.memref_slice %arg7[%add3A_46, %dma_start3A_66] : memref<4096x128xf32, #tpu.memory_space<hbm>> -> memref<64x128xf32, #tpu.memory_space<hbm>>
      tpu.enqueue_dma source(%arg21 : memref<64x128xf32, #tpu.memory_space<vmem>>) target(%dma_start3A_67 : memref<64x128xf32, #tpu.memory_space<hbm>>) target_semaphore(%run_scoped3A : memref<!tpu.dma_semaphore, #tpu.memory_space<semaphore_mem>>)
      %dma_wait3A_68 = arith.constant 0 : i32
      %dma_wait3A_69 = tpu.memref_slice %arg7[%add3A_46, %dma_wait3A_68] : memref<4096x128xf32, #tpu.memory_space<hbm>> -> memref<64x128xf32, #tpu.memory_space<hbm>>
      %dma_wait3A_70 = arith.constant 0 : i32
      %dma_wait3A_71 = tpu.memref_slice %arg7[%add3A_46, %dma_wait3A_70] : memref<4096x128xf32, #tpu.memory_space<hbm>> -> memref<64x128xf32, #tpu.memory_space<hbm>>
      tpu.wait_dma2 semaphore(%run_scoped3A : memref<!tpu.dma_semaphore, #tpu.memory_space<semaphore_mem>>) src(%arg21 : memref<64x128xf32, #tpu.memory_space<vmem>>) dst(%dma_wait3A_71 : memref<64x128xf32, #tpu.memory_space<hbm>>)
      tpu.yield
    }) : () -> ()
    %dma_wait3A_47 = arith.constant 0 : i32
    %dma_wait3A_48 = arith.constant 0 : i32
    %dma_wait3A_49 = tpu.memref_slice %arg2[%dma_wait3A_47, %dma_wait3A_48] : memref<100001x64xf32, #tpu.memory_space<hbm>> -> memref<100001x64xf32, #tpu.memory_space<hbm>>
    tpu.wait_indirect_dma semaphore(%arg25 : memref<!tpu.dma_semaphore, #tpu.memory_space<semaphore_mem>>) src(%dma_wait3A_49 : memref<100001x64xf32, #tpu.memory_space<hbm>>) dst(%arg17 : memref<64x64xf32, #tpu.memory_space<vmem>>)
    %dma_wait3A_50 = arith.constant 0 : i32
    %dma_wait3A_51 = arith.constant 0 : i32
    %dma_wait3A_52 = tpu.memref_slice %arg2[%dma_wait3A_50, %dma_wait3A_51] : memref<100001x64xf32, #tpu.memory_space<hbm>> -> memref<100001x64xf32, #tpu.memory_space<hbm>>
    tpu.wait_indirect_dma semaphore(%arg26 : memref<!tpu.dma_semaphore, #tpu.memory_space<semaphore_mem>>) src(%dma_wait3A_52 : memref<100001x64xf32, #tpu.memory_space<hbm>>) dst(%arg18 : memref<256x64xf32, #tpu.memory_space<vmem>>)
    %dma_wait3A_53 = arith.constant 0 : i32
    %dma_wait3A_54 = arith.constant 0 : i32
    %dma_wait3A_55 = tpu.memref_slice %arg2[%dma_wait3A_53, %dma_wait3A_54] : memref<100001x64xf32, #tpu.memory_space<hbm>> -> memref<100001x64xf32, #tpu.memory_space<hbm>>
    tpu.wait_indirect_dma semaphore(%arg27 : memref<!tpu.dma_semaphore, #tpu.memory_space<semaphore_mem>>) src(%dma_wait3A_55 : memref<100001x64xf32, #tpu.memory_space<hbm>>) dst(%arg19 : memref<320x64xf32, #tpu.memory_space<vmem>>)
    %scan3A_56 = arith.constant 0 : i32
    %scan3A_57 = arith.constant 0 : i32
    %scan3A_58 = arith.constant 64 : i32
    %scan3A_59 = arith.addi %scan3A_57, %scan3A_58 : i32
    %scan3A_60 = arith.constant 1 : i32
    scf.for %scan3A_64 = %scan3A_57 to %scan3A_59 step %scan3A_60  : i32 {
      %get3A = arith.index_cast %scan3A_64 : i32 to index
      %get3A_65 = arith.constant 0 : index
      %get3A_66 = tpu.vector_load %arg17[%get3A, %get3A_65] {strides = array<i32>} : memref<64x64xf32, #tpu.memory_space<vmem>>, vector<1x16xf32>,
      %get3A_67 = vector.shape_cast %get3A_66 : vector<1x16xf32> to vector<16xf32>
      %swap3A = arith.index_cast %scan3A_64 : i32 to index
      %swap3A_68 = arith.constant 0 : index
      %swap3A_69 = tpu.vector_load %arg20[%swap3A, %swap3A_68] {strides = array<i32>} : memref<64x128xf32, #tpu.memory_space<vmem>>, vector<1x16xf32>,
      %swap3A_70 = vector.shape_cast %swap3A_69 : vector<1x16xf32> to vector<16xf32>
      %swap3A_71 = vector.shape_cast %get3A_67 : vector<16xf32> to vector<1x16xf32>
      tpu.vector_store %arg20[%swap3A, %swap3A_68], %swap3A_71 {strides = array<i32>} : memref<64x128xf32, #tpu.memory_space<vmem>>, vector<1x16xf32>,
      %mul3A_72 = arith.constant 4 : i32
      %mul3A_73 = arith.muli %mul3A_72, %scan3A_64 : i32
      %get3A_74 = arith.index_cast %mul3A_73 : i32 to index
      %get3A_75 = arith.constant 0 : index
      %get3A_76 = tpu.vector_load %arg18[%get3A_74, %get3A_75] {strides = array<i32>} : memref<256x64xf32, #tpu.memory_space<vmem>>, vector<1x16xf32>,
      %get3A_77 = vector.shape_cast %get3A_76 : vector<1x16xf32> to vector<16xf32>
      %mul3A_78 = arith.constant 4 : i32
      %mul3A_79 = arith.muli %mul3A_78, %scan3A_64 : i32
      %add3A_80 = arith.constant 1 : i32
      %add3A_81 = arith.addi %mul3A_79, %add3A_80 : i32
      %get3A_82 = arith.index_cast %add3A_81 : i32 to index
      %get3A_83 = arith.constant 0 : index
      %get3A_84 = tpu.vector_load %arg18[%get3A_82, %get3A_83] {strides = array<i32>} : memref<256x64xf32, #tpu.memory_space<vmem>>, vector<1x16xf32>,
      %get3A_85 = vector.shape_cast %get3A_84 : vector<1x16xf32> to vector<16xf32>
      %add3A_86 = arith.addf %get3A_77, %get3A_85 : vector<16xf32>
      %mul3A_87 = arith.constant 4 : i32
      %mul3A_88 = arith.muli %mul3A_87, %scan3A_64 : i32
      %add3A_89 = arith.constant 2 : i32
      %add3A_90 = arith.addi %mul3A_88, %add3A_89 : i32
      %get3A_91 = arith.index_cast %add3A_90 : i32 to index
      %get3A_92 = arith.constant 0 : index
      %get3A_93 = tpu.vector_load %arg18[%get3A_91, %get3A_92] {strides = array<i32>} : memref<256x64xf32, #tpu.memory_space<vmem>>, vector<1x16xf32>,
      %get3A_94 = vector.shape_cast %get3A_93 : vector<1x16xf32> to vector<16xf32>
      %add3A_95 = arith.addf %add3A_86, %get3A_94 : vector<16xf32>
      %mul3A_96 = arith.constant 4 : i32
      %mul3A_97 = arith.muli %mul3A_96, %scan3A_64 : i32
      %add3A_98 = arith.constant 3 : i32
      %add3A_99 = arith.addi %mul3A_97, %add3A_98 : i32
      %get3A_100 = arith.index_cast %add3A_99 : i32 to index
      %get3A_101 = arith.constant 0 : index
      %get3A_102 = tpu.vector_load %arg18[%get3A_100, %get3A_101] {strides = array<i32>} : memref<256x64xf32, #tpu.memory_space<vmem>>, vector<1x16xf32>,
      %get3A_103 = vector.shape_cast %get3A_102 : vector<1x16xf32> to vector<16xf32>
      %add3A_104 = arith.addf %add3A_95, %get3A_103 : vector<16xf32>
      %swap3A_105 = arith.index_cast %scan3A_64 : i32 to index
      %swap3A_106 = arith.constant 64 : index
      %swap3A_107 = tpu.vector_load %arg20[%swap3A_105, %swap3A_106] {strides = array<i32>} : memref<64x128xf32, #tpu.memory_space<vmem>>, vector<1x16xf32>,
      %swap3A_108 = vector.shape_cast %swap3A_107 : vector<1x16xf32> to vector<16xf32>
      %swap3A_109 = vector.shape_cast %add3A_104 : vector<16xf32> to vector<1x16xf32>
      tpu.vector_store %arg20[%swap3A_105, %swap3A_106], %swap3A_109 {strides = array<i32>} : memref<64x128xf32, #tpu.memory_space<vmem>>, vector<1x16xf32>,
      %mul3A_110 = arith.constant 5 : i32
      %mul3A_111 = arith.muli %mul3A_110, %scan3A_64 : i32
      %get3A_112 = arith.index_cast %mul3A_111 : i32 to index
      %get3A_113 = arith.constant 0 : index
      %get3A_114 = tpu.vector_load %arg19[%get3A_112, %get3A_113] {strides = array<i32>} : memref<320x64xf32, #tpu.memory_space<vmem>>, vector<1x16xf32>,
      %get3A_115 = vector.shape_cast %get3A_114 : vector<1x16xf32> to vector<16xf32>
      %mul3A_116 = arith.constant 5 : i32
      %mul3A_117 = arith.muli %mul3A_116, %scan3A_64 : i32
      %add3A_118 = arith.constant 1 : i32
      %add3A_119 = arith.addi %mul3A_117, %add3A_118 : i32
      %get3A_120 = arith.index_cast %add3A_119 : i32 to index
      %get3A_121 = arith.constant 0 : index
      %get3A_122 = tpu.vector_load %arg19[%get3A_120, %get3A_121] {strides = array<i32>} : memref<320x64xf32, #tpu.memory_space<vmem>>, vector<1x16xf32>,
      %get3A_123 = vector.shape_cast %get3A_122 : vector<1x16xf32> to vector<16xf32>
      %add3A_124 = arith.addf %get3A_115, %get3A_123 : vector<16xf32>
      %mul3A_125 = arith.constant 5 : i32
      %mul3A_126 = arith.muli %mul3A_125, %scan3A_64 : i32
      %add3A_127 = arith.constant 2 : i32
      %add3A_128 = arith.addi %mul3A_126, %add3A_127 : i32
      %get3A_129 = arith.index_cast %add3A_128 : i32 to index
      %get3A_130 = arith.constant 0 : index
      %get3A_131 = tpu.vector_load %arg19[%get3A_129, %get3A_130] {strides = array<i32>} : memref<320x64xf32, #tpu.memory_space<vmem>>, vector<1x16xf32>,
      %get3A_132 = vector.shape_cast %get3A_131 : vector<1x16xf32> to vector<16xf32>
      %add3A_133 = arith.addf %add3A_124, %get3A_132 : vector<16xf32>
      %mul3A_134 = arith.constant 5 : i32
      %mul3A_135 = arith.muli %mul3A_134, %scan3A_64 : i32
      %add3A_136 = arith.constant 3 : i32
      %add3A_137 = arith.addi %mul3A_135, %add3A_136 : i32
      %get3A_138 = arith.index_cast %add3A_137 : i32 to index
      %get3A_139 = arith.constant 0 : index
      %get3A_140 = tpu.vector_load %arg19[%get3A_138, %get3A_139] {strides = array<i32>} : memref<320x64xf32, #tpu.memory_space<vmem>>, vector<1x16xf32>,
      %get3A_141 = vector.shape_cast %get3A_140 : vector<1x16xf32> to vector<16xf32>
      %add3A_142 = arith.addf %add3A_133, %get3A_141 : vector<16xf32>
      %mul3A_143 = arith.constant 5 : i32
      %mul3A_144 = arith.muli %mul3A_143, %scan3A_64 : i32
      %add3A_145 = arith.constant 4 : i32
      %add3A_146 = arith.addi %mul3A_144, %add3A_145 : i32
      %get3A_147 = arith.index_cast %add3A_146 : i32 to index
      %get3A_148 = arith.constant 0 : index
      %get3A_149 = tpu.vector_load %arg19[%get3A_147, %get3A_148] {strides = array<i32>} : memref<320x64xf32, #tpu.memory_space<vmem>>, vector<1x16xf32>,
      %get3A_150 = vector.shape_cast %get3A_149 : vector<1x16xf32> to vector<16xf32>
      %add3A_151 = arith.addf %add3A_142, %get3A_150 : vector<16xf32>
      %swap3A_152 = arith.index_cast %scan3A_64 : i32 to index
      %swap3A_153 = arith.constant 0 : index
      %swap3A_154 = tpu.vector_load %arg21[%swap3A_152, %swap3A_153] {strides = array<i32>} : memref<64x128xf32, #tpu.memory_space<vmem>>, vector<1x16xf32>,
      %swap3A_155 = vector.shape_cast %swap3A_154 : vector<1x16xf32> to vector<16xf32>
      %swap3A_156 = vector.shape_cast %add3A_151 : vector<16xf32> to vector<1x16xf32>
      tpu.vector_store %arg21[%swap3A_152, %swap3A_153], %swap3A_156 {strides = array<i32>} : memref<64x128xf32, #tpu.memory_space<vmem>>, vector<1x16xf32>,
      %get3A_157 = arith.index_cast %scan3A_64 : i32 to index
      %get3A_158 = arith.constant 16 : index
      %get3A_159 = tpu.vector_load %arg17[%get3A_157, %get3A_158] {strides = array<i32>} : memref<64x64xf32, #tpu.memory_space<vmem>>, vector<1x16xf32>,
      %get3A_160 = vector.shape_cast %get3A_159 : vector<1x16xf32> to vector<16xf32>
      %swap3A_161 = arith.index_cast %scan3A_64 : i32 to index
      %swap3A_162 = arith.constant 16 : index
      %swap3A_163 = tpu.vector_load %arg20[%swap3A_161, %swap3A_162] {strides = array<i32>} : memref<64x128xf32, #tpu.memory_space<vmem>>, vector<1x16xf32>,
      %swap3A_164 = vector.shape_cast %swap3A_163 : vector<1x16xf32> to vector<16xf32>
      %swap3A_165 = vector.shape_cast %get3A_160 : vector<16xf32> to vector<1x16xf32>
      tpu.vector_store %arg20[%swap3A_161, %swap3A_162], %swap3A_165 {strides = array<i32>} : memref<64x128xf32, #tpu.memory_space<vmem>>, vector<1x16xf32>,
      %mul3A_166 = arith.constant 4 : i32
      %mul3A_167 = arith.muli %mul3A_166, %scan3A_64 : i32
      %get3A_168 = arith.index_cast %mul3A_167 : i32 to index
      %get3A_169 = arith.constant 16 : index
      %get3A_170 = tpu.vector_load %arg18[%get3A_168, %get3A_169] {strides = array<i32>} : memref<256x64xf32, #tpu.memory_space<vmem>>, vector<1x16xf32>,
      %get3A_171 = vector.shape_cast %get3A_170 : vector<1x16xf32> to vector<16xf32>
      %mul3A_172 = arith.constant 4 : i32
      %mul3A_173 = arith.muli %mul3A_172, %scan3A_64 : i32
      %add3A_174 = arith.constant 1 : i32
      %add3A_175 = arith.addi %mul3A_173, %add3A_174 : i32
      %get3A_176 = arith.index_cast %add3A_175 : i32 to index
      %get3A_177 = arith.constant 16 : index
      %get3A_178 = tpu.vector_load %arg18[%get3A_176, %get3A_177] {strides = array<i32>} : memref<256x64xf32, #tpu.memory_space<vmem>>, vector<1x16xf32>,
      %get3A_179 = vector.shape_cast %get3A_178 : vector<1x16xf32> to vector<16xf32>
      %add3A_180 = arith.addf %get3A_171, %get3A_179 : vector<16xf32>
      %mul3A_181 = arith.constant 4 : i32
      %mul3A_182 = arith.muli %mul3A_181, %scan3A_64 : i32
      %add3A_183 = arith.constant 2 : i32
      %add3A_184 = arith.addi %mul3A_182, %add3A_183 : i32
      %get3A_185 = arith.index_cast %add3A_184 : i32 to index
      %get3A_186 = arith.constant 16 : index
      %get3A_187 = tpu.vector_load %arg18[%get3A_185, %get3A_186] {strides = array<i32>} : memref<256x64xf32, #tpu.memory_space<vmem>>, vector<1x16xf32>,
      %get3A_188 = vector.shape_cast %get3A_187 : vector<1x16xf32> to vector<16xf32>
      %add3A_189 = arith.addf %add3A_180, %get3A_188 : vector<16xf32>
      %mul3A_190 = arith.constant 4 : i32
      %mul3A_191 = arith.muli %mul3A_190, %scan3A_64 : i32
      %add3A_192 = arith.constant 3 : i32
      %add3A_193 = arith.addi %mul3A_191, %add3A_192 : i32
      %get3A_194 = arith.index_cast %add3A_193 : i32 to index
      %get3A_195 = arith.constant 16 : index
      %get3A_196 = tpu.vector_load %arg18[%get3A_194, %get3A_195] {strides = array<i32>} : memref<256x64xf32, #tpu.memory_space<vmem>>, vector<1x16xf32>,
      %get3A_197 = vector.shape_cast %get3A_196 : vector<1x16xf32> to vector<16xf32>
      %add3A_198 = arith.addf %add3A_189, %get3A_197 : vector<16xf32>
      %swap3A_199 = arith.index_cast %scan3A_64 : i32 to index
      %swap3A_200 = arith.constant 80 : index
      %swap3A_201 = tpu.vector_load %arg20[%swap3A_199, %swap3A_200] {strides = array<i32>} : memref<64x128xf32, #tpu.memory_space<vmem>>, vector<1x16xf32>,
      %swap3A_202 = vector.shape_cast %swap3A_201 : vector<1x16xf32> to vector<16xf32>
      %swap3A_203 = vector.shape_cast %add3A_198 : vector<16xf32> to vector<1x16xf32>
      tpu.vector_store %arg20[%swap3A_199, %swap3A_200], %swap3A_203 {strides = array<i32>} : memref<64x128xf32, #tpu.memory_space<vmem>>, vector<1x16xf32>,
      %mul3A_204 = arith.constant 5 : i32
      %mul3A_205 = arith.muli %mul3A_204, %scan3A_64 : i32
      %get3A_206 = arith.index_cast %mul3A_205 : i32 to index
      %get3A_207 = arith.constant 16 : index
      %get3A_208 = tpu.vector_load %arg19[%get3A_206, %get3A_207] {strides = array<i32>} : memref<320x64xf32, #tpu.memory_space<vmem>>, vector<1x16xf32>,
      %get3A_209 = vector.shape_cast %get3A_208 : vector<1x16xf32> to vector<16xf32>
      %mul3A_210 = arith.constant 5 : i32
      %mul3A_211 = arith.muli %mul3A_210, %scan3A_64 : i32
      %add3A_212 = arith.constant 1 : i32
      %add3A_213 = arith.addi %mul3A_211, %add3A_212 : i32
      %get3A_214 = arith.index_cast %add3A_213 : i32 to index
      %get3A_215 = arith.constant 16 : index
      %get3A_216 = tpu.vector_load %arg19[%get3A_214, %get3A_215] {strides = array<i32>} : memref<320x64xf32, #tpu.memory_space<vmem>>, vector<1x16xf32>,
      %get3A_217 = vector.shape_cast %get3A_216 : vector<1x16xf32> to vector<16xf32>
      %add3A_218 = arith.addf %get3A_209, %get3A_217 : vector<16xf32>
      %mul3A_219 = arith.constant 5 : i32
      %mul3A_220 = arith.muli %mul3A_219, %scan3A_64 : i32
      %add3A_221 = arith.constant 2 : i32
      %add3A_222 = arith.addi %mul3A_220, %add3A_221 : i32
      %get3A_223 = arith.index_cast %add3A_222 : i32 to index
      %get3A_224 = arith.constant 16 : index
      %get3A_225 = tpu.vector_load %arg19[%get3A_223, %get3A_224] {strides = array<i32>} : memref<320x64xf32, #tpu.memory_space<vmem>>, vector<1x16xf32>,
      %get3A_226 = vector.shape_cast %get3A_225 : vector<1x16xf32> to vector<16xf32>
      %add3A_227 = arith.addf %add3A_218, %get3A_226 : vector<16xf32>
      %mul3A_228 = arith.constant 5 : i32
      %mul3A_229 = arith.muli %mul3A_228, %scan3A_64 : i32
      %add3A_230 = arith.constant 3 : i32
      %add3A_231 = arith.addi %mul3A_229, %add3A_230 : i32
      %get3A_232 = arith.index_cast %add3A_231 : i32 to index
      %get3A_233 = arith.constant 16 : index
      %get3A_234 = tpu.vector_load %arg19[%get3A_232, %get3A_233] {strides = array<i32>} : memref<320x64xf32, #tpu.memory_space<vmem>>, vector<1x16xf32>,
      %get3A_235 = vector.shape_cast %get3A_234 : vector<1x16xf32> to vector<16xf32>
      %add3A_236 = arith.addf %add3A_227, %get3A_235 : vector<16xf32>
      %mul3A_237 = arith.constant 5 : i32
      %mul3A_238 = arith.muli %mul3A_237, %scan3A_64 : i32
      %add3A_239 = arith.constant 4 : i32
      %add3A_240 = arith.addi %mul3A_238, %add3A_239 : i32
      %get3A_241 = arith.index_cast %add3A_240 : i32 to index
      %get3A_242 = arith.constant 16 : index
      %get3A_243 = tpu.vector_load %arg19[%get3A_241, %get3A_242] {strides = array<i32>} : memref<320x64xf32, #tpu.memory_space<vmem>>, vector<1x16xf32>,
      %get3A_244 = vector.shape_cast %get3A_243 : vector<1x16xf32> to vector<16xf32>
      %add3A_245 = arith.addf %add3A_236, %get3A_244 : vector<16xf32>
      %swap3A_246 = arith.index_cast %scan3A_64 : i32 to index
      %swap3A_247 = arith.constant 16 : index
      %swap3A_248 = tpu.vector_load %arg21[%swap3A_246, %swap3A_247] {strides = array<i32>} : memref<64x128xf32, #tpu.memory_space<vmem>>, vector<1x16xf32>,
      %swap3A_249 = vector.shape_cast %swap3A_248 : vector<1x16xf32> to vector<16xf32>
      %swap3A_250 = vector.shape_cast %add3A_245 : vector<16xf32> to vector<1x16xf32>
      tpu.vector_store %arg21[%swap3A_246, %swap3A_247], %swap3A_250 {strides = array<i32>} : memref<64x128xf32, #tpu.memory_space<vmem>>, vector<1x16xf32>,
      %get3A_251 = arith.index_cast %scan3A_64 : i32 to index
      %get3A_252 = arith.constant 32 : index
      %get3A_253 = tpu.vector_load %arg17[%get3A_251, %get3A_252] {strides = array<i32>} : memref<64x64xf32, #tpu.memory_space<vmem>>, vector<1x16xf32>,
      %get3A_254 = vector.shape_cast %get3A_253 : vector<1x16xf32> to vector<16xf32>
      %swap3A_255 = arith.index_cast %scan3A_64 : i32 to index
      %swap3A_256 = arith.constant 32 : index
      %swap3A_257 = tpu.vector_load %arg20[%swap3A_255, %swap3A_256] {strides = array<i32>} : memref<64x128xf32, #tpu.memory_space<vmem>>, vector<1x16xf32>,
      %swap3A_258 = vector.shape_cast %swap3A_257 : vector<1x16xf32> to vector<16xf32>
      %swap3A_259 = vector.shape_cast %get3A_254 : vector<16xf32> to vector<1x16xf32>
      tpu.vector_store %arg20[%swap3A_255, %swap3A_256], %swap3A_259 {strides = array<i32>} : memref<64x128xf32, #tpu.memory_space<vmem>>, vector<1x16xf32>,
      %mul3A_260 = arith.constant 4 : i32
      %mul3A_261 = arith.muli %mul3A_260, %scan3A_64 : i32
      %get3A_262 = arith.index_cast %mul3A_261 : i32 to index
      %get3A_263 = arith.constant 32 : index
      %get3A_264 = tpu.vector_load %arg18[%get3A_262, %get3A_263] {strides = array<i32>} : memref<256x64xf32, #tpu.memory_space<vmem>>, vector<1x16xf32>,
      %get3A_265 = vector.shape_cast %get3A_264 : vector<1x16xf32> to vector<16xf32>
      %mul3A_266 = arith.constant 4 : i32
      %mul3A_267 = arith.muli %mul3A_266, %scan3A_64 : i32
      %add3A_268 = arith.constant 1 : i32
      %add3A_269 = arith.addi %mul3A_267, %add3A_268 : i32
      %get3A_270 = arith.index_cast %add3A_269 : i32 to index
      %get3A_271 = arith.constant 32 : index
      %get3A_272 = tpu.vector_load %arg18[%get3A_270, %get3A_271] {strides = array<i32>} : memref<256x64xf32, #tpu.memory_space<vmem>>, vector<1x16xf32>,
      %get3A_273 = vector.shape_cast %get3A_272 : vector<1x16xf32> to vector<16xf32>
      %add3A_274 = arith.addf %get3A_265, %get3A_273 : vector<16xf32>
      %mul3A_275 = arith.constant 4 : i32
      %mul3A_276 = arith.muli %mul3A_275, %scan3A_64 : i32
      %add3A_277 = arith.constant 2 : i32
      %add3A_278 = arith.addi %mul3A_276, %add3A_277 : i32
      %get3A_279 = arith.index_cast %add3A_278 : i32 to index
      %get3A_280 = arith.constant 32 : index
      %get3A_281 = tpu.vector_load %arg18[%get3A_279, %get3A_280] {strides = array<i32>} : memref<256x64xf32, #tpu.memory_space<vmem>>, vector<1x16xf32>,
      %get3A_282 = vector.shape_cast %get3A_281 : vector<1x16xf32> to vector<16xf32>
      %add3A_283 = arith.addf %add3A_274, %get3A_282 : vector<16xf32>
      %mul3A_284 = arith.constant 4 : i32
      %mul3A_285 = arith.muli %mul3A_284, %scan3A_64 : i32
      %add3A_286 = arith.constant 3 : i32
      %add3A_287 = arith.addi %mul3A_285, %add3A_286 : i32
      %get3A_288 = arith.index_cast %add3A_287 : i32 to index
      %get3A_289 = arith.constant 32 : index
      %get3A_290 = tpu.vector_load %arg18[%get3A_288, %get3A_289] {strides = array<i32>} : memref<256x64xf32, #tpu.memory_space<vmem>>, vector<1x16xf32>,
      %get3A_291 = vector.shape_cast %get3A_290 : vector<1x16xf32> to vector<16xf32>
      %add3A_292 = arith.addf %add3A_283, %get3A_291 : vector<16xf32>
      %swap3A_293 = arith.index_cast %scan3A_64 : i32 to index
      %swap3A_294 = arith.constant 96 : index
      %swap3A_295 = tpu.vector_load %arg20[%swap3A_293, %swap3A_294] {strides = array<i32>} : memref<64x128xf32, #tpu.memory_space<vmem>>, vector<1x16xf32>,
      %swap3A_296 = vector.shape_cast %swap3A_295 : vector<1x16xf32> to vector<16xf32>
      %swap3A_297 = vector.shape_cast %add3A_292 : vector<16xf32> to vector<1x16xf32>
      tpu.vector_store %arg20[%swap3A_293, %swap3A_294], %swap3A_297 {strides = array<i32>} : memref<64x128xf32, #tpu.memory_space<vmem>>, vector<1x16xf32>,
      %mul3A_298 = arith.constant 5 : i32
      %mul3A_299 = arith.muli %mul3A_298, %scan3A_64 : i32
      %get3A_300 = arith.index_cast %mul3A_299 : i32 to index
      %get3A_301 = arith.constant 32 : index
      %get3A_302 = tpu.vector_load %arg19[%get3A_300, %get3A_301] {strides = array<i32>} : memref<320x64xf32, #tpu.memory_space<vmem>>, vector<1x16xf32>,
      %get3A_303 = vector.shape_cast %get3A_302 : vector<1x16xf32> to vector<16xf32>
      %mul3A_304 = arith.constant 5 : i32
      %mul3A_305 = arith.muli %mul3A_304, %scan3A_64 : i32
      %add3A_306 = arith.constant 1 : i32
      %add3A_307 = arith.addi %mul3A_305, %add3A_306 : i32
      %get3A_308 = arith.index_cast %add3A_307 : i32 to index
      %get3A_309 = arith.constant 32 : index
      %get3A_310 = tpu.vector_load %arg19[%get3A_308, %get3A_309] {strides = array<i32>} : memref<320x64xf32, #tpu.memory_space<vmem>>, vector<1x16xf32>,
      %get3A_311 = vector.shape_cast %get3A_310 : vector<1x16xf32> to vector<16xf32>
      %add3A_312 = arith.addf %get3A_303, %get3A_311 : vector<16xf32>
      %mul3A_313 = arith.constant 5 : i32
      %mul3A_314 = arith.muli %mul3A_313, %scan3A_64 : i32
      %add3A_315 = arith.constant 2 : i32
      %add3A_316 = arith.addi %mul3A_314, %add3A_315 : i32
      %get3A_317 = arith.index_cast %add3A_316 : i32 to index
      %get3A_318 = arith.constant 32 : index
      %get3A_319 = tpu.vector_load %arg19[%get3A_317, %get3A_318] {strides = array<i32>} : memref<320x64xf32, #tpu.memory_space<vmem>>, vector<1x16xf32>,
      %get3A_320 = vector.shape_cast %get3A_319 : vector<1x16xf32> to vector<16xf32>
      %add3A_321 = arith.addf %add3A_312, %get3A_320 : vector<16xf32>
      %mul3A_322 = arith.constant 5 : i32
      %mul3A_323 = arith.muli %mul3A_322, %scan3A_64 : i32
      %add3A_324 = arith.constant 3 : i32
      %add3A_325 = arith.addi %mul3A_323, %add3A_324 : i32
      %get3A_326 = arith.index_cast %add3A_325 : i32 to index
      %get3A_327 = arith.constant 32 : index
      %get3A_328 = tpu.vector_load %arg19[%get3A_326, %get3A_327] {strides = array<i32>} : memref<320x64xf32, #tpu.memory_space<vmem>>, vector<1x16xf32>,
      %get3A_329 = vector.shape_cast %get3A_328 : vector<1x16xf32> to vector<16xf32>
      %add3A_330 = arith.addf %add3A_321, %get3A_329 : vector<16xf32>
      %mul3A_331 = arith.constant 5 : i32
      %mul3A_332 = arith.muli %mul3A_331, %scan3A_64 : i32
      %add3A_333 = arith.constant 4 : i32
      %add3A_334 = arith.addi %mul3A_332, %add3A_333 : i32
      %get3A_335 = arith.index_cast %add3A_334 : i32 to index
      %get3A_336 = arith.constant 32 : index
      %get3A_337 = tpu.vector_load %arg19[%get3A_335, %get3A_336] {strides = array<i32>} : memref<320x64xf32, #tpu.memory_space<vmem>>, vector<1x16xf32>,
      %get3A_338 = vector.shape_cast %get3A_337 : vector<1x16xf32> to vector<16xf32>
      %add3A_339 = arith.addf %add3A_330, %get3A_338 : vector<16xf32>
      %swap3A_340 = arith.index_cast %scan3A_64 : i32 to index
      %swap3A_341 = arith.constant 32 : index
      %swap3A_342 = tpu.vector_load %arg21[%swap3A_340, %swap3A_341] {strides = array<i32>} : memref<64x128xf32, #tpu.memory_space<vmem>>, vector<1x16xf32>,
      %swap3A_343 = vector.shape_cast %swap3A_342 : vector<1x16xf32> to vector<16xf32>
      %swap3A_344 = vector.shape_cast %add3A_339 : vector<16xf32> to vector<1x16xf32>
      tpu.vector_store %arg21[%swap3A_340, %swap3A_341], %swap3A_344 {strides = array<i32>} : memref<64x128xf32, #tpu.memory_space<vmem>>, vector<1x16xf32>,
      %get3A_345 = arith.index_cast %scan3A_64 : i32 to index
      %get3A_346 = arith.constant 48 : index
      %get3A_347 = tpu.vector_load %arg17[%get3A_345, %get3A_346] {strides = array<i32>} : memref<64x64xf32, #tpu.memory_space<vmem>>, vector<1x16xf32>,
      %get3A_348 = vector.shape_cast %get3A_347 : vector<1x16xf32> to vector<16xf32>
      %swap3A_349 = arith.index_cast %scan3A_64 : i32 to index
      %swap3A_350 = arith.constant 48 : index
      %swap3A_351 = tpu.vector_load %arg20[%swap3A_349, %swap3A_350] {strides = array<i32>} : memref<64x128xf32, #tpu.memory_space<vmem>>, vector<1x16xf32>,
      %swap3A_352 = vector.shape_cast %swap3A_351 : vector<1x16xf32> to vector<16xf32>
      %swap3A_353 = vector.shape_cast %get3A_348 : vector<16xf32> to vector<1x16xf32>
      tpu.vector_store %arg20[%swap3A_349, %swap3A_350], %swap3A_353 {strides = array<i32>} : memref<64x128xf32, #tpu.memory_space<vmem>>, vector<1x16xf32>,
      %mul3A_354 = arith.constant 4 : i32
      %mul3A_355 = arith.muli %mul3A_354, %scan3A_64 : i32
      %get3A_356 = arith.index_cast %mul3A_355 : i32 to index
      %get3A_357 = arith.constant 48 : index
      %get3A_358 = tpu.vector_load %arg18[%get3A_356, %get3A_357] {strides = array<i32>} : memref<256x64xf32, #tpu.memory_space<vmem>>, vector<1x16xf32>,
      %get3A_359 = vector.shape_cast %get3A_358 : vector<1x16xf32> to vector<16xf32>
      %mul3A_360 = arith.constant 4 : i32
      %mul3A_361 = arith.muli %mul3A_360, %scan3A_64 : i32
      %add3A_362 = arith.constant 1 : i32
      %add3A_363 = arith.addi %mul3A_361, %add3A_362 : i32
      %get3A_364 = arith.index_cast %add3A_363 : i32 to index
      %get3A_365 = arith.constant 48 : index
      %get3A_366 = tpu.vector_load %arg18[%get3A_364, %get3A_365] {strides = array<i32>} : memref<256x64xf32, #tpu.memory_space<vmem>>, vector<1x16xf32>,
      %get3A_367 = vector.shape_cast %get3A_366 : vector<1x16xf32> to vector<16xf32>
      %add3A_368 = arith.addf %get3A_359, %get3A_367 : vector<16xf32>
      %mul3A_369 = arith.constant 4 : i32
      %mul3A_370 = arith.muli %mul3A_369, %scan3A_64 : i32
      %add3A_371 = arith.constant 2 : i32
      %add3A_372 = arith.addi %mul3A_370, %add3A_371 : i32
      %get3A_373 = arith.index_cast %add3A_372 : i32 to index
      %get3A_374 = arith.constant 48 : index
      %get3A_375 = tpu.vector_load %arg18[%get3A_373, %get3A_374] {strides = array<i32>} : memref<256x64xf32, #tpu.memory_space<vmem>>, vector<1x16xf32>,
      %get3A_376 = vector.shape_cast %get3A_375 : vector<1x16xf32> to vector<16xf32>
      %add3A_377 = arith.addf %add3A_368, %get3A_376 : vector<16xf32>
      %mul3A_378 = arith.constant 4 : i32
      %mul3A_379 = arith.muli %mul3A_378, %scan3A_64 : i32
      %add3A_380 = arith.constant 3 : i32
      %add3A_381 = arith.addi %mul3A_379, %add3A_380 : i32
      %get3A_382 = arith.index_cast %add3A_381 : i32 to index
      %get3A_383 = arith.constant 48 : index
      %get3A_384 = tpu.vector_load %arg18[%get3A_382, %get3A_383] {strides = array<i32>} : memref<256x64xf32, #tpu.memory_space<vmem>>, vector<1x16xf32>,
      %get3A_385 = vector.shape_cast %get3A_384 : vector<1x16xf32> to vector<16xf32>
      %add3A_386 = arith.addf %add3A_377, %get3A_385 : vector<16xf32>
      %swap3A_387 = arith.index_cast %scan3A_64 : i32 to index
      %swap3A_388 = arith.constant 112 : index
      %swap3A_389 = tpu.vector_load %arg20[%swap3A_387, %swap3A_388] {strides = array<i32>} : memref<64x128xf32, #tpu.memory_space<vmem>>, vector<1x16xf32>,
      %swap3A_390 = vector.shape_cast %swap3A_389 : vector<1x16xf32> to vector<16xf32>
      %swap3A_391 = vector.shape_cast %add3A_386 : vector<16xf32> to vector<1x16xf32>
      tpu.vector_store %arg20[%swap3A_387, %swap3A_388], %swap3A_391 {strides = array<i32>} : memref<64x128xf32, #tpu.memory_space<vmem>>, vector<1x16xf32>,
      %mul3A_392 = arith.constant 5 : i32
      %mul3A_393 = arith.muli %mul3A_392, %scan3A_64 : i32
      %get3A_394 = arith.index_cast %mul3A_393 : i32 to index
      %get3A_395 = arith.constant 48 : index
      %get3A_396 = tpu.vector_load %arg19[%get3A_394, %get3A_395] {strides = array<i32>} : memref<320x64xf32, #tpu.memory_space<vmem>>, vector<1x16xf32>,
      %get3A_397 = vector.shape_cast %get3A_396 : vector<1x16xf32> to vector<16xf32>
      %mul3A_398 = arith.constant 5 : i32
      %mul3A_399 = arith.muli %mul3A_398, %scan3A_64 : i32
      %add3A_400 = arith.constant 1 : i32
      %add3A_401 = arith.addi %mul3A_399, %add3A_400 : i32
      %get3A_402 = arith.index_cast %add3A_401 : i32 to index
      %get3A_403 = arith.constant 48 : index
      %get3A_404 = tpu.vector_load %arg19[%get3A_402, %get3A_403] {strides = array<i32>} : memref<320x64xf32, #tpu.memory_space<vmem>>, vector<1x16xf32>,
      %get3A_405 = vector.shape_cast %get3A_404 : vector<1x16xf32> to vector<16xf32>
      %add3A_406 = arith.addf %get3A_397, %get3A_405 : vector<16xf32>
      %mul3A_407 = arith.constant 5 : i32
      %mul3A_408 = arith.muli %mul3A_407, %scan3A_64 : i32
      %add3A_409 = arith.constant 2 : i32
      %add3A_410 = arith.addi %mul3A_408, %add3A_409 : i32
      %get3A_411 = arith.index_cast %add3A_410 : i32 to index
      %get3A_412 = arith.constant 48 : index
      %get3A_413 = tpu.vector_load %arg19[%get3A_411, %get3A_412] {strides = array<i32>} : memref<320x64xf32, #tpu.memory_space<vmem>>, vector<1x16xf32>,
      %get3A_414 = vector.shape_cast %get3A_413 : vector<1x16xf32> to vector<16xf32>
      %add3A_415 = arith.addf %add3A_406, %get3A_414 : vector<16xf32>
      %mul3A_416 = arith.constant 5 : i32
      %mul3A_417 = arith.muli %mul3A_416, %scan3A_64 : i32
      %add3A_418 = arith.constant 3 : i32
      %add3A_419 = arith.addi %mul3A_417, %add3A_418 : i32
      %get3A_420 = arith.index_cast %add3A_419 : i32 to index
      %get3A_421 = arith.constant 48 : index
      %get3A_422 = tpu.vector_load %arg19[%get3A_420, %get3A_421] {strides = array<i32>} : memref<320x64xf32, #tpu.memory_space<vmem>>, vector<1x16xf32>,
      %get3A_423 = vector.shape_cast %get3A_422 : vector<1x16xf32> to vector<16xf32>
      %add3A_424 = arith.addf %add3A_415, %get3A_423 : vector<16xf32>
      %mul3A_425 = arith.constant 5 : i32
      %mul3A_426 = arith.muli %mul3A_425, %scan3A_64 : i32
      %add3A_427 = arith.constant 4 : i32
      %add3A_428 = arith.addi %mul3A_426, %add3A_427 : i32
      %get3A_429 = arith.index_cast %add3A_428 : i32 to index
      %get3A_430 = arith.constant 48 : index
      %get3A_431 = tpu.vector_load %arg19[%get3A_429, %get3A_430] {strides = array<i32>} : memref<320x64xf32, #tpu.memory_space<vmem>>, vector<1x16xf32>,
      %get3A_432 = vector.shape_cast %get3A_431 : vector<1x16xf32> to vector<16xf32>
      %add3A_433 = arith.addf %add3A_424, %get3A_432 : vector<16xf32>
      %swap3A_434 = arith.index_cast %scan3A_64 : i32 to index
      %swap3A_435 = arith.constant 48 : index
      %swap3A_436 = tpu.vector_load %arg21[%swap3A_434, %swap3A_435] {strides = array<i32>} : memref<64x128xf32, #tpu.memory_space<vmem>>, vector<1x16xf32>,
      %swap3A_437 = vector.shape_cast %swap3A_436 : vector<1x16xf32> to vector<16xf32>
      %swap3A_438 = vector.shape_cast %add3A_433 : vector<16xf32> to vector<1x16xf32>
      tpu.vector_store %arg21[%swap3A_434, %swap3A_435], %swap3A_438 {strides = array<i32>} : memref<64x128xf32, #tpu.memory_space<vmem>>, vector<1x16xf32>,
    }
    %scan3A_61 = arith.constant 64 : i32
    %add3A_62 = arith.constant 64 : i32
    %add3A_63 = arith.addi %mul3A_2, %add3A_62 : i32
    "tpu.region"() ({
      %run_scoped3A = tpu.sem_alloc : memref<!tpu.dma_semaphore, #tpu.memory_space<semaphore_mem>>
      %dma_start3A_64 = arith.constant 0 : i32
      %dma_start3A_65 = tpu.memref_slice %arg6[%add3A_63, %dma_start3A_64] : memref<4096x128xf32, #tpu.memory_space<hbm>> -> memref<64x128xf32, #tpu.memory_space<hbm>>
      %dma_start3A_66 = arith.constant 0 : i32
      %dma_start3A_67 = tpu.memref_slice %arg6[%add3A_63, %dma_start3A_66] : memref<4096x128xf32, #tpu.memory_space<hbm>> -> memref<64x128xf32, #tpu.memory_space<hbm>>
      tpu.enqueue_dma source(%arg20 : memref<64x128xf32, #tpu.memory_space<vmem>>) target(%dma_start3A_67 : memref<64x128xf32, #tpu.memory_space<hbm>>) target_semaphore(%run_scoped3A : memref<!tpu.dma_semaphore, #tpu.memory_space<semaphore_mem>>)
      %dma_wait3A_68 = arith.constant 0 : i32
      %dma_wait3A_69 = tpu.memref_slice %arg6[%add3A_63, %dma_wait3A_68] : memref<4096x128xf32, #tpu.memory_space<hbm>> -> memref<64x128xf32, #tpu.memory_space<hbm>>
      %dma_wait3A_70 = arith.constant 0 : i32
      %dma_wait3A_71 = tpu.memref_slice %arg6[%add3A_63, %dma_wait3A_70] : memref<4096x128xf32, #tpu.memory_space<hbm>> -> memref<64x128xf32, #tpu.memory_space<hbm>>
      tpu.wait_dma2 semaphore(%run_scoped3A : memref<!tpu.dma_semaphore, #tpu.memory_space<semaphore_mem>>) src(%arg20 : memref<64x128xf32, #tpu.memory_space<vmem>>) dst(%dma_wait3A_71 : memref<64x128xf32, #tpu.memory_space<hbm>>)
      tpu.yield
    }) : () -> ()
    "tpu.region"() ({
      %run_scoped3A = tpu.sem_alloc : memref<!tpu.dma_semaphore, #tpu.memory_space<semaphore_mem>>
      %dma_start3A_64 = arith.constant 0 : i32
      %dma_start3A_65 = tpu.memref_slice %arg7[%add3A_63, %dma_start3A_64] : memref<4096x128xf32, #tpu.memory_space<hbm>> -> memref<64x128xf32, #tpu.memory_space<hbm>>
      %dma_start3A_66 = arith.constant 0 : i32
      %dma_start3A_67 = tpu.memref_slice %arg7[%add3A_63, %dma_start3A_66] : memref<4096x128xf32, #tpu.memory_space<hbm>> -> memref<64x128xf32, #tpu.memory_space<hbm>>
      tpu.enqueue_dma source(%arg21 : memref<64x128xf32, #tpu.memory_space<vmem>>) target(%dma_start3A_67 : memref<64x128xf32, #tpu.memory_space<hbm>>) target_semaphore(%run_scoped3A : memref<!tpu.dma_semaphore, #tpu.memory_space<semaphore_mem>>)
      %dma_wait3A_68 = arith.constant 0 : i32
      %dma_wait3A_69 = tpu.memref_slice %arg7[%add3A_63, %dma_wait3A_68] : memref<4096x128xf32, #tpu.memory_space<hbm>> -> memref<64x128xf32, #tpu.memory_space<hbm>>
      %dma_wait3A_70 = arith.constant 0 : i32
      %dma_wait3A_71 = tpu.memref_slice %arg7[%add3A_63, %dma_wait3A_70] : memref<4096x128xf32, #tpu.memory_space<hbm>> -> memref<64x128xf32, #tpu.memory_space<hbm>>
      tpu.wait_dma2 semaphore(%run_scoped3A : memref<!tpu.dma_semaphore, #tpu.memory_space<semaphore_mem>>) src(%arg21 : memref<64x128xf32, #tpu.memory_space<vmem>>) dst(%dma_wait3A_71 : memref<64x128xf32, #tpu.memory_space<hbm>>)
      tpu.yield
    }) : () -> ()
    return
  }
}

#map = affine_map<(d0, d1) -> (0, 0)>
#map1 = affine_map<(d0, d1) -> (0)>
module attributes {stable_mosaic.version = 14 : i64} {
  func.func @_sc_gather(%arg0: i32, %arg1: i32, %arg2: memref<100001x64xf32, #tpu.memory_space<hbm>>, %arg3: memref<4096xi32, #tpu.memory_space<hbm>>, %arg4: memref<16384xi32, #tpu.memory_space<hbm>>, %arg5: memref<20480xi32, #tpu.memory_space<hbm>>, %arg6: memref<4096x128xf32, #tpu.memory_space<hbm>>, %arg7: memref<4096x128xf32, #tpu.memory_space<hbm>>, %arg8: memref<64xi32, #tpu.memory_space<vmem>>, %arg9: memref<256xi32, #tpu.memory_space<vmem>>, %arg10: memref<320xi32, #tpu.memory_space<vmem>>, %arg11: memref<64xi32, #tpu.memory_space<vmem>>, %arg12: memref<256xi32, #tpu.memory_space<vmem>>, %arg13: memref<320xi32, #tpu.memory_space<vmem>>, %arg14: memref<64x64xf32, #tpu.memory_space<vmem>>, %arg15: memref<256x64xf32, #tpu.memory_space<vmem>>, %arg16: memref<320x64xf32, #tpu.memory_space<vmem>>, %arg17: memref<64x64xf32, #tpu.memory_space<vmem>>, %arg18: memref<256x64xf32, #tpu.memory_space<vmem>>, %arg19: memref<320x64xf32, #tpu.memory_space<vmem>>, %arg20: memref<64x128xf32, #tpu.memory_space<vmem>>, %arg21: memref<64x128xf32, #tpu.memory_space<vmem>>, %arg22: memref<!tpu.dma_semaphore, #tpu.memory_space<semaphore_mem>>, %arg23: memref<!tpu.dma_semaphore, #tpu.memory_space<semaphore_mem>>, %arg24: memref<!tpu.dma_semaphore, #tpu.memory_space<semaphore_mem>>, %arg25: memref<!tpu.dma_semaphore, #tpu.memory_space<semaphore_mem>>, %arg26: memref<!tpu.dma_semaphore, #tpu.memory_space<semaphore_mem>>, %arg27: memref<!tpu.dma_semaphore, #tpu.memory_space<semaphore_mem>>) attributes {dimension_semantics = [#tpu.dimension_semantics<core_parallel>, #tpu.dimension_semantics<subcore_parallel>], iteration_bounds = array<i64: 2, 16>, scalar_prefetch = 0 : i64, scratch_operands = 20 : i64, tpu.core_type = #tpu.core_type<sc_vector_subcore>, window_params = [{transform_indices = #map}, {transform_indices = #map1}, {transform_indices = #map1}, {transform_indices = #map1}, {transform_indices = #map}, {transform_indices = #map}]} {
    %mul3A = arith.constant 2 : i32
    %mul3A_0 = arith.muli %arg1, %mul3A : i32
    %add3A = arith.addi %mul3A_0, %arg0 : i32
    %mul3A_1 = arith.constant 128 : i32
    %mul3A_2 = arith.muli %add3A, %mul3A_1 : i32
    %add3A_3 = arith.constant 0 : i32
    %add3A_4 = arith.addi %mul3A_2, %add3A_3 : i32
    "tpu.region"() ({
      %run_scoped3A = tpu.sem_alloc : memref<!tpu.dma_semaphore, #tpu.memory_space<semaphore_mem>>
      %dma_start3A_64 = tpu.memref_slice %arg3[%add3A_4] : memref<4096xi32, #tpu.memory_space<hbm>> -> memref<64xi32, #tpu.memory_space<hbm>>
      %dma_start3A_65 = tpu.memref_slice %arg3[%add3A_4] : memref<4096xi32, #tpu.memory_space<hbm>> -> memref<64xi32, #tpu.memory_space<hbm>>
      tpu.enqueue_dma source(%dma_start3A_65 : memref<64xi32, #tpu.memory_space<hbm>>) target(%arg8 : memref<64xi32, #tpu.memory_space<vmem>>) target_semaphore(%run_scoped3A : memref<!tpu.dma_semaphore, #tpu.memory_space<semaphore_mem>>)
      %dma_wait3A_66 = tpu.memref_slice %arg3[%add3A_4] : memref<4096xi32, #tpu.memory_space<hbm>> -> memref<64xi32, #tpu.memory_space<hbm>>
      %dma_wait3A_67 = tpu.memref_slice %arg3[%add3A_4] : memref<4096xi32, #tpu.memory_space<hbm>> -> memref<64xi32, #tpu.memory_space<hbm>>
      tpu.wait_dma2 semaphore(%run_scoped3A : memref<!tpu.dma_semaphore, #tpu.memory_space<semaphore_mem>>) src(%dma_wait3A_67 : memref<64xi32, #tpu.memory_space<hbm>>) dst(%arg8 : memref<64xi32, #tpu.memory_space<vmem>>)
      tpu.yield
    }) : () -> ()
    %mul3A_5 = arith.constant 4 : i32
    %mul3A_6 = arith.muli %mul3A_5, %add3A_4 : i32
    "tpu.region"() ({
      %run_scoped3A = tpu.sem_alloc : memref<!tpu.dma_semaphore, #tpu.memory_space<semaphore_mem>>
      %dma_start3A_64 = tpu.memref_slice %arg4[%mul3A_6] : memref<16384xi32, #tpu.memory_space<hbm>> -> memref<256xi32, #tpu.memory_space<hbm>>
      %dma_start3A_65 = tpu.memref_slice %arg4[%mul3A_6] : memref<16384xi32, #tpu.memory_space<hbm>> -> memref<256xi32, #tpu.memory_space<hbm>>
      tpu.enqueue_dma source(%dma_start3A_65 : memref<256xi32, #tpu.memory_space<hbm>>) target(%arg9 : memref<256xi32, #tpu.memory_space<vmem>>) target_semaphore(%run_scoped3A : memref<!tpu.dma_semaphore, #tpu.memory_space<semaphore_mem>>)
      %dma_wait3A_66 = tpu.memref_slice %arg4[%mul3A_6] : memref<16384xi32, #tpu.memory_space<hbm>> -> memref<256xi32, #tpu.memory_space<hbm>>
      %dma_wait3A_67 = tpu.memref_slice %arg4[%mul3A_6] : memref<16384xi32, #tpu.memory_space<hbm>> -> memref<256xi32, #tpu.memory_space<hbm>>
      tpu.wait_dma2 semaphore(%run_scoped3A : memref<!tpu.dma_semaphore, #tpu.memory_space<semaphore_mem>>) src(%dma_wait3A_67 : memref<256xi32, #tpu.memory_space<hbm>>) dst(%arg9 : memref<256xi32, #tpu.memory_space<vmem>>)
      tpu.yield
    }) : () -> ()
    %mul3A_7 = arith.constant 5 : i32
    %mul3A_8 = arith.muli %mul3A_7, %add3A_4 : i32
    "tpu.region"() ({
      %run_scoped3A = tpu.sem_alloc : memref<!tpu.dma_semaphore, #tpu.memory_space<semaphore_mem>>
      %dma_start3A_64 = tpu.memref_slice %arg5[%mul3A_8] : memref<20480xi32, #tpu.memory_space<hbm>> -> memref<320xi32, #tpu.memory_space<hbm>>
      %dma_start3A_65 = tpu.memref_slice %arg5[%mul3A_8] : memref<20480xi32, #tpu.memory_space<hbm>> -> memref<320xi32, #tpu.memory_space<hbm>>
      tpu.enqueue_dma source(%dma_start3A_65 : memref<320xi32, #tpu.memory_space<hbm>>) target(%arg10 : memref<320xi32, #tpu.memory_space<vmem>>) target_semaphore(%run_scoped3A : memref<!tpu.dma_semaphore, #tpu.memory_space<semaphore_mem>>)
      %dma_wait3A_66 = tpu.memref_slice %arg5[%mul3A_8] : memref<20480xi32, #tpu.memory_space<hbm>> -> memref<320xi32, #tpu.memory_space<hbm>>
      %dma_wait3A_67 = tpu.memref_slice %arg5[%mul3A_8] : memref<20480xi32, #tpu.memory_space<hbm>> -> memref<320xi32, #tpu.memory_space<hbm>>
      tpu.wait_dma2 semaphore(%run_scoped3A : memref<!tpu.dma_semaphore, #tpu.memory_space<semaphore_mem>>) src(%dma_wait3A_67 : memref<320xi32, #tpu.memory_space<hbm>>) dst(%arg10 : memref<320xi32, #tpu.memory_space<vmem>>)
      tpu.yield
    }) : () -> ()
    %dma_start3A = arith.constant 0 : i32
    %dma_start3A_9 = arith.constant 0 : i32
    %dma_start3A_10 = tpu.memref_slice %arg2[%dma_start3A, %dma_start3A_9] : memref<100001x64xf32, #tpu.memory_space<hbm>> -> memref<100001x64xf32, #tpu.memory_space<hbm>>
    tpu.enqueue_indirect_dma source(%dma_start3A_10 : memref<100001x64xf32, #tpu.memory_space<hbm>>) target(%arg14 : memref<64x64xf32, #tpu.memory_space<vmem>>) offsets(%arg8 : memref<64xi32, #tpu.memory_space<vmem>>) semaphore(%arg22 : memref<!tpu.dma_semaphore, #tpu.memory_space<semaphore_mem>>)
    %dma_start3A_11 = arith.constant 0 : i32
    %dma_start3A_12 = arith.constant 0 : i32
    %dma_start3A_13 = tpu.memref_slice %arg2[%dma_start3A_11, %dma_start3A_12] : memref<100001x64xf32, #tpu.memory_space<hbm>> -> memref<100001x64xf32, #tpu.memory_space<hbm>>
    tpu.enqueue_indirect_dma source(%dma_start3A_13 : memref<100001x64xf32, #tpu.memory_space<hbm>>) target(%arg15 : memref<256x64xf32, #tpu.memory_space<vmem>>) offsets(%arg9 : memref<256xi32, #tpu.memory_space<vmem>>) semaphore(%arg23 : memref<!tpu.dma_semaphore, #tpu.memory_space<semaphore_mem>>)
    %dma_start3A_14 = arith.constant 0 : i32
    %dma_start3A_15 = arith.constant 0 : i32
    %dma_start3A_16 = tpu.memref_slice %arg2[%dma_start3A_14, %dma_start3A_15] : memref<100001x64xf32, #tpu.memory_space<hbm>> -> memref<100001x64xf32, #tpu.memory_space<hbm>>
    tpu.enqueue_indirect_dma source(%dma_start3A_16 : memref<100001x64xf32, #tpu.memory_space<hbm>>) target(%arg16 : memref<320x64xf32, #tpu.memory_space<vmem>>) offsets(%arg10 : memref<320xi32, #tpu.memory_space<vmem>>) semaphore(%arg24 : memref<!tpu.dma_semaphore, #tpu.memory_space<semaphore_mem>>)
    %add3A_17 = arith.constant 64 : i32
    %add3A_18 = arith.addi %mul3A_2, %add3A_17 : i32
    "tpu.region"() ({
      %run_scoped3A = tpu.sem_alloc : memref<!tpu.dma_semaphore, #tpu.memory_space<semaphore_mem>>
      %dma_start3A_64 = tpu.memref_slice %arg3[%add3A_18] : memref<4096xi32, #tpu.memory_space<hbm>> -> memref<64xi32, #tpu.memory_space<hbm>>
      %dma_start3A_65 = tpu.memref_slice %arg3[%add3A_18] : memref<4096xi32, #tpu.memory_space<hbm>> -> memref<64xi32, #tpu.memory_space<hbm>>
      tpu.enqueue_dma source(%dma_start3A_65 : memref<64xi32, #tpu.memory_space<hbm>>) target(%arg11 : memref<64xi32, #tpu.memory_space<vmem>>) target_semaphore(%run_scoped3A : memref<!tpu.dma_semaphore, #tpu.memory_space<semaphore_mem>>)
      %dma_wait3A_66 = tpu.memref_slice %arg3[%add3A_18] : memref<4096xi32, #tpu.memory_space<hbm>> -> memref<64xi32, #tpu.memory_space<hbm>>
      %dma_wait3A_67 = tpu.memref_slice %arg3[%add3A_18] : memref<4096xi32, #tpu.memory_space<hbm>> -> memref<64xi32, #tpu.memory_space<hbm>>
      tpu.wait_dma2 semaphore(%run_scoped3A : memref<!tpu.dma_semaphore, #tpu.memory_space<semaphore_mem>>) src(%dma_wait3A_67 : memref<64xi32, #tpu.memory_space<hbm>>) dst(%arg11 : memref<64xi32, #tpu.memory_space<vmem>>)
      tpu.yield
    }) : () -> ()
    %mul3A_19 = arith.constant 4 : i32
    %mul3A_20 = arith.muli %mul3A_19, %add3A_18 : i32
    "tpu.region"() ({
      %run_scoped3A = tpu.sem_alloc : memref<!tpu.dma_semaphore, #tpu.memory_space<semaphore_mem>>
      %dma_start3A_64 = tpu.memref_slice %arg4[%mul3A_20] : memref<16384xi32, #tpu.memory_space<hbm>> -> memref<256xi32, #tpu.memory_space<hbm>>
      %dma_start3A_65 = tpu.memref_slice %arg4[%mul3A_20] : memref<16384xi32, #tpu.memory_space<hbm>> -> memref<256xi32, #tpu.memory_space<hbm>>
      tpu.enqueue_dma source(%dma_start3A_65 : memref<256xi32, #tpu.memory_space<hbm>>) target(%arg12 : memref<256xi32, #tpu.memory_space<vmem>>) target_semaphore(%run_scoped3A : memref<!tpu.dma_semaphore, #tpu.memory_space<semaphore_mem>>)
      %dma_wait3A_66 = tpu.memref_slice %arg4[%mul3A_20] : memref<16384xi32, #tpu.memory_space<hbm>> -> memref<256xi32, #tpu.memory_space<hbm>>
      %dma_wait3A_67 = tpu.memref_slice %arg4[%mul3A_20] : memref<16384xi32, #tpu.memory_space<hbm>> -> memref<256xi32, #tpu.memory_space<hbm>>
      tpu.wait_dma2 semaphore(%run_scoped3A : memref<!tpu.dma_semaphore, #tpu.memory_space<semaphore_mem>>) src(%dma_wait3A_67 : memref<256xi32, #tpu.memory_space<hbm>>) dst(%arg12 : memref<256xi32, #tpu.memory_space<vmem>>)
      tpu.yield
    }) : () -> ()
    %mul3A_21 = arith.constant 5 : i32
    %mul3A_22 = arith.muli %mul3A_21, %add3A_18 : i32
    "tpu.region"() ({
      %run_scoped3A = tpu.sem_alloc : memref<!tpu.dma_semaphore, #tpu.memory_space<semaphore_mem>>
      %dma_start3A_64 = tpu.memref_slice %arg5[%mul3A_22] : memref<20480xi32, #tpu.memory_space<hbm>> -> memref<320xi32, #tpu.memory_space<hbm>>
      %dma_start3A_65 = tpu.memref_slice %arg5[%mul3A_22] : memref<20480xi32, #tpu.memory_space<hbm>> -> memref<320xi32, #tpu.memory_space<hbm>>
      tpu.enqueue_dma source(%dma_start3A_65 : memref<320xi32, #tpu.memory_space<hbm>>) target(%arg13 : memref<320xi32, #tpu.memory_space<vmem>>) target_semaphore(%run_scoped3A : memref<!tpu.dma_semaphore, #tpu.memory_space<semaphore_mem>>)
      %dma_wait3A_66 = tpu.memref_slice %arg5[%mul3A_22] : memref<20480xi32, #tpu.memory_space<hbm>> -> memref<320xi32, #tpu.memory_space<hbm>>
      %dma_wait3A_67 = tpu.memref_slice %arg5[%mul3A_22] : memref<20480xi32, #tpu.memory_space<hbm>> -> memref<320xi32, #tpu.memory_space<hbm>>
      tpu.wait_dma2 semaphore(%run_scoped3A : memref<!tpu.dma_semaphore, #tpu.memory_space<semaphore_mem>>) src(%dma_wait3A_67 : memref<320xi32, #tpu.memory_space<hbm>>) dst(%arg13 : memref<320xi32, #tpu.memory_space<vmem>>)
      tpu.yield
    }) : () -> ()
    %dma_start3A_23 = arith.constant 0 : i32
    %dma_start3A_24 = arith.constant 0 : i32
    %dma_start3A_25 = tpu.memref_slice %arg2[%dma_start3A_23, %dma_start3A_24] : memref<100001x64xf32, #tpu.memory_space<hbm>> -> memref<100001x64xf32, #tpu.memory_space<hbm>>
    tpu.enqueue_indirect_dma source(%dma_start3A_25 : memref<100001x64xf32, #tpu.memory_space<hbm>>) target(%arg17 : memref<64x64xf32, #tpu.memory_space<vmem>>) offsets(%arg11 : memref<64xi32, #tpu.memory_space<vmem>>) semaphore(%arg25 : memref<!tpu.dma_semaphore, #tpu.memory_space<semaphore_mem>>)
    %dma_start3A_26 = arith.constant 0 : i32
    %dma_start3A_27 = arith.constant 0 : i32
    %dma_start3A_28 = tpu.memref_slice %arg2[%dma_start3A_26, %dma_start3A_27] : memref<100001x64xf32, #tpu.memory_space<hbm>> -> memref<100001x64xf32, #tpu.memory_space<hbm>>
    tpu.enqueue_indirect_dma source(%dma_start3A_28 : memref<100001x64xf32, #tpu.memory_space<hbm>>) target(%arg18 : memref<256x64xf32, #tpu.memory_space<vmem>>) offsets(%arg12 : memref<256xi32, #tpu.memory_space<vmem>>) semaphore(%arg26 : memref<!tpu.dma_semaphore, #tpu.memory_space<semaphore_mem>>)
    %dma_start3A_29 = arith.constant 0 : i32
    %dma_start3A_30 = arith.constant 0 : i32
    %dma_start3A_31 = tpu.memref_slice %arg2[%dma_start3A_29, %dma_start3A_30] : memref<100001x64xf32, #tpu.memory_space<hbm>> -> memref<100001x64xf32, #tpu.memory_space<hbm>>
    tpu.enqueue_indirect_dma source(%dma_start3A_31 : memref<100001x64xf32, #tpu.memory_space<hbm>>) target(%arg19 : memref<320x64xf32, #tpu.memory_space<vmem>>) offsets(%arg13 : memref<320xi32, #tpu.memory_space<vmem>>) semaphore(%arg27 : memref<!tpu.dma_semaphore, #tpu.memory_space<semaphore_mem>>)
    %dma_wait3A = arith.constant 0 : i32
    %dma_wait3A_32 = arith.constant 0 : i32
    %dma_wait3A_33 = tpu.memref_slice %arg2[%dma_wait3A, %dma_wait3A_32] : memref<100001x64xf32, #tpu.memory_space<hbm>> -> memref<100001x64xf32, #tpu.memory_space<hbm>>
    tpu.wait_indirect_dma semaphore(%arg22 : memref<!tpu.dma_semaphore, #tpu.memory_space<semaphore_mem>>) src(%dma_wait3A_33 : memref<100001x64xf32, #tpu.memory_space<hbm>>) dst(%arg14 : memref<64x64xf32, #tpu.memory_space<vmem>>)
    %dma_wait3A_34 = arith.constant 0 : i32
    %dma_wait3A_35 = arith.constant 0 : i32
    %dma_wait3A_36 = tpu.memref_slice %arg2[%dma_wait3A_34, %dma_wait3A_35] : memref<100001x64xf32, #tpu.memory_space<hbm>> -> memref<100001x64xf32, #tpu.memory_space<hbm>>
    tpu.wait_indirect_dma semaphore(%arg23 : memref<!tpu.dma_semaphore, #tpu.memory_space<semaphore_mem>>) src(%dma_wait3A_36 : memref<100001x64xf32, #tpu.memory_space<hbm>>) dst(%arg15 : memref<256x64xf32, #tpu.memory_space<vmem>>)
    %dma_wait3A_37 = arith.constant 0 : i32
    %dma_wait3A_38 = arith.constant 0 : i32
    %dma_wait3A_39 = tpu.memref_slice %arg2[%dma_wait3A_37, %dma_wait3A_38] : memref<100001x64xf32, #tpu.memory_space<hbm>> -> memref<100001x64xf32, #tpu.memory_space<hbm>>
    tpu.wait_indirect_dma semaphore(%arg24 : memref<!tpu.dma_semaphore, #tpu.memory_space<semaphore_mem>>) src(%dma_wait3A_39 : memref<100001x64xf32, #tpu.memory_space<hbm>>) dst(%arg16 : memref<320x64xf32, #tpu.memory_space<vmem>>)
    %scan3A = arith.constant 0 : i32
    %scan3A_40 = arith.constant 0 : i32
    %scan3A_41 = arith.constant 64 : i32
    %scan3A_42 = arith.addi %scan3A_40, %scan3A_41 : i32
    %scan3A_43 = arith.constant 1 : i32
    scf.for %scan3A_64 = %scan3A_40 to %scan3A_42 step %scan3A_43  : i32 {
      %get3A = arith.index_cast %scan3A_64 : i32 to index
      %get3A_65 = arith.constant 0 : index
      %get3A_66 = tpu.vector_load %arg14[%get3A, %get3A_65] {strides = array<i32>} : memref<64x64xf32, #tpu.memory_space<vmem>>, vector<1x16xf32>,
      %get3A_67 = vector.shape_cast %get3A_66 : vector<1x16xf32> to vector<16xf32>
      %swap3A = arith.index_cast %scan3A_64 : i32 to index
      %swap3A_68 = arith.constant 0 : index
      %swap3A_69 = tpu.vector_load %arg20[%swap3A, %swap3A_68] {strides = array<i32>} : memref<64x128xf32, #tpu.memory_space<vmem>>, vector<1x16xf32>,
      %swap3A_70 = vector.shape_cast %swap3A_69 : vector<1x16xf32> to vector<16xf32>
      %swap3A_71 = vector.shape_cast %get3A_67 : vector<16xf32> to vector<1x16xf32>
      tpu.vector_store %arg20[%swap3A, %swap3A_68], %swap3A_71 {strides = array<i32>} : memref<64x128xf32, #tpu.memory_space<vmem>>, vector<1x16xf32>,
      %mul3A_72 = arith.constant 4 : i32
      %mul3A_73 = arith.muli %mul3A_72, %scan3A_64 : i32
      %get3A_74 = arith.index_cast %mul3A_73 : i32 to index
      %get3A_75 = arith.constant 0 : index
      %get3A_76 = tpu.vector_load %arg15[%get3A_74, %get3A_75] {strides = array<i32>} : memref<256x64xf32, #tpu.memory_space<vmem>>, vector<1x16xf32>,
      %get3A_77 = vector.shape_cast %get3A_76 : vector<1x16xf32> to vector<16xf32>
      %mul3A_78 = arith.constant 4 : i32
      %mul3A_79 = arith.muli %mul3A_78, %scan3A_64 : i32
      %add3A_80 = arith.constant 1 : i32
      %add3A_81 = arith.addi %mul3A_79, %add3A_80 : i32
      %get3A_82 = arith.index_cast %add3A_81 : i32 to index
      %get3A_83 = arith.constant 0 : index
      %get3A_84 = tpu.vector_load %arg15[%get3A_82, %get3A_83] {strides = array<i32>} : memref<256x64xf32, #tpu.memory_space<vmem>>, vector<1x16xf32>,
      %get3A_85 = vector.shape_cast %get3A_84 : vector<1x16xf32> to vector<16xf32>
      %add3A_86 = arith.addf %get3A_77, %get3A_85 : vector<16xf32>
      %mul3A_87 = arith.constant 4 : i32
      %mul3A_88 = arith.muli %mul3A_87, %scan3A_64 : i32
      %add3A_89 = arith.constant 2 : i32
      %add3A_90 = arith.addi %mul3A_88, %add3A_89 : i32
      %get3A_91 = arith.index_cast %add3A_90 : i32 to index
      %get3A_92 = arith.constant 0 : index
      %get3A_93 = tpu.vector_load %arg15[%get3A_91, %get3A_92] {strides = array<i32>} : memref<256x64xf32, #tpu.memory_space<vmem>>, vector<1x16xf32>,
      %get3A_94 = vector.shape_cast %get3A_93 : vector<1x16xf32> to vector<16xf32>
      %add3A_95 = arith.addf %add3A_86, %get3A_94 : vector<16xf32>
      %mul3A_96 = arith.constant 4 : i32
      %mul3A_97 = arith.muli %mul3A_96, %scan3A_64 : i32
      %add3A_98 = arith.constant 3 : i32
      %add3A_99 = arith.addi %mul3A_97, %add3A_98 : i32
      %get3A_100 = arith.index_cast %add3A_99 : i32 to index
      %get3A_101 = arith.constant 0 : index
      %get3A_102 = tpu.vector_load %arg15[%get3A_100, %get3A_101] {strides = array<i32>} : memref<256x64xf32, #tpu.memory_space<vmem>>, vector<1x16xf32>,
      %get3A_103 = vector.shape_cast %get3A_102 : vector<1x16xf32> to vector<16xf32>
      %add3A_104 = arith.addf %add3A_95, %get3A_103 : vector<16xf32>
      %swap3A_105 = arith.index_cast %scan3A_64 : i32 to index
      %swap3A_106 = arith.constant 64 : index
      %swap3A_107 = tpu.vector_load %arg20[%swap3A_105, %swap3A_106] {strides = array<i32>} : memref<64x128xf32, #tpu.memory_space<vmem>>, vector<1x16xf32>,
      %swap3A_108 = vector.shape_cast %swap3A_107 : vector<1x16xf32> to vector<16xf32>
      %swap3A_109 = vector.shape_cast %add3A_104 : vector<16xf32> to vector<1x16xf32>
      tpu.vector_store %arg20[%swap3A_105, %swap3A_106], %swap3A_109 {strides = array<i32>} : memref<64x128xf32, #tpu.memory_space<vmem>>, vector<1x16xf32>,
      %mul3A_110 = arith.constant 5 : i32
      %mul3A_111 = arith.muli %mul3A_110, %scan3A_64 : i32
      %get3A_112 = arith.index_cast %mul3A_111 : i32 to index
      %get3A_113 = arith.constant 0 : index
      %get3A_114 = tpu.vector_load %arg16[%get3A_112, %get3A_113] {strides = array<i32>} : memref<320x64xf32, #tpu.memory_space<vmem>>, vector<1x16xf32>,
      %get3A_115 = vector.shape_cast %get3A_114 : vector<1x16xf32> to vector<16xf32>
      %mul3A_116 = arith.constant 5 : i32
      %mul3A_117 = arith.muli %mul3A_116, %scan3A_64 : i32
      %add3A_118 = arith.constant 1 : i32
      %add3A_119 = arith.addi %mul3A_117, %add3A_118 : i32
      %get3A_120 = arith.index_cast %add3A_119 : i32 to index
      %get3A_121 = arith.constant 0 : index
      %get3A_122 = tpu.vector_load %arg16[%get3A_120, %get3A_121] {strides = array<i32>} : memref<320x64xf32, #tpu.memory_space<vmem>>, vector<1x16xf32>,
      %get3A_123 = vector.shape_cast %get3A_122 : vector<1x16xf32> to vector<16xf32>
      %add3A_124 = arith.addf %get3A_115, %get3A_123 : vector<16xf32>
      %mul3A_125 = arith.constant 5 : i32
      %mul3A_126 = arith.muli %mul3A_125, %scan3A_64 : i32
      %add3A_127 = arith.constant 2 : i32
      %add3A_128 = arith.addi %mul3A_126, %add3A_127 : i32
      %get3A_129 = arith.index_cast %add3A_128 : i32 to index
      %get3A_130 = arith.constant 0 : index
      %get3A_131 = tpu.vector_load %arg16[%get3A_129, %get3A_130] {strides = array<i32>} : memref<320x64xf32, #tpu.memory_space<vmem>>, vector<1x16xf32>,
      %get3A_132 = vector.shape_cast %get3A_131 : vector<1x16xf32> to vector<16xf32>
      %add3A_133 = arith.addf %add3A_124, %get3A_132 : vector<16xf32>
      %mul3A_134 = arith.constant 5 : i32
      %mul3A_135 = arith.muli %mul3A_134, %scan3A_64 : i32
      %add3A_136 = arith.constant 3 : i32
      %add3A_137 = arith.addi %mul3A_135, %add3A_136 : i32
      %get3A_138 = arith.index_cast %add3A_137 : i32 to index
      %get3A_139 = arith.constant 0 : index
      %get3A_140 = tpu.vector_load %arg16[%get3A_138, %get3A_139] {strides = array<i32>} : memref<320x64xf32, #tpu.memory_space<vmem>>, vector<1x16xf32>,
      %get3A_141 = vector.shape_cast %get3A_140 : vector<1x16xf32> to vector<16xf32>
      %add3A_142 = arith.addf %add3A_133, %get3A_141 : vector<16xf32>
      %mul3A_143 = arith.constant 5 : i32
      %mul3A_144 = arith.muli %mul3A_143, %scan3A_64 : i32
      %add3A_145 = arith.constant 4 : i32
      %add3A_146 = arith.addi %mul3A_144, %add3A_145 : i32
      %get3A_147 = arith.index_cast %add3A_146 : i32 to index
      %get3A_148 = arith.constant 0 : index
      %get3A_149 = tpu.vector_load %arg16[%get3A_147, %get3A_148] {strides = array<i32>} : memref<320x64xf32, #tpu.memory_space<vmem>>, vector<1x16xf32>,
      %get3A_150 = vector.shape_cast %get3A_149 : vector<1x16xf32> to vector<16xf32>
      %add3A_151 = arith.addf %add3A_142, %get3A_150 : vector<16xf32>
      %swap3A_152 = arith.index_cast %scan3A_64 : i32 to index
      %swap3A_153 = arith.constant 0 : index
      %swap3A_154 = tpu.vector_load %arg21[%swap3A_152, %swap3A_153] {strides = array<i32>} : memref<64x128xf32, #tpu.memory_space<vmem>>, vector<1x16xf32>,
      %swap3A_155 = vector.shape_cast %swap3A_154 : vector<1x16xf32> to vector<16xf32>
      %swap3A_156 = vector.shape_cast %add3A_151 : vector<16xf32> to vector<1x16xf32>
      tpu.vector_store %arg21[%swap3A_152, %swap3A_153], %swap3A_156 {strides = array<i32>} : memref<64x128xf32, #tpu.memory_space<vmem>>, vector<1x16xf32>,
      %get3A_157 = arith.index_cast %scan3A_64 : i32 to index
      %get3A_158 = arith.constant 16 : index
      %get3A_159 = tpu.vector_load %arg14[%get3A_157, %get3A_158] {strides = array<i32>} : memref<64x64xf32, #tpu.memory_space<vmem>>, vector<1x16xf32>,
      %get3A_160 = vector.shape_cast %get3A_159 : vector<1x16xf32> to vector<16xf32>
      %swap3A_161 = arith.index_cast %scan3A_64 : i32 to index
      %swap3A_162 = arith.constant 16 : index
      %swap3A_163 = tpu.vector_load %arg20[%swap3A_161, %swap3A_162] {strides = array<i32>} : memref<64x128xf32, #tpu.memory_space<vmem>>, vector<1x16xf32>,
      %swap3A_164 = vector.shape_cast %swap3A_163 : vector<1x16xf32> to vector<16xf32>
      %swap3A_165 = vector.shape_cast %get3A_160 : vector<16xf32> to vector<1x16xf32>
      tpu.vector_store %arg20[%swap3A_161, %swap3A_162], %swap3A_165 {strides = array<i32>} : memref<64x128xf32, #tpu.memory_space<vmem>>, vector<1x16xf32>,
      %mul3A_166 = arith.constant 4 : i32
      %mul3A_167 = arith.muli %mul3A_166, %scan3A_64 : i32
      %get3A_168 = arith.index_cast %mul3A_167 : i32 to index
      %get3A_169 = arith.constant 16 : index
      %get3A_170 = tpu.vector_load %arg15[%get3A_168, %get3A_169] {strides = array<i32>} : memref<256x64xf32, #tpu.memory_space<vmem>>, vector<1x16xf32>,
      %get3A_171 = vector.shape_cast %get3A_170 : vector<1x16xf32> to vector<16xf32>
      %mul3A_172 = arith.constant 4 : i32
      %mul3A_173 = arith.muli %mul3A_172, %scan3A_64 : i32
      %add3A_174 = arith.constant 1 : i32
      %add3A_175 = arith.addi %mul3A_173, %add3A_174 : i32
      %get3A_176 = arith.index_cast %add3A_175 : i32 to index
      %get3A_177 = arith.constant 16 : index
      %get3A_178 = tpu.vector_load %arg15[%get3A_176, %get3A_177] {strides = array<i32>} : memref<256x64xf32, #tpu.memory_space<vmem>>, vector<1x16xf32>,
      %get3A_179 = vector.shape_cast %get3A_178 : vector<1x16xf32> to vector<16xf32>
      %add3A_180 = arith.addf %get3A_171, %get3A_179 : vector<16xf32>
      %mul3A_181 = arith.constant 4 : i32
      %mul3A_182 = arith.muli %mul3A_181, %scan3A_64 : i32
      %add3A_183 = arith.constant 2 : i32
      %add3A_184 = arith.addi %mul3A_182, %add3A_183 : i32
      %get3A_185 = arith.index_cast %add3A_184 : i32 to index
      %get3A_186 = arith.constant 16 : index
      %get3A_187 = tpu.vector_load %arg15[%get3A_185, %get3A_186] {strides = array<i32>} : memref<256x64xf32, #tpu.memory_space<vmem>>, vector<1x16xf32>,
      %get3A_188 = vector.shape_cast %get3A_187 : vector<1x16xf32> to vector<16xf32>
      %add3A_189 = arith.addf %add3A_180, %get3A_188 : vector<16xf32>
      %mul3A_190 = arith.constant 4 : i32
      %mul3A_191 = arith.muli %mul3A_190, %scan3A_64 : i32
      %add3A_192 = arith.constant 3 : i32
      %add3A_193 = arith.addi %mul3A_191, %add3A_192 : i32
      %get3A_194 = arith.index_cast %add3A_193 : i32 to index
      %get3A_195 = arith.constant 16 : index
      %get3A_196 = tpu.vector_load %arg15[%get3A_194, %get3A_195] {strides = array<i32>} : memref<256x64xf32, #tpu.memory_space<vmem>>, vector<1x16xf32>,
      %get3A_197 = vector.shape_cast %get3A_196 : vector<1x16xf32> to vector<16xf32>
      %add3A_198 = arith.addf %add3A_189, %get3A_197 : vector<16xf32>
      %swap3A_199 = arith.index_cast %scan3A_64 : i32 to index
      %swap3A_200 = arith.constant 80 : index
      %swap3A_201 = tpu.vector_load %arg20[%swap3A_199, %swap3A_200] {strides = array<i32>} : memref<64x128xf32, #tpu.memory_space<vmem>>, vector<1x16xf32>,
      %swap3A_202 = vector.shape_cast %swap3A_201 : vector<1x16xf32> to vector<16xf32>
      %swap3A_203 = vector.shape_cast %add3A_198 : vector<16xf32> to vector<1x16xf32>
      tpu.vector_store %arg20[%swap3A_199, %swap3A_200], %swap3A_203 {strides = array<i32>} : memref<64x128xf32, #tpu.memory_space<vmem>>, vector<1x16xf32>,
      %mul3A_204 = arith.constant 5 : i32
      %mul3A_205 = arith.muli %mul3A_204, %scan3A_64 : i32
      %get3A_206 = arith.index_cast %mul3A_205 : i32 to index
      %get3A_207 = arith.constant 16 : index
      %get3A_208 = tpu.vector_load %arg16[%get3A_206, %get3A_207] {strides = array<i32>} : memref<320x64xf32, #tpu.memory_space<vmem>>, vector<1x16xf32>,
      %get3A_209 = vector.shape_cast %get3A_208 : vector<1x16xf32> to vector<16xf32>
      %mul3A_210 = arith.constant 5 : i32
      %mul3A_211 = arith.muli %mul3A_210, %scan3A_64 : i32
      %add3A_212 = arith.constant 1 : i32
      %add3A_213 = arith.addi %mul3A_211, %add3A_212 : i32
      %get3A_214 = arith.index_cast %add3A_213 : i32 to index
      %get3A_215 = arith.constant 16 : index
      %get3A_216 = tpu.vector_load %arg16[%get3A_214, %get3A_215] {strides = array<i32>} : memref<320x64xf32, #tpu.memory_space<vmem>>, vector<1x16xf32>,
      %get3A_217 = vector.shape_cast %get3A_216 : vector<1x16xf32> to vector<16xf32>
      %add3A_218 = arith.addf %get3A_209, %get3A_217 : vector<16xf32>
      %mul3A_219 = arith.constant 5 : i32
      %mul3A_220 = arith.muli %mul3A_219, %scan3A_64 : i32
      %add3A_221 = arith.constant 2 : i32
      %add3A_222 = arith.addi %mul3A_220, %add3A_221 : i32
      %get3A_223 = arith.index_cast %add3A_222 : i32 to index
      %get3A_224 = arith.constant 16 : index
      %get3A_225 = tpu.vector_load %arg16[%get3A_223, %get3A_224] {strides = array<i32>} : memref<320x64xf32, #tpu.memory_space<vmem>>, vector<1x16xf32>,
      %get3A_226 = vector.shape_cast %get3A_225 : vector<1x16xf32> to vector<16xf32>
      %add3A_227 = arith.addf %add3A_218, %get3A_226 : vector<16xf32>
      %mul3A_228 = arith.constant 5 : i32
      %mul3A_229 = arith.muli %mul3A_228, %scan3A_64 : i32
      %add3A_230 = arith.constant 3 : i32
      %add3A_231 = arith.addi %mul3A_229, %add3A_230 : i32
      %get3A_232 = arith.index_cast %add3A_231 : i32 to index
      %get3A_233 = arith.constant 16 : index
      %get3A_234 = tpu.vector_load %arg16[%get3A_232, %get3A_233] {strides = array<i32>} : memref<320x64xf32, #tpu.memory_space<vmem>>, vector<1x16xf32>,
      %get3A_235 = vector.shape_cast %get3A_234 : vector<1x16xf32> to vector<16xf32>
      %add3A_236 = arith.addf %add3A_227, %get3A_235 : vector<16xf32>
      %mul3A_237 = arith.constant 5 : i32
      %mul3A_238 = arith.muli %mul3A_237, %scan3A_64 : i32
      %add3A_239 = arith.constant 4 : i32
      %add3A_240 = arith.addi %mul3A_238, %add3A_239 : i32
      %get3A_241 = arith.index_cast %add3A_240 : i32 to index
      %get3A_242 = arith.constant 16 : index
      %get3A_243 = tpu.vector_load %arg16[%get3A_241, %get3A_242] {strides = array<i32>} : memref<320x64xf32, #tpu.memory_space<vmem>>, vector<1x16xf32>,
      %get3A_244 = vector.shape_cast %get3A_243 : vector<1x16xf32> to vector<16xf32>
      %add3A_245 = arith.addf %add3A_236, %get3A_244 : vector<16xf32>
      %swap3A_246 = arith.index_cast %scan3A_64 : i32 to index
      %swap3A_247 = arith.constant 16 : index
      %swap3A_248 = tpu.vector_load %arg21[%swap3A_246, %swap3A_247] {strides = array<i32>} : memref<64x128xf32, #tpu.memory_space<vmem>>, vector<1x16xf32>,
      %swap3A_249 = vector.shape_cast %swap3A_248 : vector<1x16xf32> to vector<16xf32>
      %swap3A_250 = vector.shape_cast %add3A_245 : vector<16xf32> to vector<1x16xf32>
      tpu.vector_store %arg21[%swap3A_246, %swap3A_247], %swap3A_250 {strides = array<i32>} : memref<64x128xf32, #tpu.memory_space<vmem>>, vector<1x16xf32>,
      %get3A_251 = arith.index_cast %scan3A_64 : i32 to index
      %get3A_252 = arith.constant 32 : index
      %get3A_253 = tpu.vector_load %arg14[%get3A_251, %get3A_252] {strides = array<i32>} : memref<64x64xf32, #tpu.memory_space<vmem>>, vector<1x16xf32>,
      %get3A_254 = vector.shape_cast %get3A_253 : vector<1x16xf32> to vector<16xf32>
      %swap3A_255 = arith.index_cast %scan3A_64 : i32 to index
      %swap3A_256 = arith.constant 32 : index
      %swap3A_257 = tpu.vector_load %arg20[%swap3A_255, %swap3A_256] {strides = array<i32>} : memref<64x128xf32, #tpu.memory_space<vmem>>, vector<1x16xf32>,
      %swap3A_258 = vector.shape_cast %swap3A_257 : vector<1x16xf32> to vector<16xf32>
      %swap3A_259 = vector.shape_cast %get3A_254 : vector<16xf32> to vector<1x16xf32>
      tpu.vector_store %arg20[%swap3A_255, %swap3A_256], %swap3A_259 {strides = array<i32>} : memref<64x128xf32, #tpu.memory_space<vmem>>, vector<1x16xf32>,
      %mul3A_260 = arith.constant 4 : i32
      %mul3A_261 = arith.muli %mul3A_260, %scan3A_64 : i32
      %get3A_262 = arith.index_cast %mul3A_261 : i32 to index
      %get3A_263 = arith.constant 32 : index
      %get3A_264 = tpu.vector_load %arg15[%get3A_262, %get3A_263] {strides = array<i32>} : memref<256x64xf32, #tpu.memory_space<vmem>>, vector<1x16xf32>,
      %get3A_265 = vector.shape_cast %get3A_264 : vector<1x16xf32> to vector<16xf32>
      %mul3A_266 = arith.constant 4 : i32
      %mul3A_267 = arith.muli %mul3A_266, %scan3A_64 : i32
      %add3A_268 = arith.constant 1 : i32
      %add3A_269 = arith.addi %mul3A_267, %add3A_268 : i32
      %get3A_270 = arith.index_cast %add3A_269 : i32 to index
      %get3A_271 = arith.constant 32 : index
      %get3A_272 = tpu.vector_load %arg15[%get3A_270, %get3A_271] {strides = array<i32>} : memref<256x64xf32, #tpu.memory_space<vmem>>, vector<1x16xf32>,
      %get3A_273 = vector.shape_cast %get3A_272 : vector<1x16xf32> to vector<16xf32>
      %add3A_274 = arith.addf %get3A_265, %get3A_273 : vector<16xf32>
      %mul3A_275 = arith.constant 4 : i32
      %mul3A_276 = arith.muli %mul3A_275, %scan3A_64 : i32
      %add3A_277 = arith.constant 2 : i32
      %add3A_278 = arith.addi %mul3A_276, %add3A_277 : i32
      %get3A_279 = arith.index_cast %add3A_278 : i32 to index
      %get3A_280 = arith.constant 32 : index
      %get3A_281 = tpu.vector_load %arg15[%get3A_279, %get3A_280] {strides = array<i32>} : memref<256x64xf32, #tpu.memory_space<vmem>>, vector<1x16xf32>,
      %get3A_282 = vector.shape_cast %get3A_281 : vector<1x16xf32> to vector<16xf32>
      %add3A_283 = arith.addf %add3A_274, %get3A_282 : vector<16xf32>
      %mul3A_284 = arith.constant 4 : i32
      %mul3A_285 = arith.muli %mul3A_284, %scan3A_64 : i32
      %add3A_286 = arith.constant 3 : i32
      %add3A_287 = arith.addi %mul3A_285, %add3A_286 : i32
      %get3A_288 = arith.index_cast %add3A_287 : i32 to index
      %get3A_289 = arith.constant 32 : index
      %get3A_290 = tpu.vector_load %arg15[%get3A_288, %get3A_289] {strides = array<i32>} : memref<256x64xf32, #tpu.memory_space<vmem>>, vector<1x16xf32>,
      %get3A_291 = vector.shape_cast %get3A_290 : vector<1x16xf32> to vector<16xf32>
      %add3A_292 = arith.addf %add3A_283, %get3A_291 : vector<16xf32>
      %swap3A_293 = arith.index_cast %scan3A_64 : i32 to index
      %swap3A_294 = arith.constant 96 : index
      %swap3A_295 = tpu.vector_load %arg20[%swap3A_293, %swap3A_294] {strides = array<i32>} : memref<64x128xf32, #tpu.memory_space<vmem>>, vector<1x16xf32>,
      %swap3A_296 = vector.shape_cast %swap3A_295 : vector<1x16xf32> to vector<16xf32>
      %swap3A_297 = vector.shape_cast %add3A_292 : vector<16xf32> to vector<1x16xf32>
      tpu.vector_store %arg20[%swap3A_293, %swap3A_294], %swap3A_297 {strides = array<i32>} : memref<64x128xf32, #tpu.memory_space<vmem>>, vector<1x16xf32>,
      %mul3A_298 = arith.constant 5 : i32
      %mul3A_299 = arith.muli %mul3A_298, %scan3A_64 : i32
      %get3A_300 = arith.index_cast %mul3A_299 : i32 to index
      %get3A_301 = arith.constant 32 : index
      %get3A_302 = tpu.vector_load %arg16[%get3A_300, %get3A_301] {strides = array<i32>} : memref<320x64xf32, #tpu.memory_space<vmem>>, vector<1x16xf32>,
      %get3A_303 = vector.shape_cast %get3A_302 : vector<1x16xf32> to vector<16xf32>
      %mul3A_304 = arith.constant 5 : i32
      %mul3A_305 = arith.muli %mul3A_304, %scan3A_64 : i32
      %add3A_306 = arith.constant 1 : i32
      %add3A_307 = arith.addi %mul3A_305, %add3A_306 : i32
      %get3A_308 = arith.index_cast %add3A_307 : i32 to index
      %get3A_309 = arith.constant 32 : index
      %get3A_310 = tpu.vector_load %arg16[%get3A_308, %get3A_309] {strides = array<i32>} : memref<320x64xf32, #tpu.memory_space<vmem>>, vector<1x16xf32>,
      %get3A_311 = vector.shape_cast %get3A_310 : vector<1x16xf32> to vector<16xf32>
      %add3A_312 = arith.addf %get3A_303, %get3A_311 : vector<16xf32>
      %mul3A_313 = arith.constant 5 : i32
      %mul3A_314 = arith.muli %mul3A_313, %scan3A_64 : i32
      %add3A_315 = arith.constant 2 : i32
      %add3A_316 = arith.addi %mul3A_314, %add3A_315 : i32
      %get3A_317 = arith.index_cast %add3A_316 : i32 to index
      %get3A_318 = arith.constant 32 : index
      %get3A_319 = tpu.vector_load %arg16[%get3A_317, %get3A_318] {strides = array<i32>} : memref<320x64xf32, #tpu.memory_space<vmem>>, vector<1x16xf32>,
      %get3A_320 = vector.shape_cast %get3A_319 : vector<1x16xf32> to vector<16xf32>
      %add3A_321 = arith.addf %add3A_312, %get3A_320 : vector<16xf32>
      %mul3A_322 = arith.constant 5 : i32
      %mul3A_323 = arith.muli %mul3A_322, %scan3A_64 : i32
      %add3A_324 = arith.constant 3 : i32
      %add3A_325 = arith.addi %mul3A_323, %add3A_324 : i32
      %get3A_326 = arith.index_cast %add3A_325 : i32 to index
      %get3A_327 = arith.constant 32 : index
      %get3A_328 = tpu.vector_load %arg16[%get3A_326, %get3A_327] {strides = array<i32>} : memref<320x64xf32, #tpu.memory_space<vmem>>, vector<1x16xf32>,
      %get3A_329 = vector.shape_cast %get3A_328 : vector<1x16xf32> to vector<16xf32>
      %add3A_330 = arith.addf %add3A_321, %get3A_329 : vector<16xf32>
      %mul3A_331 = arith.constant 5 : i32
      %mul3A_332 = arith.muli %mul3A_331, %scan3A_64 : i32
      %add3A_333 = arith.constant 4 : i32
      %add3A_334 = arith.addi %mul3A_332, %add3A_333 : i32
      %get3A_335 = arith.index_cast %add3A_334 : i32 to index
      %get3A_336 = arith.constant 32 : index
      %get3A_337 = tpu.vector_load %arg16[%get3A_335, %get3A_336] {strides = array<i32>} : memref<320x64xf32, #tpu.memory_space<vmem>>, vector<1x16xf32>,
      %get3A_338 = vector.shape_cast %get3A_337 : vector<1x16xf32> to vector<16xf32>
      %add3A_339 = arith.addf %add3A_330, %get3A_338 : vector<16xf32>
      %swap3A_340 = arith.index_cast %scan3A_64 : i32 to index
      %swap3A_341 = arith.constant 32 : index
      %swap3A_342 = tpu.vector_load %arg21[%swap3A_340, %swap3A_341] {strides = array<i32>} : memref<64x128xf32, #tpu.memory_space<vmem>>, vector<1x16xf32>,
      %swap3A_343 = vector.shape_cast %swap3A_342 : vector<1x16xf32> to vector<16xf32>
      %swap3A_344 = vector.shape_cast %add3A_339 : vector<16xf32> to vector<1x16xf32>
      tpu.vector_store %arg21[%swap3A_340, %swap3A_341], %swap3A_344 {strides = array<i32>} : memref<64x128xf32, #tpu.memory_space<vmem>>, vector<1x16xf32>,
      %get3A_345 = arith.index_cast %scan3A_64 : i32 to index
      %get3A_346 = arith.constant 48 : index
      %get3A_347 = tpu.vector_load %arg14[%get3A_345, %get3A_346] {strides = array<i32>} : memref<64x64xf32, #tpu.memory_space<vmem>>, vector<1x16xf32>,
      %get3A_348 = vector.shape_cast %get3A_347 : vector<1x16xf32> to vector<16xf32>
      %swap3A_349 = arith.index_cast %scan3A_64 : i32 to index
      %swap3A_350 = arith.constant 48 : index
      %swap3A_351 = tpu.vector_load %arg20[%swap3A_349, %swap3A_350] {strides = array<i32>} : memref<64x128xf32, #tpu.memory_space<vmem>>, vector<1x16xf32>,
      %swap3A_352 = vector.shape_cast %swap3A_351 : vector<1x16xf32> to vector<16xf32>
      %swap3A_353 = vector.shape_cast %get3A_348 : vector<16xf32> to vector<1x16xf32>
      tpu.vector_store %arg20[%swap3A_349, %swap3A_350], %swap3A_353 {strides = array<i32>} : memref<64x128xf32, #tpu.memory_space<vmem>>, vector<1x16xf32>,
      %mul3A_354 = arith.constant 4 : i32
      %mul3A_355 = arith.muli %mul3A_354, %scan3A_64 : i32
      %get3A_356 = arith.index_cast %mul3A_355 : i32 to index
      %get3A_357 = arith.constant 48 : index
      %get3A_358 = tpu.vector_load %arg15[%get3A_356, %get3A_357] {strides = array<i32>} : memref<256x64xf32, #tpu.memory_space<vmem>>, vector<1x16xf32>,
      %get3A_359 = vector.shape_cast %get3A_358 : vector<1x16xf32> to vector<16xf32>
      %mul3A_360 = arith.constant 4 : i32
      %mul3A_361 = arith.muli %mul3A_360, %scan3A_64 : i32
      %add3A_362 = arith.constant 1 : i32
      %add3A_363 = arith.addi %mul3A_361, %add3A_362 : i32
      %get3A_364 = arith.index_cast %add3A_363 : i32 to index
      %get3A_365 = arith.constant 48 : index
      %get3A_366 = tpu.vector_load %arg15[%get3A_364, %get3A_365] {strides = array<i32>} : memref<256x64xf32, #tpu.memory_space<vmem>>, vector<1x16xf32>,
      %get3A_367 = vector.shape_cast %get3A_366 : vector<1x16xf32> to vector<16xf32>
      %add3A_368 = arith.addf %get3A_359, %get3A_367 : vector<16xf32>
      %mul3A_369 = arith.constant 4 : i32
      %mul3A_370 = arith.muli %mul3A_369, %scan3A_64 : i32
      %add3A_371 = arith.constant 2 : i32
      %add3A_372 = arith.addi %mul3A_370, %add3A_371 : i32
      %get3A_373 = arith.index_cast %add3A_372 : i32 to index
      %get3A_374 = arith.constant 48 : index
      %get3A_375 = tpu.vector_load %arg15[%get3A_373, %get3A_374] {strides = array<i32>} : memref<256x64xf32, #tpu.memory_space<vmem>>, vector<1x16xf32>,
      %get3A_376 = vector.shape_cast %get3A_375 : vector<1x16xf32> to vector<16xf32>
      %add3A_377 = arith.addf %add3A_368, %get3A_376 : vector<16xf32>
      %mul3A_378 = arith.constant 4 : i32
      %mul3A_379 = arith.muli %mul3A_378, %scan3A_64 : i32
      %add3A_380 = arith.constant 3 : i32
      %add3A_381 = arith.addi %mul3A_379, %add3A_380 : i32
      %get3A_382 = arith.index_cast %add3A_381 : i32 to index
      %get3A_383 = arith.constant 48 : index
      %get3A_384 = tpu.vector_load %arg15[%get3A_382, %get3A_383] {strides = array<i32>} : memref<256x64xf32, #tpu.memory_space<vmem>>, vector<1x16xf32>,
      %get3A_385 = vector.shape_cast %get3A_384 : vector<1x16xf32> to vector<16xf32>
      %add3A_386 = arith.addf %add3A_377, %get3A_385 : vector<16xf32>
      %swap3A_387 = arith.index_cast %scan3A_64 : i32 to index
      %swap3A_388 = arith.constant 112 : index
      %swap3A_389 = tpu.vector_load %arg20[%swap3A_387, %swap3A_388] {strides = array<i32>} : memref<64x128xf32, #tpu.memory_space<vmem>>, vector<1x16xf32>,
      %swap3A_390 = vector.shape_cast %swap3A_389 : vector<1x16xf32> to vector<16xf32>
      %swap3A_391 = vector.shape_cast %add3A_386 : vector<16xf32> to vector<1x16xf32>
      tpu.vector_store %arg20[%swap3A_387, %swap3A_388], %swap3A_391 {strides = array<i32>} : memref<64x128xf32, #tpu.memory_space<vmem>>, vector<1x16xf32>,
      %mul3A_392 = arith.constant 5 : i32
      %mul3A_393 = arith.muli %mul3A_392, %scan3A_64 : i32
      %get3A_394 = arith.index_cast %mul3A_393 : i32 to index
      %get3A_395 = arith.constant 48 : index
      %get3A_396 = tpu.vector_load %arg16[%get3A_394, %get3A_395] {strides = array<i32>} : memref<320x64xf32, #tpu.memory_space<vmem>>, vector<1x16xf32>,
      %get3A_397 = vector.shape_cast %get3A_396 : vector<1x16xf32> to vector<16xf32>
      %mul3A_398 = arith.constant 5 : i32
      %mul3A_399 = arith.muli %mul3A_398, %scan3A_64 : i32
      %add3A_400 = arith.constant 1 : i32
      %add3A_401 = arith.addi %mul3A_399, %add3A_400 : i32
      %get3A_402 = arith.index_cast %add3A_401 : i32 to index
      %get3A_403 = arith.constant 48 : index
      %get3A_404 = tpu.vector_load %arg16[%get3A_402, %get3A_403] {strides = array<i32>} : memref<320x64xf32, #tpu.memory_space<vmem>>, vector<1x16xf32>,
      %get3A_405 = vector.shape_cast %get3A_404 : vector<1x16xf32> to vector<16xf32>
      %add3A_406 = arith.addf %get3A_397, %get3A_405 : vector<16xf32>
      %mul3A_407 = arith.constant 5 : i32
      %mul3A_408 = arith.muli %mul3A_407, %scan3A_64 : i32
      %add3A_409 = arith.constant 2 : i32
      %add3A_410 = arith.addi %mul3A_408, %add3A_409 : i32
      %get3A_411 = arith.index_cast %add3A_410 : i32 to index
      %get3A_412 = arith.constant 48 : index
      %get3A_413 = tpu.vector_load %arg16[%get3A_411, %get3A_412] {strides = array<i32>} : memref<320x64xf32, #tpu.memory_space<vmem>>, vector<1x16xf32>,
      %get3A_414 = vector.shape_cast %get3A_413 : vector<1x16xf32> to vector<16xf32>
      %add3A_415 = arith.addf %add3A_406, %get3A_414 : vector<16xf32>
      %mul3A_416 = arith.constant 5 : i32
      %mul3A_417 = arith.muli %mul3A_416, %scan3A_64 : i32
      %add3A_418 = arith.constant 3 : i32
      %add3A_419 = arith.addi %mul3A_417, %add3A_418 : i32
      %get3A_420 = arith.index_cast %add3A_419 : i32 to index
      %get3A_421 = arith.constant 48 : index
      %get3A_422 = tpu.vector_load %arg16[%get3A_420, %get3A_421] {strides = array<i32>} : memref<320x64xf32, #tpu.memory_space<vmem>>, vector<1x16xf32>,
      %get3A_423 = vector.shape_cast %get3A_422 : vector<1x16xf32> to vector<16xf32>
      %add3A_424 = arith.addf %add3A_415, %get3A_423 : vector<16xf32>
      %mul3A_425 = arith.constant 5 : i32
      %mul3A_426 = arith.muli %mul3A_425, %scan3A_64 : i32
      %add3A_427 = arith.constant 4 : i32
      %add3A_428 = arith.addi %mul3A_426, %add3A_427 : i32
      %get3A_429 = arith.index_cast %add3A_428 : i32 to index
      %get3A_430 = arith.constant 48 : index
      %get3A_431 = tpu.vector_load %arg16[%get3A_429, %get3A_430] {strides = array<i32>} : memref<320x64xf32, #tpu.memory_space<vmem>>, vector<1x16xf32>,
      %get3A_432 = vector.shape_cast %get3A_431 : vector<1x16xf32> to vector<16xf32>
      %add3A_433 = arith.addf %add3A_424, %get3A_432 : vector<16xf32>
      %swap3A_434 = arith.index_cast %scan3A_64 : i32 to index
      %swap3A_435 = arith.constant 48 : index
      %swap3A_436 = tpu.vector_load %arg21[%swap3A_434, %swap3A_435] {strides = array<i32>} : memref<64x128xf32, #tpu.memory_space<vmem>>, vector<1x16xf32>,
      %swap3A_437 = vector.shape_cast %swap3A_436 : vector<1x16xf32> to vector<16xf32>
      %swap3A_438 = vector.shape_cast %add3A_433 : vector<16xf32> to vector<1x16xf32>
      tpu.vector_store %arg21[%swap3A_434, %swap3A_435], %swap3A_438 {strides = array<i32>} : memref<64x128xf32, #tpu.memory_space<vmem>>, vector<1x16xf32>,
    }
    %scan3A_44 = arith.constant 64 : i32
    %add3A_45 = arith.constant 0 : i32
    %add3A_46 = arith.addi %mul3A_2, %add3A_45 : i32
    "tpu.region"() ({
      %run_scoped3A = tpu.sem_alloc : memref<!tpu.dma_semaphore, #tpu.memory_space<semaphore_mem>>
      %dma_start3A_64 = arith.constant 0 : i32
      %dma_start3A_65 = tpu.memref_slice %arg6[%add3A_46, %dma_start3A_64] : memref<4096x128xf32, #tpu.memory_space<hbm>> -> memref<64x128xf32, #tpu.memory_space<hbm>>
      %dma_start3A_66 = arith.constant 0 : i32
      %dma_start3A_67 = tpu.memref_slice %arg6[%add3A_46, %dma_start3A_66] : memref<4096x128xf32, #tpu.memory_space<hbm>> -> memref<64x128xf32, #tpu.memory_space<hbm>>
      tpu.enqueue_dma source(%arg20 : memref<64x128xf32, #tpu.memory_space<vmem>>) target(%dma_start3A_67 : memref<64x128xf32, #tpu.memory_space<hbm>>) target_semaphore(%run_scoped3A : memref<!tpu.dma_semaphore, #tpu.memory_space<semaphore_mem>>)
      %dma_wait3A_68 = arith.constant 0 : i32
      %dma_wait3A_69 = tpu.memref_slice %arg6[%add3A_46, %dma_wait3A_68] : memref<4096x128xf32, #tpu.memory_space<hbm>> -> memref<64x128xf32, #tpu.memory_space<hbm>>
      %dma_wait3A_70 = arith.constant 0 : i32
      %dma_wait3A_71 = tpu.memref_slice %arg6[%add3A_46, %dma_wait3A_70] : memref<4096x128xf32, #tpu.memory_space<hbm>> -> memref<64x128xf32, #tpu.memory_space<hbm>>
      tpu.wait_dma2 semaphore(%run_scoped3A : memref<!tpu.dma_semaphore, #tpu.memory_space<semaphore_mem>>) src(%arg20 : memref<64x128xf32, #tpu.memory_space<vmem>>) dst(%dma_wait3A_71 : memref<64x128xf32, #tpu.memory_space<hbm>>)
      tpu.yield
    }) : () -> ()
    "tpu.region"() ({
      %run_scoped3A = tpu.sem_alloc : memref<!tpu.dma_semaphore, #tpu.memory_space<semaphore_mem>>
      %dma_start3A_64 = arith.constant 0 : i32
      %dma_start3A_65 = tpu.memref_slice %arg7[%add3A_46, %dma_start3A_64] : memref<4096x128xf32, #tpu.memory_space<hbm>> -> memref<64x128xf32, #tpu.memory_space<hbm>>
      %dma_start3A_66 = arith.constant 0 : i32
      %dma_start3A_67 = tpu.memref_slice %arg7[%add3A_46, %dma_start3A_66] : memref<4096x128xf32, #tpu.memory_space<hbm>> -> memref<64x128xf32, #tpu.memory_space<hbm>>
      tpu.enqueue_dma source(%arg21 : memref<64x128xf32, #tpu.memory_space<vmem>>) target(%dma_start3A_67 : memref<64x128xf32, #tpu.memory_space<hbm>>) target_semaphore(%run_scoped3A : memref<!tpu.dma_semaphore, #tpu.memory_space<semaphore_mem>>)
      %dma_wait3A_68 = arith.constant 0 : i32
      %dma_wait3A_69 = tpu.memref_slice %arg7[%add3A_46, %dma_wait3A_68] : memref<4096x128xf32, #tpu.memory_space<hbm>> -> memref<64x128xf32, #tpu.memory_space<hbm>>
      %dma_wait3A_70 = arith.constant 0 : i32
      %dma_wait3A_71 = tpu.memref_slice %arg7[%add3A_46, %dma_wait3A_70] : memref<4096x128xf32, #tpu.memory_space<hbm>> -> memref<64x128xf32, #tpu.memory_space<hbm>>
      tpu.wait_dma2 semaphore(%run_scoped3A : memref<!tpu.dma_semaphore, #tpu.memory_space<semaphore_mem>>) src(%arg21 : memref<64x128xf32, #tpu.memory_space<vmem>>) dst(%dma_wait3A_71 : memref<64x128xf32, #tpu.memory_space<hbm>>)
      tpu.yield
    }) : () -> ()
    %dma_wait3A_47 = arith.constant 0 : i32
    %dma_wait3A_48 = arith.constant 0 : i32
    %dma_wait3A_49 = tpu.memref_slice %arg2[%dma_wait3A_47, %dma_wait3A_48] : memref<100001x64xf32, #tpu.memory_space<hbm>> -> memref<100001x64xf32, #tpu.memory_space<hbm>>
    tpu.wait_indirect_dma semaphore(%arg25 : memref<!tpu.dma_semaphore, #tpu.memory_space<semaphore_mem>>) src(%dma_wait3A_49 : memref<100001x64xf32, #tpu.memory_space<hbm>>) dst(%arg17 : memref<64x64xf32, #tpu.memory_space<vmem>>)
    %dma_wait3A_50 = arith.constant 0 : i32
    %dma_wait3A_51 = arith.constant 0 : i32
    %dma_wait3A_52 = tpu.memref_slice %arg2[%dma_wait3A_50, %dma_wait3A_51] : memref<100001x64xf32, #tpu.memory_space<hbm>> -> memref<100001x64xf32, #tpu.memory_space<hbm>>
    tpu.wait_indirect_dma semaphore(%arg26 : memref<!tpu.dma_semaphore, #tpu.memory_space<semaphore_mem>>) src(%dma_wait3A_52 : memref<100001x64xf32, #tpu.memory_space<hbm>>) dst(%arg18 : memref<256x64xf32, #tpu.memory_space<vmem>>)
    %dma_wait3A_53 = arith.constant 0 : i32
    %dma_wait3A_54 = arith.constant 0 : i32
    %dma_wait3A_55 = tpu.memref_slice %arg2[%dma_wait3A_53, %dma_wait3A_54] : memref<100001x64xf32, #tpu.memory_space<hbm>> -> memref<100001x64xf32, #tpu.memory_space<hbm>>
    tpu.wait_indirect_dma semaphore(%arg27 : memref<!tpu.dma_semaphore, #tpu.memory_space<semaphore_mem>>) src(%dma_wait3A_55 : memref<100001x64xf32, #tpu.memory_space<hbm>>) dst(%arg19 : memref<320x64xf32, #tpu.memory_space<vmem>>)
    %scan3A_56 = arith.constant 0 : i32
    %scan3A_57 = arith.constant 0 : i32
    %scan3A_58 = arith.constant 64 : i32
    %scan3A_59 = arith.addi %scan3A_57, %scan3A_58 : i32
    %scan3A_60 = arith.constant 1 : i32
    scf.for %scan3A_64 = %scan3A_57 to %scan3A_59 step %scan3A_60  : i32 {
      %get3A = arith.index_cast %scan3A_64 : i32 to index
      %get3A_65 = arith.constant 0 : index
      %get3A_66 = tpu.vector_load %arg17[%get3A, %get3A_65] {strides = array<i32>} : memref<64x64xf32, #tpu.memory_space<vmem>>, vector<1x16xf32>,
      %get3A_67 = vector.shape_cast %get3A_66 : vector<1x16xf32> to vector<16xf32>
      %swap3A = arith.index_cast %scan3A_64 : i32 to index
      %swap3A_68 = arith.constant 0 : index
      %swap3A_69 = tpu.vector_load %arg20[%swap3A, %swap3A_68] {strides = array<i32>} : memref<64x128xf32, #tpu.memory_space<vmem>>, vector<1x16xf32>,
      %swap3A_70 = vector.shape_cast %swap3A_69 : vector<1x16xf32> to vector<16xf32>
      %swap3A_71 = vector.shape_cast %get3A_67 : vector<16xf32> to vector<1x16xf32>
      tpu.vector_store %arg20[%swap3A, %swap3A_68], %swap3A_71 {strides = array<i32>} : memref<64x128xf32, #tpu.memory_space<vmem>>, vector<1x16xf32>,
      %mul3A_72 = arith.constant 4 : i32
      %mul3A_73 = arith.muli %mul3A_72, %scan3A_64 : i32
      %get3A_74 = arith.index_cast %mul3A_73 : i32 to index
      %get3A_75 = arith.constant 0 : index
      %get3A_76 = tpu.vector_load %arg18[%get3A_74, %get3A_75] {strides = array<i32>} : memref<256x64xf32, #tpu.memory_space<vmem>>, vector<1x16xf32>,
      %get3A_77 = vector.shape_cast %get3A_76 : vector<1x16xf32> to vector<16xf32>
      %mul3A_78 = arith.constant 4 : i32
      %mul3A_79 = arith.muli %mul3A_78, %scan3A_64 : i32
      %add3A_80 = arith.constant 1 : i32
      %add3A_81 = arith.addi %mul3A_79, %add3A_80 : i32
      %get3A_82 = arith.index_cast %add3A_81 : i32 to index
      %get3A_83 = arith.constant 0 : index
      %get3A_84 = tpu.vector_load %arg18[%get3A_82, %get3A_83] {strides = array<i32>} : memref<256x64xf32, #tpu.memory_space<vmem>>, vector<1x16xf32>,
      %get3A_85 = vector.shape_cast %get3A_84 : vector<1x16xf32> to vector<16xf32>
      %add3A_86 = arith.addf %get3A_77, %get3A_85 : vector<16xf32>
      %mul3A_87 = arith.constant 4 : i32
      %mul3A_88 = arith.muli %mul3A_87, %scan3A_64 : i32
      %add3A_89 = arith.constant 2 : i32
      %add3A_90 = arith.addi %mul3A_88, %add3A_89 : i32
      %get3A_91 = arith.index_cast %add3A_90 : i32 to index
      %get3A_92 = arith.constant 0 : index
      %get3A_93 = tpu.vector_load %arg18[%get3A_91, %get3A_92] {strides = array<i32>} : memref<256x64xf32, #tpu.memory_space<vmem>>, vector<1x16xf32>,
      %get3A_94 = vector.shape_cast %get3A_93 : vector<1x16xf32> to vector<16xf32>
      %add3A_95 = arith.addf %add3A_86, %get3A_94 : vector<16xf32>
      %mul3A_96 = arith.constant 4 : i32
      %mul3A_97 = arith.muli %mul3A_96, %scan3A_64 : i32
      %add3A_98 = arith.constant 3 : i32
      %add3A_99 = arith.addi %mul3A_97, %add3A_98 : i32
      %get3A_100 = arith.index_cast %add3A_99 : i32 to index
      %get3A_101 = arith.constant 0 : index
      %get3A_102 = tpu.vector_load %arg18[%get3A_100, %get3A_101] {strides = array<i32>} : memref<256x64xf32, #tpu.memory_space<vmem>>, vector<1x16xf32>,
      %get3A_103 = vector.shape_cast %get3A_102 : vector<1x16xf32> to vector<16xf32>
      %add3A_104 = arith.addf %add3A_95, %get3A_103 : vector<16xf32>
      %swap3A_105 = arith.index_cast %scan3A_64 : i32 to index
      %swap3A_106 = arith.constant 64 : index
      %swap3A_107 = tpu.vector_load %arg20[%swap3A_105, %swap3A_106] {strides = array<i32>} : memref<64x128xf32, #tpu.memory_space<vmem>>, vector<1x16xf32>,
      %swap3A_108 = vector.shape_cast %swap3A_107 : vector<1x16xf32> to vector<16xf32>
      %swap3A_109 = vector.shape_cast %add3A_104 : vector<16xf32> to vector<1x16xf32>
      tpu.vector_store %arg20[%swap3A_105, %swap3A_106], %swap3A_109 {strides = array<i32>} : memref<64x128xf32, #tpu.memory_space<vmem>>, vector<1x16xf32>,
      %mul3A_110 = arith.constant 5 : i32
      %mul3A_111 = arith.muli %mul3A_110, %scan3A_64 : i32
      %get3A_112 = arith.index_cast %mul3A_111 : i32 to index
      %get3A_113 = arith.constant 0 : index
      %get3A_114 = tpu.vector_load %arg19[%get3A_112, %get3A_113] {strides = array<i32>} : memref<320x64xf32, #tpu.memory_space<vmem>>, vector<1x16xf32>,
      %get3A_115 = vector.shape_cast %get3A_114 : vector<1x16xf32> to vector<16xf32>
      %mul3A_116 = arith.constant 5 : i32
      %mul3A_117 = arith.muli %mul3A_116, %scan3A_64 : i32
      %add3A_118 = arith.constant 1 : i32
      %add3A_119 = arith.addi %mul3A_117, %add3A_118 : i32
      %get3A_120 = arith.index_cast %add3A_119 : i32 to index
      %get3A_121 = arith.constant 0 : index
      %get3A_122 = tpu.vector_load %arg19[%get3A_120, %get3A_121] {strides = array<i32>} : memref<320x64xf32, #tpu.memory_space<vmem>>, vector<1x16xf32>,
      %get3A_123 = vector.shape_cast %get3A_122 : vector<1x16xf32> to vector<16xf32>
      %add3A_124 = arith.addf %get3A_115, %get3A_123 : vector<16xf32>
      %mul3A_125 = arith.constant 5 : i32
      %mul3A_126 = arith.muli %mul3A_125, %scan3A_64 : i32
      %add3A_127 = arith.constant 2 : i32
      %add3A_128 = arith.addi %mul3A_126, %add3A_127 : i32
      %get3A_129 = arith.index_cast %add3A_128 : i32 to index
      %get3A_130 = arith.constant 0 : index
      %get3A_131 = tpu.vector_load %arg19[%get3A_129, %get3A_130] {strides = array<i32>} : memref<320x64xf32, #tpu.memory_space<vmem>>, vector<1x16xf32>,
      %get3A_132 = vector.shape_cast %get3A_131 : vector<1x16xf32> to vector<16xf32>
      %add3A_133 = arith.addf %add3A_124, %get3A_132 : vector<16xf32>
      %mul3A_134 = arith.constant 5 : i32
      %mul3A_135 = arith.muli %mul3A_134, %scan3A_64 : i32
      %add3A_136 = arith.constant 3 : i32
      %add3A_137 = arith.addi %mul3A_135, %add3A_136 : i32
      %get3A_138 = arith.index_cast %add3A_137 : i32 to index
      %get3A_139 = arith.constant 0 : index
      %get3A_140 = tpu.vector_load %arg19[%get3A_138, %get3A_139] {strides = array<i32>} : memref<320x64xf32, #tpu.memory_space<vmem>>, vector<1x16xf32>,
      %get3A_141 = vector.shape_cast %get3A_140 : vector<1x16xf32> to vector<16xf32>
      %add3A_142 = arith.addf %add3A_133, %get3A_141 : vector<16xf32>
      %mul3A_143 = arith.constant 5 : i32
      %mul3A_144 = arith.muli %mul3A_143, %scan3A_64 : i32
      %add3A_145 = arith.constant 4 : i32
      %add3A_146 = arith.addi %mul3A_144, %add3A_145 : i32
      %get3A_147 = arith.index_cast %add3A_146 : i32 to index
      %get3A_148 = arith.constant 0 : index
      %get3A_149 = tpu.vector_load %arg19[%get3A_147, %get3A_148] {strides = array<i32>} : memref<320x64xf32, #tpu.memory_space<vmem>>, vector<1x16xf32>,
      %get3A_150 = vector.shape_cast %get3A_149 : vector<1x16xf32> to vector<16xf32>
      %add3A_151 = arith.addf %add3A_142, %get3A_150 : vector<16xf32>
      %swap3A_152 = arith.index_cast %scan3A_64 : i32 to index
      %swap3A_153 = arith.constant 0 : index
      %swap3A_154 = tpu.vector_load %arg21[%swap3A_152, %swap3A_153] {strides = array<i32>} : memref<64x128xf32, #tpu.memory_space<vmem>>, vector<1x16xf32>,
      %swap3A_155 = vector.shape_cast %swap3A_154 : vector<1x16xf32> to vector<16xf32>
      %swap3A_156 = vector.shape_cast %add3A_151 : vector<16xf32> to vector<1x16xf32>
      tpu.vector_store %arg21[%swap3A_152, %swap3A_153], %swap3A_156 {strides = array<i32>} : memref<64x128xf32, #tpu.memory_space<vmem>>, vector<1x16xf32>,
      %get3A_157 = arith.index_cast %scan3A_64 : i32 to index
      %get3A_158 = arith.constant 16 : index
      %get3A_159 = tpu.vector_load %arg17[%get3A_157, %get3A_158] {strides = array<i32>} : memref<64x64xf32, #tpu.memory_space<vmem>>, vector<1x16xf32>,
      %get3A_160 = vector.shape_cast %get3A_159 : vector<1x16xf32> to vector<16xf32>
      %swap3A_161 = arith.index_cast %scan3A_64 : i32 to index
      %swap3A_162 = arith.constant 16 : index
      %swap3A_163 = tpu.vector_load %arg20[%swap3A_161, %swap3A_162] {strides = array<i32>} : memref<64x128xf32, #tpu.memory_space<vmem>>, vector<1x16xf32>,
      %swap3A_164 = vector.shape_cast %swap3A_163 : vector<1x16xf32> to vector<16xf32>
      %swap3A_165 = vector.shape_cast %get3A_160 : vector<16xf32> to vector<1x16xf32>
      tpu.vector_store %arg20[%swap3A_161, %swap3A_162], %swap3A_165 {strides = array<i32>} : memref<64x128xf32, #tpu.memory_space<vmem>>, vector<1x16xf32>,
      %mul3A_166 = arith.constant 4 : i32
      %mul3A_167 = arith.muli %mul3A_166, %scan3A_64 : i32
      %get3A_168 = arith.index_cast %mul3A_167 : i32 to index
      %get3A_169 = arith.constant 16 : index
      %get3A_170 = tpu.vector_load %arg18[%get3A_168, %get3A_169] {strides = array<i32>} : memref<256x64xf32, #tpu.memory_space<vmem>>, vector<1x16xf32>,
      %get3A_171 = vector.shape_cast %get3A_170 : vector<1x16xf32> to vector<16xf32>
      %mul3A_172 = arith.constant 4 : i32
      %mul3A_173 = arith.muli %mul3A_172, %scan3A_64 : i32
      %add3A_174 = arith.constant 1 : i32
      %add3A_175 = arith.addi %mul3A_173, %add3A_174 : i32
      %get3A_176 = arith.index_cast %add3A_175 : i32 to index
      %get3A_177 = arith.constant 16 : index
      %get3A_178 = tpu.vector_load %arg18[%get3A_176, %get3A_177] {strides = array<i32>} : memref<256x64xf32, #tpu.memory_space<vmem>>, vector<1x16xf32>,
      %get3A_179 = vector.shape_cast %get3A_178 : vector<1x16xf32> to vector<16xf32>
      %add3A_180 = arith.addf %get3A_171, %get3A_179 : vector<16xf32>
      %mul3A_181 = arith.constant 4 : i32
      %mul3A_182 = arith.muli %mul3A_181, %scan3A_64 : i32
      %add3A_183 = arith.constant 2 : i32
      %add3A_184 = arith.addi %mul3A_182, %add3A_183 : i32
      %get3A_185 = arith.index_cast %add3A_184 : i32 to index
      %get3A_186 = arith.constant 16 : index
      %get3A_187 = tpu.vector_load %arg18[%get3A_185, %get3A_186] {strides = array<i32>} : memref<256x64xf32, #tpu.memory_space<vmem>>, vector<1x16xf32>,
      %get3A_188 = vector.shape_cast %get3A_187 : vector<1x16xf32> to vector<16xf32>
      %add3A_189 = arith.addf %add3A_180, %get3A_188 : vector<16xf32>
      %mul3A_190 = arith.constant 4 : i32
      %mul3A_191 = arith.muli %mul3A_190, %scan3A_64 : i32
      %add3A_192 = arith.constant 3 : i32
      %add3A_193 = arith.addi %mul3A_191, %add3A_192 : i32
      %get3A_194 = arith.index_cast %add3A_193 : i32 to index
      %get3A_195 = arith.constant 16 : index
      %get3A_196 = tpu.vector_load %arg18[%get3A_194, %get3A_195] {strides = array<i32>} : memref<256x64xf32, #tpu.memory_space<vmem>>, vector<1x16xf32>,
      %get3A_197 = vector.shape_cast %get3A_196 : vector<1x16xf32> to vector<16xf32>
      %add3A_198 = arith.addf %add3A_189, %get3A_197 : vector<16xf32>
      %swap3A_199 = arith.index_cast %scan3A_64 : i32 to index
      %swap3A_200 = arith.constant 80 : index
      %swap3A_201 = tpu.vector_load %arg20[%swap3A_199, %swap3A_200] {strides = array<i32>} : memref<64x128xf32, #tpu.memory_space<vmem>>, vector<1x16xf32>,
      %swap3A_202 = vector.shape_cast %swap3A_201 : vector<1x16xf32> to vector<16xf32>
      %swap3A_203 = vector.shape_cast %add3A_198 : vector<16xf32> to vector<1x16xf32>
      tpu.vector_store %arg20[%swap3A_199, %swap3A_200], %swap3A_203 {strides = array<i32>} : memref<64x128xf32, #tpu.memory_space<vmem>>, vector<1x16xf32>,
      %mul3A_204 = arith.constant 5 : i32
      %mul3A_205 = arith.muli %mul3A_204, %scan3A_64 : i32
      %get3A_206 = arith.index_cast %mul3A_205 : i32 to index
      %get3A_207 = arith.constant 16 : index
      %get3A_208 = tpu.vector_load %arg19[%get3A_206, %get3A_207] {strides = array<i32>} : memref<320x64xf32, #tpu.memory_space<vmem>>, vector<1x16xf32>,
      %get3A_209 = vector.shape_cast %get3A_208 : vector<1x16xf32> to vector<16xf32>
      %mul3A_210 = arith.constant 5 : i32
      %mul3A_211 = arith.muli %mul3A_210, %scan3A_64 : i32
      %add3A_212 = arith.constant 1 : i32
      %add3A_213 = arith.addi %mul3A_211, %add3A_212 : i32
      %get3A_214 = arith.index_cast %add3A_213 : i32 to index
      %get3A_215 = arith.constant 16 : index
      %get3A_216 = tpu.vector_load %arg19[%get3A_214, %get3A_215] {strides = array<i32>} : memref<320x64xf32, #tpu.memory_space<vmem>>, vector<1x16xf32>,
      %get3A_217 = vector.shape_cast %get3A_216 : vector<1x16xf32> to vector<16xf32>
      %add3A_218 = arith.addf %get3A_209, %get3A_217 : vector<16xf32>
      %mul3A_219 = arith.constant 5 : i32
      %mul3A_220 = arith.muli %mul3A_219, %scan3A_64 : i32
      %add3A_221 = arith.constant 2 : i32
      %add3A_222 = arith.addi %mul3A_220, %add3A_221 : i32
      %get3A_223 = arith.index_cast %add3A_222 : i32 to index
      %get3A_224 = arith.constant 16 : index
      %get3A_225 = tpu.vector_load %arg19[%get3A_223, %get3A_224] {strides = array<i32>} : memref<320x64xf32, #tpu.memory_space<vmem>>, vector<1x16xf32>,
      %get3A_226 = vector.shape_cast %get3A_225 : vector<1x16xf32> to vector<16xf32>
      %add3A_227 = arith.addf %add3A_218, %get3A_226 : vector<16xf32>
      %mul3A_228 = arith.constant 5 : i32
      %mul3A_229 = arith.muli %mul3A_228, %scan3A_64 : i32
      %add3A_230 = arith.constant 3 : i32
      %add3A_231 = arith.addi %mul3A_229, %add3A_230 : i32
      %get3A_232 = arith.index_cast %add3A_231 : i32 to index
      %get3A_233 = arith.constant 16 : index
      %get3A_234 = tpu.vector_load %arg19[%get3A_232, %get3A_233] {strides = array<i32>} : memref<320x64xf32, #tpu.memory_space<vmem>>, vector<1x16xf32>,
      %get3A_235 = vector.shape_cast %get3A_234 : vector<1x16xf32> to vector<16xf32>
      %add3A_236 = arith.addf %add3A_227, %get3A_235 : vector<16xf32>
      %mul3A_237 = arith.constant 5 : i32
      %mul3A_238 = arith.muli %mul3A_237, %scan3A_64 : i32
      %add3A_239 = arith.constant 4 : i32
      %add3A_240 = arith.addi %mul3A_238, %add3A_239 : i32
      %get3A_241 = arith.index_cast %add3A_240 : i32 to index
      %get3A_242 = arith.constant 16 : index
      %get3A_243 = tpu.vector_load %arg19[%get3A_241, %get3A_242] {strides = array<i32>} : memref<320x64xf32, #tpu.memory_space<vmem>>, vector<1x16xf32>,
      %get3A_244 = vector.shape_cast %get3A_243 : vector<1x16xf32> to vector<16xf32>
      %add3A_245 = arith.addf %add3A_236, %get3A_244 : vector<16xf32>
      %swap3A_246 = arith.index_cast %scan3A_64 : i32 to index
      %swap3A_247 = arith.constant 16 : index
      %swap3A_248 = tpu.vector_load %arg21[%swap3A_246, %swap3A_247] {strides = array<i32>} : memref<64x128xf32, #tpu.memory_space<vmem>>, vector<1x16xf32>,
      %swap3A_249 = vector.shape_cast %swap3A_248 : vector<1x16xf32> to vector<16xf32>
      %swap3A_250 = vector.shape_cast %add3A_245 : vector<16xf32> to vector<1x16xf32>
      tpu.vector_store %arg21[%swap3A_246, %swap3A_247], %swap3A_250 {strides = array<i32>} : memref<64x128xf32, #tpu.memory_space<vmem>>, vector<1x16xf32>,
      %get3A_251 = arith.index_cast %scan3A_64 : i32 to index
      %get3A_252 = arith.constant 32 : index
      %get3A_253 = tpu.vector_load %arg17[%get3A_251, %get3A_252] {strides = array<i32>} : memref<64x64xf32, #tpu.memory_space<vmem>>, vector<1x16xf32>,
      %get3A_254 = vector.shape_cast %get3A_253 : vector<1x16xf32> to vector<16xf32>
      %swap3A_255 = arith.index_cast %scan3A_64 : i32 to index
      %swap3A_256 = arith.constant 32 : index
      %swap3A_257 = tpu.vector_load %arg20[%swap3A_255, %swap3A_256] {strides = array<i32>} : memref<64x128xf32, #tpu.memory_space<vmem>>, vector<1x16xf32>,
      %swap3A_258 = vector.shape_cast %swap3A_257 : vector<1x16xf32> to vector<16xf32>
      %swap3A_259 = vector.shape_cast %get3A_254 : vector<16xf32> to vector<1x16xf32>
      tpu.vector_store %arg20[%swap3A_255, %swap3A_256], %swap3A_259 {strides = array<i32>} : memref<64x128xf32, #tpu.memory_space<vmem>>, vector<1x16xf32>,
      %mul3A_260 = arith.constant 4 : i32
      %mul3A_261 = arith.muli %mul3A_260, %scan3A_64 : i32
      %get3A_262 = arith.index_cast %mul3A_261 : i32 to index
      %get3A_263 = arith.constant 32 : index
      %get3A_264 = tpu.vector_load %arg18[%get3A_262, %get3A_263] {strides = array<i32>} : memref<256x64xf32, #tpu.memory_space<vmem>>, vector<1x16xf32>,
      %get3A_265 = vector.shape_cast %get3A_264 : vector<1x16xf32> to vector<16xf32>
      %mul3A_266 = arith.constant 4 : i32
      %mul3A_267 = arith.muli %mul3A_266, %scan3A_64 : i32
      %add3A_268 = arith.constant 1 : i32
      %add3A_269 = arith.addi %mul3A_267, %add3A_268 : i32
      %get3A_270 = arith.index_cast %add3A_269 : i32 to index
      %get3A_271 = arith.constant 32 : index
      %get3A_272 = tpu.vector_load %arg18[%get3A_270, %get3A_271] {strides = array<i32>} : memref<256x64xf32, #tpu.memory_space<vmem>>, vector<1x16xf32>,
      %get3A_273 = vector.shape_cast %get3A_272 : vector<1x16xf32> to vector<16xf32>
      %add3A_274 = arith.addf %get3A_265, %get3A_273 : vector<16xf32>
      %mul3A_275 = arith.constant 4 : i32
      %mul3A_276 = arith.muli %mul3A_275, %scan3A_64 : i32
      %add3A_277 = arith.constant 2 : i32
      %add3A_278 = arith.addi %mul3A_276, %add3A_277 : i32
      %get3A_279 = arith.index_cast %add3A_278 : i32 to index
      %get3A_280 = arith.constant 32 : index
      %get3A_281 = tpu.vector_load %arg18[%get3A_279, %get3A_280] {strides = array<i32>} : memref<256x64xf32, #tpu.memory_space<vmem>>, vector<1x16xf32>,
      %get3A_282 = vector.shape_cast %get3A_281 : vector<1x16xf32> to vector<16xf32>
      %add3A_283 = arith.addf %add3A_274, %get3A_282 : vector<16xf32>
      %mul3A_284 = arith.constant 4 : i32
      %mul3A_285 = arith.muli %mul3A_284, %scan3A_64 : i32
      %add3A_286 = arith.constant 3 : i32
      %add3A_287 = arith.addi %mul3A_285, %add3A_286 : i32
      %get3A_288 = arith.index_cast %add3A_287 : i32 to index
      %get3A_289 = arith.constant 32 : index
      %get3A_290 = tpu.vector_load %arg18[%get3A_288, %get3A_289] {strides = array<i32>} : memref<256x64xf32, #tpu.memory_space<vmem>>, vector<1x16xf32>,
      %get3A_291 = vector.shape_cast %get3A_290 : vector<1x16xf32> to vector<16xf32>
      %add3A_292 = arith.addf %add3A_283, %get3A_291 : vector<16xf32>
      %swap3A_293 = arith.index_cast %scan3A_64 : i32 to index
      %swap3A_294 = arith.constant 96 : index
      %swap3A_295 = tpu.vector_load %arg20[%swap3A_293, %swap3A_294] {strides = array<i32>} : memref<64x128xf32, #tpu.memory_space<vmem>>, vector<1x16xf32>,
      %swap3A_296 = vector.shape_cast %swap3A_295 : vector<1x16xf32> to vector<16xf32>
      %swap3A_297 = vector.shape_cast %add3A_292 : vector<16xf32> to vector<1x16xf32>
      tpu.vector_store %arg20[%swap3A_293, %swap3A_294], %swap3A_297 {strides = array<i32>} : memref<64x128xf32, #tpu.memory_space<vmem>>, vector<1x16xf32>,
      %mul3A_298 = arith.constant 5 : i32
      %mul3A_299 = arith.muli %mul3A_298, %scan3A_64 : i32
      %get3A_300 = arith.index_cast %mul3A_299 : i32 to index
      %get3A_301 = arith.constant 32 : index
      %get3A_302 = tpu.vector_load %arg19[%get3A_300, %get3A_301] {strides = array<i32>} : memref<320x64xf32, #tpu.memory_space<vmem>>, vector<1x16xf32>,
      %get3A_303 = vector.shape_cast %get3A_302 : vector<1x16xf32> to vector<16xf32>
      %mul3A_304 = arith.constant 5 : i32
      %mul3A_305 = arith.muli %mul3A_304, %scan3A_64 : i32
      %add3A_306 = arith.constant 1 : i32
      %add3A_307 = arith.addi %mul3A_305, %add3A_306 : i32
      %get3A_308 = arith.index_cast %add3A_307 : i32 to index
      %get3A_309 = arith.constant 32 : index
      %get3A_310 = tpu.vector_load %arg19[%get3A_308, %get3A_309] {strides = array<i32>} : memref<320x64xf32, #tpu.memory_space<vmem>>, vector<1x16xf32>,
      %get3A_311 = vector.shape_cast %get3A_310 : vector<1x16xf32> to vector<16xf32>
      %add3A_312 = arith.addf %get3A_303, %get3A_311 : vector<16xf32>
      %mul3A_313 = arith.constant 5 : i32
      %mul3A_314 = arith.muli %mul3A_313, %scan3A_64 : i32
      %add3A_315 = arith.constant 2 : i32
      %add3A_316 = arith.addi %mul3A_314, %add3A_315 : i32
      %get3A_317 = arith.index_cast %add3A_316 : i32 to index
      %get3A_318 = arith.constant 32 : index
      %get3A_319 = tpu.vector_load %arg19[%get3A_317, %get3A_318] {strides = array<i32>} : memref<320x64xf32, #tpu.memory_space<vmem>>, vector<1x16xf32>,
      %get3A_320 = vector.shape_cast %get3A_319 : vector<1x16xf32> to vector<16xf32>
      %add3A_321 = arith.addf %add3A_312, %get3A_320 : vector<16xf32>
      %mul3A_322 = arith.constant 5 : i32
      %mul3A_323 = arith.muli %mul3A_322, %scan3A_64 : i32
      %add3A_324 = arith.constant 3 : i32
      %add3A_325 = arith.addi %mul3A_323, %add3A_324 : i32
      %get3A_326 = arith.index_cast %add3A_325 : i32 to index
      %get3A_327 = arith.constant 32 : index
      %get3A_328 = tpu.vector_load %arg19[%get3A_326, %get3A_327] {strides = array<i32>} : memref<320x64xf32, #tpu.memory_space<vmem>>, vector<1x16xf32>,
      %get3A_329 = vector.shape_cast %get3A_328 : vector<1x16xf32> to vector<16xf32>
      %add3A_330 = arith.addf %add3A_321, %get3A_329 : vector<16xf32>
      %mul3A_331 = arith.constant 5 : i32
      %mul3A_332 = arith.muli %mul3A_331, %scan3A_64 : i32
      %add3A_333 = arith.constant 4 : i32
      %add3A_334 = arith.addi %mul3A_332, %add3A_333 : i32
      %get3A_335 = arith.index_cast %add3A_334 : i32 to index
      %get3A_336 = arith.constant 32 : index
      %get3A_337 = tpu.vector_load %arg19[%get3A_335, %get3A_336] {strides = array<i32>} : memref<320x64xf32, #tpu.memory_space<vmem>>, vector<1x16xf32>,
      %get3A_338 = vector.shape_cast %get3A_337 : vector<1x16xf32> to vector<16xf32>
      %add3A_339 = arith.addf %add3A_330, %get3A_338 : vector<16xf32>
      %swap3A_340 = arith.index_cast %scan3A_64 : i32 to index
      %swap3A_341 = arith.constant 32 : index
      %swap3A_342 = tpu.vector_load %arg21[%swap3A_340, %swap3A_341] {strides = array<i32>} : memref<64x128xf32, #tpu.memory_space<vmem>>, vector<1x16xf32>,
      %swap3A_343 = vector.shape_cast %swap3A_342 : vector<1x16xf32> to vector<16xf32>
      %swap3A_344 = vector.shape_cast %add3A_339 : vector<16xf32> to vector<1x16xf32>
      tpu.vector_store %arg21[%swap3A_340, %swap3A_341], %swap3A_344 {strides = array<i32>} : memref<64x128xf32, #tpu.memory_space<vmem>>, vector<1x16xf32>,
      %get3A_345 = arith.index_cast %scan3A_64 : i32 to index
      %get3A_346 = arith.constant 48 : index
      %get3A_347 = tpu.vector_load %arg17[%get3A_345, %get3A_346] {strides = array<i32>} : memref<64x64xf32, #tpu.memory_space<vmem>>, vector<1x16xf32>,
      %get3A_348 = vector.shape_cast %get3A_347 : vector<1x16xf32> to vector<16xf32>
      %swap3A_349 = arith.index_cast %scan3A_64 : i32 to index
      %swap3A_350 = arith.constant 48 : index
      %swap3A_351 = tpu.vector_load %arg20[%swap3A_349, %swap3A_350] {strides = array<i32>} : memref<64x128xf32, #tpu.memory_space<vmem>>, vector<1x16xf32>,
      %swap3A_352 = vector.shape_cast %swap3A_351 : vector<1x16xf32> to vector<16xf32>
      %swap3A_353 = vector.shape_cast %get3A_348 : vector<16xf32> to vector<1x16xf32>
      tpu.vector_store %arg20[%swap3A_349, %swap3A_350], %swap3A_353 {strides = array<i32>} : memref<64x128xf32, #tpu.memory_space<vmem>>, vector<1x16xf32>,
      %mul3A_354 = arith.constant 4 : i32
      %mul3A_355 = arith.muli %mul3A_354, %scan3A_64 : i32
      %get3A_356 = arith.index_cast %mul3A_355 : i32 to index
      %get3A_357 = arith.constant 48 : index
      %get3A_358 = tpu.vector_load %arg18[%get3A_356, %get3A_357] {strides = array<i32>} : memref<256x64xf32, #tpu.memory_space<vmem>>, vector<1x16xf32>,
      %get3A_359 = vector.shape_cast %get3A_358 : vector<1x16xf32> to vector<16xf32>
      %mul3A_360 = arith.constant 4 : i32
      %mul3A_361 = arith.muli %mul3A_360, %scan3A_64 : i32
      %add3A_362 = arith.constant 1 : i32
      %add3A_363 = arith.addi %mul3A_361, %add3A_362 : i32
      %get3A_364 = arith.index_cast %add3A_363 : i32 to index
      %get3A_365 = arith.constant 48 : index
      %get3A_366 = tpu.vector_load %arg18[%get3A_364, %get3A_365] {strides = array<i32>} : memref<256x64xf32, #tpu.memory_space<vmem>>, vector<1x16xf32>,
      %get3A_367 = vector.shape_cast %get3A_366 : vector<1x16xf32> to vector<16xf32>
      %add3A_368 = arith.addf %get3A_359, %get3A_367 : vector<16xf32>
      %mul3A_369 = arith.constant 4 : i32
      %mul3A_370 = arith.muli %mul3A_369, %scan3A_64 : i32
      %add3A_371 = arith.constant 2 : i32
      %add3A_372 = arith.addi %mul3A_370, %add3A_371 : i32
      %get3A_373 = arith.index_cast %add3A_372 : i32 to index
      %get3A_374 = arith.constant 48 : index
      %get3A_375 = tpu.vector_load %arg18[%get3A_373, %get3A_374] {strides = array<i32>} : memref<256x64xf32, #tpu.memory_space<vmem>>, vector<1x16xf32>,
      %get3A_376 = vector.shape_cast %get3A_375 : vector<1x16xf32> to vector<16xf32>
      %add3A_377 = arith.addf %add3A_368, %get3A_376 : vector<16xf32>
      %mul3A_378 = arith.constant 4 : i32
      %mul3A_379 = arith.muli %mul3A_378, %scan3A_64 : i32
      %add3A_380 = arith.constant 3 : i32
      %add3A_381 = arith.addi %mul3A_379, %add3A_380 : i32
      %get3A_382 = arith.index_cast %add3A_381 : i32 to index
      %get3A_383 = arith.constant 48 : index
      %get3A_384 = tpu.vector_load %arg18[%get3A_382, %get3A_383] {strides = array<i32>} : memref<256x64xf32, #tpu.memory_space<vmem>>, vector<1x16xf32>,
      %get3A_385 = vector.shape_cast %get3A_384 : vector<1x16xf32> to vector<16xf32>
      %add3A_386 = arith.addf %add3A_377, %get3A_385 : vector<16xf32>
      %swap3A_387 = arith.index_cast %scan3A_64 : i32 to index
      %swap3A_388 = arith.constant 112 : index
      %swap3A_389 = tpu.vector_load %arg20[%swap3A_387, %swap3A_388] {strides = array<i32>} : memref<64x128xf32, #tpu.memory_space<vmem>>, vector<1x16xf32>,
      %swap3A_390 = vector.shape_cast %swap3A_389 : vector<1x16xf32> to vector<16xf32>
      %swap3A_391 = vector.shape_cast %add3A_386 : vector<16xf32> to vector<1x16xf32>
      tpu.vector_store %arg20[%swap3A_387, %swap3A_388], %swap3A_391 {strides = array<i32>} : memref<64x128xf32, #tpu.memory_space<vmem>>, vector<1x16xf32>,
      %mul3A_392 = arith.constant 5 : i32
      %mul3A_393 = arith.muli %mul3A_392, %scan3A_64 : i32
      %get3A_394 = arith.index_cast %mul3A_393 : i32 to index
      %get3A_395 = arith.constant 48 : index
      %get3A_396 = tpu.vector_load %arg19[%get3A_394, %get3A_395] {strides = array<i32>} : memref<320x64xf32, #tpu.memory_space<vmem>>, vector<1x16xf32>,
      %get3A_397 = vector.shape_cast %get3A_396 : vector<1x16xf32> to vector<16xf32>
      %mul3A_398 = arith.constant 5 : i32
      %mul3A_399 = arith.muli %mul3A_398, %scan3A_64 : i32
      %add3A_400 = arith.constant 1 : i32
      %add3A_401 = arith.addi %mul3A_399, %add3A_400 : i32
      %get3A_402 = arith.index_cast %add3A_401 : i32 to index
      %get3A_403 = arith.constant 48 : index
      %get3A_404 = tpu.vector_load %arg19[%get3A_402, %get3A_403] {strides = array<i32>} : memref<320x64xf32, #tpu.memory_space<vmem>>, vector<1x16xf32>,
      %get3A_405 = vector.shape_cast %get3A_404 : vector<1x16xf32> to vector<16xf32>
      %add3A_406 = arith.addf %get3A_397, %get3A_405 : vector<16xf32>
      %mul3A_407 = arith.constant 5 : i32
      %mul3A_408 = arith.muli %mul3A_407, %scan3A_64 : i32
      %add3A_409 = arith.constant 2 : i32
      %add3A_410 = arith.addi %mul3A_408, %add3A_409 : i32
      %get3A_411 = arith.index_cast %add3A_410 : i32 to index
      %get3A_412 = arith.constant 48 : index
      %get3A_413 = tpu.vector_load %arg19[%get3A_411, %get3A_412] {strides = array<i32>} : memref<320x64xf32, #tpu.memory_space<vmem>>, vector<1x16xf32>,
      %get3A_414 = vector.shape_cast %get3A_413 : vector<1x16xf32> to vector<16xf32>
      %add3A_415 = arith.addf %add3A_406, %get3A_414 : vector<16xf32>
      %mul3A_416 = arith.constant 5 : i32
      %mul3A_417 = arith.muli %mul3A_416, %scan3A_64 : i32
      %add3A_418 = arith.constant 3 : i32
      %add3A_419 = arith.addi %mul3A_417, %add3A_418 : i32
      %get3A_420 = arith.index_cast %add3A_419 : i32 to index
      %get3A_421 = arith.constant 48 : index
      %get3A_422 = tpu.vector_load %arg19[%get3A_420, %get3A_421] {strides = array<i32>} : memref<320x64xf32, #tpu.memory_space<vmem>>, vector<1x16xf32>,
      %get3A_423 = vector.shape_cast %get3A_422 : vector<1x16xf32> to vector<16xf32>
      %add3A_424 = arith.addf %add3A_415, %get3A_423 : vector<16xf32>
      %mul3A_425 = arith.constant 5 : i32
      %mul3A_426 = arith.muli %mul3A_425, %scan3A_64 : i32
      %add3A_427 = arith.constant 4 : i32
      %add3A_428 = arith.addi %mul3A_426, %add3A_427 : i32
      %get3A_429 = arith.index_cast %add3A_428 : i32 to index
      %get3A_430 = arith.constant 48 : index
      %get3A_431 = tpu.vector_load %arg19[%get3A_429, %get3A_430] {strides = array<i32>} : memref<320x64xf32, #tpu.memory_space<vmem>>, vector<1x16xf32>,
      %get3A_432 = vector.shape_cast %get3A_431 : vector<1x16xf32> to vector<16xf32>
      %add3A_433 = arith.addf %add3A_424, %get3A_432 : vector<16xf32>
      %swap3A_434 = arith.index_cast %scan3A_64 : i32 to index
      %swap3A_435 = arith.constant 48 : index
      %swap3A_436 = tpu.vector_load %arg21[%swap3A_434, %swap3A_435] {strides = array<i32>} : memref<64x128xf32, #tpu.memory_space<vmem>>, vector<1x16xf32>,
      %swap3A_437 = vector.shape_cast %swap3A_436 : vector<1x16xf32> to vector<16xf32>
      %swap3A_438 = vector.shape_cast %add3A_433 : vector<16xf32> to vector<1x16xf32>
      tpu.vector_store %arg21[%swap3A_434, %swap3A_435], %swap3A_438 {strides = array<i32>} : memref<64x128xf32, #tpu.memory_space<vmem>>, vector<1x16xf32>,
    }
    %scan3A_61 = arith.constant 64 : i32
    %add3A_62 = arith.constant 64 : i32
    %add3A_63 = arith.addi %mul3A_2, %add3A_62 : i32
    "tpu.region"() ({
      %run_scoped3A = tpu.sem_alloc : memref<!tpu.dma_semaphore, #tpu.memory_space<semaphore_mem>>
      %dma_start3A_64 = arith.constant 0 : i32
      %dma_start3A_65 = tpu.memref_slice %arg6[%add3A_63, %dma_start3A_64] : memref<4096x128xf32, #tpu.memory_space<hbm>> -> memref<64x128xf32, #tpu.memory_space<hbm>>
      %dma_start3A_66 = arith.constant 0 : i32
      %dma_start3A_67 = tpu.memref_slice %arg6[%add3A_63, %dma_start3A_66] : memref<4096x128xf32, #tpu.memory_space<hbm>> -> memref<64x128xf32, #tpu.memory_space<hbm>>
      tpu.enqueue_dma source(%arg20 : memref<64x128xf32, #tpu.memory_space<vmem>>) target(%dma_start3A_67 : memref<64x128xf32, #tpu.memory_space<hbm>>) target_semaphore(%run_scoped3A : memref<!tpu.dma_semaphore, #tpu.memory_space<semaphore_mem>>)
      %dma_wait3A_68 = arith.constant 0 : i32
      %dma_wait3A_69 = tpu.memref_slice %arg6[%add3A_63, %dma_wait3A_68] : memref<4096x128xf32, #tpu.memory_space<hbm>> -> memref<64x128xf32, #tpu.memory_space<hbm>>
      %dma_wait3A_70 = arith.constant 0 : i32
      %dma_wait3A_71 = tpu.memref_slice %arg6[%add3A_63, %dma_wait3A_70] : memref<4096x128xf32, #tpu.memory_space<hbm>> -> memref<64x128xf32, #tpu.memory_space<hbm>>
      tpu.wait_dma2 semaphore(%run_scoped3A : memref<!tpu.dma_semaphore, #tpu.memory_space<semaphore_mem>>) src(%arg20 : memref<64x128xf32, #tpu.memory_space<vmem>>) dst(%dma_wait3A_71 : memref<64x128xf32, #tpu.memory_space<hbm>>)
      tpu.yield
    }) : () -> ()
    "tpu.region"() ({
      %run_scoped3A = tpu.sem_alloc : memref<!tpu.dma_semaphore, #tpu.memory_space<semaphore_mem>>
      %dma_start3A_64 = arith.constant 0 : i32
      %dma_start3A_65 = tpu.memref_slice %arg7[%add3A_63, %dma_start3A_64] : memref<4096x128xf32, #tpu.memory_space<hbm>> -> memref<64x128xf32, #tpu.memory_space<hbm>>
      %dma_start3A_66 = arith.constant 0 : i32
      %dma_start3A_67 = tpu.memref_slice %arg7[%add3A_63, %dma_start3A_66] : memref<4096x128xf32, #tpu.memory_space<hbm>> -> memref<64x128xf32, #tpu.memory_space<hbm>>
      tpu.enqueue_dma source(%arg21 : memref<64x128xf32, #tpu.memory_space<vmem>>) target(%dma_start3A_67 : memref<64x128xf32, #tpu.memory_space<hbm>>) target_semaphore(%run_scoped3A : memref<!tpu.dma_semaphore, #tpu.memory_space<semaphore_mem>>)
      %dma_wait3A_68 = arith.constant 0 : i32
      %dma_wait3A_69 = tpu.memref_slice %arg7[%add3A_63, %dma_wait3A_68] : memref<4096x128xf32, #tpu.memory_space<hbm>> -> memref<64x128xf32, #tpu.memory_space<hbm>>
      %dma_wait3A_70 = arith.constant 0 : i32
      %dma_wait3A_71 = tpu.memref_slice %arg7[%add3A_63, %dma_wait3A_70] : memref<4096x128xf32, #tpu.memory_space<hbm>> -> memref<64x128xf32, #tpu.memory_space<hbm>>
      tpu.wait_dma2 semaphore(%run_scoped3A : memref<!tpu.dma_semaphore, #tpu.memory_space<semaphore_mem>>) src(%arg21 : memref<64x128xf32, #tpu.memory_space<vmem>>) dst(%dma_wait3A_71 : memref<64x128xf32, #tpu.memory_space<hbm>>)
      tpu.yield
    }) : () -> ()
    return
  }
}

module attributes {stable_mosaic.version = 14 : i64} {
  func.func @_mlp_body(%arg0: i32, %arg1: memref<512x128xf32, #tpu.memory_space<vmem>>, %arg2: memref<512x128xf32, #tpu.memory_space<vmem>>, %arg3: memref<512x5xi32, #tpu.memory_space<vmem>>, %arg4: memref<85x256xbf16, #tpu.memory_space<vmem>>, %arg5: memref<256x272xbf16, #tpu.memory_space<vmem>>, %arg6: memref<1x256xf32, #tpu.memory_space<vmem>>, %arg7: memref<128x256xbf16, #tpu.memory_space<vmem>>, %arg8: memref<1x128xf32, #tpu.memory_space<vmem>>, %arg9: memref<1x128xf32, #tpu.memory_space<vmem>>, %arg10: memref<1x1xf32, #tpu.memory_space<vmem>>, %arg11: memref<8x512xf32, #tpu.memory_space<vmem>>) attributes {dimension_semantics = [#tpu.dimension_semantics<arbitrary>], iteration_bounds = array<i64: 8>, scalar_prefetch = 0 : i64, scratch_operands = 0 : i64, tpu.core_type = #tpu.core_type<tc>, window_params = [{transform_indices = @transform_0, window_bounds = array<i64: 512, 128>}, {transform_indices = @transform_1, window_bounds = array<i64: 512, 128>}, {transform_indices = @transform_2, window_bounds = array<i64: 512, 5>}, {pipeline_mode = #tpu.pipeline_mode<synchronous>, transform_indices = @transform_3, window_bounds = array<i64: 85, 256>}, {pipeline_mode = #tpu.pipeline_mode<synchronous>, transform_indices = @transform_4, window_bounds = array<i64: 256, 272>}, {pipeline_mode = #tpu.pipeline_mode<synchronous>, transform_indices = @transform_5, window_bounds = array<i64: 1, 256>}, {pipeline_mode = #tpu.pipeline_mode<synchronous>, transform_indices = @transform_6, window_bounds = array<i64: 128, 256>}, {pipeline_mode = #tpu.pipeline_mode<synchronous>, transform_indices = @transform_7, window_bounds = array<i64: 1, 128>}, {pipeline_mode = #tpu.pipeline_mode<synchronous>, transform_indices = @transform_8, window_bounds = array<i64: 1, 128>}, {pipeline_mode = #tpu.pipeline_mode<synchronous>, transform_indices = @transform_9, window_bounds = array<i64: 1, 1>}, {pipeline_mode = #tpu.pipeline_mode<synchronous>, transform_indices = @transform_10, window_bounds = array<i64: 8, 512>}]} {
    %get3A = arith.constant 0 : index
    %get3A_0 = arith.constant 0 : index
    %get3A_1 = vector.load %arg3[%get3A, %get3A_0] : memref<512x5xi32, #tpu.memory_space<vmem>>, vector<512x5xi32>
    %slice3A = vector.extract_strided_slice %get3A_1 {offsets = [0, 0], sizes = [512, 1], strides = [1, 1]} : vector<512x5xi32> to vector<512x1xi32>
    %iota3A = tpu.iota {dimensions = array<i32: 1>} : vector<1x17xi32>
    %eq3A = vector.broadcast %slice3A : vector<512x1xi32> to vector<512x17xi32>
    %eq3A_2 = vector.broadcast %iota3A : vector<1x17xi32> to vector<512x17xi32>
    %eq3A_3 = arith.cmpi eq, %eq3A, %eq3A_2 : vector<512x17xi32>
    %convert_element_type3A = arith.extui %eq3A_3 : vector<512x17xi1> to vector<512x17xi32>
    %convert_element_type3A_4 = arith.sitofp %convert_element_type3A : vector<512x17xi32> to vector<512x17xf32>
    %convert_element_type3A_5 = arith.truncf %convert_element_type3A_4 : vector<512x17xf32> to vector<512x17xbf16>
    %slice3A_6 = vector.extract_strided_slice %get3A_1 {offsets = [0, 1], sizes = [512, 1], strides = [1, 1]} : vector<512x5xi32> to vector<512x1xi32>
    %iota3A_7 = tpu.iota {dimensions = array<i32: 1>} : vector<1x17xi32>
    %eq3A_8 = vector.broadcast %slice3A_6 : vector<512x1xi32> to vector<512x17xi32>
    %eq3A_9 = vector.broadcast %iota3A_7 : vector<1x17xi32> to vector<512x17xi32>
    %eq3A_10 = arith.cmpi eq, %eq3A_8, %eq3A_9 : vector<512x17xi32>
    %convert_element_type3A_11 = arith.extui %eq3A_10 : vector<512x17xi1> to vector<512x17xi32>
    %convert_element_type3A_12 = arith.sitofp %convert_element_type3A_11 : vector<512x17xi32> to vector<512x17xf32>
    %convert_element_type3A_13 = arith.truncf %convert_element_type3A_12 : vector<512x17xf32> to vector<512x17xbf16>
    %slice3A_14 = vector.extract_strided_slice %get3A_1 {offsets = [0, 2], sizes = [512, 1], strides = [1, 1]} : vector<512x5xi32> to vector<512x1xi32>
    %iota3A_15 = tpu.iota {dimensions = array<i32: 1>} : vector<1x17xi32>
    %eq3A_16 = vector.broadcast %slice3A_14 : vector<512x1xi32> to vector<512x17xi32>
    %eq3A_17 = vector.broadcast %iota3A_15 : vector<1x17xi32> to vector<512x17xi32>
    %eq3A_18 = arith.cmpi eq, %eq3A_16, %eq3A_17 : vector<512x17xi32>
    %convert_element_type3A_19 = arith.extui %eq3A_18 : vector<512x17xi1> to vector<512x17xi32>
    %convert_element_type3A_20 = arith.sitofp %convert_element_type3A_19 : vector<512x17xi32> to vector<512x17xf32>
    %convert_element_type3A_21 = arith.truncf %convert_element_type3A_20 : vector<512x17xf32> to vector<512x17xbf16>
    %slice3A_22 = vector.extract_strided_slice %get3A_1 {offsets = [0, 3], sizes = [512, 1], strides = [1, 1]} : vector<512x5xi32> to vector<512x1xi32>
    %iota3A_23 = tpu.iota {dimensions = array<i32: 1>} : vector<1x17xi32>
    %eq3A_24 = vector.broadcast %slice3A_22 : vector<512x1xi32> to vector<512x17xi32>
    %eq3A_25 = vector.broadcast %iota3A_23 : vector<1x17xi32> to vector<512x17xi32>
    %eq3A_26 = arith.cmpi eq, %eq3A_24, %eq3A_25 : vector<512x17xi32>
    %convert_element_type3A_27 = arith.extui %eq3A_26 : vector<512x17xi1> to vector<512x17xi32>
    %convert_element_type3A_28 = arith.sitofp %convert_element_type3A_27 : vector<512x17xi32> to vector<512x17xf32>
    %convert_element_type3A_29 = arith.truncf %convert_element_type3A_28 : vector<512x17xf32> to vector<512x17xbf16>
    %slice3A_30 = vector.extract_strided_slice %get3A_1 {offsets = [0, 4], sizes = [512, 1], strides = [1, 1]} : vector<512x5xi32> to vector<512x1xi32>
    %iota3A_31 = tpu.iota {dimensions = array<i32: 1>} : vector<1x17xi32>
    %eq3A_32 = vector.broadcast %slice3A_30 : vector<512x1xi32> to vector<512x17xi32>
    %eq3A_33 = vector.broadcast %iota3A_31 : vector<1x17xi32> to vector<512x17xi32>
    %eq3A_34 = arith.cmpi eq, %eq3A_32, %eq3A_33 : vector<512x17xi32>
    %convert_element_type3A_35 = arith.extui %eq3A_34 : vector<512x17xi1> to vector<512x17xi32>
    %convert_element_type3A_36 = arith.sitofp %convert_element_type3A_35 : vector<512x17xi32> to vector<512x17xf32>
    %convert_element_type3A_37 = arith.truncf %convert_element_type3A_36 : vector<512x17xf32> to vector<512x17xbf16>
    %concatenate3A = tpu.concatenate %convert_element_type3A_5, %convert_element_type3A_13, %convert_element_type3A_21, %convert_element_type3A_29, %convert_element_type3A_37 in 1 : vector<512x17xbf16>, vector<512x17xbf16>, vector<512x17xbf16>, vector<512x17xbf16>, vector<512x17xbf16> -> vector<512x85xbf16>
    %get3A_38 = arith.constant 0 : index
    %get3A_39 = arith.constant 0 : index
    %get3A_40 = vector.load %arg1[%get3A_38, %get3A_39] : memref<512x128xf32, #tpu.memory_space<vmem>>, vector<512x128xf32>
    %convert_element_type3A_41 = arith.truncf %get3A_40 : vector<512x128xf32> to vector<512x128xbf16>
    %get3A_42 = arith.constant 0 : index
    %get3A_43 = arith.constant 0 : index
    %get3A_44 = vector.load %arg5[%get3A_42, %get3A_43] : memref<256x272xbf16, #tpu.memory_space<vmem>>, vector<256x128xbf16>
    %dot_general3A = arith.constant dense<0.000000e+00> : vector<512x256xf32>
    %dot_general3A_45 = tpu.matmul %convert_element_type3A_41, %get3A_44, %dot_general3A {dimension_numbers = #tpu.dot_dimension_numbers<[1], [1], [0], [0], [0, 0, 1, 0], [], []>, transpose_lhs_hint = false} : vector<512x128xbf16>, vector<256x128xbf16>, vector<512x256xf32> -> vector<512x256xf32>
    %get3A_46 = arith.constant 0 : index
    %get3A_47 = arith.constant 0 : index
    %get3A_48 = vector.load %arg2[%get3A_46, %get3A_47] : memref<512x128xf32, #tpu.memory_space<vmem>>, vector<512x128xf32>
    %slice3A_49 = vector.extract_strided_slice %get3A_48 {offsets = [0, 0], sizes = [512, 64], strides = [1, 1]} : vector<512x128xf32> to vector<512x64xf32>
    %convert_element_type3A_50 = arith.truncf %slice3A_49 : vector<512x64xf32> to vector<512x64xbf16>
    %get3A_51 = arith.constant 0 : index
    %get3A_52 = arith.constant 128 : index
    %get3A_53 = vector.load %arg5[%get3A_51, %get3A_52] : memref<256x272xbf16, #tpu.memory_space<vmem>>, vector<256x64xbf16>
    %dot_general3A_54 = arith.constant dense<0.000000e+00> : vector<512x256xf32>
    %dot_general3A_55 = tpu.matmul %convert_element_type3A_50, %get3A_53, %dot_general3A_54 {dimension_numbers = #tpu.dot_dimension_numbers<[1], [1], [0], [0], [0, 0, 1, 0], [], []>, transpose_lhs_hint = false} : vector<512x64xbf16>, vector<256x64xbf16>, vector<512x256xf32> -> vector<512x256xf32>
    %add3A = arith.addf %dot_general3A_45, %dot_general3A_55 : vector<512x256xf32>
    %get3A_56 = arith.constant 0 : index
    %get3A_57 = arith.constant 0 : index
    %get3A_58 = vector.load %arg4[%get3A_56, %get3A_57] : memref<85x256xbf16, #tpu.memory_space<vmem>>, vector<85x256xbf16>
    %dot_general3A_59 = arith.constant dense<0.000000e+00> : vector<512x256xf32>
    %dot_general3A_60 = tpu.matmul %concatenate3A, %get3A_58, %dot_general3A_59 {dimension_numbers = #tpu.dot_dimension_numbers<[1], [0], [0], [1], [0, 0, 1, 1], [], []>, transpose_lhs_hint = false} : vector<512x85xbf16>, vector<85x256xbf16>, vector<512x256xf32> -> vector<512x256xf32>
    %add3A_61 = arith.addf %add3A, %dot_general3A_60 : vector<512x256xf32>
    %get3A_62 = arith.constant 0 : index
    %get3A_63 = arith.constant 0 : index
    %get3A_64 = vector.load %arg6[%get3A_62, %get3A_63] : memref<1x256xf32, #tpu.memory_space<vmem>>, vector<1x256xf32>
    %add3A_65 = vector.broadcast %get3A_64 : vector<1x256xf32> to vector<512x256xf32>
    %add3A_66 = arith.addf %add3A_61, %add3A_65 : vector<512x256xf32>
    %max3A = arith.constant 0.000000e+00 : f32
    %max3A_67 = vector.broadcast %max3A : f32 to vector<512x256xf32>
    %max3A_68 = arith.maximumf %add3A_66, %max3A_67 : vector<512x256xf32>
    %convert_element_type3A_69 = arith.truncf %max3A_68 : vector<512x256xf32> to vector<512x256xbf16>
    %get3A_70 = arith.constant 0 : index
    %get3A_71 = arith.constant 0 : index
    %get3A_72 = vector.load %arg7[%get3A_70, %get3A_71] : memref<128x256xbf16, #tpu.memory_space<vmem>>, vector<128x256xbf16>
    %dot_general3A_73 = arith.constant dense<0.000000e+00> : vector<512x128xf32>
    %dot_general3A_74 = tpu.matmul %convert_element_type3A_69, %get3A_72, %dot_general3A_73 {dimension_numbers = #tpu.dot_dimension_numbers<[1], [1], [0], [0], [0, 0, 1, 0], [], []>, transpose_lhs_hint = false} : vector<512x256xbf16>, vector<128x256xbf16>, vector<512x128xf32> -> vector<512x128xf32>
    %get3A_75 = arith.constant 0 : index
    %get3A_76 = arith.constant 0 : index
    %get3A_77 = vector.load %arg8[%get3A_75, %get3A_76] : memref<1x128xf32, #tpu.memory_space<vmem>>, vector<1x128xf32>
    %add3A_78 = vector.broadcast %get3A_77 : vector<1x128xf32> to vector<512x128xf32>
    %add3A_79 = arith.addf %dot_general3A_74, %add3A_78 : vector<512x128xf32>
    %max3A_80 = arith.constant 0.000000e+00 : f32
    %max3A_81 = vector.broadcast %max3A_80 : f32 to vector<512x128xf32>
    %max3A_82 = arith.maximumf %add3A_79, %max3A_81 : vector<512x128xf32>
    %get3A_83 = arith.constant 0 : index
    %get3A_84 = arith.constant 0 : index
    %get3A_85 = vector.load %arg9[%get3A_83, %get3A_84] : memref<1x128xf32, #tpu.memory_space<vmem>>, vector<1x128xf32>
    %dot_general3A_86 = arith.constant dense<0.000000e+00> : vector<1x512xf32>
    %dot_general3A_87 = tpu.matmul %get3A_85, %max3A_82, %dot_general3A_86 {dimension_numbers = #tpu.dot_dimension_numbers<[1], [1], [0], [0], [0, 0, 1, 0], [], []>, transpose_lhs_hint = false} : vector<1x128xf32>, vector<512x128xf32>, vector<1x512xf32> -> vector<1x512xf32>
    %get3A_88 = arith.constant 0 : index
    %get3A_89 = arith.constant 0 : index
    %get3A_90 = vector.load %arg10[%get3A_88, %get3A_89] : memref<1x1xf32, #tpu.memory_space<vmem>>, vector<1x1xf32>
    %add3A_91 = vector.broadcast %get3A_90 : vector<1x1xf32> to vector<1x512xf32>
    %add3A_92 = arith.addf %dot_general3A_87, %add3A_91 : vector<1x512xf32>
    %swap3A = arith.index_cast %arg0 : i32 to index
    %swap3A_93 = arith.constant 0 : index
    %swap3A_94 = vector.load %arg11[%swap3A, %swap3A_93] : memref<8x512xf32, #tpu.memory_space<vmem>>, vector<1x512xf32>
    tpu.vector_store %arg11[%swap3A, %swap3A_93], %add3A_92 {strides = array<i32>} : memref<8x512xf32, #tpu.memory_space<vmem>>, vector<1x512xf32>,
    return
  }
  func.func @transform_0(%arg0: i32) -> (i32, i32) {
    %c0_i32 = arith.constant 0 : i32
    %c0_i32_0 = arith.constant 0 : i32
    return %arg0, %c0_i32 : i32, i32
  }
  func.func @transform_1(%arg0: i32) -> (i32, i32) {
    %c0_i32 = arith.constant 0 : i32
    %c0_i32_0 = arith.constant 0 : i32
    return %arg0, %c0_i32 : i32, i32
  }
  func.func @transform_2(%arg0: i32) -> (i32, i32) {
    %c0_i32 = arith.constant 0 : i32
    %c0_i32_0 = arith.constant 0 : i32
    return %arg0, %c0_i32 : i32, i32
  }
  func.func @transform_3(%arg0: i32) -> (i32, i32) {
    %c0_i32 = arith.constant 0 : i32
    %c0_i32_0 = arith.constant 0 : i32
    %c0_i32_1 = arith.constant 0 : i32
    return %c0_i32, %c0_i32_0 : i32, i32
  }
  func.func @transform_4(%arg0: i32) -> (i32, i32) {
    %c0_i32 = arith.constant 0 : i32
    %c0_i32_0 = arith.constant 0 : i32
    %c0_i32_1 = arith.constant 0 : i32
    return %c0_i32, %c0_i32_0 : i32, i32
  }
  func.func @transform_5(%arg0: i32) -> (i32, i32) {
    %c0_i32 = arith.constant 0 : i32
    %c0_i32_0 = arith.constant 0 : i32
    %c0_i32_1 = arith.constant 0 : i32
    return %c0_i32, %c0_i32_0 : i32, i32
  }
  func.func @transform_6(%arg0: i32) -> (i32, i32) {
    %c0_i32 = arith.constant 0 : i32
    %c0_i32_0 = arith.constant 0 : i32
    %c0_i32_1 = arith.constant 0 : i32
    return %c0_i32, %c0_i32_0 : i32, i32
  }
  func.func @transform_7(%arg0: i32) -> (i32, i32) {
    %c0_i32 = arith.constant 0 : i32
    %c0_i32_0 = arith.constant 0 : i32
    %c0_i32_1 = arith.constant 0 : i32
    return %c0_i32, %c0_i32_0 : i32, i32
  }
  func.func @transform_8(%arg0: i32) -> (i32, i32) {
    %c0_i32 = arith.constant 0 : i32
    %c0_i32_0 = arith.constant 0 : i32
    %c0_i32_1 = arith.constant 0 : i32
    return %c0_i32, %c0_i32_0 : i32, i32
  }
  func.func @transform_9(%arg0: i32) -> (i32, i32) {
    %c0_i32 = arith.constant 0 : i32
    %c0_i32_0 = arith.constant 0 : i32
    %c0_i32_1 = arith.constant 0 : i32
    return %c0_i32, %c0_i32_0 : i32, i32
  }
  func.func @transform_10(%arg0: i32) -> (i32, i32) {
    %c0_i32 = arith.constant 0 : i32
    %c0_i32_0 = arith.constant 0 : i32
    %c0_i32_1 = arith.constant 0 : i32
    return %c0_i32, %c0_i32_0 : i32, i32
  }
}

</mosaic_0001>

<sc_bundles>
// kernel: kernel.10.cloned.1.call-start
scs
__scs_entry_jumppad:
0x0: {  	(pc) =	sbr.rel $0x88, $3  }
0x1: {  	(tag) =	ssettag $0x0;
	lr =	simm.s32 $0x1  }
0x2: {  	[smem:$0x3F91] =	sst lr;
	_ =	strace $0xD0000000  }
0x3: {  	_ = 	snop  }
0x4: {  	_ = 	snop  }
0x5: {  	_ = 	snop  }
0x6: {  	_ = 	snop  }
0x7: {  	_ = 	snop  }
__scs_overlays_trampoline_lowered:
0x8: {  	[smem:$0x3FA0] =	sst s0  }
0x9: {  	[smem:$0x3FA1] =	sst s1  }
0xa: {  	[smem:$0x3FA2] =	sst s2  }
0xb: {  	[smem:$0x3FA3] =	sst s3  }
0xc: {  	[smem:$0x3FA4] =	sst s4  }
0xd: {  	[smem:$0x3FA5] =	sst s5  }
0xe: {  	[smem:$0x3FA6] =	sst s6  }
0xf: {  	[smem:$0x3FA7] =	sst s7  }
0x10: {  	[smem:$0x3FA8] =	sst s8  }
0x11: {  	[smem:$0x3FA9] =	sst s9;
	s0 =	simm.s32 @!p0 $0x0  }
0x12: {  	s1 =	sld [smem:$0x3F8F];
	s0 =	simm.s32 @p0 $0x1  }
0x13: {  	[smem:$0x3FAA] =	sst s0;
	s0 =	simm.s32 @!p1 $0x0  }
0x14: {  	s2 =	sld [smem:$0x3F8E];
	s0 =	simm.s32 @p1 $0x1  }
0x15: {  	[smem:$0x3FAB] =	sst s0;
	s0 =	simm.s32 @!p2 $0x0  }
0x16: {  	s3 =	sld [smem:$0x3FDB];
	s0 =	simm.s32 @p2 $0x1  }
0x17: {  	s4 =	simm.s32 $0x1BF5;
	[smem:$0x3FAD] =	sst s0  }
0x18: {  	s0 =	sld [smem:$0x3F90];
	_ =	swait.ge [sflag:s4], $0x0  }
0x19: {  	s7 =	sld [smem:$0x3F91]  }
0x1a: {  	s8 =	sadd.s32 $0xFFFFE003, lr  }
0x1b: {  	s9 =	sadd.s32 $0xFFFFFEF7, lr;
	s5 =	simm.s32 $0xFFFFFFFF;
	p2 =	slt.u32 s8, $0xFFFFF086  }
0x1c: {  	p1 =	slt.u32 s9, $0xF7A;
	s5 =	simm.s32 @!p2 $0x0  }
0x1d: {  	s5 =	simm.s32 @p1 $0x1;
	p0 =	seq.s32 s7, s2  }
0x1e: {  	s7 =	smul.u32 @!p0 $0xF7A, s2;
	p2 =	seq.s32 @!p0 s5, $0x0  }
0x1f: {  	s9 =	smul.u32 $0xF7A, s1;
	s8 =	simm.s32 @!p0 $0x1BF5;
	p2 =	por !p2, p0  }
0x20: {  	[sflag:s8] =	ssyncset.s32 @!p0 $0xFFFFF086;
	s6 =	sadd.s32 @!p0 s3, s7;
	s7 =	simm.s32 @!p0 $0x108  }
0x21: {  	s3 =	sadd.s32 s3, s9;
	s6 =	sadd.s32 @!p0 $0x88, s6;
	s7 =	simm.s32 @p2 $0x1082  }
0x22: {  	[simem:s7], [sflag:s8] =	dma.local @!p0 [hbm:s6], $0xF7A  }
0x23: {  	s9 =	sor.u32 $0xD0000000, s2;
	s6 =	simm.s32 $0x108;
	_ =	swait.ge @!p0 [sflag:s8], $0x0  }
0x24: {  	s3 =	sadd.s32 $0x88, s3;
	s6 =	simm.s32 @!p1 $0x1082;
	[sflag:s4] =	ssyncset.s32 $0xFFFFF086  }
0x25: {  	[simem:s6], [sflag:s4] =	dma.local [hbm:s3], $0xF7A  }
0x26: {  	[smem:$0x3F91] =	sst s1;
	(tag) =	ssettag s2;
	_ =	strace s9  }
0x27: {  	s1 =	sld [smem:$0x3FA1]  }
0x28: {  	s2 =	sld [smem:$0x3FA2]  }
0x29: {  	s4 =	sld [smem:$0x3FA4]  }
0x2a: {  	p0 =	seq.s32 s5, $0x0;
	s5 =	sld [smem:$0x3FA5]  }
0x2b: {  	s6 =	sld [smem:$0x3FA6]  }
0x2c: {  	s7 =	sld [smem:$0x3FA7]  }
0x2d: {  	s3 =	simm.s32 $0x108;
	s8 =	sld [smem:$0x3FA8]  }
0x2e: {  	s3 =	simm.s32 @!p0 $0x1082;
	s9 =	sld [smem:$0x3FA9]  }
0x2f: {  	lr =	sadd.s32 s0, s3;
	s0 =	sld [smem:$0x3FA0]  }
0x30: {  	s3 =	sld [smem:$0x3FA3]  }
0x31: {  	[smem:$0x3FAC] =	sst s10  }
0x32: {  	s10 =	sld [smem:$0x3FAA];
	_ =	sdelay $0x3  }
0x33: {  	p0 =	seq.s32 s10, $0x1;
	s10 =	sld [smem:$0x3FAC];
	_ =	sdelay $0x3  }
0x34: {  	[smem:$0x3FAC] =	sst s10  }
0x35: {  	s10 =	sld [smem:$0x3FAB];
	_ =	sdelay $0x3  }
0x36: {  	p1 =	seq.s32 s10, $0x1;
	s10 =	sld [smem:$0x3FAC];
	_ =	sdelay $0x3  }
0x37: {  	[smem:$0x3FAC] =	sst s10  }
0x38: {  	s10 =	sld [smem:$0x3FAD]  }
0x39: {  	_ = 	snop;
	(pc) =	sbr.ind lr, $3  }
0x3a: {  	_ = 	snop  }
0x3b: {  	_ = 	snop  }
0x3c: {  	p2 =	seq.s32 s10, $0x1;
	s10 =	sld [smem:$0x3FAC]  }
0x3d: {  	_ =	shalt  }
0x3e: {  	_ =	shalt  }
0x3f: {  	_ =	shalt  }
0x40: {  	_ =	shalt  }
0x41: {  	_ =	shalt  }
0x42: {  	_ =	shalt  }
0x43: {  	_ =	shalt  }
0x44: {  	_ =	shalt  }
0x45: {  	_ =	shalt  }
0x46: {  	_ =	shalt  }
0x47: {  	_ =	shalt  }
0x48: {  	_ =	shalt  }
0x49: {  	_ =	shalt  }
0x4a: {  	_ =	shalt  }
0x4b: {  	_ =	shalt  }
0x4c: {  	_ =	shalt  }
0x4d: {  	_ =	shalt  }
0x4e: {  	_ =	shalt  }
0x4f: {  	_ =	shalt  }
0x50: {  	_ =	shalt  }
0x51: {  	_ =	shalt  }
0x52: {  	_ =	shalt  }
0x53: {  	_ =	shalt  }
0x54: {  	_ =	shalt  }
0x55: {  	_ =	shalt  }
0x56: {  	_ =	shalt  }
0x57: {  	_ =	shalt  }
0x58: {  	_ =	shalt  }
0x59: {  	_ =	shalt  }
0x5a: {  	_ =	shalt  }
0x5b: {  	_ =	shalt  }
0x5c: {  	_ =	shalt  }
0x5d: {  	_ =	shalt  }
0x5e: {  	_ =	shalt  }
0x5f: {  	_ =	shalt  }
0x60: {  	_ =	shalt  }
0x61: {  	_ =	shalt  }
0x62: {  	_ =	shalt  }
0x63: {  	_ =	shalt  }
0x64: {  	_ =	shalt  }
0x65: {  	_ =	shalt  }
0x66: {  	_ =	shalt  }
0x67: {  	_ =	shalt  }
0x68: {  	_ =	shalt  }
0x69: {  	_ =	shalt  }
0x6a: {  	_ =	shalt  }
0x6b: {  	_ =	shalt  }
0x6c: {  	_ =	shalt  }
0x6d: {  	_ =	shalt  }
0x6e: {  	_ =	shalt  }
0x6f: {  	_ =	shalt  }
0x70: {  	_ =	shalt  }
0x71: {  	_ =	shalt  }
0x72: {  	_ =	shalt  }
0x73: {  	_ =	shalt  }
0x74: {  	_ =	shalt  }
0x75: {  	_ =	shalt  }
0x76: {  	_ =	shalt  }
0x77: {  	_ =	shalt  }
0x78: {  	_ =	shalt  }
0x79: {  	_ =	shalt  }
0x7a: {  	_ =	shalt  }
0x7b: {  	_ =	shalt  }
0x7c: {  	_ =	shalt  }
0x7d: {  	_ =	shalt  }
0x7e: {  	_ =	shalt  }
0x7f: {  	_ =	shalt  }
0x80: {  	_ =	shalt  }
0x81: {  	_ =	shalt  }
0x82: {  	_ =	shalt  }
0x83: {  	_ =	shalt  }
0x84: {  	_ =	shalt  }
0x85: {  	_ =	shalt  }
0x86: {  	_ =	shalt  }
0x87: {  	_ =	shalt  }
.Lfunc_end0:
.L_simem_size_0:
called_computation_lowered:
.L_overlay_start_0:
0x88: {  	s2 =	sld [smem:$0x3FD9]  }
0x89: {  	s3 =	sld [smem:$0x3FFE];
	_ =	sdelay $0x1  }
0x8a: {  	s1 =	srdreg.scid  }
0x8b: {  	s0 =	sand.u32 $0x1, s1  }
0x8c: {  	s16 =	sshll.u32 s0, $0xA;
	s2 =	sadd.s32 s3, s2  }
0x8d: {  	s2 =	sadd.s32 s2, s16  }
0x8e: {  	[smem:$0x3FB8] =	sst s2  }
0x8f: {  	_ = 	snop  }
0x90: {  	(tm) =	ssettm $0x1  }
0x91: {  	s17 =	sld [smem:$0x3FFB];
	_ =	sdelay $0x3  }
0x92: {  	_ =	strace s17  }
0x93: {  	s2 =	sld [smem:$0x3FFC];
	_ =	sdelay $0x3  }
0x94: {  	_ =	strace s2  }
0x95: {  	s2 =	sld [smem:$0x3FFD];
	_ =	sdelay $0x3  }
0x96: {  	_ =	strace s2  }
0x97: {  	_ =	strace $0x8FFFFFFF  }
0x98: {  	s18 =	sld [smem:$0x3FDB];
	_ =	sdelay $0x1  }
0x99: {  	s19 =	simm.s32 $_scs_section_size  }
0x9a: {  	s4 =	simm.s32 $_size__tile_overlayer_lowered;
	s5 =	simm.s32 $_tile_overlayer_lowered  }
0x9b: {  	s22 =	simm.s32 $0x1BFF;
	s21 =	sshll.u32 s5, $0x1;
	s2 =	sadd.s32 s19, s18  }
0x9c: {  	s6 =	simm.s32 $0x0;
	s20 =	sshll.u32 s4, $0x1;
	s4 =	sadd.s32 s21, s2  }
0x9d: {  	[timem:s6], [sflag:s22] =	dma.local [hbm:s4], s20  }
0x9e: {  	_ =	swait.ge [sflag:s22], s20  }
0x9f: {  	s3 =	ssub.s32 $0x0, s20;
	[sflag:s22] =	ssyncset.done $0x0  }
0xa0: {  	[sflag:s22] =	ssyncadd.s32 s3;
	_ =	sdelay $0x1  }
0xa1: {  	s23 =	simm.s32 $0x1B8B  }
0xa2: {  	_ =	swait.ge [sflag:s23], $0x1  }
0xa3: {  	[sflag:s23] =	ssyncset.done $0x0  }
0xa4: {  	s25 =	simm.s32 $0x1B8E;
	s24 =	sld [smem:$0x3FFE];
	[sflag:s23] =	ssyncadd.s32 $0xFFFFFFFF  }
0xa5: {  	s26 =	simm.s32 $execute0_lowered;
	[smem:$0x3FD2] =	sst s25  }
0xa6: {  	s4 =	sshll.u32 s26, $0x1;
	_ =	strace $0x80000046;
	[dreg:$0x1] =	wrdreg $0xFFFFFFFF  }
0xa7: {  	s28 =	simm.s32 $_size_execute0_lowered;
	s2 =	sadd.s32 s2, s4;
	[dreg:$0x0] =	wrdreg $0x0  }
0xa8: {  	s4 =	sshll.u32 s28, $0x1;
	[dreg:$0x2] =	wrdreg s2  }
0xa9: {  	[dreg:$0x3] =	wrdreg s4  }
0xaa: {  	[dreg:$0x4] =	wrdreg $0xC0  }
0xab: {  	_ =	task [dreg:s6], $0x5FFFF  }
0xac: {  	[dreg:$0x1] =	wrdreg $0xFFFFFFFF  }
0xad: {  	[dreg:$0x0] =	wrdreg $0x60  }
0xae: {  	[dreg:$0x2] =	wrdreg s24  }
0xaf: {  	[dreg:$0x3] =	wrdreg $0x9  }
0xb0: {  	_ =	task.clear_ibuf [dreg:s6], $0x4FFFF;
	_ =	strace $0x90000046  }
0xb1: {  	s29 =	simm.s32 $0x9;
	_ =	strace $0x80000048  }
0xb2: {  	_ =	swait.ge [sflag:s29], $0x1  }
0xb3: {  	[sflag:s29] =	ssyncadd.s32 $0xFFFFFFFF  }
0xb4: {  	_ =	strace $0x90000048  }
0xb5: {  	_ =	sfence  }
0xb6: {  	s30 =	sld [smem:$0x0];
	_ =	sdelay $0x2  }
0xb7: {  	s31 =	sshll.u32 s1, $0xD;
	s1 =	sshrl.u32 s1, $0x2  }
0xb8: {  	s3 =	sand.u32 $0x4000, s31;
	s1 =	sadd.s32 s1, s30  }
0xb9: {  	s0 =	sor.u32 s3, s0;
	s1 =	sshll.u32 s1, $0x11  }
0xba: {  	s0 =	sor.u32 s1, s0  }
0xbb: {  	s0 =	sadd.s32 $0x8F2B, s0  }
0xbc: {  	[sflag:s0] =	ssyncadd.remote.s32 $0x1  }
0xbd: {  	_ =	sfence.sel $0xFFFF  }
0xbe: {  	[dreg:$0x0] =	wrdreg $0xFFFFFFFF;
	(pc) =	sbr.abs _section_cstart, $3  }
0xbf: {  	[dreg:$0x1] =	wrdreg $0xFFFFFFFF  }
0xc0: {  	_ =	task.clear_ibuf [dreg:s6], $0x2FFFF;
	_ =	strace $0x9FFFFFFF  }
0xc1: {  	(tm) =	ssettm $0x7FFFFFFF  }
tec
execute0_lowered:
.L_overlay_start_1:
0x0: {  	(tag) =	ssettag $0x1  }
0x1: {  	s0 =	rddreg [dreg:$0x0];
	s1 =	simm.s32 $0x0;
	s5 =	srdreg.scid  }
0x2: {  	s8 =	stileid.u32;
	s15 =	simm.s32 $0x7;
	s16 =	simm.s32 $0x40  }
0x3: {  	s29 =	simm.s32 $0x1;
	s30 =	simm.s32 $0x2;
	s31 =	simm.s32 $0x3  }
0x4: {  	[smem:$0x7FF] =	sst s1;
	s2 =	sadd.s32 $0x18C000, s0;
	s3 =	sadd.s32 $0x6600, s0  }
0x5: {  	s4 =	sadd.s32 $0x5E00, s0;
	s6 =	sadd.s32 $0x5400, s0;
	s5 =	sand.u32 $0x1, s5  }
0x6: {  	s12 =	sadd.s32 $0x6E00, s0;
	s8 =	sshll.u32 s8, $0x1;
	s0 =	sadd.s32 $0x16E00, s0  }
0x7: {  	_ =	strace $0x80000047;
	s7 =	ssub.s32 $0x2, s5;
	s5 =	sor.u32 s5, s8  }
0x8: {  	s9 =	sshrl.u32 s7, $0x1;
	s17 =	sshll.u32 s5, $0x7;
	s8 =	sshll.u32 s5, $0x4  }
0x9: {  	s18 =	sshll.u32 s5, $0x6;
	s10 =	smul.u32 $0x50, s5;
	s26 =	sshll.u32 s5, $0xB  }
0xa: {  	s14 =	ssub.s32 s7, s9;
	s11 =	sor.u32 $0x40, s17;
	s19 =	sadd.s32 s3, s8  }
0xb: {  	s20 =	sadd.s32 s4, s18;
	s17 =	simm.s32 $0x140;
	[dreg:$0x2] =	wrdreg s19  }
0xc: {  	s18 =	simm.s32 $0x4;
	[dreg:$0x3] =	wrdreg s20;
	s21 =	smul.u32 $0x5, s11  }
0xd: {  	s22 =	sadd.s32 s6, s10;
	s23 =	sshrl.u32 s11, $0x3;
	s24 =	sshrl.u32 s11, $0x1  }
0xe: {  	s28 =	sshll.u32 s11, $0x4;
	s10 =	sadd.s32 s12, s26;
	s11 =	sadd.s32 s0, s26  }
0xf: {  	s14 =	smax.u32 s14, $0x1;
	s19 =	simm.s32 $0x100;
	s20 =	simm.s32 $0x5  }
0x10: {  	[dreg:$0x4] =	wrdreg s22;
	s3 =	sadd.s32 s3, s23;
	s8 =	sadd.s32 s4, s24  }
0x11: {  	s12 =	sadd.s32 s12, s28;
	s13 =	sadd.s32 s0, s28;
	s22 =	simm.s32 $0x280  }
0x12: {  	s23 =	simm.s32 $0x2C0;
	s24 =	simm.s32 $0x3C0;
	s0 =	simm.s32 $0x14500  }
0x13: {  	[dreg:$0x5] =	wrdreg s3;
	s25 =	sshrl.u32 s21, $0x3;
	s3 =	simm.s32 $0x16500  }
0x14: {  	s21 =	simm.s32 $0x6;
	s9 =	sadd.s32 s6, s25;
	s25 =	simm.s32 $0x0  }
.LBB2_1:
0x15: {  	s4 =	rddreg [dreg:$0x2]  }
0x16: {  	[tilespmem:s1], [sflag:$0x7] =	stream.linear.gather [hbm4b:s4+s1], $0x40, $0x38;
	[tilespmem:$0x18500] =	vst v63  }
0x17: {  	_ =	swait.ge [sflag:s15], $0x40  }
0x18: {  	[sflag:s15] =	ssyncset.done $0x0  }
0x19: {  	s26 =	rddreg [dreg:$0x3];
	[sflag:s15] =	ssyncadd.s32 $0xFFFFFFC0  }
0x1a: {  	[tilespmem:s16], [sflag:$0x7] =	stream.linear.gather [hbm4b:s26+s1], $0x100, $0x38;
	[tilespmem:$0x18500] =	vst v63  }
0x1b: {  	_ =	swait.ge [sflag:s15], $0x100  }
0x1c: {  	[sflag:s15] =	ssyncset.done $0x0  }
0x1d: {  	s5 =	rddreg [dreg:$0x4];
	[sflag:s15] =	ssyncadd.s32 $0xFFFFFF00  }
0x1e: {  	[tilespmem:s17], [sflag:$0x7] =	stream.linear.gather [hbm4b:s5+s1], $0x140, $0x38;
	[tilespmem:$0x18500] =	vst v63  }
0x1f: {  	_ =	swait.ge [sflag:s15], $0x140  }
0x20: {  	[sflag:s15] =	ssyncset.done $0x0  }
0x21: {  	s6 =	simm.s32 $0x500;
	[sflag:s15] =	ssyncadd.s32 $0xFFFFFEC0  }
0x22: {  	[tilespmem:s6], [sflag:$0x1] =	stream.indirect.gather [hbm4b:s2+s16], $0x40, s1, s16, $0xb8;
	[tilespmem:$0x18500] =	vst v63  }
0x23: {  	s7 =	simm.s32 $0x1500  }
0x24: {  	[tilespmem:s7], [sflag:$0x2] =	stream.indirect.gather [hbm4b:s2+s19], $0x40, s16, s19, $0xb8;
	[tilespmem:$0x18500] =	vst v63  }
0x25: {  	s26 =	simm.s32 $0x5500  }
0x26: {  	[tilespmem:s26], [sflag:$0x3] =	stream.indirect.gather [hbm4b:s2+s17], $0x40, s17, s17, $0xb8;
	[tilespmem:$0x18500] =	vst v63  }
0x27: {  	s5 =	rddreg [dreg:$0x5]  }
0x28: {  	[tilespmem:s22], [sflag:$0x7] =	stream.linear.gather [hbm4b:s5+s1], $0x40, $0x38;
	[tilespmem:$0x18500] =	vst v63  }
0x29: {  	_ =	swait.ge [sflag:s15], $0x40  }
0x2a: {  	[sflag:s15] =	ssyncset.done $0x0  }
0x2b: {  	[sflag:s15] =	ssyncadd.s32 $0xFFFFFFC0  }
0x2c: {  	[tilespmem:s23], [sflag:$0x7] =	stream.linear.gather [hbm4b:s8+s1], $0x100, $0x38;
	[tilespmem:$0x18500] =	vst v63  }
0x2d: {  	_ =	swait.ge [sflag:s15], $0x100  }
0x2e: {  	[sflag:s15] =	ssyncset.done $0x0  }
0x2f: {  	[sflag:s15] =	ssyncadd.s32 $0xFFFFFF00  }
0x30: {  	[tilespmem:s24], [sflag:$0x7] =	stream.linear.gather [hbm4b:s9+s1], $0x140, $0x38;
	[tilespmem:$0x18500] =	vst v63  }
0x31: {  	_ =	swait.ge [sflag:s15], $0x140  }
0x32: {  	[sflag:s15] =	ssyncset.done $0x0  }
0x33: {  	s6 =	simm.s32 $0xA500;
	[sflag:s15] =	ssyncadd.s32 $0xFFFFFEC0  }
0x34: {  	[tilespmem:s6], [sflag:$0x4] =	stream.indirect.gather [hbm4b:s2+s16], $0x40, s22, s16, $0xb8;
	[tilespmem:$0x18500] =	vst v63  }
0x35: {  	s7 =	simm.s32 $0xB500  }
0x36: {  	[tilespmem:s7], [sflag:$0x5] =	stream.indirect.gather [hbm4b:s2+s19], $0x40, s23, s19, $0xb8;
	[tilespmem:$0x18500] =	vst v63  }
0x37: {  	s26 =	simm.s32 $0xF500  }
0x38: {  	[tilespmem:s26], [sflag:$0x6] =	stream.indirect.gather [hbm4b:s2+s17], $0x40, s24, s17, $0xb8;
	[tilespmem:$0x18500] =	vst v63  }
0x39: {  	_ =	swait.ge [sflag:s29], $0x1000  }
0x3a: {  	[sflag:s29] =	ssyncset.done $0x0  }
0x3b: {  	[sflag:s29] =	ssyncadd.s32 $0xFFFFF000  }
0x3c: {  	_ =	swait.ge [sflag:s30], $0x4000  }
0x3d: {  	[sflag:s30] =	ssyncset.done $0x0  }
0x3e: {  	[sflag:s30] =	ssyncadd.s32 $0xFFFFC000  }
0x3f: {  	_ =	swait.ge [sflag:s31], $0x5000  }
0x40: {  	[sflag:s31] =	ssyncset.done $0x0  }
0x41: {  	s26 =	simm.s32 $0x520;
	[sflag:s31] =	ssyncadd.s32 $0xFFFFB000  }
0x42: {  	v0 =	vld [tilespmem:s26+$0xFFFFFFE0];
	_ =	sdelay $0x3  }
0x43: {  	s4 =	simm.s32 $0x0  }
0x44: {  	s28 =	simm.s32 $0x1580;
	[tilespmem:s4+$0x14500] =	vst v0  }
0x45: {  	v0 =	vld [tilespmem:s28+$0xFFFFFF80]  }
0x46: {  	v1 =	vld [tilespmem:s28+$0xFFFFFFC0];
	_ =	sdelay $0x1  }
0x47: {  	v2 =	vld [tilespmem:s28+$0x0];
	_ =	sdelay $0x1  }
0x48: {  	v3 =	vld [tilespmem:s28+$0x40]  }
0x49: {  	v0 =	vadd.f32 v1, v0;
	_ =	sdelay $0x1  }
0x4a: {  	v0 =	vadd.f32 v2, v0;
	_ =	sdelay $0x1  }
0x4b: {  	v0 =	vadd.f32 v3, v0;
	_ =	sdelay $0x1  }
0x4c: {  	s5 =	simm.s32 $0x55A0;
	[tilespmem:s4+$0x14540] =	vst v0  }
0x4d: {  	v0 =	vld [tilespmem:s5+$0xFFFFFF60]  }
0x4e: {  	v1 =	vld [tilespmem:s5+$0xFFFFFFA0];
	_ =	sdelay $0x1  }
0x4f: {  	v2 =	vld [tilespmem:s5+$0xFFFFFFE0];
	_ =	sdelay $0x1  }
0x50: {  	v3 =	vld [tilespmem:s5+$0x20]  }
0x51: {  	v0 =	vadd.f32 v1, v0  }
0x52: {  	v1 =	vld [tilespmem:s5+$0x60]  }
0x53: {  	v0 =	vadd.f32 v2, v0;
	_ =	sdelay $0x1  }
0x54: {  	v0 =	vadd.f32 v3, v0;
	_ =	sdelay $0x1  }
0x55: {  	v0 =	vadd.f32 v1, v0;
	_ =	sdelay $0x1  }
0x56: {  	[tilespmem:s4+$0x16500] =	vst v0  }
0x57: {  	v0 =	vld [tilespmem:s26+$0xFFFFFFF0];
	_ =	sdelay $0x4  }
0x58: {  	[tilespmem:s4+$0x14510] =	vst v0  }
0x59: {  	v0 =	vld [tilespmem:s28+$0xFFFFFF90]  }
0x5a: {  	v1 =	vld [tilespmem:s28+$0xFFFFFFD0];
	_ =	sdelay $0x1  }
0x5b: {  	v2 =	vld [tilespmem:s28+$0x10];
	_ =	sdelay $0x1  }
0x5c: {  	v3 =	vld [tilespmem:s28+$0x50]  }
0x5d: {  	v0 =	vadd.f32 v1, v0;
	_ =	sdelay $0x1  }
0x5e: {  	v0 =	vadd.f32 v2, v0;
	_ =	sdelay $0x1  }
0x5f: {  	v0 =	vadd.f32 v3, v0;
	_ =	sdelay $0x1  }
0x60: {  	[tilespmem:s4+$0x14550] =	vst v0  }
0x61: {  	v0 =	vld [tilespmem:s5+$0xFFFFFF70]  }
0x62: {  	v1 =	vld [tilespmem:s5+$0xFFFFFFB0];
	_ =	sdelay $0x1  }
0x63: {  	v2 =	vld [tilespmem:s5+$0xFFFFFFF0];
	_ =	sdelay $0x1  }
0x64: {  	v3 =	vld [tilespmem:s5+$0x30]  }
0x65: {  	v0 =	vadd.f32 v1, v0  }
0x66: {  	v1 =	vld [tilespmem:s5+$0x70]  }
0x67: {  	v0 =	vadd.f32 v2, v0;
	_ =	sdelay $0x1  }
0x68: {  	v0 =	vadd.f32 v3, v0;
	_ =	sdelay $0x1  }
0x69: {  	v0 =	vadd.f32 v1, v0;
	_ =	sdelay $0x1  }
0x6a: {  	[tilespmem:s4+$0x16510] =	vst v0  }
0x6b: {  	v0 =	vld [tilespmem:s26+$0x0];
	_ =	sdelay $0x4  }
0x6c: {  	[tilespmem:s4+$0x14520] =	vst v0  }
0x6d: {  	v0 =	vld [tilespmem:s28+$0xFFFFFFA0]  }
0x6e: {  	v1 =	vld [tilespmem:s28+$0xFFFFFFE0];
	_ =	sdelay $0x1  }
0x6f: {  	v2 =	vld [tilespmem:s28+$0x20];
	_ =	sdelay $0x1  }
0x70: {  	v3 =	vld [tilespmem:s28+$0x60]  }
0x71: {  	v0 =	vadd.f32 v1, v0;
	_ =	sdelay $0x1  }
0x72: {  	v0 =	vadd.f32 v2, v0;
	_ =	sdelay $0x1  }
0x73: {  	v0 =	vadd.f32 v3, v0;
	_ =	sdelay $0x1  }
0x74: {  	[tilespmem:s4+$0x14560] =	vst v0  }
0x75: {  	v0 =	vld [tilespmem:s5+$0xFFFFFF80]  }
0x76: {  	v1 =	vld [tilespmem:s5+$0xFFFFFFC0];
	_ =	sdelay $0x1  }
0x77: {  	v2 =	vld [tilespmem:s5+$0x0];
	_ =	sdelay $0x1  }
0x78: {  	v3 =	vld [tilespmem:s5+$0x40]  }
0x79: {  	v0 =	vadd.f32 v1, v0  }
0x7a: {  	v1 =	vld [tilespmem:s5+$0x80]  }
0x7b: {  	v0 =	vadd.f32 v2, v0;
	_ =	sdelay $0x1  }
0x7c: {  	v0 =	vadd.f32 v3, v0;
	_ =	sdelay $0x1  }
0x7d: {  	v0 =	vadd.f32 v1, v0;
	_ =	sdelay $0x1  }
0x7e: {  	[tilespmem:s4+$0x16520] =	vst v0  }
0x7f: {  	v0 =	vld [tilespmem:s26+$0x10];
	_ =	sdelay $0x4  }
0x80: {  	[tilespmem:s4+$0x14530] =	vst v0  }
0x81: {  	v0 =	vld [tilespmem:s28+$0xFFFFFFB0]  }
0x82: {  	v1 =	vld [tilespmem:s28+$0xFFFFFFF0];
	_ =	sdelay $0x1  }
0x83: {  	v2 =	vld [tilespmem:s28+$0x30];
	_ =	sdelay $0x1  }
0x84: {  	v3 =	vld [tilespmem:s28+$0x70]  }
0x85: {  	v0 =	vadd.f32 v1, v0;
	_ =	sdelay $0x1  }
0x86: {  	v0 =	vadd.f32 v2, v0;
	_ =	sdelay $0x1  }
0x87: {  	v0 =	vadd.f32 v3, v0;
	_ =	sdelay $0x1  }
0x88: {  	[tilespmem:s4+$0x14570] =	vst v0  }
0x89: {  	v2 =	vld [tilespmem:s5+$0xFFFFFF90]  }
0x8a: {  	v4 =	vld [tilespmem:s5+$0xFFFFFFD0]  }
0x8b: {  	v3 =	vld [tilespmem:s5+$0x10]  }
0x8c: {  	v0 =	vld [tilespmem:s5+$0x50]  }
0x8d: {  	s6 =	simm.s32 $0x200;
	v1 =	vld [tilespmem:s5+$0x90]  }
.LBB2_2:
0x8e: {  	s5 =	sadd.s32 $0x140, s5;
	s28 =	sadd.s32 $0x100, s28;
	s26 =	sadd.s32 $0x40, s26  }
0x8f: {  	p0 =	sne.s32 s6, $0x7E00;
	s7 =	smov.u32 s6;
	s6 =	sadd.s32 $0x200, s6;
	v2 =	vadd.f32 v4, v2  }
0x90: {  	_ = 	snop  }
0x91: {  	v2 =	vadd.f32 v3, v2;
	_ =	sdelay $0x1  }
0x92: {  	v0 =	vadd.f32 v0, v2;
	_ =	sdelay $0x1  }
0x93: {  	v0 =	vadd.f32 v1, v0;
	_ =	sdelay $0x1  }
0x94: {  	[tilespmem:s4+$0x16530] =	vst v0  }
0x95: {  	v0 =	vld [tilespmem:s26+$0xFFFFFFE0];
	_ =	sdelay $0x3  }
0x96: {  	s4 =	sshra.s32 s7, $0x2  }
0x97: {  	[tilespmem:s4+$0x14500] =	vst v0  }
0x98: {  	v0 =	vld [tilespmem:s28+$0xFFFFFF80]  }
0x99: {  	v1 =	vld [tilespmem:s28+$0xFFFFFFC0]  }
0x9a: {  	v2 =	vld [tilespmem:s28+$0x0];
	_ =	sdelay $0x1  }
0x9b: {  	v3 =	vld [tilespmem:s28+$0x40];
	_ =	sdelay $0x1  }
0x9c: {  	v0 =	vadd.f32 v1, v0;
	_ =	sdelay $0x1  }
0x9d: {  	v0 =	vadd.f32 v2, v0;
	_ =	sdelay $0x1  }
0x9e: {  	v0 =	vadd.f32 v3, v0;
	_ =	sdelay $0x1  }
0x9f: {  	[tilespmem:s4+$0x14540] =	vst v0  }
0xa0: {  	v0 =	vld [tilespmem:s5+$0xFFFFFF60]  }
0xa1: {  	v1 =	vld [tilespmem:s5+$0xFFFFFFA0]  }
0xa2: {  	v2 =	vld [tilespmem:s5+$0xFFFFFFE0];
	_ =	sdelay $0x2  }
0xa3: {  	v3 =	vld [tilespmem:s5+$0x20]  }
0xa4: {  	v0 =	vadd.f32 v1, v0  }
0xa5: {  	v1 =	vld [tilespmem:s5+$0x60]  }
0xa6: {  	v0 =	vadd.f32 v2, v0;
	_ =	sdelay $0x1  }
0xa7: {  	v0 =	vadd.f32 v3, v0;
	_ =	sdelay $0x1  }
0xa8: {  	v0 =	vadd.f32 v1, v0;
	_ =	sdelay $0x1  }
0xa9: {  	[tilespmem:s4+$0x16500] =	vst v0  }
0xaa: {  	v0 =	vld [tilespmem:s26+$0xFFFFFFF0];
	_ =	sdelay $0x4  }
0xab: {  	[tilespmem:s4+$0x14510] =	vst v0  }
0xac: {  	v0 =	vld [tilespmem:s28+$0xFFFFFF90]  }
0xad: {  	v1 =	vld [tilespmem:s28+$0xFFFFFFD0];
	_ =	sdelay $0x1  }
0xae: {  	v2 =	vld [tilespmem:s28+$0x10];
	_ =	sdelay $0x1  }
0xaf: {  	v3 =	vld [tilespmem:s28+$0x50]  }
0xb0: {  	v0 =	vadd.f32 v1, v0;
	_ =	sdelay $0x1  }
0xb1: {  	v0 =	vadd.f32 v2, v0;
	_ =	sdelay $0x1  }
0xb2: {  	v0 =	vadd.f32 v3, v0;
	_ =	sdelay $0x1  }
0xb3: {  	[tilespmem:s4+$0x14550] =	vst v0  }
0xb4: {  	v0 =	vld [tilespmem:s5+$0xFFFFFF70]  }
0xb5: {  	v1 =	vld [tilespmem:s5+$0xFFFFFFB0]  }
0xb6: {  	v2 =	vld [tilespmem:s5+$0xFFFFFFF0];
	_ =	sdelay $0x2  }
0xb7: {  	v3 =	vld [tilespmem:s5+$0x30]  }
0xb8: {  	v0 =	vadd.f32 v1, v0  }
0xb9: {  	v1 =	vld [tilespmem:s5+$0x70]  }
0xba: {  	v0 =	vadd.f32 v2, v0;
	_ =	sdelay $0x1  }
0xbb: {  	v0 =	vadd.f32 v3, v0;
	_ =	sdelay $0x1  }
0xbc: {  	v0 =	vadd.f32 v1, v0;
	_ =	sdelay $0x1  }
0xbd: {  	[tilespmem:s4+$0x16510] =	vst v0  }
0xbe: {  	v0 =	vld [tilespmem:s26+$0x0];
	_ =	sdelay $0x4  }
0xbf: {  	[tilespmem:s4+$0x14520] =	vst v0  }
0xc0: {  	v0 =	vld [tilespmem:s28+$0xFFFFFFA0]  }
0xc1: {  	v1 =	vld [tilespmem:s28+$0xFFFFFFE0]  }
0xc2: {  	v2 =	vld [tilespmem:s28+$0x20]  }
0xc3: {  	v3 =	vld [tilespmem:s28+$0x60];
	_ =	sdelay $0x2  }
0xc4: {  	v0 =	vadd.f32 v1, v0;
	_ =	sdelay $0x1  }
0xc5: {  	v0 =	vadd.f32 v2, v0;
	_ =	sdelay $0x1  }
0xc6: {  	v0 =	vadd.f32 v3, v0;
	_ =	sdelay $0x1  }
0xc7: {  	[tilespmem:s4+$0x14560] =	vst v0  }
0xc8: {  	v0 =	vld [tilespmem:s5+$0xFFFFFF80]  }
0xc9: {  	v1 =	vld [tilespmem:s5+$0xFFFFFFC0]  }
0xca: {  	v2 =	vld [tilespmem:s5+$0x0]  }
0xcb: {  	v3 =	vld [tilespmem:s5+$0x40]  }
0xcc: {  	v4 =	vld [tilespmem:s5+$0x80];
	_ =	sdelay $0x1  }
0xcd: {  	v0 =	vadd.f32 v1, v0;
	_ =	sdelay $0x1  }
0xce: {  	v0 =	vadd.f32 v2, v0;
	_ =	sdelay $0x1  }
0xcf: {  	v0 =	vadd.f32 v3, v0;
	_ =	sdelay $0x1  }
0xd0: {  	v0 =	vadd.f32 v4, v0;
	_ =	sdelay $0x1  }
0xd1: {  	[tilespmem:s4+$0x16520] =	vst v0  }
0xd2: {  	v0 =	vld [tilespmem:s26+$0x10];
	_ =	sdelay $0x4  }
0xd3: {  	[tilespmem:s4+$0x14530] =	vst v0  }
0xd4: {  	v0 =	vld [tilespmem:s28+$0xFFFFFFB0]  }
0xd5: {  	v1 =	vld [tilespmem:s28+$0xFFFFFFF0]  }
0xd6: {  	v2 =	vld [tilespmem:s28+$0x30]  }
0xd7: {  	v3 =	vld [tilespmem:s28+$0x70];
	_ =	sdelay $0x2  }
0xd8: {  	v0 =	vadd.f32 v1, v0;
	_ =	sdelay $0x1  }
0xd9: {  	v0 =	vadd.f32 v2, v0;
	_ =	sdelay $0x1  }
0xda: {  	v0 =	vadd.f32 v3, v0;
	_ =	sdelay $0x1  }
0xdb: {  	[tilespmem:s4+$0x14570] =	vst v0  }
.Ltmp0:
0xdc: {  	v2 =	vld [tilespmem:s5+$0xFFFFFF90];
	(pc) =	sbr.rel @p0 .LBB2_2-.Ltmp0, $4  }
0xdd: {  	v4 =	vld [tilespmem:s5+$0xFFFFFFD0]  }
0xde: {  	v3 =	vld [tilespmem:s5+$0x10]  }
0xdf: {  	v0 =	vld [tilespmem:s5+$0x50]  }
0xe0: {  	v1 =	vld [tilespmem:s5+$0x90]  }
0xe1: {  	_ = 	snop  }
0xe2: {  	v2 =	vadd.f32 v4, v2;
	_ =	sdelay $0x1  }
0xe3: {  	v2 =	vadd.f32 v3, v2;
	_ =	sdelay $0x1  }
0xe4: {  	v0 =	vadd.f32 v0, v2;
	_ =	sdelay $0x1  }
0xe5: {  	v0 =	vadd.f32 v1, v0;
	_ =	sdelay $0x1  }
0xe6: {  	s26 =	simm.s32 $0x0;
	[tilespmem:s4+$0x16530] =	vst v0  }
0xe7: {  	[hbm4b:s10+s26] =	stream.linear.scatter [tilespmem:s0], [sflag:$0x7], $0x2000, $0x38;
	[tilespmem:$0x18500] =	vst v63  }
0xe8: {  	_ =	swait.ge [sflag:s15], $0x2000  }
0xe9: {  	[sflag:s15] =	ssyncset.done $0x0  }
0xea: {  	[sflag:s15] =	ssyncadd.s32 $0xFFFFE000  }
0xeb: {  	[hbm4b:s11+s26] =	stream.linear.scatter [tilespmem:s3], [sflag:$0x7], $0x2000, $0x38;
	[tilespmem:$0x18500] =	vst v63  }
0xec: {  	_ =	swait.ge [sflag:s15], $0x2000  }
0xed: {  	[sflag:s15] =	ssyncset.done $0x0  }
0xee: {  	[sflag:s15] =	ssyncadd.s32 $0xFFFFE000  }
0xef: {  	_ =	swait.ge [sflag:s18], $0x1000  }
0xf0: {  	[sflag:s18] =	ssyncset.done $0x0  }
0xf1: {  	[sflag:s18] =	ssyncadd.s32 $0xFFFFF000  }
0xf2: {  	_ =	swait.ge [sflag:s20], $0x4000  }
0xf3: {  	[sflag:s20] =	ssyncset.done $0x0  }
0xf4: {  	[sflag:s20] =	ssyncadd.s32 $0xFFFFC000  }
0xf5: {  	_ =	swait.ge [sflag:s21], $0x5000  }
0xf6: {  	[sflag:s21] =	ssyncset.done $0x0  }
0xf7: {  	s26 =	simm.s32 $0xA520;
	[sflag:s21] =	ssyncadd.s32 $0xFFFFB000  }
0xf8: {  	v0 =	vld [tilespmem:s26+$0xFFFFFFE0];
	_ =	sdelay $0x3  }
0xf9: {  	s4 =	simm.s32 $0x0  }
0xfa: {  	s28 =	simm.s32 $0xB580;
	[tilespmem:s4+$0x14500] =	vst v0  }
0xfb: {  	v0 =	vld [tilespmem:s28+$0xFFFFFF80]  }
0xfc: {  	v1 =	vld [tilespmem:s28+$0xFFFFFFC0];
	_ =	sdelay $0x1  }
0xfd: {  	v2 =	vld [tilespmem:s28+$0x0];
	_ =	sdelay $0x1  }
0xfe: {  	v3 =	vld [tilespmem:s28+$0x40]  }
0xff: {  	v0 =	vadd.f32 v1, v0;
	_ =	sdelay $0x1  }
0x100: {  	v0 =	vadd.f32 v2, v0;
	_ =	sdelay $0x1  }
0x101: {  	v0 =	vadd.f32 v3, v0;
	_ =	sdelay $0x1  }
0x102: {  	s5 =	simm.s32 $0xF5A0;
	[tilespmem:s4+$0x14540] =	vst v0  }
0x103: {  	v0 =	vld [tilespmem:s5+$0xFFFFFF60]  }
0x104: {  	v1 =	vld [tilespmem:s5+$0xFFFFFFA0];
	_ =	sdelay $0x1  }
0x105: {  	v2 =	vld [tilespmem:s5+$0xFFFFFFE0];
	_ =	sdelay $0x1  }
0x106: {  	v3 =	vld [tilespmem:s5+$0x20]  }
0x107: {  	v0 =	vadd.f32 v1, v0  }
0x108: {  	v1 =	vld [tilespmem:s5+$0x60]  }
0x109: {  	v0 =	vadd.f32 v2, v0;
	_ =	sdelay $0x1  }
0x10a: {  	v0 =	vadd.f32 v3, v0;
	_ =	sdelay $0x1  }
0x10b: {  	v0 =	vadd.f32 v1, v0;
	_ =	sdelay $0x1  }
0x10c: {  	[tilespmem:s4+$0x16500] =	vst v0  }
0x10d: {  	v0 =	vld [tilespmem:s26+$0xFFFFFFF0];
	_ =	sdelay $0x4  }
0x10e: {  	[tilespmem:s4+$0x14510] =	vst v0  }
0x10f: {  	v0 =	vld [tilespmem:s28+$0xFFFFFF90]  }
0x110: {  	v1 =	vld [tilespmem:s28+$0xFFFFFFD0];
	_ =	sdelay $0x1  }
0x111: {  	v2 =	vld [tilespmem:s28+$0x10];
	_ =	sdelay $0x1  }
0x112: {  	v3 =	vld [tilespmem:s28+$0x50]  }
0x113: {  	v0 =	vadd.f32 v1, v0;
	_ =	sdelay $0x1  }
0x114: {  	v0 =	vadd.f32 v2, v0;
	_ =	sdelay $0x1  }
0x115: {  	v0 =	vadd.f32 v3, v0;
	_ =	sdelay $0x1  }
0x116: {  	[tilespmem:s4+$0x14550] =	vst v0  }
0x117: {  	v0 =	vld [tilespmem:s5+$0xFFFFFF70]  }
0x118: {  	v1 =	vld [tilespmem:s5+$0xFFFFFFB0];
	_ =	sdelay $0x1  }
0x119: {  	v2 =	vld [tilespmem:s5+$0xFFFFFFF0];
	_ =	sdelay $0x1  }
0x11a: {  	v3 =	vld [tilespmem:s5+$0x30]  }
0x11b: {  	v0 =	vadd.f32 v1, v0  }
0x11c: {  	v1 =	vld [tilespmem:s5+$0x70]  }
0x11d: {  	v0 =	vadd.f32 v2, v0;
	_ =	sdelay $0x1  }
0x11e: {  	v0 =	vadd.f32 v3, v0;
	_ =	sdelay $0x1  }
0x11f: {  	v0 =	vadd.f32 v1, v0;
	_ =	sdelay $0x1  }
0x120: {  	[tilespmem:s4+$0x16510] =	vst v0  }
0x121: {  	v0 =	vld [tilespmem:s26+$0x0];
	_ =	sdelay $0x4  }
0x122: {  	[tilespmem:s4+$0x14520] =	vst v0  }
0x123: {  	v0 =	vld [tilespmem:s28+$0xFFFFFFA0]  }
0x124: {  	v1 =	vld [tilespmem:s28+$0xFFFFFFE0];
	_ =	sdelay $0x1  }
0x125: {  	v2 =	vld [tilespmem:s28+$0x20];
	_ =	sdelay $0x1  }
0x126: {  	v3 =	vld [tilespmem:s28+$0x60]  }
0x127: {  	v0 =	vadd.f32 v1, v0;
	_ =	sdelay $0x1  }
0x128: {  	v0 =	vadd.f32 v2, v0;
	_ =	sdelay $0x1  }
0x129: {  	v0 =	vadd.f32 v3, v0;
	_ =	sdelay $0x1  }
0x12a: {  	[tilespmem:s4+$0x14560] =	vst v0  }
0x12b: {  	v0 =	vld [tilespmem:s5+$0xFFFFFF80]  }
0x12c: {  	v1 =	vld [tilespmem:s5+$0xFFFFFFC0];
	_ =	sdelay $0x1  }
0x12d: {  	v2 =	vld [tilespmem:s5+$0x0];
	_ =	sdelay $0x1  }
0x12e: {  	v3 =	vld [tilespmem:s5+$0x40]  }
0x12f: {  	v0 =	vadd.f32 v1, v0  }
0x130: {  	v1 =	vld [tilespmem:s5+$0x80]  }
0x131: {  	v0 =	vadd.f32 v2, v0;
	_ =	sdelay $0x1  }
0x132: {  	v0 =	vadd.f32 v3, v0;
	_ =	sdelay $0x1  }
0x133: {  	v0 =	vadd.f32 v1, v0;
	_ =	sdelay $0x1  }
0x134: {  	[tilespmem:s4+$0x16520] =	vst v0  }
0x135: {  	v0 =	vld [tilespmem:s26+$0x10];
	_ =	sdelay $0x4  }
0x136: {  	[tilespmem:s4+$0x14530] =	vst v0  }
0x137: {  	v0 =	vld [tilespmem:s28+$0xFFFFFFB0]  }
0x138: {  	v1 =	vld [tilespmem:s28+$0xFFFFFFF0];
	_ =	sdelay $0x1  }
0x139: {  	v2 =	vld [tilespmem:s28+$0x30];
	_ =	sdelay $0x1  }
0x13a: {  	v3 =	vld [tilespmem:s28+$0x70]  }
0x13b: {  	v0 =	vadd.f32 v1, v0;
	_ =	sdelay $0x1  }
0x13c: {  	v0 =	vadd.f32 v2, v0;
	_ =	sdelay $0x1  }
0x13d: {  	v0 =	vadd.f32 v3, v0;
	_ =	sdelay $0x1  }
0x13e: {  	[tilespmem:s4+$0x14570] =	vst v0  }
0x13f: {  	v2 =	vld [tilespmem:s5+$0xFFFFFF90]  }
0x140: {  	v4 =	vld [tilespmem:s5+$0xFFFFFFD0]  }
0x141: {  	v3 =	vld [tilespmem:s5+$0x10]  }
0x142: {  	v0 =	vld [tilespmem:s5+$0x50]  }
0x143: {  	s6 =	simm.s32 $0x200;
	v1 =	vld [tilespmem:s5+$0x90]  }
.LBB2_4:
0x144: {  	s5 =	sadd.s32 $0x140, s5;
	s28 =	sadd.s32 $0x100, s28;
	s26 =	sadd.s32 $0x40, s26  }
0x145: {  	p0 =	sne.s32 s6, $0x7E00;
	s7 =	smov.u32 s6;
	s6 =	sadd.s32 $0x200, s6;
	v2 =	vadd.f32 v4, v2  }
0x146: {  	_ = 	snop  }
0x147: {  	v2 =	vadd.f32 v3, v2;
	_ =	sdelay $0x1  }
0x148: {  	v0 =	vadd.f32 v0, v2;
	_ =	sdelay $0x1  }
0x149: {  	v0 =	vadd.f32 v1, v0;
	_ =	sdelay $0x1  }
0x14a: {  	[tilespmem:s4+$0x16530] =	vst v0  }
0x14b: {  	v0 =	vld [tilespmem:s26+$0xFFFFFFE0];
	_ =	sdelay $0x3  }
0x14c: {  	s4 =	sshra.s32 s7, $0x2  }
0x14d: {  	[tilespmem:s4+$0x14500] =	vst v0  }
0x14e: {  	v0 =	vld [tilespmem:s28+$0xFFFFFF80]  }
0x14f: {  	v1 =	vld [tilespmem:s28+$0xFFFFFFC0]  }
0x150: {  	v2 =	vld [tilespmem:s28+$0x0];
	_ =	sdelay $0x1  }
0x151: {  	v3 =	vld [tilespmem:s28+$0x40];
	_ =	sdelay $0x1  }
0x152: {  	v0 =	vadd.f32 v1, v0;
	_ =	sdelay $0x1  }
0x153: {  	v0 =	vadd.f32 v2, v0;
	_ =	sdelay $0x1  }
0x154: {  	v0 =	vadd.f32 v3, v0;
	_ =	sdelay $0x1  }
0x155: {  	[tilespmem:s4+$0x14540] =	vst v0  }
0x156: {  	v0 =	vld [tilespmem:s5+$0xFFFFFF60]  }
0x157: {  	v1 =	vld [tilespmem:s5+$0xFFFFFFA0]  }
0x158: {  	v2 =	vld [tilespmem:s5+$0xFFFFFFE0];
	_ =	sdelay $0x2  }
0x159: {  	v3 =	vld [tilespmem:s5+$0x20]  }
0x15a: {  	v0 =	vadd.f32 v1, v0  }
0x15b: {  	v1 =	vld [tilespmem:s5+$0x60]  }
0x15c: {  	v0 =	vadd.f32 v2, v0;
	_ =	sdelay $0x1  }
0x15d: {  	v0 =	vadd.f32 v3, v0;
	_ =	sdelay $0x1  }
0x15e: {  	v0 =	vadd.f32 v1, v0;
	_ =	sdelay $0x1  }
0x15f: {  	[tilespmem:s4+$0x16500] =	vst v0  }
0x160: {  	v0 =	vld [tilespmem:s26+$0xFFFFFFF0];
	_ =	sdelay $0x4  }
0x161: {  	[tilespmem:s4+$0x14510] =	vst v0  }
0x162: {  	v0 =	vld [tilespmem:s28+$0xFFFFFF90]  }
0x163: {  	v1 =	vld [tilespmem:s28+$0xFFFFFFD0];
	_ =	sdelay $0x1  }
0x164: {  	v2 =	vld [tilespmem:s28+$0x10];
	_ =	sdelay $0x1  }
0x165: {  	v3 =	vld [tilespmem:s28+$0x50]  }
0x166: {  	v0 =	vadd.f32 v1, v0;
	_ =	sdelay $0x1  }
0x167: {  	v0 =	vadd.f32 v2, v0;
	_ =	sdelay $0x1  }
0x168: {  	v0 =	vadd.f32 v3, v0;
	_ =	sdelay $0x1  }
0x169: {  	[tilespmem:s4+$0x14550] =	vst v0  }
0x16a: {  	v0 =	vld [tilespmem:s5+$0xFFFFFF70]  }
0x16b: {  	v1 =	vld [tilespmem:s5+$0xFFFFFFB0]  }
0x16c: {  	v2 =	vld [tilespmem:s5+$0xFFFFFFF0];
	_ =	sdelay $0x2  }
0x16d: {  	v3 =	vld [tilespmem:s5+$0x30]  }
0x16e: {  	v0 =	vadd.f32 v1, v0  }
0x16f: {  	v1 =	vld [tilespmem:s5+$0x70]  }
0x170: {  	v0 =	vadd.f32 v2, v0;
	_ =	sdelay $0x1  }
0x171: {  	v0 =	vadd.f32 v3, v0;
	_ =	sdelay $0x1  }
0x172: {  	v0 =	vadd.f32 v1, v0;
	_ =	sdelay $0x1  }
0x173: {  	[tilespmem:s4+$0x16510] =	vst v0  }
0x174: {  	v0 =	vld [tilespmem:s26+$0x0];
	_ =	sdelay $0x4  }
0x175: {  	[tilespmem:s4+$0x14520] =	vst v0  }
0x176: {  	v0 =	vld [tilespmem:s28+$0xFFFFFFA0]  }
0x177: {  	v1 =	vld [tilespmem:s28+$0xFFFFFFE0]  }
0x178: {  	v2 =	vld [tilespmem:s28+$0x20]  }
0x179: {  	v3 =	vld [tilespmem:s28+$0x60];
	_ =	sdelay $0x2  }
0x17a: {  	v0 =	vadd.f32 v1, v0;
	_ =	sdelay $0x1  }
0x17b: {  	v0 =	vadd.f32 v2, v0;
	_ =	sdelay $0x1  }
0x17c: {  	v0 =	vadd.f32 v3, v0;
	_ =	sdelay $0x1  }
0x17d: {  	[tilespmem:s4+$0x14560] =	vst v0  }
0x17e: {  	v0 =	vld [tilespmem:s5+$0xFFFFFF80]  }
0x17f: {  	v1 =	vld [tilespmem:s5+$0xFFFFFFC0]  }
0x180: {  	v2 =	vld [tilespmem:s5+$0x0]  }
0x181: {  	v3 =	vld [tilespmem:s5+$0x40]  }
0x182: {  	v4 =	vld [tilespmem:s5+$0x80];
	_ =	sdelay $0x1  }
0x183: {  	v0 =	vadd.f32 v1, v0;
	_ =	sdelay $0x1  }
0x184: {  	v0 =	vadd.f32 v2, v0;
	_ =	sdelay $0x1  }
0x185: {  	v0 =	vadd.f32 v3, v0;
	_ =	sdelay $0x1  }
0x186: {  	v0 =	vadd.f32 v4, v0;
	_ =	sdelay $0x1  }
0x187: {  	[tilespmem:s4+$0x16520] =	vst v0  }
0x188: {  	v0 =	vld [tilespmem:s26+$0x10];
	_ =	sdelay $0x4  }
0x189: {  	[tilespmem:s4+$0x14530] =	vst v0  }
0x18a: {  	v0 =	vld [tilespmem:s28+$0xFFFFFFB0]  }
0x18b: {  	v1 =	vld [tilespmem:s28+$0xFFFFFFF0]  }
0x18c: {  	v2 =	vld [tilespmem:s28+$0x30]  }
0x18d: {  	v3 =	vld [tilespmem:s28+$0x70];
	_ =	sdelay $0x2  }
0x18e: {  	v0 =	vadd.f32 v1, v0;
	_ =	sdelay $0x1  }
0x18f: {  	v0 =	vadd.f32 v2, v0;
	_ =	sdelay $0x1  }
0x190: {  	v0 =	vadd.f32 v3, v0;
	_ =	sdelay $0x1  }
0x191: {  	[tilespmem:s4+$0x14570] =	vst v0  }
.Ltmp1:
0x192: {  	v2 =	vld [tilespmem:s5+$0xFFFFFF90];
	(pc) =	sbr.rel @p0 .LBB2_4-.Ltmp1, $4  }
0x193: {  	v4 =	vld [tilespmem:s5+$0xFFFFFFD0]  }
0x194: {  	v3 =	vld [tilespmem:s5+$0x10]  }
0x195: {  	v0 =	vld [tilespmem:s5+$0x50]  }
0x196: {  	v1 =	vld [tilespmem:s5+$0x90]  }
0x197: {  	_ = 	snop  }
0x198: {  	v2 =	vadd.f32 v4, v2;
	_ =	sdelay $0x1  }
0x199: {  	v2 =	vadd.f32 v3, v2;
	_ =	sdelay $0x1  }
0x19a: {  	v0 =	vadd.f32 v0, v2;
	_ =	sdelay $0x1  }
0x19b: {  	v0 =	vadd.f32 v1, v0;
	_ =	sdelay $0x1  }
0x19c: {  	[tilespmem:s4+$0x16530] =	vst v0  }
0x19d: {  	[hbm4b:s12+s1] =	stream.linear.scatter [tilespmem:s0], [sflag:$0x7], $0x2000, $0x38;
	[tilespmem:$0x18500] =	vst v63  }
0x19e: {  	s25 =	sadd.s32 $0x1, s25;
	_ =	swait.ge [sflag:s15], $0x2000  }
0x19f: {  	p0 =	sne.s32 s25, s14;
	[sflag:s15] =	ssyncset.done $0x0  }
.Ltmp2:
0x1a0: {  	[sflag:s15] =	ssyncadd.s32 $0xFFFFE000;
	(pc) =	sbr.rel @p0 .LBB2_1-.Ltmp2, $4  }
0x1a1: {  	[hbm4b:s13+s1] =	stream.linear.scatter [tilespmem:s3], [sflag:$0x7], $0x2000, $0x38;
	[tilespmem:$0x18500] =	vst v63  }
0x1a2: {  	_ =	swait.ge [sflag:s15], $0x2000  }
0x1a3: {  	[sflag:s15] =	ssyncset.done $0x0  }
0x1a4: {  	[sflag:s15] =	ssyncadd.s32 $0xFFFFE000  }
0x1a5: {  	_ =	sfence.sel $0x180000  }
0x1a6: {  	[bflag:$0x0] =	sbarrier.arrive $0xFFFF  }
0x1a7: {  	_ =	strace $0x90000047  }
0x1a8: {  	s0 =	stileid.u32;
	[bflag:$0x2] =	sbarrier.arrive $0xFFFF  }
0x1a9: {  	p0 =	sne.s32 s0, $0x0;
	s0 =	rddreg [dreg:$0x1]  }
0x1aa: {  	s0 =	sadd.s32 @!p0 $0x100000, s0  }
0x1ab: {  	[sflag:s0] =	ssyncadd.tile.s32 @!p0 $0x1;
	_ =	shalt  }
.Lfunc_end2:
_tile_overlayer_lowered:
.L_overlay_start_2:
0x1ac: {  	(tag) =	ssettag $0x2  }
0x1ad: {  	s0 =	rddreg [dreg:$0x0];
	s2 =	stileid.u32  }
0x1ae: {  	s1 =	rddreg [dreg:$0x1];
	p0 =	sne.s32 s2, $0x0  }
0x1af: {  	s3 =	rddreg [dreg:$0x2];
	[bflag:$0x3] =	sbarrier.arrive $0xFFFF;
	s2 =	simm.s32 @!p0 $0x1C07  }
0x1b0: {  	[timem:s3], [sflag:s2] =	dma.local @!p0 [hbm:s0], s1  }
0x1b1: {  	s0 =	simm.s32 @!p0 $0x7  }
0x1b2: {  	_ =	swait.ge @!p0 [sflag:s0], s1  }
0x1b3: {  	s1 =	ssub.s32 @!p0 $0x0, s1;
	[sflag:s0] =	ssyncset.done @!p0 $0x0  }
0x1b4: {  	[sflag:s0] =	ssyncadd.s32 @!p0 s1  }
0x1b5: {  	[bflag:$0x3] =	sbarrier.arrive $0xFFFF  }
0x1b6: {  	_ =	shalt  }

// kernel: kernel.13.cloned.1.call-start
scs
__scs_entry_jumppad:
0x0: {  	(pc) =	sbr.rel $0x88, $3  }
0x1: {  	(tag) =	ssettag $0x0;
	lr =	simm.s32 $0x1  }
0x2: {  	[smem:$0x3F91] =	sst lr;
	_ =	strace $0xD0000000  }
0x3: {  	_ = 	snop  }
0x4: {  	_ = 	snop  }
0x5: {  	_ = 	snop  }
0x6: {  	_ = 	snop  }
0x7: {  	_ = 	snop  }
__scs_overlays_trampoline_lowered:
0x8: {  	[smem:$0x3FA0] =	sst s0  }
0x9: {  	[smem:$0x3FA1] =	sst s1  }
0xa: {  	[smem:$0x3FA2] =	sst s2  }
0xb: {  	[smem:$0x3FA3] =	sst s3  }
0xc: {  	[smem:$0x3FA4] =	sst s4  }
0xd: {  	[smem:$0x3FA5] =	sst s5  }
0xe: {  	[smem:$0x3FA6] =	sst s6  }
0xf: {  	[smem:$0x3FA7] =	sst s7  }
0x10: {  	[smem:$0x3FA8] =	sst s8  }
0x11: {  	[smem:$0x3FA9] =	sst s9;
	s0 =	simm.s32 @!p0 $0x0  }
0x12: {  	s1 =	sld [smem:$0x3F8F];
	s0 =	simm.s32 @p0 $0x1  }
0x13: {  	[smem:$0x3FAA] =	sst s0;
	s0 =	simm.s32 @!p1 $0x0  }
0x14: {  	s2 =	sld [smem:$0x3F8E];
	s0 =	simm.s32 @p1 $0x1  }
0x15: {  	[smem:$0x3FAB] =	sst s0;
	s0 =	simm.s32 @!p2 $0x0  }
0x16: {  	s3 =	sld [smem:$0x3FDB];
	s0 =	simm.s32 @p2 $0x1  }
0x17: {  	s4 =	simm.s32 $0x1BF5;
	[smem:$0x3FAD] =	sst s0  }
0x18: {  	s0 =	sld [smem:$0x3F90];
	_ =	swait.ge [sflag:s4], $0x0  }
0x19: {  	s7 =	sld [smem:$0x3F91]  }
0x1a: {  	s8 =	sadd.s32 $0xFFFFE003, lr  }
0x1b: {  	s9 =	sadd.s32 $0xFFFFFEF7, lr;
	s5 =	simm.s32 $0xFFFFFFFF;
	p2 =	slt.u32 s8, $0xFFFFF086  }
0x1c: {  	p1 =	slt.u32 s9, $0xF7A;
	s5 =	simm.s32 @!p2 $0x0  }
0x1d: {  	s5 =	simm.s32 @p1 $0x1;
	p0 =	seq.s32 s7, s2  }
0x1e: {  	s7 =	smul.u32 @!p0 $0xF7A, s2;
	p2 =	seq.s32 @!p0 s5, $0x0  }
0x1f: {  	s9 =	smul.u32 $0xF7A, s1;
	s8 =	simm.s32 @!p0 $0x1BF5;
	p2 =	por !p2, p0  }
0x20: {  	[sflag:s8] =	ssyncset.s32 @!p0 $0xFFFFF086;
	s6 =	sadd.s32 @!p0 s3, s7;
	s7 =	simm.s32 @!p0 $0x108  }
0x21: {  	s3 =	sadd.s32 s3, s9;
	s6 =	sadd.s32 @!p0 $0x88, s6;
	s7 =	simm.s32 @p2 $0x1082  }
0x22: {  	[simem:s7], [sflag:s8] =	dma.local @!p0 [hbm:s6], $0xF7A  }
0x23: {  	s9 =	sor.u32 $0xD0000000, s2;
	s6 =	simm.s32 $0x108;
	_ =	swait.ge @!p0 [sflag:s8], $0x0  }
0x24: {  	s3 =	sadd.s32 $0x88, s3;
	s6 =	simm.s32 @!p1 $0x1082;
	[sflag:s4] =	ssyncset.s32 $0xFFFFF086  }
0x25: {  	[simem:s6], [sflag:s4] =	dma.local [hbm:s3], $0xF7A  }
0x26: {  	[smem:$0x3F91] =	sst s1;
	(tag) =	ssettag s2;
	_ =	strace s9  }
0x27: {  	s1 =	sld [smem:$0x3FA1]  }
0x28: {  	s2 =	sld [smem:$0x3FA2]  }
0x29: {  	s4 =	sld [smem:$0x3FA4]  }
0x2a: {  	p0 =	seq.s32 s5, $0x0;
	s5 =	sld [smem:$0x3FA5]  }
0x2b: {  	s6 =	sld [smem:$0x3FA6]  }
0x2c: {  	s7 =	sld [smem:$0x3FA7]  }
0x2d: {  	s3 =	simm.s32 $0x108;
	s8 =	sld [smem:$0x3FA8]  }
0x2e: {  	s3 =	simm.s32 @!p0 $0x1082;
	s9 =	sld [smem:$0x3FA9]  }
0x2f: {  	lr =	sadd.s32 s0, s3;
	s0 =	sld [smem:$0x3FA0]  }
0x30: {  	s3 =	sld [smem:$0x3FA3]  }
0x31: {  	[smem:$0x3FAC] =	sst s10  }
0x32: {  	s10 =	sld [smem:$0x3FAA];
	_ =	sdelay $0x3  }
0x33: {  	p0 =	seq.s32 s10, $0x1;
	s10 =	sld [smem:$0x3FAC];
	_ =	sdelay $0x3  }
0x34: {  	[smem:$0x3FAC] =	sst s10  }
0x35: {  	s10 =	sld [smem:$0x3FAB];
	_ =	sdelay $0x3  }
0x36: {  	p1 =	seq.s32 s10, $0x1;
	s10 =	sld [smem:$0x3FAC];
	_ =	sdelay $0x3  }
0x37: {  	[smem:$0x3FAC] =	sst s10  }
0x38: {  	s10 =	sld [smem:$0x3FAD]  }
0x39: {  	_ = 	snop;
	(pc) =	sbr.ind lr, $3  }
0x3a: {  	_ = 	snop  }
0x3b: {  	_ = 	snop  }
0x3c: {  	p2 =	seq.s32 s10, $0x1;
	s10 =	sld [smem:$0x3FAC]  }
0x3d: {  	_ =	shalt  }
0x3e: {  	_ =	shalt  }
0x3f: {  	_ =	shalt  }
0x40: {  	_ =	shalt  }
0x41: {  	_ =	shalt  }
0x42: {  	_ =	shalt  }
0x43: {  	_ =	shalt  }
0x44: {  	_ =	shalt  }
0x45: {  	_ =	shalt  }
0x46: {  	_ =	shalt  }
0x47: {  	_ =	shalt  }
0x48: {  	_ =	shalt  }
0x49: {  	_ =	shalt  }
0x4a: {  	_ =	shalt  }
0x4b: {  	_ =	shalt  }
0x4c: {  	_ =	shalt  }
0x4d: {  	_ =	shalt  }
0x4e: {  	_ =	shalt  }
0x4f: {  	_ =	shalt  }
0x50: {  	_ =	shalt  }
0x51: {  	_ =	shalt  }
0x52: {  	_ =	shalt  }
0x53: {  	_ =	shalt  }
0x54: {  	_ =	shalt  }
0x55: {  	_ =	shalt  }
0x56: {  	_ =	shalt  }
0x57: {  	_ =	shalt  }
0x58: {  	_ =	shalt  }
0x59: {  	_ =	shalt  }
0x5a: {  	_ =	shalt  }
0x5b: {  	_ =	shalt  }
0x5c: {  	_ =	shalt  }
0x5d: {  	_ =	shalt  }
0x5e: {  	_ =	shalt  }
0x5f: {  	_ =	shalt  }
0x60: {  	_ =	shalt  }
0x61: {  	_ =	shalt  }
0x62: {  	_ =	shalt  }
0x63: {  	_ =	shalt  }
0x64: {  	_ =	shalt  }
0x65: {  	_ =	shalt  }
0x66: {  	_ =	shalt  }
0x67: {  	_ =	shalt  }
0x68: {  	_ =	shalt  }
0x69: {  	_ =	shalt  }
0x6a: {  	_ =	shalt  }
0x6b: {  	_ =	shalt  }
0x6c: {  	_ =	shalt  }
0x6d: {  	_ =	shalt  }
0x6e: {  	_ =	shalt  }
0x6f: {  	_ =	shalt  }
0x70: {  	_ =	shalt  }
0x71: {  	_ =	shalt  }
0x72: {  	_ =	shalt  }
0x73: {  	_ =	shalt  }
0x74: {  	_ =	shalt  }
0x75: {  	_ =	shalt  }
0x76: {  	_ =	shalt  }
0x77: {  	_ =	shalt  }
0x78: {  	_ =	shalt  }
0x79: {  	_ =	shalt  }
0x7a: {  	_ =	shalt  }
0x7b: {  	_ =	shalt  }
0x7c: {  	_ =	shalt  }
0x7d: {  	_ =	shalt  }
0x7e: {  	_ =	shalt  }
0x7f: {  	_ =	shalt  }
0x80: {  	_ =	shalt  }
0x81: {  	_ =	shalt  }
0x82: {  	_ =	shalt  }
0x83: {  	_ =	shalt  }
0x84: {  	_ =	shalt  }
0x85: {  	_ =	shalt  }
0x86: {  	_ =	shalt  }
0x87: {  	_ =	shalt  }
.Lfunc_end0:
.L_simem_size_0:
called_computation.1_lowered:
.L_overlay_start_0:
0x88: {  	s2 =	sld [smem:$0x3FD9]  }
0x89: {  	s3 =	sld [smem:$0x3FFE];
	_ =	sdelay $0x1  }
0x8a: {  	s1 =	srdreg.scid  }
0x8b: {  	s0 =	sand.u32 $0x1, s1  }
0x8c: {  	s17 =	sshll.u32 s0, $0xA;
	s2 =	sadd.s32 s3, s2  }
0x8d: {  	s2 =	sadd.s32 s2, s17  }
0x8e: {  	[smem:$0x3FB8] =	sst s2  }
0x8f: {  	_ = 	snop  }
0x90: {  	(tm) =	ssettm $0x1  }
0x91: {  	s18 =	sld [smem:$0x3FFB];
	_ =	sdelay $0x3  }
0x92: {  	_ =	strace s18  }
0x93: {  	s2 =	sld [smem:$0x3FFC];
	_ =	sdelay $0x3  }
0x94: {  	_ =	strace s2  }
0x95: {  	s2 =	sld [smem:$0x3FFD];
	_ =	sdelay $0x3  }
0x96: {  	_ =	strace s2  }
0x97: {  	_ =	strace $0x8FFFFFFF  }
0x98: {  	s19 =	sld [smem:$0x3FDB];
	_ =	sdelay $0x1  }
0x99: {  	s20 =	simm.s32 $_scs_section_size  }
0x9a: {  	s4 =	simm.s32 $_size__tile_overlayer_lowered;
	s5 =	simm.s32 $_tile_overlayer_lowered  }
0x9b: {  	s6 =	simm.s32 $0x1BFF;
	s21 =	sshll.u32 s5, $0x1;
	s3 =	sadd.s32 s20, s19  }
0x9c: {  	s22 =	simm.s32 $0x0;
	s4 =	sshll.u32 s4, $0x1;
	s5 =	sadd.s32 s21, s3  }
0x9d: {  	[timem:s22], [sflag:s6] =	dma.local [hbm:s5], s4  }
0x9e: {  	_ =	swait.ge [sflag:s6], s4  }
0x9f: {  	s4 =	ssub.s32 $0x0, s4;
	[sflag:s6] =	ssyncset.done $0x0  }
0xa0: {  	[sflag:s6] =	ssyncadd.s32 s4;
	_ =	sdelay $0x1  }
0xa1: {  	s23 =	simm.s32 $0x1B8B  }
0xa2: {  	_ =	swait.ge [sflag:s23], $0x1  }
0xa3: {  	[sflag:s23] =	ssyncset.done $0x0  }
0xa4: {  	[sflag:s23] =	ssyncadd.s32 $0xFFFFFFFF  }
0xa5: {  	s4 =	sld [smem:$0x0]  }
0xa6: {  	s5 =	sand.u32 $0xFFFFFFFE, s1  }
0xa7: {  	p0 =	sne.s32 s1, s5  }
0xa8: {  	s5 =	sshll.u32 @p0 s5, $0xE  }
0xa9: {  	s5 =	sadd.s32 @p0 $0x11B8D, s5;
	s6 =	sshll.u32 @p0 s4, $0x11  }
0xaa: {  	s5 =	sor.u32 @p0 s6, s5  }
0xab: {  	[sflag:s5] =	ssyncadd.remote.s32 @p0 $0x1;
	_ =	sdelay $0x1  }
0xac: {  	s5 =	simm.s32 @p0 $0x1B8D  }
0xad: {  	_ =	swait.eq @p0 [sflag:s5], $0x1  }
0xae: {  	[sflag:s5] =	ssyncadd.s32 @p0 $0xFFFFFFFF  }
0xaf: {  	s6 =	sshll.u32 @!p0 s1, $0xE  }
0xb0: {  	s6 =	sor.u32 @!p0 $0x4000, s6;
	s5 =	simm.s32 @!p0 $0x1B8D  }
0xb1: {  	s4 =	sshll.u32 @!p0 s4, $0x11;
	s6 =	sadd.s32 @!p0 $0x11B8D, s6;
	_ =	swait.eq @!p0 [sflag:s5], $0x1  }
0xb2: {  	s4 =	sor.u32 @!p0 s4, s6;
	[sflag:s5] =	ssyncadd.s32 @!p0 $0xFFFFFFFF  }
0xb3: {  	s25 =	simm.s32 $0x1B8E;
	s24 =	sld [smem:$0x3FFE];
	[sflag:s4] =	ssyncadd.remote.s32 @!p0 $0x1  }
0xb4: {  	s26 =	simm.s32 $execute0_lowered;
	[smem:$0x3FD2] =	sst s25  }
0xb5: {  	s5 =	sshll.u32 s26, $0x1;
	_ =	strace $0x80000049;
	[dreg:$0x1] =	wrdreg $0xFFFFFFFF  }
0xb6: {  	s28 =	simm.s32 $_size_execute0_lowered;
	s3 =	sadd.s32 s3, s5;
	[dreg:$0x0] =	wrdreg $0x0  }
0xb7: {  	s5 =	sshll.u32 s28, $0x1;
	[dreg:$0x2] =	wrdreg s3  }
0xb8: {  	[dreg:$0x3] =	wrdreg s5  }
0xb9: {  	[dreg:$0x4] =	wrdreg $0xC0  }
0xba: {  	_ =	task [dreg:s22], $0x5FFFF  }
0xbb: {  	[dreg:$0x1] =	wrdreg $0xFFFFFFFF  }
0xbc: {  	[dreg:$0x0] =	wrdreg $0x60  }
0xbd: {  	[dreg:$0x2] =	wrdreg s24  }
0xbe: {  	[dreg:$0x3] =	wrdreg $0xA  }
0xbf: {  	_ =	task.clear_ibuf [dreg:s22], $0x4FFFF;
	_ =	strace $0x90000049  }
0xc0: {  	s29 =	simm.s32 $0xA;
	_ =	strace $0x8000004B  }
0xc1: {  	_ =	swait.ge [sflag:s29], $0x1  }
0xc2: {  	[sflag:s29] =	ssyncadd.s32 $0xFFFFFFFF  }
0xc3: {  	_ =	strace $0x9000004B  }
0xc4: {  	_ =	sfence  }
0xc5: {  	s30 =	sld [smem:$0x0];
	_ =	sdelay $0x2  }
0xc6: {  	s31 =	sshll.u32 s1, $0xD;
	s1 =	sshrl.u32 s1, $0x2  }
0xc7: {  	s4 =	sand.u32 $0x4000, s31;
	s1 =	sadd.s32 s1, s30  }
0xc8: {  	s0 =	sor.u32 s4, s0;
	s1 =	sshll.u32 s1, $0x11  }
0xc9: {  	s0 =	sor.u32 s1, s0  }
0xca: {  	s0 =	sadd.s32 $0x8F2B, s0  }
0xcb: {  	[sflag:s0] =	ssyncadd.remote.s32 $0x1  }
0xcc: {  	_ =	sfence.sel $0xFFFF  }
0xcd: {  	[dreg:$0x0] =	wrdreg $0xFFFFFFFF;
	(pc) =	sbr.abs _section_cstart, $3  }
0xce: {  	[dreg:$0x1] =	wrdreg $0xFFFFFFFF  }
0xcf: {  	_ =	task.clear_ibuf [dreg:s22], $0x2FFFF;
	_ =	strace $0x9FFFFFFF  }
0xd0: {  	(tm) =	ssettm $0x7FFFFFFF  }
0xd1: {  	_ =	shalt  }
tec
execute0_lowered:
.L_overlay_start_1:
0x0: {  	(tag) =	ssettag $0x1  }
0x1: {  	s0 =	rddreg [dreg:$0x0];
	s1 =	simm.s32 $0x0;
	s5 =	srdreg.scid  }
0x2: {  	s8 =	stileid.u32;
	s15 =	simm.s32 $0x7;
	s16 =	simm.s32 $0x40  }
0x3: {  	s29 =	simm.s32 $0x1;
	s30 =	simm.s32 $0x2;
	s31 =	simm.s32 $0x3  }
0x4: {  	[smem:$0x7FF] =	sst s1;
	s2 =	sadd.s32 $0x18C000, s0;
	s3 =	sadd.s32 $0x6800, s0  }
0x5: {  	s4 =	sadd.s32 $0x27800, s0;
	s6 =	sadd.s32 $0x26E00, s0;
	s5 =	sand.u32 $0x1, s5  }
0x6: {  	s12 =	sadd.s32 $0x28000, s0;
	s8 =	sshll.u32 s8, $0x1;
	s0 =	sadd.s32 $0x38000, s0  }
0x7: {  	_ =	strace $0x8000004A;
	s7 =	ssub.s32 $0x2, s5;
	s5 =	sor.u32 s5, s8  }
0x8: {  	s9 =	sshrl.u32 s7, $0x1;
	s17 =	sshll.u32 s5, $0x7;
	s8 =	sshll.u32 s5, $0x4  }
0x9: {  	s18 =	sshll.u32 s5, $0x6;
	s10 =	smul.u32 $0x50, s5;
	s26 =	sshll.u32 s5, $0xB  }
0xa: {  	s14 =	ssub.s32 s7, s9;
	s11 =	sor.u32 $0x40, s17;
	s19 =	sadd.s32 s3, s8  }
0xb: {  	s20 =	sadd.s32 s4, s18;
	s17 =	simm.s32 $0x140;
	[dreg:$0x2] =	wrdreg s19  }
0xc: {  	s18 =	simm.s32 $0x4;
	[dreg:$0x3] =	wrdreg s20;
	s21 =	smul.u32 $0x5, s11  }
0xd: {  	s22 =	sadd.s32 s6, s10;
	s23 =	sshrl.u32 s11, $0x3;
	s24 =	sshrl.u32 s11, $0x1  }
0xe: {  	s28 =	sshll.u32 s11, $0x4;
	s10 =	sadd.s32 s12, s26;
	s11 =	sadd.s32 s0, s26  }
0xf: {  	s14 =	smax.u32 s14, $0x1;
	s19 =	simm.s32 $0x100;
	s20 =	simm.s32 $0x5  }
0x10: {  	[dreg:$0x4] =	wrdreg s22;
	s3 =	sadd.s32 s3, s23;
	s8 =	sadd.s32 s4, s24  }
0x11: {  	s12 =	sadd.s32 s12, s28;
	s13 =	sadd.s32 s0, s28;
	s22 =	simm.s32 $0x280  }
0x12: {  	s23 =	simm.s32 $0x2C0;
	s24 =	simm.s32 $0x3C0;
	s0 =	simm.s32 $0x14500  }
0x13: {  	[dreg:$0x5] =	wrdreg s3;
	s25 =	sshrl.u32 s21, $0x3;
	s3 =	simm.s32 $0x16500  }
0x14: {  	s21 =	simm.s32 $0x6;
	s9 =	sadd.s32 s6, s25;
	s25 =	simm.s32 $0x0  }
.LBB2_1:
0x15: {  	s4 =	rddreg [dreg:$0x2]  }
0x16: {  	[tilespmem:s1], [sflag:$0x7] =	stream.linear.gather [hbm4b:s4+s1], $0x40, $0x38;
	[tilespmem:$0x18500] =	vst v63  }
0x17: {  	_ =	swait.ge [sflag:s15], $0x40  }
0x18: {  	[sflag:s15] =	ssyncset.done $0x0  }
0x19: {  	s26 =	rddreg [dreg:$0x3];
	[sflag:s15] =	ssyncadd.s32 $0xFFFFFFC0  }
0x1a: {  	[tilespmem:s16], [sflag:$0x7] =	stream.linear.gather [hbm4b:s26+s1], $0x100, $0x38;
	[tilespmem:$0x18500] =	vst v63  }
0x1b: {  	_ =	swait.ge [sflag:s15], $0x100  }
0x1c: {  	[sflag:s15] =	ssyncset.done $0x0  }
0x1d: {  	s5 =	rddreg [dreg:$0x4];
	[sflag:s15] =	ssyncadd.s32 $0xFFFFFF00  }
0x1e: {  	[tilespmem:s17], [sflag:$0x7] =	stream.linear.gather [hbm4b:s5+s1], $0x140, $0x38;
	[tilespmem:$0x18500] =	vst v63  }
0x1f: {  	_ =	swait.ge [sflag:s15], $0x140  }
0x20: {  	[sflag:s15] =	ssyncset.done $0x0  }
0x21: {  	s6 =	simm.s32 $0x500;
	[sflag:s15] =	ssyncadd.s32 $0xFFFFFEC0  }
0x22: {  	[tilespmem:s6], [sflag:$0x1] =	stream.indirect.gather [hbm4b:s2+s16], $0x40, s1, s16, $0xb8;
	[tilespmem:$0x18500] =	vst v63  }
0x23: {  	s7 =	simm.s32 $0x1500  }
0x24: {  	[tilespmem:s7], [sflag:$0x2] =	stream.indirect.gather [hbm4b:s2+s19], $0x40, s16, s19, $0xb8;
	[tilespmem:$0x18500] =	vst v63  }
0x25: {  	s26 =	simm.s32 $0x5500  }
0x26: {  	[tilespmem:s26], [sflag:$0x3] =	stream.indirect.gather [hbm4b:s2+s17], $0x40, s17, s17, $0xb8;
	[tilespmem:$0x18500] =	vst v63  }
0x27: {  	s5 =	rddreg [dreg:$0x5]  }
0x28: {  	[tilespmem:s22], [sflag:$0x7] =	stream.linear.gather [hbm4b:s5+s1], $0x40, $0x38;
	[tilespmem:$0x18500] =	vst v63  }
0x29: {  	_ =	swait.ge [sflag:s15], $0x40  }
0x2a: {  	[sflag:s15] =	ssyncset.done $0x0  }
0x2b: {  	[sflag:s15] =	ssyncadd.s32 $0xFFFFFFC0  }
0x2c: {  	[tilespmem:s23], [sflag:$0x7] =	stream.linear.gather [hbm4b:s8+s1], $0x100, $0x38;
	[tilespmem:$0x18500] =	vst v63  }
0x2d: {  	_ =	swait.ge [sflag:s15], $0x100  }
0x2e: {  	[sflag:s15] =	ssyncset.done $0x0  }
0x2f: {  	[sflag:s15] =	ssyncadd.s32 $0xFFFFFF00  }
0x30: {  	[tilespmem:s24], [sflag:$0x7] =	stream.linear.gather [hbm4b:s9+s1], $0x140, $0x38;
	[tilespmem:$0x18500] =	vst v63  }
0x31: {  	_ =	swait.ge [sflag:s15], $0x140  }
0x32: {  	[sflag:s15] =	ssyncset.done $0x0  }
0x33: {  	s6 =	simm.s32 $0xA500;
	[sflag:s15] =	ssyncadd.s32 $0xFFFFFEC0  }
0x34: {  	[tilespmem:s6], [sflag:$0x4] =	stream.indirect.gather [hbm4b:s2+s16], $0x40, s22, s16, $0xb8;
	[tilespmem:$0x18500] =	vst v63  }
0x35: {  	s7 =	simm.s32 $0xB500  }
0x36: {  	[tilespmem:s7], [sflag:$0x5] =	stream.indirect.gather [hbm4b:s2+s19], $0x40, s23, s19, $0xb8;
	[tilespmem:$0x18500] =	vst v63  }
0x37: {  	s26 =	simm.s32 $0xF500  }
0x38: {  	[tilespmem:s26], [sflag:$0x6] =	stream.indirect.gather [hbm4b:s2+s17], $0x40, s24, s17, $0xb8;
	[tilespmem:$0x18500] =	vst v63  }
0x39: {  	_ =	swait.ge [sflag:s29], $0x1000  }
0x3a: {  	[sflag:s29] =	ssyncset.done $0x0  }
0x3b: {  	[sflag:s29] =	ssyncadd.s32 $0xFFFFF000  }
0x3c: {  	_ =	swait.ge [sflag:s30], $0x4000  }
0x3d: {  	[sflag:s30] =	ssyncset.done $0x0  }
0x3e: {  	[sflag:s30] =	ssyncadd.s32 $0xFFFFC000  }
0x3f: {  	_ =	swait.ge [sflag:s31], $0x5000  }
0x40: {  	[sflag:s31] =	ssyncset.done $0x0  }
0x41: {  	s26 =	simm.s32 $0x520;
	[sflag:s31] =	ssyncadd.s32 $0xFFFFB000  }
0x42: {  	v0 =	vld [tilespmem:s26+$0xFFFFFFE0];
	_ =	sdelay $0x3  }
0x43: {  	s4 =	simm.s32 $0x0  }
0x44: {  	s28 =	simm.s32 $0x1580;
	[tilespmem:s4+$0x14500] =	vst v0  }
0x45: {  	v0 =	vld [tilespmem:s28+$0xFFFFFF80]  }
0x46: {  	v1 =	vld [tilespmem:s28+$0xFFFFFFC0];
	_ =	sdelay $0x1  }
0x47: {  	v2 =	vld [tilespmem:s28+$0x0];
	_ =	sdelay $0x1  }
0x48: {  	v3 =	vld [tilespmem:s28+$0x40]  }
0x49: {  	v0 =	vadd.f32 v1, v0;
	_ =	sdelay $0x1  }
0x4a: {  	v0 =	vadd.f32 v2, v0;
	_ =	sdelay $0x1  }
0x4b: {  	v0 =	vadd.f32 v3, v0;
	_ =	sdelay $0x1  }
0x4c: {  	s5 =	simm.s32 $0x55A0;
	[tilespmem:s4+$0x14540] =	vst v0  }
0x4d: {  	v0 =	vld [tilespmem:s5+$0xFFFFFF60]  }
0x4e: {  	v1 =	vld [tilespmem:s5+$0xFFFFFFA0];
	_ =	sdelay $0x1  }
0x4f: {  	v2 =	vld [tilespmem:s5+$0xFFFFFFE0];
	_ =	sdelay $0x1  }
0x50: {  	v3 =	vld [tilespmem:s5+$0x20]  }
0x51: {  	v0 =	vadd.f32 v1, v0  }
0x52: {  	v1 =	vld [tilespmem:s5+$0x60]  }
0x53: {  	v0 =	vadd.f32 v2, v0;
	_ =	sdelay $0x1  }
0x54: {  	v0 =	vadd.f32 v3, v0;
	_ =	sdelay $0x1  }
0x55: {  	v0 =	vadd.f32 v1, v0;
	_ =	sdelay $0x1  }
0x56: {  	[tilespmem:s4+$0x16500] =	vst v0  }
0x57: {  	v0 =	vld [tilespmem:s26+$0xFFFFFFF0];
	_ =	sdelay $0x4  }
0x58: {  	[tilespmem:s4+$0x14510] =	vst v0  }
0x59: {  	v0 =	vld [tilespmem:s28+$0xFFFFFF90]  }
0x5a: {  	v1 =	vld [tilespmem:s28+$0xFFFFFFD0];
	_ =	sdelay $0x1  }
0x5b: {  	v2 =	vld [tilespmem:s28+$0x10];
	_ =	sdelay $0x1  }
0x5c: {  	v3 =	vld [tilespmem:s28+$0x50]  }
0x5d: {  	v0 =	vadd.f32 v1, v0;
	_ =	sdelay $0x1  }
0x5e: {  	v0 =	vadd.f32 v2, v0;
	_ =	sdelay $0x1  }
0x5f: {  	v0 =	vadd.f32 v3, v0;
	_ =	sdelay $0x1  }
0x60: {  	[tilespmem:s4+$0x14550] =	vst v0  }
0x61: {  	v0 =	vld [tilespmem:s5+$0xFFFFFF70]  }
0x62: {  	v1 =	vld [tilespmem:s5+$0xFFFFFFB0];
	_ =	sdelay $0x1  }
0x63: {  	v2 =	vld [tilespmem:s5+$0xFFFFFFF0];
	_ =	sdelay $0x1  }
0x64: {  	v3 =	vld [tilespmem:s5+$0x30]  }
0x65: {  	v0 =	vadd.f32 v1, v0  }
0x66: {  	v1 =	vld [tilespmem:s5+$0x70]  }
0x67: {  	v0 =	vadd.f32 v2, v0;
	_ =	sdelay $0x1  }
0x68: {  	v0 =	vadd.f32 v3, v0;
	_ =	sdelay $0x1  }
0x69: {  	v0 =	vadd.f32 v1, v0;
	_ =	sdelay $0x1  }
0x6a: {  	[tilespmem:s4+$0x16510] =	vst v0  }
0x6b: {  	v0 =	vld [tilespmem:s26+$0x0];
	_ =	sdelay $0x4  }
0x6c: {  	[tilespmem:s4+$0x14520] =	vst v0  }
0x6d: {  	v0 =	vld [tilespmem:s28+$0xFFFFFFA0]  }
0x6e: {  	v1 =	vld [tilespmem:s28+$0xFFFFFFE0];
	_ =	sdelay $0x1  }
0x6f: {  	v2 =	vld [tilespmem:s28+$0x20];
	_ =	sdelay $0x1  }
0x70: {  	v3 =	vld [tilespmem:s28+$0x60]  }
0x71: {  	v0 =	vadd.f32 v1, v0;
	_ =	sdelay $0x1  }
0x72: {  	v0 =	vadd.f32 v2, v0;
	_ =	sdelay $0x1  }
0x73: {  	v0 =	vadd.f32 v3, v0;
	_ =	sdelay $0x1  }
0x74: {  	[tilespmem:s4+$0x14560] =	vst v0  }
0x75: {  	v0 =	vld [tilespmem:s5+$0xFFFFFF80]  }
0x76: {  	v1 =	vld [tilespmem:s5+$0xFFFFFFC0];
	_ =	sdelay $0x1  }
0x77: {  	v2 =	vld [tilespmem:s5+$0x0];
	_ =	sdelay $0x1  }
0x78: {  	v3 =	vld [tilespmem:s5+$0x40]  }
0x79: {  	v0 =	vadd.f32 v1, v0  }
0x7a: {  	v1 =	vld [tilespmem:s5+$0x80]  }
0x7b: {  	v0 =	vadd.f32 v2, v0;
	_ =	sdelay $0x1  }
0x7c: {  	v0 =	vadd.f32 v3, v0;
	_ =	sdelay $0x1  }
0x7d: {  	v0 =	vadd.f32 v1, v0;
	_ =	sdelay $0x1  }
0x7e: {  	[tilespmem:s4+$0x16520] =	vst v0  }
0x7f: {  	v0 =	vld [tilespmem:s26+$0x10];
	_ =	sdelay $0x4  }
0x80: {  	[tilespmem:s4+$0x14530] =	vst v0  }
0x81: {  	v0 =	vld [tilespmem:s28+$0xFFFFFFB0]  }
0x82: {  	v1 =	vld [tilespmem:s28+$0xFFFFFFF0];
	_ =	sdelay $0x1  }
0x83: {  	v2 =	vld [tilespmem:s28+$0x30];
	_ =	sdelay $0x1  }
0x84: {  	v3 =	vld [tilespmem:s28+$0x70]  }
0x85: {  	v0 =	vadd.f32 v1, v0;
	_ =	sdelay $0x1  }
0x86: {  	v0 =	vadd.f32 v2, v0;
	_ =	sdelay $0x1  }
0x87: {  	v0 =	vadd.f32 v3, v0;
	_ =	sdelay $0x1  }
0x88: {  	[tilespmem:s4+$0x14570] =	vst v0  }
0x89: {  	v2 =	vld [tilespmem:s5+$0xFFFFFF90]  }
0x8a: {  	v4 =	vld [tilespmem:s5+$0xFFFFFFD0]  }
0x8b: {  	v3 =	vld [tilespmem:s5+$0x10]  }
0x8c: {  	v0 =	vld [tilespmem:s5+$0x50]  }
0x8d: {  	s6 =	simm.s32 $0x200;
	v1 =	vld [tilespmem:s5+$0x90]  }
.LBB2_2:
0x8e: {  	s5 =	sadd.s32 $0x140, s5;
	s28 =	sadd.s32 $0x100, s28;
	s26 =	sadd.s32 $0x40, s26  }
0x8f: {  	p0 =	sne.s32 s6, $0x7E00;
	s7 =	smov.u32 s6;
	s6 =	sadd.s32 $0x200, s6;
	v2 =	vadd.f32 v4, v2  }
0x90: {  	_ = 	snop  }
0x91: {  	v2 =	vadd.f32 v3, v2;
	_ =	sdelay $0x1  }
0x92: {  	v0 =	vadd.f32 v0, v2;
	_ =	sdelay $0x1  }
0x93: {  	v0 =	vadd.f32 v1, v0;
	_ =	sdelay $0x1  }
0x94: {  	[tilespmem:s4+$0x16530] =	vst v0  }
0x95: {  	v0 =	vld [tilespmem:s26+$0xFFFFFFE0];
	_ =	sdelay $0x3  }
0x96: {  	s4 =	sshra.s32 s7, $0x2  }
0x97: {  	[tilespmem:s4+$0x14500] =	vst v0  }
0x98: {  	v0 =	vld [tilespmem:s28+$0xFFFFFF80]  }
0x99: {  	v1 =	vld [tilespmem:s28+$0xFFFFFFC0]  }
0x9a: {  	v2 =	vld [tilespmem:s28+$0x0];
	_ =	sdelay $0x1  }
0x9b: {  	v3 =	vld [tilespmem:s28+$0x40];
	_ =	sdelay $0x1  }
0x9c: {  	v0 =	vadd.f32 v1, v0;
	_ =	sdelay $0x1  }
0x9d: {  	v0 =	vadd.f32 v2, v0;
	_ =	sdelay $0x1  }
0x9e: {  	v0 =	vadd.f32 v3, v0;
	_ =	sdelay $0x1  }
0x9f: {  	[tilespmem:s4+$0x14540] =	vst v0  }
0xa0: {  	v0 =	vld [tilespmem:s5+$0xFFFFFF60]  }
0xa1: {  	v1 =	vld [tilespmem:s5+$0xFFFFFFA0]  }
0xa2: {  	v2 =	vld [tilespmem:s5+$0xFFFFFFE0];
	_ =	sdelay $0x2  }
0xa3: {  	v3 =	vld [tilespmem:s5+$0x20]  }
0xa4: {  	v0 =	vadd.f32 v1, v0  }
0xa5: {  	v1 =	vld [tilespmem:s5+$0x60]  }
0xa6: {  	v0 =	vadd.f32 v2, v0;
	_ =	sdelay $0x1  }
0xa7: {  	v0 =	vadd.f32 v3, v0;
	_ =	sdelay $0x1  }
0xa8: {  	v0 =	vadd.f32 v1, v0;
	_ =	sdelay $0x1  }
0xa9: {  	[tilespmem:s4+$0x16500] =	vst v0  }
0xaa: {  	v0 =	vld [tilespmem:s26+$0xFFFFFFF0];
	_ =	sdelay $0x4  }
0xab: {  	[tilespmem:s4+$0x14510] =	vst v0  }
0xac: {  	v0 =	vld [tilespmem:s28+$0xFFFFFF90]  }
0xad: {  	v1 =	vld [tilespmem:s28+$0xFFFFFFD0];
	_ =	sdelay $0x1  }
0xae: {  	v2 =	vld [tilespmem:s28+$0x10];
	_ =	sdelay $0x1  }
0xaf: {  	v3 =	vld [tilespmem:s28+$0x50]  }
0xb0: {  	v0 =	vadd.f32 v1, v0;
	_ =	sdelay $0x1  }
0xb1: {  	v0 =	vadd.f32 v2, v0;
	_ =	sdelay $0x1  }
0xb2: {  	v0 =	vadd.f32 v3, v0;
	_ =	sdelay $0x1  }
0xb3: {  	[tilespmem:s4+$0x14550] =	vst v0  }
0xb4: {  	v0 =	vld [tilespmem:s5+$0xFFFFFF70]  }
0xb5: {  	v1 =	vld [tilespmem:s5+$0xFFFFFFB0]  }
0xb6: {  	v2 =	vld [tilespmem:s5+$0xFFFFFFF0];
	_ =	sdelay $0x2  }
0xb7: {  	v3 =	vld [tilespmem:s5+$0x30]  }
0xb8: {  	v0 =	vadd.f32 v1, v0  }
0xb9: {  	v1 =	vld [tilespmem:s5+$0x70]  }
0xba: {  	v0 =	vadd.f32 v2, v0;
	_ =	sdelay $0x1  }
0xbb: {  	v0 =	vadd.f32 v3, v0;
	_ =	sdelay $0x1  }
0xbc: {  	v0 =	vadd.f32 v1, v0;
	_ =	sdelay $0x1  }
0xbd: {  	[tilespmem:s4+$0x16510] =	vst v0  }
0xbe: {  	v0 =	vld [tilespmem:s26+$0x0];
	_ =	sdelay $0x4  }
0xbf: {  	[tilespmem:s4+$0x14520] =	vst v0  }
0xc0: {  	v0 =	vld [tilespmem:s28+$0xFFFFFFA0]  }
0xc1: {  	v1 =	vld [tilespmem:s28+$0xFFFFFFE0]  }
0xc2: {  	v2 =	vld [tilespmem:s28+$0x20]  }
0xc3: {  	v3 =	vld [tilespmem:s28+$0x60];
	_ =	sdelay $0x2  }
0xc4: {  	v0 =	vadd.f32 v1, v0;
	_ =	sdelay $0x1  }
0xc5: {  	v0 =	vadd.f32 v2, v0;
	_ =	sdelay $0x1  }
0xc6: {  	v0 =	vadd.f32 v3, v0;
	_ =	sdelay $0x1  }
0xc7: {  	[tilespmem:s4+$0x14560] =	vst v0  }
0xc8: {  	v0 =	vld [tilespmem:s5+$0xFFFFFF80]  }
0xc9: {  	v1 =	vld [tilespmem:s5+$0xFFFFFFC0]  }
0xca: {  	v2 =	vld [tilespmem:s5+$0x0]  }
0xcb: {  	v3 =	vld [tilespmem:s5+$0x40]  }
0xcc: {  	v4 =	vld [tilespmem:s5+$0x80];
	_ =	sdelay $0x1  }
0xcd: {  	v0 =	vadd.f32 v1, v0;
	_ =	sdelay $0x1  }
0xce: {  	v0 =	vadd.f32 v2, v0;
	_ =	sdelay $0x1  }
0xcf: {  	v0 =	vadd.f32 v3, v0;
	_ =	sdelay $0x1  }
0xd0: {  	v0 =	vadd.f32 v4, v0;
	_ =	sdelay $0x1  }
0xd1: {  	[tilespmem:s4+$0x16520] =	vst v0  }
0xd2: {  	v0 =	vld [tilespmem:s26+$0x10];
	_ =	sdelay $0x4  }
0xd3: {  	[tilespmem:s4+$0x14530] =	vst v0  }
0xd4: {  	v0 =	vld [tilespmem:s28+$0xFFFFFFB0]  }
0xd5: {  	v1 =	vld [tilespmem:s28+$0xFFFFFFF0]  }
0xd6: {  	v2 =	vld [tilespmem:s28+$0x30]  }
0xd7: {  	v3 =	vld [tilespmem:s28+$0x70];
	_ =	sdelay $0x2  }
0xd8: {  	v0 =	vadd.f32 v1, v0;
	_ =	sdelay $0x1  }
0xd9: {  	v0 =	vadd.f32 v2, v0;
	_ =	sdelay $0x1  }
0xda: {  	v0 =	vadd.f32 v3, v0;
	_ =	sdelay $0x1  }
0xdb: {  	[tilespmem:s4+$0x14570] =	vst v0  }
.Ltmp0:
0xdc: {  	v2 =	vld [tilespmem:s5+$0xFFFFFF90];
	(pc) =	sbr.rel @p0 .LBB2_2-.Ltmp0, $4  }
0xdd: {  	v4 =	vld [tilespmem:s5+$0xFFFFFFD0]  }
0xde: {  	v3 =	vld [tilespmem:s5+$0x10]  }
0xdf: {  	v0 =	vld [tilespmem:s5+$0x50]  }
0xe0: {  	v1 =	vld [tilespmem:s5+$0x90]  }
0xe1: {  	_ = 	snop  }
0xe2: {  	v2 =	vadd.f32 v4, v2;
	_ =	sdelay $0x1  }
0xe3: {  	v2 =	vadd.f32 v3, v2;
	_ =	sdelay $0x1  }
0xe4: {  	v0 =	vadd.f32 v0, v2;
	_ =	sdelay $0x1  }
0xe5: {  	v0 =	vadd.f32 v1, v0;
	_ =	sdelay $0x1  }
0xe6: {  	s26 =	simm.s32 $0x0;
	[tilespmem:s4+$0x16530] =	vst v0  }
0xe7: {  	[hbm4b:s10+s26] =	stream.linear.scatter [tilespmem:s0], [sflag:$0x7], $0x2000, $0x38;
	[tilespmem:$0x18500] =	vst v63  }
0xe8: {  	_ =	swait.ge [sflag:s15], $0x2000  }
0xe9: {  	[sflag:s15] =	ssyncset.done $0x0  }
0xea: {  	[sflag:s15] =	ssyncadd.s32 $0xFFFFE000  }
0xeb: {  	[hbm4b:s11+s26] =	stream.linear.scatter [tilespmem:s3], [sflag:$0x7], $0x2000, $0x38;
	[tilespmem:$0x18500] =	vst v63  }
0xec: {  	_ =	swait.ge [sflag:s15], $0x2000  }
0xed: {  	[sflag:s15] =	ssyncset.done $0x0  }
0xee: {  	[sflag:s15] =	ssyncadd.s32 $0xFFFFE000  }
0xef: {  	_ =	swait.ge [sflag:s18], $0x1000  }
0xf0: {  	[sflag:s18] =	ssyncset.done $0x0  }
0xf1: {  	[sflag:s18] =	ssyncadd.s32 $0xFFFFF000  }
0xf2: {  	_ =	swait.ge [sflag:s20], $0x4000  }
0xf3: {  	[sflag:s20] =	ssyncset.done $0x0  }
0xf4: {  	[sflag:s20] =	ssyncadd.s32 $0xFFFFC000  }
0xf5: {  	_ =	swait.ge [sflag:s21], $0x5000  }
0xf6: {  	[sflag:s21] =	ssyncset.done $0x0  }
0xf7: {  	s26 =	simm.s32 $0xA520;
	[sflag:s21] =	ssyncadd.s32 $0xFFFFB000  }
0xf8: {  	v0 =	vld [tilespmem:s26+$0xFFFFFFE0];
	_ =	sdelay $0x3  }
0xf9: {  	s4 =	simm.s32 $0x0  }
0xfa: {  	s28 =	simm.s32 $0xB580;
	[tilespmem:s4+$0x14500] =	vst v0  }
0xfb: {  	v0 =	vld [tilespmem:s28+$0xFFFFFF80]  }
0xfc: {  	v1 =	vld [tilespmem:s28+$0xFFFFFFC0];
	_ =	sdelay $0x1  }
0xfd: {  	v2 =	vld [tilespmem:s28+$0x0];
	_ =	sdelay $0x1  }
0xfe: {  	v3 =	vld [tilespmem:s28+$0x40]  }
0xff: {  	v0 =	vadd.f32 v1, v0;
	_ =	sdelay $0x1  }
0x100: {  	v0 =	vadd.f32 v2, v0;
	_ =	sdelay $0x1  }
0x101: {  	v0 =	vadd.f32 v3, v0;
	_ =	sdelay $0x1  }
0x102: {  	s5 =	simm.s32 $0xF5A0;
	[tilespmem:s4+$0x14540] =	vst v0  }
0x103: {  	v0 =	vld [tilespmem:s5+$0xFFFFFF60]  }
0x104: {  	v1 =	vld [tilespmem:s5+$0xFFFFFFA0];
	_ =	sdelay $0x1  }
0x105: {  	v2 =	vld [tilespmem:s5+$0xFFFFFFE0];
	_ =	sdelay $0x1  }
0x106: {  	v3 =	vld [tilespmem:s5+$0x20]  }
0x107: {  	v0 =	vadd.f32 v1, v0  }
0x108: {  	v1 =	vld [tilespmem:s5+$0x60]  }
0x109: {  	v0 =	vadd.f32 v2, v0;
	_ =	sdelay $0x1  }
0x10a: {  	v0 =	vadd.f32 v3, v0;
	_ =	sdelay $0x1  }
0x10b: {  	v0 =	vadd.f32 v1, v0;
	_ =	sdelay $0x1  }
0x10c: {  	[tilespmem:s4+$0x16500] =	vst v0  }
0x10d: {  	v0 =	vld [tilespmem:s26+$0xFFFFFFF0];
	_ =	sdelay $0x4  }
0x10e: {  	[tilespmem:s4+$0x14510] =	vst v0  }
0x10f: {  	v0 =	vld [tilespmem:s28+$0xFFFFFF90]  }
0x110: {  	v1 =	vld [tilespmem:s28+$0xFFFFFFD0];
	_ =	sdelay $0x1  }
0x111: {  	v2 =	vld [tilespmem:s28+$0x10];
	_ =	sdelay $0x1  }
0x112: {  	v3 =	vld [tilespmem:s28+$0x50]  }
0x113: {  	v0 =	vadd.f32 v1, v0;
	_ =	sdelay $0x1  }
0x114: {  	v0 =	vadd.f32 v2, v0;
	_ =	sdelay $0x1  }
0x115: {  	v0 =	vadd.f32 v3, v0;
	_ =	sdelay $0x1  }
0x116: {  	[tilespmem:s4+$0x14550] =	vst v0  }
0x117: {  	v0 =	vld [tilespmem:s5+$0xFFFFFF70]  }
0x118: {  	v1 =	vld [tilespmem:s5+$0xFFFFFFB0];
	_ =	sdelay $0x1  }
0x119: {  	v2 =	vld [tilespmem:s5+$0xFFFFFFF0];
	_ =	sdelay $0x1  }
0x11a: {  	v3 =	vld [tilespmem:s5+$0x30]  }
0x11b: {  	v0 =	vadd.f32 v1, v0  }
0x11c: {  	v1 =	vld [tilespmem:s5+$0x70]  }
0x11d: {  	v0 =	vadd.f32 v2, v0;
	_ =	sdelay $0x1  }
0x11e: {  	v0 =	vadd.f32 v3, v0;
	_ =	sdelay $0x1  }
0x11f: {  	v0 =	vadd.f32 v1, v0;
	_ =	sdelay $0x1  }
0x120: {  	[tilespmem:s4+$0x16510] =	vst v0  }
0x121: {  	v0 =	vld [tilespmem:s26+$0x0];
	_ =	sdelay $0x4  }
0x122: {  	[tilespmem:s4+$0x14520] =	vst v0  }
0x123: {  	v0 =	vld [tilespmem:s28+$0xFFFFFFA0]  }
0x124: {  	v1 =	vld [tilespmem:s28+$0xFFFFFFE0];
	_ =	sdelay $0x1  }
0x125: {  	v2 =	vld [tilespmem:s28+$0x20];
	_ =	sdelay $0x1  }
0x126: {  	v3 =	vld [tilespmem:s28+$0x60]  }
0x127: {  	v0 =	vadd.f32 v1, v0;
	_ =	sdelay $0x1  }
0x128: {  	v0 =	vadd.f32 v2, v0;
	_ =	sdelay $0x1  }
0x129: {  	v0 =	vadd.f32 v3, v0;
	_ =	sdelay $0x1  }
0x12a: {  	[tilespmem:s4+$0x14560] =	vst v0  }
0x12b: {  	v0 =	vld [tilespmem:s5+$0xFFFFFF80]  }
0x12c: {  	v1 =	vld [tilespmem:s5+$0xFFFFFFC0];
	_ =	sdelay $0x1  }
0x12d: {  	v2 =	vld [tilespmem:s5+$0x0];
	_ =	sdelay $0x1  }
0x12e: {  	v3 =	vld [tilespmem:s5+$0x40]  }
0x12f: {  	v0 =	vadd.f32 v1, v0  }
0x130: {  	v1 =	vld [tilespmem:s5+$0x80]  }
0x131: {  	v0 =	vadd.f32 v2, v0;
	_ =	sdelay $0x1  }
0x132: {  	v0 =	vadd.f32 v3, v0;
	_ =	sdelay $0x1  }
0x133: {  	v0 =	vadd.f32 v1, v0;
	_ =	sdelay $0x1  }
0x134: {  	[tilespmem:s4+$0x16520] =	vst v0  }
0x135: {  	v0 =	vld [tilespmem:s26+$0x10];
	_ =	sdelay $0x4  }
0x136: {  	[tilespmem:s4+$0x14530] =	vst v0  }
0x137: {  	v0 =	vld [tilespmem:s28+$0xFFFFFFB0]  }
0x138: {  	v1 =	vld [tilespmem:s28+$0xFFFFFFF0];
	_ =	sdelay $0x1  }
0x139: {  	v2 =	vld [tilespmem:s28+$0x30];
	_ =	sdelay $0x1  }
0x13a: {  	v3 =	vld [tilespmem:s28+$0x70]  }
0x13b: {  	v0 =	vadd.f32 v1, v0;
	_ =	sdelay $0x1  }
0x13c: {  	v0 =	vadd.f32 v2, v0;
	_ =	sdelay $0x1  }
0x13d: {  	v0 =	vadd.f32 v3, v0;
	_ =	sdelay $0x1  }
0x13e: {  	[tilespmem:s4+$0x14570] =	vst v0  }
0x13f: {  	v2 =	vld [tilespmem:s5+$0xFFFFFF90]  }
0x140: {  	v4 =	vld [tilespmem:s5+$0xFFFFFFD0]  }
0x141: {  	v3 =	vld [tilespmem:s5+$0x10]  }
0x142: {  	v0 =	vld [tilespmem:s5+$0x50]  }
0x143: {  	s6 =	simm.s32 $0x200;
	v1 =	vld [tilespmem:s5+$0x90]  }
.LBB2_4:
0x144: {  	s5 =	sadd.s32 $0x140, s5;
	s28 =	sadd.s32 $0x100, s28;
	s26 =	sadd.s32 $0x40, s26  }
0x145: {  	p0 =	sne.s32 s6, $0x7E00;
	s7 =	smov.u32 s6;
	s6 =	sadd.s32 $0x200, s6;
	v2 =	vadd.f32 v4, v2  }
0x146: {  	_ = 	snop  }
0x147: {  	v2 =	vadd.f32 v3, v2;
	_ =	sdelay $0x1  }
0x148: {  	v0 =	vadd.f32 v0, v2;
	_ =	sdelay $0x1  }
0x149: {  	v0 =	vadd.f32 v1, v0;
	_ =	sdelay $0x1  }
0x14a: {  	[tilespmem:s4+$0x16530] =	vst v0  }
0x14b: {  	v0 =	vld [tilespmem:s26+$0xFFFFFFE0];
	_ =	sdelay $0x3  }
0x14c: {  	s4 =	sshra.s32 s7, $0x2  }
0x14d: {  	[tilespmem:s4+$0x14500] =	vst v0  }
0x14e: {  	v0 =	vld [tilespmem:s28+$0xFFFFFF80]  }
0x14f: {  	v1 =	vld [tilespmem:s28+$0xFFFFFFC0]  }
0x150: {  	v2 =	vld [tilespmem:s28+$0x0];
	_ =	sdelay $0x1  }
0x151: {  	v3 =	vld [tilespmem:s28+$0x40];
	_ =	sdelay $0x1  }
0x152: {  	v0 =	vadd.f32 v1, v0;
	_ =	sdelay $0x1  }
0x153: {  	v0 =	vadd.f32 v2, v0;
	_ =	sdelay $0x1  }
0x154: {  	v0 =	vadd.f32 v3, v0;
	_ =	sdelay $0x1  }
0x155: {  	[tilespmem:s4+$0x14540] =	vst v0  }
0x156: {  	v0 =	vld [tilespmem:s5+$0xFFFFFF60]  }
0x157: {  	v1 =	vld [tilespmem:s5+$0xFFFFFFA0]  }
0x158: {  	v2 =	vld [tilespmem:s5+$0xFFFFFFE0];
	_ =	sdelay $0x2  }
0x159: {  	v3 =	vld [tilespmem:s5+$0x20]  }
0x15a: {  	v0 =	vadd.f32 v1, v0  }
0x15b: {  	v1 =	vld [tilespmem:s5+$0x60]  }
0x15c: {  	v0 =	vadd.f32 v2, v0;
	_ =	sdelay $0x1  }
0x15d: {  	v0 =	vadd.f32 v3, v0;
	_ =	sdelay $0x1  }
0x15e: {  	v0 =	vadd.f32 v1, v0;
	_ =	sdelay $0x1  }
0x15f: {  	[tilespmem:s4+$0x16500] =	vst v0  }
0x160: {  	v0 =	vld [tilespmem:s26+$0xFFFFFFF0];
	_ =	sdelay $0x4  }
0x161: {  	[tilespmem:s4+$0x14510] =	vst v0  }
0x162: {  	v0 =	vld [tilespmem:s28+$0xFFFFFF90]  }
0x163: {  	v1 =	vld [tilespmem:s28+$0xFFFFFFD0];
	_ =	sdelay $0x1  }
0x164: {  	v2 =	vld [tilespmem:s28+$0x10];
	_ =	sdelay $0x1  }
0x165: {  	v3 =	vld [tilespmem:s28+$0x50]  }
0x166: {  	v0 =	vadd.f32 v1, v0;
	_ =	sdelay $0x1  }
0x167: {  	v0 =	vadd.f32 v2, v0;
	_ =	sdelay $0x1  }
0x168: {  	v0 =	vadd.f32 v3, v0;
	_ =	sdelay $0x1  }
0x169: {  	[tilespmem:s4+$0x14550] =	vst v0  }
0x16a: {  	v0 =	vld [tilespmem:s5+$0xFFFFFF70]  }
0x16b: {  	v1 =	vld [tilespmem:s5+$0xFFFFFFB0]  }
0x16c: {  	v2 =	vld [tilespmem:s5+$0xFFFFFFF0];
	_ =	sdelay $0x2  }
0x16d: {  	v3 =	vld [tilespmem:s5+$0x30]  }
0x16e: {  	v0 =	vadd.f32 v1, v0  }
0x16f: {  	v1 =	vld [tilespmem:s5+$0x70]  }
0x170: {  	v0 =	vadd.f32 v2, v0;
	_ =	sdelay $0x1  }
0x171: {  	v0 =	vadd.f32 v3, v0;
	_ =	sdelay $0x1  }
0x172: {  	v0 =	vadd.f32 v1, v0;
	_ =	sdelay $0x1  }
0x173: {  	[tilespmem:s4+$0x16510] =	vst v0  }
0x174: {  	v0 =	vld [tilespmem:s26+$0x0];
	_ =	sdelay $0x4  }
0x175: {  	[tilespmem:s4+$0x14520] =	vst v0  }
0x176: {  	v0 =	vld [tilespmem:s28+$0xFFFFFFA0]  }
0x177: {  	v1 =	vld [tilespmem:s28+$0xFFFFFFE0]  }
0x178: {  	v2 =	vld [tilespmem:s28+$0x20]  }
0x179: {  	v3 =	vld [tilespmem:s28+$0x60];
	_ =	sdelay $0x2  }
0x17a: {  	v0 =	vadd.f32 v1, v0;
	_ =	sdelay $0x1  }
0x17b: {  	v0 =	vadd.f32 v2, v0;
	_ =	sdelay $0x1  }
0x17c: {  	v0 =	vadd.f32 v3, v0;
	_ =	sdelay $0x1  }
0x17d: {  	[tilespmem:s4+$0x14560] =	vst v0  }
0x17e: {  	v0 =	vld [tilespmem:s5+$0xFFFFFF80]  }
0x17f: {  	v1 =	vld [tilespmem:s5+$0xFFFFFFC0]  }
0x180: {  	v2 =	vld [tilespmem:s5+$0x0]  }
0x181: {  	v3 =	vld [tilespmem:s5+$0x40]  }
0x182: {  	v4 =	vld [tilespmem:s5+$0x80];
	_ =	sdelay $0x1  }
0x183: {  	v0 =	vadd.f32 v1, v0;
	_ =	sdelay $0x1  }
0x184: {  	v0 =	vadd.f32 v2, v0;
	_ =	sdelay $0x1  }
0x185: {  	v0 =	vadd.f32 v3, v0;
	_ =	sdelay $0x1  }
0x186: {  	v0 =	vadd.f32 v4, v0;
	_ =	sdelay $0x1  }
0x187: {  	[tilespmem:s4+$0x16520] =	vst v0  }
0x188: {  	v0 =	vld [tilespmem:s26+$0x10];
	_ =	sdelay $0x4  }
0x189: {  	[tilespmem:s4+$0x14530] =	vst v0  }
0x18a: {  	v0 =	vld [tilespmem:s28+$0xFFFFFFB0]  }
0x18b: {  	v1 =	vld [tilespmem:s28+$0xFFFFFFF0]  }
0x18c: {  	v2 =	vld [tilespmem:s28+$0x30]  }
0x18d: {  	v3 =	vld [tilespmem:s28+$0x70];
	_ =	sdelay $0x2  }
0x18e: {  	v0 =	vadd.f32 v1, v0;
	_ =	sdelay $0x1  }
0x18f: {  	v0 =	vadd.f32 v2, v0;
	_ =	sdelay $0x1  }
0x190: {  	v0 =	vadd.f32 v3, v0;
	_ =	sdelay $0x1  }
0x191: {  	[tilespmem:s4+$0x14570] =	vst v0  }
.Ltmp1:
0x192: {  	v2 =	vld [tilespmem:s5+$0xFFFFFF90];
	(pc) =	sbr.rel @p0 .LBB2_4-.Ltmp1, $4  }
0x193: {  	v4 =	vld [tilespmem:s5+$0xFFFFFFD0]  }
0x194: {  	v3 =	vld [tilespmem:s5+$0x10]  }
0x195: {  	v0 =	vld [tilespmem:s5+$0x50]  }
0x196: {  	v1 =	vld [tilespmem:s5+$0x90]  }
0x197: {  	_ = 	snop  }
0x198: {  	v2 =	vadd.f32 v4, v2;
	_ =	sdelay $0x1  }
0x199: {  	v2 =	vadd.f32 v3, v2;
	_ =	sdelay $0x1  }
0x19a: {  	v0 =	vadd.f32 v0, v2;
	_ =	sdelay $0x1  }
0x19b: {  	v0 =	vadd.f32 v1, v0;
	_ =	sdelay $0x1  }
0x19c: {  	[tilespmem:s4+$0x16530] =	vst v0  }
0x19d: {  	[hbm4b:s12+s1] =	stream.linear.scatter [tilespmem:s0], [sflag:$0x7], $0x2000, $0x38;
	[tilespmem:$0x18500] =	vst v63  }
0x19e: {  	s25 =	sadd.s32 $0x1, s25;
	_ =	swait.ge [sflag:s15], $0x2000  }
0x19f: {  	p0 =	sne.s32 s25, s14;
	[sflag:s15] =	ssyncset.done $0x0  }
.Ltmp2:
0x1a0: {  	[sflag:s15] =	ssyncadd.s32 $0xFFFFE000;
	(pc) =	sbr.rel @p0 .LBB2_1-.Ltmp2, $4  }
0x1a1: {  	[hbm4b:s13+s1] =	stream.linear.scatter [tilespmem:s3], [sflag:$0x7], $0x2000, $0x38;
	[tilespmem:$0x18500] =	vst v63  }
0x1a2: {  	_ =	swait.ge [sflag:s15], $0x2000  }
0x1a3: {  	[sflag:s15] =	ssyncset.done $0x0  }
0x1a4: {  	[sflag:s15] =	ssyncadd.s32 $0xFFFFE000  }
0x1a5: {  	_ =	sfence.sel $0x180000  }
0x1a6: {  	[bflag:$0x0] =	sbarrier.arrive $0xFFFF  }
0x1a7: {  	_ =	strace $0x9000004A  }
0x1a8: {  	s0 =	stileid.u32;
	[bflag:$0x2] =	sbarrier.arrive $0xFFFF  }
0x1a9: {  	p0 =	sne.s32 s0, $0x0;
	s0 =	rddreg [dreg:$0x1]  }
0x1aa: {  	s0 =	sadd.s32 @!p0 $0x100000, s0  }
0x1ab: {  	[sflag:s0] =	ssyncadd.tile.s32 @!p0 $0x1;
	_ =	shalt  }
.Lfunc_end2:
_tile_overlayer_lowered:
.L_overlay_start_2:
0x1ac: {  	(tag) =	ssettag $0x2  }
0x1ad: {  	s0 =	rddreg [dreg:$0x0];
	s2 =	stileid.u32  }
0x1ae: {  	s1 =	rddreg [dreg:$0x1];
	p0 =	sne.s32 s2, $0x0  }
0x1af: {  	s3 =	rddreg [dreg:$0x2];
	[bflag:$0x3] =	sbarrier.arrive $0xFFFF;
	s2 =	simm.s32 @!p0 $0x1C07  }
0x1b0: {  	[timem:s3], [sflag:s2] =	dma.local @!p0 [hbm:s0], s1  }
0x1b1: {  	s0 =	simm.s32 @!p0 $0x7  }
0x1b2: {  	_ =	swait.ge @!p0 [sflag:s0], s1  }
0x1b3: {  	s1 =	ssub.s32 @!p0 $0x0, s1;
	[sflag:s0] =	ssyncset.done @!p0 $0x0  }
0x1b4: {  	[sflag:s0] =	ssyncadd.s32 @!p0 s1  }
0x1b5: {  	[bflag:$0x3] =	sbarrier.arrive $0xFFFF  }
0x1b6: {  	_ =	shalt  }

// kernel: kernel.16.cloned.1.call-start
scs
__scs_entry_jumppad:
0x0: {  	(pc) =	sbr.rel $0x88, $3  }
0x1: {  	(tag) =	ssettag $0x0;
	lr =	simm.s32 $0x1  }
0x2: {  	[smem:$0x3F91] =	sst lr;
	_ =	strace $0xD0000000  }
0x3: {  	_ = 	snop  }
0x4: {  	_ = 	snop  }
0x5: {  	_ = 	snop  }
0x6: {  	_ = 	snop  }
0x7: {  	_ = 	snop  }
__scs_overlays_trampoline_lowered:
0x8: {  	[smem:$0x3FA0] =	sst s0  }
0x9: {  	[smem:$0x3FA1] =	sst s1  }
0xa: {  	[smem:$0x3FA2] =	sst s2  }
0xb: {  	[smem:$0x3FA3] =	sst s3  }
0xc: {  	[smem:$0x3FA4] =	sst s4  }
0xd: {  	[smem:$0x3FA5] =	sst s5  }
0xe: {  	[smem:$0x3FA6] =	sst s6  }
0xf: {  	[smem:$0x3FA7] =	sst s7  }
0x10: {  	[smem:$0x3FA8] =	sst s8  }
0x11: {  	[smem:$0x3FA9] =	sst s9;
	s0 =	simm.s32 @!p0 $0x0  }
0x12: {  	s1 =	sld [smem:$0x3F8F];
	s0 =	simm.s32 @p0 $0x1  }
0x13: {  	[smem:$0x3FAA] =	sst s0;
	s0 =	simm.s32 @!p1 $0x0  }
0x14: {  	s2 =	sld [smem:$0x3F8E];
	s0 =	simm.s32 @p1 $0x1  }
0x15: {  	[smem:$0x3FAB] =	sst s0;
	s0 =	simm.s32 @!p2 $0x0  }
0x16: {  	s3 =	sld [smem:$0x3FDB];
	s0 =	simm.s32 @p2 $0x1  }
0x17: {  	s4 =	simm.s32 $0x1BF5;
	[smem:$0x3FAD] =	sst s0  }
0x18: {  	s0 =	sld [smem:$0x3F90];
	_ =	swait.ge [sflag:s4], $0x0  }
0x19: {  	s7 =	sld [smem:$0x3F91]  }
0x1a: {  	s8 =	sadd.s32 $0xFFFFE003, lr  }
0x1b: {  	s9 =	sadd.s32 $0xFFFFFEF7, lr;
	s5 =	simm.s32 $0xFFFFFFFF;
	p2 =	slt.u32 s8, $0xFFFFF086  }
0x1c: {  	p1 =	slt.u32 s9, $0xF7A;
	s5 =	simm.s32 @!p2 $0x0  }
0x1d: {  	s5 =	simm.s32 @p1 $0x1;
	p0 =	seq.s32 s7, s2  }
0x1e: {  	s7 =	smul.u32 @!p0 $0xF7A, s2;
	p2 =	seq.s32 @!p0 s5, $0x0  }
0x1f: {  	s9 =	smul.u32 $0xF7A, s1;
	s8 =	simm.s32 @!p0 $0x1BF5;
	p2 =	por !p2, p0  }
0x20: {  	[sflag:s8] =	ssyncset.s32 @!p0 $0xFFFFF086;
	s6 =	sadd.s32 @!p0 s3, s7;
	s7 =	simm.s32 @!p0 $0x108  }
0x21: {  	s3 =	sadd.s32 s3, s9;
	s6 =	sadd.s32 @!p0 $0x88, s6;
	s7 =	simm.s32 @p2 $0x1082  }
0x22: {  	[simem:s7], [sflag:s8] =	dma.local @!p0 [hbm:s6], $0xF7A  }
0x23: {  	s9 =	sor.u32 $0xD0000000, s2;
	s6 =	simm.s32 $0x108;
	_ =	swait.ge @!p0 [sflag:s8], $0x0  }
0x24: {  	s3 =	sadd.s32 $0x88, s3;
	s6 =	simm.s32 @!p1 $0x1082;
	[sflag:s4] =	ssyncset.s32 $0xFFFFF086  }
0x25: {  	[simem:s6], [sflag:s4] =	dma.local [hbm:s3], $0xF7A  }
0x26: {  	[smem:$0x3F91] =	sst s1;
	(tag) =	ssettag s2;
	_ =	strace s9  }
0x27: {  	s1 =	sld [smem:$0x3FA1]  }
0x28: {  	s2 =	sld [smem:$0x3FA2]  }
0x29: {  	s4 =	sld [smem:$0x3FA4]  }
0x2a: {  	p0 =	seq.s32 s5, $0x0;
	s5 =	sld [smem:$0x3FA5]  }
0x2b: {  	s6 =	sld [smem:$0x3FA6]  }
0x2c: {  	s7 =	sld [smem:$0x3FA7]  }
0x2d: {  	s3 =	simm.s32 $0x108;
	s8 =	sld [smem:$0x3FA8]  }
0x2e: {  	s3 =	simm.s32 @!p0 $0x1082;
	s9 =	sld [smem:$0x3FA9]  }
0x2f: {  	lr =	sadd.s32 s0, s3;
	s0 =	sld [smem:$0x3FA0]  }
0x30: {  	s3 =	sld [smem:$0x3FA3]  }
0x31: {  	[smem:$0x3FAC] =	sst s10  }
0x32: {  	s10 =	sld [smem:$0x3FAA];
	_ =	sdelay $0x3  }
0x33: {  	p0 =	seq.s32 s10, $0x1;
	s10 =	sld [smem:$0x3FAC];
	_ =	sdelay $0x3  }
0x34: {  	[smem:$0x3FAC] =	sst s10  }
0x35: {  	s10 =	sld [smem:$0x3FAB];
	_ =	sdelay $0x3  }
0x36: {  	p1 =	seq.s32 s10, $0x1;
	s10 =	sld [smem:$0x3FAC];
	_ =	sdelay $0x3  }
0x37: {  	[smem:$0x3FAC] =	sst s10  }
0x38: {  	s10 =	sld [smem:$0x3FAD]  }
0x39: {  	_ = 	snop;
	(pc) =	sbr.ind lr, $3  }
0x3a: {  	_ = 	snop  }
0x3b: {  	_ = 	snop  }
0x3c: {  	p2 =	seq.s32 s10, $0x1;
	s10 =	sld [smem:$0x3FAC]  }
0x3d: {  	_ =	shalt  }
0x3e: {  	_ =	shalt  }
0x3f: {  	_ =	shalt  }
0x40: {  	_ =	shalt  }
0x41: {  	_ =	shalt  }
0x42: {  	_ =	shalt  }
0x43: {  	_ =	shalt  }
0x44: {  	_ =	shalt  }
0x45: {  	_ =	shalt  }
0x46: {  	_ =	shalt  }
0x47: {  	_ =	shalt  }
0x48: {  	_ =	shalt  }
0x49: {  	_ =	shalt  }
0x4a: {  	_ =	shalt  }
0x4b: {  	_ =	shalt  }
0x4c: {  	_ =	shalt  }
0x4d: {  	_ =	shalt  }
0x4e: {  	_ =	shalt  }
0x4f: {  	_ =	shalt  }
0x50: {  	_ =	shalt  }
0x51: {  	_ =	shalt  }
0x52: {  	_ =	shalt  }
0x53: {  	_ =	shalt  }
0x54: {  	_ =	shalt  }
0x55: {  	_ =	shalt  }
0x56: {  	_ =	shalt  }
0x57: {  	_ =	shalt  }
0x58: {  	_ =	shalt  }
0x59: {  	_ =	shalt  }
0x5a: {  	_ =	shalt  }
0x5b: {  	_ =	shalt  }
0x5c: {  	_ =	shalt  }
0x5d: {  	_ =	shalt  }
0x5e: {  	_ =	shalt  }
0x5f: {  	_ =	shalt  }
0x60: {  	_ =	shalt  }
0x61: {  	_ =	shalt  }
0x62: {  	_ =	shalt  }
0x63: {  	_ =	shalt  }
0x64: {  	_ =	shalt  }
0x65: {  	_ =	shalt  }
0x66: {  	_ =	shalt  }
0x67: {  	_ =	shalt  }
0x68: {  	_ =	shalt  }
0x69: {  	_ =	shalt  }
0x6a: {  	_ =	shalt  }
0x6b: {  	_ =	shalt  }
0x6c: {  	_ =	shalt  }
0x6d: {  	_ =	shalt  }
0x6e: {  	_ =	shalt  }
0x6f: {  	_ =	shalt  }
0x70: {  	_ =	shalt  }
0x71: {  	_ =	shalt  }
0x72: {  	_ =	shalt  }
0x73: {  	_ =	shalt  }
0x74: {  	_ =	shalt  }
0x75: {  	_ =	shalt  }
0x76: {  	_ =	shalt  }
0x77: {  	_ =	shalt  }
0x78: {  	_ =	shalt  }
0x79: {  	_ =	shalt  }
0x7a: {  	_ =	shalt  }
0x7b: {  	_ =	shalt  }
0x7c: {  	_ =	shalt  }
0x7d: {  	_ =	shalt  }
0x7e: {  	_ =	shalt  }
0x7f: {  	_ =	shalt  }
0x80: {  	_ =	shalt  }
0x81: {  	_ =	shalt  }
0x82: {  	_ =	shalt  }
0x83: {  	_ =	shalt  }
0x84: {  	_ =	shalt  }
0x85: {  	_ =	shalt  }
0x86: {  	_ =	shalt  }
0x87: {  	_ =	shalt  }
.Lfunc_end0:
.L_simem_size_0:
called_computation.2_lowered:
.L_overlay_start_0:
0x88: {  	s2 =	sld [smem:$0x3FD9]  }
0x89: {  	s3 =	sld [smem:$0x3FFE];
	_ =	sdelay $0x1  }
0x8a: {  	s1 =	srdreg.scid  }
0x8b: {  	s0 =	sand.u32 $0x1, s1  }
0x8c: {  	s17 =	sshll.u32 s0, $0xA;
	s2 =	sadd.s32 s3, s2  }
0x8d: {  	s2 =	sadd.s32 s2, s17  }
0x8e: {  	[smem:$0x3FB8] =	sst s2  }
0x8f: {  	_ = 	snop  }
0x90: {  	(tm) =	ssettm $0x1  }
0x91: {  	s18 =	sld [smem:$0x3FFB];
	_ =	sdelay $0x3  }
0x92: {  	_ =	strace s18  }
0x93: {  	s2 =	sld [smem:$0x3FFC];
	_ =	sdelay $0x3  }
0x94: {  	_ =	strace s2  }
0x95: {  	s2 =	sld [smem:$0x3FFD];
	_ =	sdelay $0x3  }
0x96: {  	_ =	strace s2  }
0x97: {  	_ =	strace $0x8FFFFFFF  }
0x98: {  	s19 =	sld [smem:$0x3FDB];
	_ =	sdelay $0x1  }
0x99: {  	s20 =	simm.s32 $_scs_section_size  }
0x9a: {  	s4 =	simm.s32 $_size__tile_overlayer_lowered;
	s5 =	simm.s32 $_tile_overlayer_lowered  }
0x9b: {  	s6 =	simm.s32 $0x1BFF;
	s21 =	sshll.u32 s5, $0x1;
	s3 =	sadd.s32 s20, s19  }
0x9c: {  	s22 =	simm.s32 $0x0;
	s4 =	sshll.u32 s4, $0x1;
	s5 =	sadd.s32 s21, s3  }
0x9d: {  	[timem:s22], [sflag:s6] =	dma.local [hbm:s5], s4  }
0x9e: {  	_ =	swait.ge [sflag:s6], s4  }
0x9f: {  	s4 =	ssub.s32 $0x0, s4;
	[sflag:s6] =	ssyncset.done $0x0  }
0xa0: {  	[sflag:s6] =	ssyncadd.s32 s4;
	_ =	sdelay $0x1  }
0xa1: {  	s23 =	simm.s32 $0x1B8B  }
0xa2: {  	_ =	swait.ge [sflag:s23], $0x1  }
0xa3: {  	[sflag:s23] =	ssyncset.done $0x0  }
0xa4: {  	[sflag:s23] =	ssyncadd.s32 $0xFFFFFFFF  }
0xa5: {  	s4 =	sld [smem:$0x0]  }
0xa6: {  	s5 =	sand.u32 $0xFFFFFFFE, s1  }
0xa7: {  	p0 =	sne.s32 s1, s5  }
0xa8: {  	s5 =	sshll.u32 @p0 s5, $0xE  }
0xa9: {  	s5 =	sadd.s32 @p0 $0x11B8D, s5;
	s6 =	sshll.u32 @p0 s4, $0x11  }
0xaa: {  	s5 =	sor.u32 @p0 s6, s5  }
0xab: {  	[sflag:s5] =	ssyncadd.remote.s32 @p0 $0x1;
	_ =	sdelay $0x1  }
0xac: {  	s5 =	simm.s32 @p0 $0x1B8D  }
0xad: {  	_ =	swait.eq @p0 [sflag:s5], $0x1  }
0xae: {  	[sflag:s5] =	ssyncadd.s32 @p0 $0xFFFFFFFF  }
0xaf: {  	s6 =	sshll.u32 @!p0 s1, $0xE  }
0xb0: {  	s6 =	sor.u32 @!p0 $0x4000, s6;
	s5 =	simm.s32 @!p0 $0x1B8D  }
0xb1: {  	s4 =	sshll.u32 @!p0 s4, $0x11;
	s6 =	sadd.s32 @!p0 $0x11B8D, s6;
	_ =	swait.eq @!p0 [sflag:s5], $0x1  }
0xb2: {  	s4 =	sor.u32 @!p0 s4, s6;
	[sflag:s5] =	ssyncadd.s32 @!p0 $0xFFFFFFFF  }
0xb3: {  	s25 =	simm.s32 $0x1B8E;
	s24 =	sld [smem:$0x3FFE];
	[sflag:s4] =	ssyncadd.remote.s32 @!p0 $0x1  }
0xb4: {  	s26 =	simm.s32 $execute0_lowered;
	[smem:$0x3FD2] =	sst s25  }
0xb5: {  	s5 =	sshll.u32 s26, $0x1;
	_ =	strace $0x8000004C;
	[dreg:$0x1] =	wrdreg $0xFFFFFFFF  }
0xb6: {  	s28 =	simm.s32 $_size_execute0_lowered;
	s3 =	sadd.s32 s3, s5;
	[dreg:$0x0] =	wrdreg $0x0  }
0xb7: {  	s5 =	sshll.u32 s28, $0x1;
	[dreg:$0x2] =	wrdreg s3  }
0xb8: {  	[dreg:$0x3] =	wrdreg s5  }
0xb9: {  	[dreg:$0x4] =	wrdreg $0xC0  }
0xba: {  	_ =	task [dreg:s22], $0x5FFFF  }
0xbb: {  	[dreg:$0x1] =	wrdreg $0xFFFFFFFF  }
0xbc: {  	[dreg:$0x0] =	wrdreg $0x60  }
0xbd: {  	[dreg:$0x2] =	wrdreg s24  }
0xbe: {  	[dreg:$0x3] =	wrdreg $0xB  }
0xbf: {  	_ =	task.clear_ibuf [dreg:s22], $0x4FFFF;
	_ =	strace $0x9000004C  }
0xc0: {  	s29 =	simm.s32 $0xB;
	_ =	strace $0x8000004E  }
0xc1: {  	_ =	swait.ge [sflag:s29], $0x1  }
0xc2: {  	[sflag:s29] =	ssyncadd.s32 $0xFFFFFFFF  }
0xc3: {  	_ =	strace $0x9000004E  }
0xc4: {  	_ =	sfence  }
0xc5: {  	s30 =	sld [smem:$0x0];
	_ =	sdelay $0x2  }
0xc6: {  	s31 =	sshll.u32 s1, $0xD;
	s1 =	sshrl.u32 s1, $0x2  }
0xc7: {  	s4 =	sand.u32 $0x4000, s31;
	s1 =	sadd.s32 s1, s30  }
0xc8: {  	s0 =	sor.u32 s4, s0;
	s1 =	sshll.u32 s1, $0x11  }
0xc9: {  	s0 =	sor.u32 s1, s0  }
0xca: {  	s0 =	sadd.s32 $0x8F2B, s0  }
0xcb: {  	[sflag:s0] =	ssyncadd.remote.s32 $0x1  }
0xcc: {  	_ =	sfence.sel $0xFFFF  }
0xcd: {  	[dreg:$0x0] =	wrdreg $0xFFFFFFFF;
	(pc) =	sbr.abs _section_cstart, $3  }
0xce: {  	[dreg:$0x1] =	wrdreg $0xFFFFFFFF  }
0xcf: {  	_ =	task.clear_ibuf [dreg:s22], $0x2FFFF;
	_ =	strace $0x9FFFFFFF  }
0xd0: {  	(tm) =	ssettm $0x7FFFFFFF  }
0xd1: {  	_ =	shalt  }
tec
execute0_lowered:
.L_overlay_start_1:
0x0: {  	(tag) =	ssettag $0x1  }
0x1: {  	s0 =	rddreg [dreg:$0x0];
	s1 =	simm.s32 $0x0;
	s5 =	srdreg.scid  }
0x2: {  	s8 =	stileid.u32;
	s15 =	simm.s32 $0x7;
	s16 =	simm.s32 $0x40  }
0x3: {  	s29 =	simm.s32 $0x1;
	s30 =	simm.s32 $0x2;
	s31 =	simm.s32 $0x3  }
0x4: {  	[smem:$0x7FF] =	sst s1;
	s2 =	sadd.s32 $0x18C000, s0;
	s3 =	sadd.s32 $0x6A00, s0  }
0x5: {  	s4 =	sadd.s32 $0x48A00, s0;
	s6 =	sadd.s32 $0x48000, s0;
	s5 =	sand.u32 $0x1, s5  }
0x6: {  	s12 =	sadd.s32 $0x49200, s0;
	s8 =	sshll.u32 s8, $0x1;
	s0 =	sadd.s32 $0x59200, s0  }
0x7: {  	_ =	strace $0x8000004D;
	s7 =	ssub.s32 $0x2, s5;
	s5 =	sor.u32 s5, s8  }
0x8: {  	s9 =	sshrl.u32 s7, $0x1;
	s17 =	sshll.u32 s5, $0x7;
	s8 =	sshll.u32 s5, $0x4  }
0x9: {  	s18 =	sshll.u32 s5, $0x6;
	s10 =	smul.u32 $0x50, s5;
	s26 =	sshll.u32 s5, $0xB  }
0xa: {  	s14 =	ssub.s32 s7, s9;
	s11 =	sor.u32 $0x40, s17;
	s19 =	sadd.s32 s3, s8  }
0xb: {  	s20 =	sadd.s32 s4, s18;
	s17 =	simm.s32 $0x140;
	[dreg:$0x2] =	wrdreg s19  }
0xc: {  	s18 =	simm.s32 $0x4;
	[dreg:$0x3] =	wrdreg s20;
	s21 =	smul.u32 $0x5, s11  }
0xd: {  	s22 =	sadd.s32 s6, s10;
	s23 =	sshrl.u32 s11, $0x3;
	s24 =	sshrl.u32 s11, $0x1  }
0xe: {  	s28 =	sshll.u32 s11, $0x4;
	s10 =	sadd.s32 s12, s26;
	s11 =	sadd.s32 s0, s26  }
0xf: {  	s14 =	smax.u32 s14, $0x1;
	s19 =	simm.s32 $0x100;
	s20 =	simm.s32 $0x5  }
0x10: {  	[dreg:$0x4] =	wrdreg s22;
	s3 =	sadd.s32 s3, s23;
	s8 =	sadd.s32 s4, s24  }
0x11: {  	s12 =	sadd.s32 s12, s28;
	s13 =	sadd.s32 s0, s28;
	s22 =	simm.s32 $0x280  }
0x12: {  	s23 =	simm.s32 $0x2C0;
	s24 =	simm.s32 $0x3C0;
	s0 =	simm.s32 $0x14500  }
0x13: {  	[dreg:$0x5] =	wrdreg s3;
	s25 =	sshrl.u32 s21, $0x3;
	s3 =	simm.s32 $0x16500  }
0x14: {  	s21 =	simm.s32 $0x6;
	s9 =	sadd.s32 s6, s25;
	s25 =	simm.s32 $0x0  }
.LBB2_1:
0x15: {  	s4 =	rddreg [dreg:$0x2]  }
0x16: {  	[tilespmem:s1], [sflag:$0x7] =	stream.linear.gather [hbm4b:s4+s1], $0x40, $0x38;
	[tilespmem:$0x18500] =	vst v63  }
0x17: {  	_ =	swait.ge [sflag:s15], $0x40  }
0x18: {  	[sflag:s15] =	ssyncset.done $0x0  }
0x19: {  	s26 =	rddreg [dreg:$0x3];
	[sflag:s15] =	ssyncadd.s32 $0xFFFFFFC0  }
0x1a: {  	[tilespmem:s16], [sflag:$0x7] =	stream.linear.gather [hbm4b:s26+s1], $0x100, $0x38;
	[tilespmem:$0x18500] =	vst v63  }
0x1b: {  	_ =	swait.ge [sflag:s15], $0x100  }
0x1c: {  	[sflag:s15] =	ssyncset.done $0x0  }
0x1d: {  	s5 =	rddreg [dreg:$0x4];
	[sflag:s15] =	ssyncadd.s32 $0xFFFFFF00  }
0x1e: {  	[tilespmem:s17], [sflag:$0x7] =	stream.linear.gather [hbm4b:s5+s1], $0x140, $0x38;
	[tilespmem:$0x18500] =	vst v63  }
0x1f: {  	_ =	swait.ge [sflag:s15], $0x140  }
0x20: {  	[sflag:s15] =	ssyncset.done $0x0  }
0x21: {  	s6 =	simm.s32 $0x500;
	[sflag:s15] =	ssyncadd.s32 $0xFFFFFEC0  }
0x22: {  	[tilespmem:s6], [sflag:$0x1] =	stream.indirect.gather [hbm4b:s2+s16], $0x40, s1, s16, $0xb8;
	[tilespmem:$0x18500] =	vst v63  }
0x23: {  	s7 =	simm.s32 $0x1500  }
0x24: {  	[tilespmem:s7], [sflag:$0x2] =	stream.indirect.gather [hbm4b:s2+s19], $0x40, s16, s19, $0xb8;
	[tilespmem:$0x18500] =	vst v63  }
0x25: {  	s26 =	simm.s32 $0x5500  }
0x26: {  	[tilespmem:s26], [sflag:$0x3] =	stream.indirect.gather [hbm4b:s2+s17], $0x40, s17, s17, $0xb8;
	[tilespmem:$0x18500] =	vst v63  }
0x27: {  	s5 =	rddreg [dreg:$0x5]  }
0x28: {  	[tilespmem:s22], [sflag:$0x7] =	stream.linear.gather [hbm4b:s5+s1], $0x40, $0x38;
	[tilespmem:$0x18500] =	vst v63  }
0x29: {  	_ =	swait.ge [sflag:s15], $0x40  }
0x2a: {  	[sflag:s15] =	ssyncset.done $0x0  }
0x2b: {  	[sflag:s15] =	ssyncadd.s32 $0xFFFFFFC0  }
0x2c: {  	[tilespmem:s23], [sflag:$0x7] =	stream.linear.gather [hbm4b:s8+s1], $0x100, $0x38;
	[tilespmem:$0x18500] =	vst v63  }
0x2d: {  	_ =	swait.ge [sflag:s15], $0x100  }
0x2e: {  	[sflag:s15] =	ssyncset.done $0x0  }
0x2f: {  	[sflag:s15] =	ssyncadd.s32 $0xFFFFFF00  }
0x30: {  	[tilespmem:s24], [sflag:$0x7] =	stream.linear.gather [hbm4b:s9+s1], $0x140, $0x38;
	[tilespmem:$0x18500] =	vst v63  }
0x31: {  	_ =	swait.ge [sflag:s15], $0x140  }
0x32: {  	[sflag:s15] =	ssyncset.done $0x0  }
0x33: {  	s6 =	simm.s32 $0xA500;
	[sflag:s15] =	ssyncadd.s32 $0xFFFFFEC0  }
0x34: {  	[tilespmem:s6], [sflag:$0x4] =	stream.indirect.gather [hbm4b:s2+s16], $0x40, s22, s16, $0xb8;
	[tilespmem:$0x18500] =	vst v63  }
0x35: {  	s7 =	simm.s32 $0xB500  }
0x36: {  	[tilespmem:s7], [sflag:$0x5] =	stream.indirect.gather [hbm4b:s2+s19], $0x40, s23, s19, $0xb8;
	[tilespmem:$0x18500] =	vst v63  }
0x37: {  	s26 =	simm.s32 $0xF500  }
0x38: {  	[tilespmem:s26], [sflag:$0x6] =	stream.indirect.gather [hbm4b:s2+s17], $0x40, s24, s17, $0xb8;
	[tilespmem:$0x18500] =	vst v63  }
0x39: {  	_ =	swait.ge [sflag:s29], $0x1000  }
0x3a: {  	[sflag:s29] =	ssyncset.done $0x0  }
0x3b: {  	[sflag:s29] =	ssyncadd.s32 $0xFFFFF000  }
0x3c: {  	_ =	swait.ge [sflag:s30], $0x4000  }
0x3d: {  	[sflag:s30] =	ssyncset.done $0x0  }
0x3e: {  	[sflag:s30] =	ssyncadd.s32 $0xFFFFC000  }
0x3f: {  	_ =	swait.ge [sflag:s31], $0x5000  }
0x40: {  	[sflag:s31] =	ssyncset.done $0x0  }
0x41: {  	s26 =	simm.s32 $0x520;
	[sflag:s31] =	ssyncadd.s32 $0xFFFFB000  }
0x42: {  	v0 =	vld [tilespmem:s26+$0xFFFFFFE0];
	_ =	sdelay $0x3  }
0x43: {  	s4 =	simm.s32 $0x0  }
0x44: {  	s28 =	simm.s32 $0x1580;
	[tilespmem:s4+$0x14500] =	vst v0  }
0x45: {  	v0 =	vld [tilespmem:s28+$0xFFFFFF80]  }
0x46: {  	v1 =	vld [tilespmem:s28+$0xFFFFFFC0];
	_ =	sdelay $0x1  }
0x47: {  	v2 =	vld [tilespmem:s28+$0x0];
	_ =	sdelay $0x1  }
0x48: {  	v3 =	vld [tilespmem:s28+$0x40]  }
0x49: {  	v0 =	vadd.f32 v1, v0;
	_ =	sdelay $0x1  }
0x4a: {  	v0 =	vadd.f32 v2, v0;
	_ =	sdelay $0x1  }
0x4b: {  	v0 =	vadd.f32 v3, v0;
	_ =	sdelay $0x1  }
0x4c: {  	s5 =	simm.s32 $0x55A0;
	[tilespmem:s4+$0x14540] =	vst v0  }
0x4d: {  	v0 =	vld [tilespmem:s5+$0xFFFFFF60]  }
0x4e: {  	v1 =	vld [tilespmem:s5+$0xFFFFFFA0];
	_ =	sdelay $0x1  }
0x4f: {  	v2 =	vld [tilespmem:s5+$0xFFFFFFE0];
	_ =	sdelay $0x1  }
0x50: {  	v3 =	vld [tilespmem:s5+$0x20]  }
0x51: {  	v0 =	vadd.f32 v1, v0  }
0x52: {  	v1 =	vld [tilespmem:s5+$0x60]  }
0x53: {  	v0 =	vadd.f32 v2, v0;
	_ =	sdelay $0x1  }
0x54: {  	v0 =	vadd.f32 v3, v0;
	_ =	sdelay $0x1  }
0x55: {  	v0 =	vadd.f32 v1, v0;
	_ =	sdelay $0x1  }
0x56: {  	[tilespmem:s4+$0x16500] =	vst v0  }
0x57: {  	v0 =	vld [tilespmem:s26+$0xFFFFFFF0];
	_ =	sdelay $0x4  }
0x58: {  	[tilespmem:s4+$0x14510] =	vst v0  }
0x59: {  	v0 =	vld [tilespmem:s28+$0xFFFFFF90]  }
0x5a: {  	v1 =	vld [tilespmem:s28+$0xFFFFFFD0];
	_ =	sdelay $0x1  }
0x5b: {  	v2 =	vld [tilespmem:s28+$0x10];
	_ =	sdelay $0x1  }
0x5c: {  	v3 =	vld [tilespmem:s28+$0x50]  }
0x5d: {  	v0 =	vadd.f32 v1, v0;
	_ =	sdelay $0x1  }
0x5e: {  	v0 =	vadd.f32 v2, v0;
	_ =	sdelay $0x1  }
0x5f: {  	v0 =	vadd.f32 v3, v0;
	_ =	sdelay $0x1  }
0x60: {  	[tilespmem:s4+$0x14550] =	vst v0  }
0x61: {  	v0 =	vld [tilespmem:s5+$0xFFFFFF70]  }
0x62: {  	v1 =	vld [tilespmem:s5+$0xFFFFFFB0];
	_ =	sdelay $0x1  }
0x63: {  	v2 =	vld [tilespmem:s5+$0xFFFFFFF0];
	_ =	sdelay $0x1  }
0x64: {  	v3 =	vld [tilespmem:s5+$0x30]  }
0x65: {  	v0 =	vadd.f32 v1, v0  }
0x66: {  	v1 =	vld [tilespmem:s5+$0x70]  }
0x67: {  	v0 =	vadd.f32 v2, v0;
	_ =	sdelay $0x1  }
0x68: {  	v0 =	vadd.f32 v3, v0;
	_ =	sdelay $0x1  }
0x69: {  	v0 =	vadd.f32 v1, v0;
	_ =	sdelay $0x1  }
0x6a: {  	[tilespmem:s4+$0x16510] =	vst v0  }
0x6b: {  	v0 =	vld [tilespmem:s26+$0x0];
	_ =	sdelay $0x4  }
0x6c: {  	[tilespmem:s4+$0x14520] =	vst v0  }
0x6d: {  	v0 =	vld [tilespmem:s28+$0xFFFFFFA0]  }
0x6e: {  	v1 =	vld [tilespmem:s28+$0xFFFFFFE0];
	_ =	sdelay $0x1  }
0x6f: {  	v2 =	vld [tilespmem:s28+$0x20];
	_ =	sdelay $0x1  }
0x70: {  	v3 =	vld [tilespmem:s28+$0x60]  }
0x71: {  	v0 =	vadd.f32 v1, v0;
	_ =	sdelay $0x1  }
0x72: {  	v0 =	vadd.f32 v2, v0;
	_ =	sdelay $0x1  }
0x73: {  	v0 =	vadd.f32 v3, v0;
	_ =	sdelay $0x1  }
0x74: {  	[tilespmem:s4+$0x14560] =	vst v0  }
0x75: {  	v0 =	vld [tilespmem:s5+$0xFFFFFF80]  }
0x76: {  	v1 =	vld [tilespmem:s5+$0xFFFFFFC0];
	_ =	sdelay $0x1  }
0x77: {  	v2 =	vld [tilespmem:s5+$0x0];
	_ =	sdelay $0x1  }
0x78: {  	v3 =	vld [tilespmem:s5+$0x40]  }
0x79: {  	v0 =	vadd.f32 v1, v0  }
0x7a: {  	v1 =	vld [tilespmem:s5+$0x80]  }
0x7b: {  	v0 =	vadd.f32 v2, v0;
	_ =	sdelay $0x1  }
0x7c: {  	v0 =	vadd.f32 v3, v0;
	_ =	sdelay $0x1  }
0x7d: {  	v0 =	vadd.f32 v1, v0;
	_ =	sdelay $0x1  }
0x7e: {  	[tilespmem:s4+$0x16520] =	vst v0  }
0x7f: {  	v0 =	vld [tilespmem:s26+$0x10];
	_ =	sdelay $0x4  }
0x80: {  	[tilespmem:s4+$0x14530] =	vst v0  }
0x81: {  	v0 =	vld [tilespmem:s28+$0xFFFFFFB0]  }
0x82: {  	v1 =	vld [tilespmem:s28+$0xFFFFFFF0];
	_ =	sdelay $0x1  }
0x83: {  	v2 =	vld [tilespmem:s28+$0x30];
	_ =	sdelay $0x1  }
0x84: {  	v3 =	vld [tilespmem:s28+$0x70]  }
0x85: {  	v0 =	vadd.f32 v1, v0;
	_ =	sdelay $0x1  }
0x86: {  	v0 =	vadd.f32 v2, v0;
	_ =	sdelay $0x1  }
0x87: {  	v0 =	vadd.f32 v3, v0;
	_ =	sdelay $0x1  }
0x88: {  	[tilespmem:s4+$0x14570] =	vst v0  }
0x89: {  	v2 =	vld [tilespmem:s5+$0xFFFFFF90]  }
0x8a: {  	v4 =	vld [tilespmem:s5+$0xFFFFFFD0]  }
0x8b: {  	v3 =	vld [tilespmem:s5+$0x10]  }
0x8c: {  	v0 =	vld [tilespmem:s5+$0x50]  }
0x8d: {  	s6 =	simm.s32 $0x200;
	v1 =	vld [tilespmem:s5+$0x90]  }
.LBB2_2:
0x8e: {  	s5 =	sadd.s32 $0x140, s5;
	s28 =	sadd.s32 $0x100, s28;
	s26 =	sadd.s32 $0x40, s26  }
0x8f: {  	p0 =	sne.s32 s6, $0x7E00;
	s7 =	smov.u32 s6;
	s6 =	sadd.s32 $0x200, s6;
	v2 =	vadd.f32 v4, v2  }
0x90: {  	_ = 	snop  }
0x91: {  	v2 =	vadd.f32 v3, v2;
	_ =	sdelay $0x1  }
0x92: {  	v0 =	vadd.f32 v0, v2;
	_ =	sdelay $0x1  }
0x93: {  	v0 =	vadd.f32 v1, v0;
	_ =	sdelay $0x1  }
0x94: {  	[tilespmem:s4+$0x16530] =	vst v0  }
0x95: {  	v0 =	vld [tilespmem:s26+$0xFFFFFFE0];
	_ =	sdelay $0x3  }
0x96: {  	s4 =	sshra.s32 s7, $0x2  }
0x97: {  	[tilespmem:s4+$0x14500] =	vst v0  }
0x98: {  	v0 =	vld [tilespmem:s28+$0xFFFFFF80]  }
0x99: {  	v1 =	vld [tilespmem:s28+$0xFFFFFFC0]  }
0x9a: {  	v2 =	vld [tilespmem:s28+$0x0];
	_ =	sdelay $0x1  }
0x9b: {  	v3 =	vld [tilespmem:s28+$0x40];
	_ =	sdelay $0x1  }
0x9c: {  	v0 =	vadd.f32 v1, v0;
	_ =	sdelay $0x1  }
0x9d: {  	v0 =	vadd.f32 v2, v0;
	_ =	sdelay $0x1  }
0x9e: {  	v0 =	vadd.f32 v3, v0;
	_ =	sdelay $0x1  }
0x9f: {  	[tilespmem:s4+$0x14540] =	vst v0  }
0xa0: {  	v0 =	vld [tilespmem:s5+$0xFFFFFF60]  }
0xa1: {  	v1 =	vld [tilespmem:s5+$0xFFFFFFA0]  }
0xa2: {  	v2 =	vld [tilespmem:s5+$0xFFFFFFE0];
	_ =	sdelay $0x2  }
0xa3: {  	v3 =	vld [tilespmem:s5+$0x20]  }
0xa4: {  	v0 =	vadd.f32 v1, v0  }
0xa5: {  	v1 =	vld [tilespmem:s5+$0x60]  }
0xa6: {  	v0 =	vadd.f32 v2, v0;
	_ =	sdelay $0x1  }
0xa7: {  	v0 =	vadd.f32 v3, v0;
	_ =	sdelay $0x1  }
0xa8: {  	v0 =	vadd.f32 v1, v0;
	_ =	sdelay $0x1  }
0xa9: {  	[tilespmem:s4+$0x16500] =	vst v0  }
0xaa: {  	v0 =	vld [tilespmem:s26+$0xFFFFFFF0];
	_ =	sdelay $0x4  }
0xab: {  	[tilespmem:s4+$0x14510] =	vst v0  }
0xac: {  	v0 =	vld [tilespmem:s28+$0xFFFFFF90]  }
0xad: {  	v1 =	vld [tilespmem:s28+$0xFFFFFFD0];
	_ =	sdelay $0x1  }
0xae: {  	v2 =	vld [tilespmem:s28+$0x10];
	_ =	sdelay $0x1  }
0xaf: {  	v3 =	vld [tilespmem:s28+$0x50]  }
0xb0: {  	v0 =	vadd.f32 v1, v0;
	_ =	sdelay $0x1  }
0xb1: {  	v0 =	vadd.f32 v2, v0;
	_ =	sdelay $0x1  }
0xb2: {  	v0 =	vadd.f32 v3, v0;
	_ =	sdelay $0x1  }
0xb3: {  	[tilespmem:s4+$0x14550] =	vst v0  }
0xb4: {  	v0 =	vld [tilespmem:s5+$0xFFFFFF70]  }
0xb5: {  	v1 =	vld [tilespmem:s5+$0xFFFFFFB0]  }
0xb6: {  	v2 =	vld [tilespmem:s5+$0xFFFFFFF0];
	_ =	sdelay $0x2  }
0xb7: {  	v3 =	vld [tilespmem:s5+$0x30]  }
0xb8: {  	v0 =	vadd.f32 v1, v0  }
0xb9: {  	v1 =	vld [tilespmem:s5+$0x70]  }
0xba: {  	v0 =	vadd.f32 v2, v0;
	_ =	sdelay $0x1  }
0xbb: {  	v0 =	vadd.f32 v3, v0;
	_ =	sdelay $0x1  }
0xbc: {  	v0 =	vadd.f32 v1, v0;
	_ =	sdelay $0x1  }
0xbd: {  	[tilespmem:s4+$0x16510] =	vst v0  }
0xbe: {  	v0 =	vld [tilespmem:s26+$0x0];
	_ =	sdelay $0x4  }
0xbf: {  	[tilespmem:s4+$0x14520] =	vst v0  }
0xc0: {  	v0 =	vld [tilespmem:s28+$0xFFFFFFA0]  }
0xc1: {  	v1 =	vld [tilespmem:s28+$0xFFFFFFE0]  }
0xc2: {  	v2 =	vld [tilespmem:s28+$0x20]  }
0xc3: {  	v3 =	vld [tilespmem:s28+$0x60];
	_ =	sdelay $0x2  }
0xc4: {  	v0 =	vadd.f32 v1, v0;
	_ =	sdelay $0x1  }
0xc5: {  	v0 =	vadd.f32 v2, v0;
	_ =	sdelay $0x1  }
0xc6: {  	v0 =	vadd.f32 v3, v0;
	_ =	sdelay $0x1  }
0xc7: {  	[tilespmem:s4+$0x14560] =	vst v0  }
0xc8: {  	v0 =	vld [tilespmem:s5+$0xFFFFFF80]  }
0xc9: {  	v1 =	vld [tilespmem:s5+$0xFFFFFFC0]  }
0xca: {  	v2 =	vld [tilespmem:s5+$0x0]  }
0xcb: {  	v3 =	vld [tilespmem:s5+$0x40]  }
0xcc: {  	v4 =	vld [tilespmem:s5+$0x80];
	_ =	sdelay $0x1  }
0xcd: {  	v0 =	vadd.f32 v1, v0;
	_ =	sdelay $0x1  }
0xce: {  	v0 =	vadd.f32 v2, v0;
	_ =	sdelay $0x1  }
0xcf: {  	v0 =	vadd.f32 v3, v0;
	_ =	sdelay $0x1  }
0xd0: {  	v0 =	vadd.f32 v4, v0;
	_ =	sdelay $0x1  }
0xd1: {  	[tilespmem:s4+$0x16520] =	vst v0  }
0xd2: {  	v0 =	vld [tilespmem:s26+$0x10];
	_ =	sdelay $0x4  }
0xd3: {  	[tilespmem:s4+$0x14530] =	vst v0  }
0xd4: {  	v0 =	vld [tilespmem:s28+$0xFFFFFFB0]  }
0xd5: {  	v1 =	vld [tilespmem:s28+$0xFFFFFFF0]  }
0xd6: {  	v2 =	vld [tilespmem:s28+$0x30]  }
0xd7: {  	v3 =	vld [tilespmem:s28+$0x70];
	_ =	sdelay $0x2  }
0xd8: {  	v0 =	vadd.f32 v1, v0;
	_ =	sdelay $0x1  }
0xd9: {  	v0 =	vadd.f32 v2, v0;
	_ =	sdelay $0x1  }
0xda: {  	v0 =	vadd.f32 v3, v0;
	_ =	sdelay $0x1  }
0xdb: {  	[tilespmem:s4+$0x14570] =	vst v0  }
.Ltmp0:
0xdc: {  	v2 =	vld [tilespmem:s5+$0xFFFFFF90];
	(pc) =	sbr.rel @p0 .LBB2_2-.Ltmp0, $4  }
0xdd: {  	v4 =	vld [tilespmem:s5+$0xFFFFFFD0]  }
0xde: {  	v3 =	vld [tilespmem:s5+$0x10]  }
0xdf: {  	v0 =	vld [tilespmem:s5+$0x50]  }
0xe0: {  	v1 =	vld [tilespmem:s5+$0x90]  }
0xe1: {  	_ = 	snop  }
0xe2: {  	v2 =	vadd.f32 v4, v2;
	_ =	sdelay $0x1  }
0xe3: {  	v2 =	vadd.f32 v3, v2;
	_ =	sdelay $0x1  }
0xe4: {  	v0 =	vadd.f32 v0, v2;
	_ =	sdelay $0x1  }
0xe5: {  	v0 =	vadd.f32 v1, v0;
	_ =	sdelay $0x1  }
0xe6: {  	s26 =	simm.s32 $0x0;
	[tilespmem:s4+$0x16530] =	vst v0  }
0xe7: {  	[hbm4b:s10+s26] =	stream.linear.scatter [tilespmem:s0], [sflag:$0x7], $0x2000, $0x38;
	[tilespmem:$0x18500] =	vst v63  }
0xe8: {  	_ =	swait.ge [sflag:s15], $0x2000  }
0xe9: {  	[sflag:s15] =	ssyncset.done $0x0  }
0xea: {  	[sflag:s15] =	ssyncadd.s32 $0xFFFFE000  }
0xeb: {  	[hbm4b:s11+s26] =	stream.linear.scatter [tilespmem:s3], [sflag:$0x7], $0x2000, $0x38;
	[tilespmem:$0x18500] =	vst v63  }
0xec: {  	_ =	swait.ge [sflag:s15], $0x2000  }
0xed: {  	[sflag:s15] =	ssyncset.done $0x0  }
0xee: {  	[sflag:s15] =	ssyncadd.s32 $0xFFFFE000  }
0xef: {  	_ =	swait.ge [sflag:s18], $0x1000  }
0xf0: {  	[sflag:s18] =	ssyncset.done $0x0  }
0xf1: {  	[sflag:s18] =	ssyncadd.s32 $0xFFFFF000  }
0xf2: {  	_ =	swait.ge [sflag:s20], $0x4000  }
0xf3: {  	[sflag:s20] =	ssyncset.done $0x0  }
0xf4: {  	[sflag:s20] =	ssyncadd.s32 $0xFFFFC000  }
0xf5: {  	_ =	swait.ge [sflag:s21], $0x5000  }
0xf6: {  	[sflag:s21] =	ssyncset.done $0x0  }
0xf7: {  	s26 =	simm.s32 $0xA520;
	[sflag:s21] =	ssyncadd.s32 $0xFFFFB000  }
0xf8: {  	v0 =	vld [tilespmem:s26+$0xFFFFFFE0];
	_ =	sdelay $0x3  }
0xf9: {  	s4 =	simm.s32 $0x0  }
0xfa: {  	s28 =	simm.s32 $0xB580;
	[tilespmem:s4+$0x14500] =	vst v0  }
0xfb: {  	v0 =	vld [tilespmem:s28+$0xFFFFFF80]  }
0xfc: {  	v1 =	vld [tilespmem:s28+$0xFFFFFFC0];
	_ =	sdelay $0x1  }
0xfd: {  	v2 =	vld [tilespmem:s28+$0x0];
	_ =	sdelay $0x1  }
0xfe: {  	v3 =	vld [tilespmem:s28+$0x40]  }
0xff: {  	v0 =	vadd.f32 v1, v0;
	_ =	sdelay $0x1  }
0x100: {  	v0 =	vadd.f32 v2, v0;
	_ =	sdelay $0x1  }
0x101: {  	v0 =	vadd.f32 v3, v0;
	_ =	sdelay $0x1  }
0x102: {  	s5 =	simm.s32 $0xF5A0;
	[tilespmem:s4+$0x14540] =	vst v0  }
0x103: {  	v0 =	vld [tilespmem:s5+$0xFFFFFF60]  }
0x104: {  	v1 =	vld [tilespmem:s5+$0xFFFFFFA0];
	_ =	sdelay $0x1  }
0x105: {  	v2 =	vld [tilespmem:s5+$0xFFFFFFE0];
	_ =	sdelay $0x1  }
0x106: {  	v3 =	vld [tilespmem:s5+$0x20]  }
0x107: {  	v0 =	vadd.f32 v1, v0  }
0x108: {  	v1 =	vld [tilespmem:s5+$0x60]  }
0x109: {  	v0 =	vadd.f32 v2, v0;
	_ =	sdelay $0x1  }
0x10a: {  	v0 =	vadd.f32 v3, v0;
	_ =	sdelay $0x1  }
0x10b: {  	v0 =	vadd.f32 v1, v0;
	_ =	sdelay $0x1  }
0x10c: {  	[tilespmem:s4+$0x16500] =	vst v0  }
0x10d: {  	v0 =	vld [tilespmem:s26+$0xFFFFFFF0];
	_ =	sdelay $0x4  }
0x10e: {  	[tilespmem:s4+$0x14510] =	vst v0  }
0x10f: {  	v0 =	vld [tilespmem:s28+$0xFFFFFF90]  }
0x110: {  	v1 =	vld [tilespmem:s28+$0xFFFFFFD0];
	_ =	sdelay $0x1  }
0x111: {  	v2 =	vld [tilespmem:s28+$0x10];
	_ =	sdelay $0x1  }
0x112: {  	v3 =	vld [tilespmem:s28+$0x50]  }
0x113: {  	v0 =	vadd.f32 v1, v0;
	_ =	sdelay $0x1  }
0x114: {  	v0 =	vadd.f32 v2, v0;
	_ =	sdelay $0x1  }
0x115: {  	v0 =	vadd.f32 v3, v0;
	_ =	sdelay $0x1  }
0x116: {  	[tilespmem:s4+$0x14550] =	vst v0  }
0x117: {  	v0 =	vld [tilespmem:s5+$0xFFFFFF70]  }
0x118: {  	v1 =	vld [tilespmem:s5+$0xFFFFFFB0];
	_ =	sdelay $0x1  }
0x119: {  	v2 =	vld [tilespmem:s5+$0xFFFFFFF0];
	_ =	sdelay $0x1  }
0x11a: {  	v3 =	vld [tilespmem:s5+$0x30]  }
0x11b: {  	v0 =	vadd.f32 v1, v0  }
0x11c: {  	v1 =	vld [tilespmem:s5+$0x70]  }
0x11d: {  	v0 =	vadd.f32 v2, v0;
	_ =	sdelay $0x1  }
0x11e: {  	v0 =	vadd.f32 v3, v0;
	_ =	sdelay $0x1  }
0x11f: {  	v0 =	vadd.f32 v1, v0;
	_ =	sdelay $0x1  }
0x120: {  	[tilespmem:s4+$0x16510] =	vst v0  }
0x121: {  	v0 =	vld [tilespmem:s26+$0x0];
	_ =	sdelay $0x4  }
0x122: {  	[tilespmem:s4+$0x14520] =	vst v0  }
0x123: {  	v0 =	vld [tilespmem:s28+$0xFFFFFFA0]  }
0x124: {  	v1 =	vld [tilespmem:s28+$0xFFFFFFE0];
	_ =	sdelay $0x1  }
0x125: {  	v2 =	vld [tilespmem:s28+$0x20];
	_ =	sdelay $0x1  }
0x126: {  	v3 =	vld [tilespmem:s28+$0x60]  }
0x127: {  	v0 =	vadd.f32 v1, v0;
	_ =	sdelay $0x1  }
0x128: {  	v0 =	vadd.f32 v2, v0;
	_ =	sdelay $0x1  }
0x129: {  	v0 =	vadd.f32 v3, v0;
	_ =	sdelay $0x1  }
0x12a: {  	[tilespmem:s4+$0x14560] =	vst v0  }
0x12b: {  	v0 =	vld [tilespmem:s5+$0xFFFFFF80]  }
0x12c: {  	v1 =	vld [tilespmem:s5+$0xFFFFFFC0];
	_ =	sdelay $0x1  }
0x12d: {  	v2 =	vld [tilespmem:s5+$0x0];
	_ =	sdelay $0x1  }
0x12e: {  	v3 =	vld [tilespmem:s5+$0x40]  }
0x12f: {  	v0 =	vadd.f32 v1, v0  }
0x130: {  	v1 =	vld [tilespmem:s5+$0x80]  }
0x131: {  	v0 =	vadd.f32 v2, v0;
	_ =	sdelay $0x1  }
0x132: {  	v0 =	vadd.f32 v3, v0;
	_ =	sdelay $0x1  }
0x133: {  	v0 =	vadd.f32 v1, v0;
	_ =	sdelay $0x1  }
0x134: {  	[tilespmem:s4+$0x16520] =	vst v0  }
0x135: {  	v0 =	vld [tilespmem:s26+$0x10];
	_ =	sdelay $0x4  }
0x136: {  	[tilespmem:s4+$0x14530] =	vst v0  }
0x137: {  	v0 =	vld [tilespmem:s28+$0xFFFFFFB0]  }
0x138: {  	v1 =	vld [tilespmem:s28+$0xFFFFFFF0];
	_ =	sdelay $0x1  }
0x139: {  	v2 =	vld [tilespmem:s28+$0x30];
	_ =	sdelay $0x1  }
0x13a: {  	v3 =	vld [tilespmem:s28+$0x70]  }
0x13b: {  	v0 =	vadd.f32 v1, v0;
	_ =	sdelay $0x1  }
0x13c: {  	v0 =	vadd.f32 v2, v0;
	_ =	sdelay $0x1  }
0x13d: {  	v0 =	vadd.f32 v3, v0;
	_ =	sdelay $0x1  }
0x13e: {  	[tilespmem:s4+$0x14570] =	vst v0  }
0x13f: {  	v2 =	vld [tilespmem:s5+$0xFFFFFF90]  }
0x140: {  	v4 =	vld [tilespmem:s5+$0xFFFFFFD0]  }
0x141: {  	v3 =	vld [tilespmem:s5+$0x10]  }
0x142: {  	v0 =	vld [tilespmem:s5+$0x50]  }
0x143: {  	s6 =	simm.s32 $0x200;
	v1 =	vld [tilespmem:s5+$0x90]  }
.LBB2_4:
0x144: {  	s5 =	sadd.s32 $0x140, s5;
	s28 =	sadd.s32 $0x100, s28;
	s26 =	sadd.s32 $0x40, s26  }
0x145: {  	p0 =	sne.s32 s6, $0x7E00;
	s7 =	smov.u32 s6;
	s6 =	sadd.s32 $0x200, s6;
	v2 =	vadd.f32 v4, v2  }
0x146: {  	_ = 	snop  }
0x147: {  	v2 =	vadd.f32 v3, v2;
	_ =	sdelay $0x1  }
0x148: {  	v0 =	vadd.f32 v0, v2;
	_ =	sdelay $0x1  }
0x149: {  	v0 =	vadd.f32 v1, v0;
	_ =	sdelay $0x1  }
0x14a: {  	[tilespmem:s4+$0x16530] =	vst v0  }
0x14b: {  	v0 =	vld [tilespmem:s26+$0xFFFFFFE0];
	_ =	sdelay $0x3  }
0x14c: {  	s4 =	sshra.s32 s7, $0x2  }
0x14d: {  	[tilespmem:s4+$0x14500] =	vst v0  }
0x14e: {  	v0 =	vld [tilespmem:s28+$0xFFFFFF80]  }
0x14f: {  	v1 =	vld [tilespmem:s28+$0xFFFFFFC0]  }
0x150: {  	v2 =	vld [tilespmem:s28+$0x0];
	_ =	sdelay $0x1  }
0x151: {  	v3 =	vld [tilespmem:s28+$0x40];
	_ =	sdelay $0x1  }
0x152: {  	v0 =	vadd.f32 v1, v0;
	_ =	sdelay $0x1  }
0x153: {  	v0 =	vadd.f32 v2, v0;
	_ =	sdelay $0x1  }
0x154: {  	v0 =	vadd.f32 v3, v0;
	_ =	sdelay $0x1  }
0x155: {  	[tilespmem:s4+$0x14540] =	vst v0  }
0x156: {  	v0 =	vld [tilespmem:s5+$0xFFFFFF60]  }
0x157: {  	v1 =	vld [tilespmem:s5+$0xFFFFFFA0]  }
0x158: {  	v2 =	vld [tilespmem:s5+$0xFFFFFFE0];
	_ =	sdelay $0x2  }
0x159: {  	v3 =	vld [tilespmem:s5+$0x20]  }
0x15a: {  	v0 =	vadd.f32 v1, v0  }
0x15b: {  	v1 =	vld [tilespmem:s5+$0x60]  }
0x15c: {  	v0 =	vadd.f32 v2, v0;
	_ =	sdelay $0x1  }
0x15d: {  	v0 =	vadd.f32 v3, v0;
	_ =	sdelay $0x1  }
0x15e: {  	v0 =	vadd.f32 v1, v0;
	_ =	sdelay $0x1  }
0x15f: {  	[tilespmem:s4+$0x16500] =	vst v0  }
0x160: {  	v0 =	vld [tilespmem:s26+$0xFFFFFFF0];
	_ =	sdelay $0x4  }
0x161: {  	[tilespmem:s4+$0x14510] =	vst v0  }
0x162: {  	v0 =	vld [tilespmem:s28+$0xFFFFFF90]  }
0x163: {  	v1 =	vld [tilespmem:s28+$0xFFFFFFD0];
	_ =	sdelay $0x1  }
0x164: {  	v2 =	vld [tilespmem:s28+$0x10];
	_ =	sdelay $0x1  }
0x165: {  	v3 =	vld [tilespmem:s28+$0x50]  }
0x166: {  	v0 =	vadd.f32 v1, v0;
	_ =	sdelay $0x1  }
0x167: {  	v0 =	vadd.f32 v2, v0;
	_ =	sdelay $0x1  }
0x168: {  	v0 =	vadd.f32 v3, v0;
	_ =	sdelay $0x1  }
0x169: {  	[tilespmem:s4+$0x14550] =	vst v0  }
0x16a: {  	v0 =	vld [tilespmem:s5+$0xFFFFFF70]  }
0x16b: {  	v1 =	vld [tilespmem:s5+$0xFFFFFFB0]  }
0x16c: {  	v2 =	vld [tilespmem:s5+$0xFFFFFFF0];
	_ =	sdelay $0x2  }
0x16d: {  	v3 =	vld [tilespmem:s5+$0x30]  }
0x16e: {  	v0 =	vadd.f32 v1, v0  }
0x16f: {  	v1 =	vld [tilespmem:s5+$0x70]  }
0x170: {  	v0 =	vadd.f32 v2, v0;
	_ =	sdelay $0x1  }
0x171: {  	v0 =	vadd.f32 v3, v0;
	_ =	sdelay $0x1  }
0x172: {  	v0 =	vadd.f32 v1, v0;
	_ =	sdelay $0x1  }
0x173: {  	[tilespmem:s4+$0x16510] =	vst v0  }
0x174: {  	v0 =	vld [tilespmem:s26+$0x0];
	_ =	sdelay $0x4  }
0x175: {  	[tilespmem:s4+$0x14520] =	vst v0  }
0x176: {  	v0 =	vld [tilespmem:s28+$0xFFFFFFA0]  }
0x177: {  	v1 =	vld [tilespmem:s28+$0xFFFFFFE0]  }
0x178: {  	v2 =	vld [tilespmem:s28+$0x20]  }
0x179: {  	v3 =	vld [tilespmem:s28+$0x60];
	_ =	sdelay $0x2  }
0x17a: {  	v0 =	vadd.f32 v1, v0;
	_ =	sdelay $0x1  }
0x17b: {  	v0 =	vadd.f32 v2, v0;
	_ =	sdelay $0x1  }
0x17c: {  	v0 =	vadd.f32 v3, v0;
	_ =	sdelay $0x1  }
0x17d: {  	[tilespmem:s4+$0x14560] =	vst v0  }
0x17e: {  	v0 =	vld [tilespmem:s5+$0xFFFFFF80]  }
0x17f: {  	v1 =	vld [tilespmem:s5+$0xFFFFFFC0]  }
0x180: {  	v2 =	vld [tilespmem:s5+$0x0]  }
0x181: {  	v3 =	vld [tilespmem:s5+$0x40]  }
0x182: {  	v4 =	vld [tilespmem:s5+$0x80];
	_ =	sdelay $0x1  }
0x183: {  	v0 =	vadd.f32 v1, v0;
	_ =	sdelay $0x1  }
0x184: {  	v0 =	vadd.f32 v2, v0;
	_ =	sdelay $0x1  }
0x185: {  	v0 =	vadd.f32 v3, v0;
	_ =	sdelay $0x1  }
0x186: {  	v0 =	vadd.f32 v4, v0;
	_ =	sdelay $0x1  }
0x187: {  	[tilespmem:s4+$0x16520] =	vst v0  }
0x188: {  	v0 =	vld [tilespmem:s26+$0x10];
	_ =	sdelay $0x4  }
0x189: {  	[tilespmem:s4+$0x14530] =	vst v0  }
0x18a: {  	v0 =	vld [tilespmem:s28+$0xFFFFFFB0]  }
0x18b: {  	v1 =	vld [tilespmem:s28+$0xFFFFFFF0]  }
0x18c: {  	v2 =	vld [tilespmem:s28+$0x30]  }
0x18d: {  	v3 =	vld [tilespmem:s28+$0x70];
	_ =	sdelay $0x2  }
0x18e: {  	v0 =	vadd.f32 v1, v0;
	_ =	sdelay $0x1  }
0x18f: {  	v0 =	vadd.f32 v2, v0;
	_ =	sdelay $0x1  }
0x190: {  	v0 =	vadd.f32 v3, v0;
	_ =	sdelay $0x1  }
0x191: {  	[tilespmem:s4+$0x14570] =	vst v0  }
.Ltmp1:
0x192: {  	v2 =	vld [tilespmem:s5+$0xFFFFFF90];
	(pc) =	sbr.rel @p0 .LBB2_4-.Ltmp1, $4  }
0x193: {  	v4 =	vld [tilespmem:s5+$0xFFFFFFD0]  }
0x194: {  	v3 =	vld [tilespmem:s5+$0x10]  }
0x195: {  	v0 =	vld [tilespmem:s5+$0x50]  }
0x196: {  	v1 =	vld [tilespmem:s5+$0x90]  }
0x197: {  	_ = 	snop  }
0x198: {  	v2 =	vadd.f32 v4, v2;
	_ =	sdelay $0x1  }
0x199: {  	v2 =	vadd.f32 v3, v2;
	_ =	sdelay $0x1  }
0x19a: {  	v0 =	vadd.f32 v0, v2;
	_ =	sdelay $0x1  }
0x19b: {  	v0 =	vadd.f32 v1, v0;
	_ =	sdelay $0x1  }
0x19c: {  	[tilespmem:s4+$0x16530] =	vst v0  }
0x19d: {  	[hbm4b:s12+s1] =	stream.linear.scatter [tilespmem:s0], [sflag:$0x7], $0x2000, $0x38;
	[tilespmem:$0x18500] =	vst v63  }
0x19e: {  	s25 =	sadd.s32 $0x1, s25;
	_ =	swait.ge [sflag:s15], $0x2000  }
0x19f: {  	p0 =	sne.s32 s25, s14;
	[sflag:s15] =	ssyncset.done $0x0  }
.Ltmp2:
0x1a0: {  	[sflag:s15] =	ssyncadd.s32 $0xFFFFE000;
	(pc) =	sbr.rel @p0 .LBB2_1-.Ltmp2, $4  }
0x1a1: {  	[hbm4b:s13+s1] =	stream.linear.scatter [tilespmem:s3], [sflag:$0x7], $0x2000, $0x38;
	[tilespmem:$0x18500] =	vst v63  }
0x1a2: {  	_ =	swait.ge [sflag:s15], $0x2000  }
0x1a3: {  	[sflag:s15] =	ssyncset.done $0x0  }
0x1a4: {  	[sflag:s15] =	ssyncadd.s32 $0xFFFFE000  }
0x1a5: {  	_ =	sfence.sel $0x180000  }
0x1a6: {  	[bflag:$0x0] =	sbarrier.arrive $0xFFFF  }
0x1a7: {  	_ =	strace $0x9000004D  }
0x1a8: {  	s0 =	stileid.u32;
	[bflag:$0x2] =	sbarrier.arrive $0xFFFF  }
0x1a9: {  	p0 =	sne.s32 s0, $0x0;
	s0 =	rddreg [dreg:$0x1]  }
0x1aa: {  	s0 =	sadd.s32 @!p0 $0x100000, s0  }
0x1ab: {  	[sflag:s0] =	ssyncadd.tile.s32 @!p0 $0x1;
	_ =	shalt  }
.Lfunc_end2:
_tile_overlayer_lowered:
.L_overlay_start_2:
0x1ac: {  	(tag) =	ssettag $0x2  }
0x1ad: {  	s0 =	rddreg [dreg:$0x0];
	s2 =	stileid.u32  }
0x1ae: {  	s1 =	rddreg [dreg:$0x1];
	p0 =	sne.s32 s2, $0x0  }
0x1af: {  	s3 =	rddreg [dreg:$0x2];
	[bflag:$0x3] =	sbarrier.arrive $0xFFFF;
	s2 =	simm.s32 @!p0 $0x1C07  }
0x1b0: {  	[timem:s3], [sflag:s2] =	dma.local @!p0 [hbm:s0], s1  }
0x1b1: {  	s0 =	simm.s32 @!p0 $0x7  }
0x1b2: {  	_ =	swait.ge @!p0 [sflag:s0], s1  }
0x1b3: {  	s1 =	ssub.s32 @!p0 $0x0, s1;
	[sflag:s0] =	ssyncset.done @!p0 $0x0  }
0x1b4: {  	[sflag:s0] =	ssyncadd.s32 @!p0 s1  }
0x1b5: {  	[bflag:$0x3] =	sbarrier.arrive $0xFFFF  }
0x1b6: {  	_ =	shalt  }

// kernel: kernel.19.cloned.1.call-start
scs
__scs_entry_jumppad:
0x0: {  	(pc) =	sbr.rel $0x88, $3  }
0x1: {  	(tag) =	ssettag $0x0;
	lr =	simm.s32 $0x1  }
0x2: {  	[smem:$0x3F91] =	sst lr;
	_ =	strace $0xD0000000  }
0x3: {  	_ = 	snop  }
0x4: {  	_ = 	snop  }
0x5: {  	_ = 	snop  }
0x6: {  	_ = 	snop  }
0x7: {  	_ = 	snop  }
__scs_overlays_trampoline_lowered:
0x8: {  	[smem:$0x3FA0] =	sst s0  }
0x9: {  	[smem:$0x3FA1] =	sst s1  }
0xa: {  	[smem:$0x3FA2] =	sst s2  }
0xb: {  	[smem:$0x3FA3] =	sst s3  }
0xc: {  	[smem:$0x3FA4] =	sst s4  }
0xd: {  	[smem:$0x3FA5] =	sst s5  }
0xe: {  	[smem:$0x3FA6] =	sst s6  }
0xf: {  	[smem:$0x3FA7] =	sst s7  }
0x10: {  	[smem:$0x3FA8] =	sst s8  }
0x11: {  	[smem:$0x3FA9] =	sst s9;
	s0 =	simm.s32 @!p0 $0x0  }
0x12: {  	s1 =	sld [smem:$0x3F8F];
	s0 =	simm.s32 @p0 $0x1  }
0x13: {  	[smem:$0x3FAA] =	sst s0;
	s0 =	simm.s32 @!p1 $0x0  }
0x14: {  	s2 =	sld [smem:$0x3F8E];
	s0 =	simm.s32 @p1 $0x1  }
0x15: {  	[smem:$0x3FAB] =	sst s0;
	s0 =	simm.s32 @!p2 $0x0  }
0x16: {  	s3 =	sld [smem:$0x3FDB];
	s0 =	simm.s32 @p2 $0x1  }
0x17: {  	s4 =	simm.s32 $0x1BF5;
	[smem:$0x3FAD] =	sst s0  }
0x18: {  	s0 =	sld [smem:$0x3F90];
	_ =	swait.ge [sflag:s4], $0x0  }
0x19: {  	s7 =	sld [smem:$0x3F91]  }
0x1a: {  	s8 =	sadd.s32 $0xFFFFE003, lr  }
0x1b: {  	s9 =	sadd.s32 $0xFFFFFEF7, lr;
	s5 =	simm.s32 $0xFFFFFFFF;
	p2 =	slt.u32 s8, $0xFFFFF086  }
0x1c: {  	p1 =	slt.u32 s9, $0xF7A;
	s5 =	simm.s32 @!p2 $0x0  }
0x1d: {  	s5 =	simm.s32 @p1 $0x1;
	p0 =	seq.s32 s7, s2  }
0x1e: {  	s7 =	smul.u32 @!p0 $0xF7A, s2;
	p2 =	seq.s32 @!p0 s5, $0x0  }
0x1f: {  	s9 =	smul.u32 $0xF7A, s1;
	s8 =	simm.s32 @!p0 $0x1BF5;
	p2 =	por !p2, p0  }
0x20: {  	[sflag:s8] =	ssyncset.s32 @!p0 $0xFFFFF086;
	s6 =	sadd.s32 @!p0 s3, s7;
	s7 =	simm.s32 @!p0 $0x108  }
0x21: {  	s3 =	sadd.s32 s3, s9;
	s6 =	sadd.s32 @!p0 $0x88, s6;
	s7 =	simm.s32 @p2 $0x1082  }
0x22: {  	[simem:s7], [sflag:s8] =	dma.local @!p0 [hbm:s6], $0xF7A  }
0x23: {  	s9 =	sor.u32 $0xD0000000, s2;
	s6 =	simm.s32 $0x108;
	_ =	swait.ge @!p0 [sflag:s8], $0x0  }
0x24: {  	s3 =	sadd.s32 $0x88, s3;
	s6 =	simm.s32 @!p1 $0x1082;
	[sflag:s4] =	ssyncset.s32 $0xFFFFF086  }
0x25: {  	[simem:s6], [sflag:s4] =	dma.local [hbm:s3], $0xF7A  }
0x26: {  	[smem:$0x3F91] =	sst s1;
	(tag) =	ssettag s2;
	_ =	strace s9  }
0x27: {  	s1 =	sld [smem:$0x3FA1]  }
0x28: {  	s2 =	sld [smem:$0x3FA2]  }
0x29: {  	s4 =	sld [smem:$0x3FA4]  }
0x2a: {  	p0 =	seq.s32 s5, $0x0;
	s5 =	sld [smem:$0x3FA5]  }
0x2b: {  	s6 =	sld [smem:$0x3FA6]  }
0x2c: {  	s7 =	sld [smem:$0x3FA7]  }
0x2d: {  	s3 =	simm.s32 $0x108;
	s8 =	sld [smem:$0x3FA8]  }
0x2e: {  	s3 =	simm.s32 @!p0 $0x1082;
	s9 =	sld [smem:$0x3FA9]  }
0x2f: {  	lr =	sadd.s32 s0, s3;
	s0 =	sld [smem:$0x3FA0]  }
0x30: {  	s3 =	sld [smem:$0x3FA3]  }
0x31: {  	[smem:$0x3FAC] =	sst s10  }
0x32: {  	s10 =	sld [smem:$0x3FAA];
	_ =	sdelay $0x3  }
0x33: {  	p0 =	seq.s32 s10, $0x1;
	s10 =	sld [smem:$0x3FAC];
	_ =	sdelay $0x3  }
0x34: {  	[smem:$0x3FAC] =	sst s10  }
0x35: {  	s10 =	sld [smem:$0x3FAB];
	_ =	sdelay $0x3  }
0x36: {  	p1 =	seq.s32 s10, $0x1;
	s10 =	sld [smem:$0x3FAC];
	_ =	sdelay $0x3  }
0x37: {  	[smem:$0x3FAC] =	sst s10  }
0x38: {  	s10 =	sld [smem:$0x3FAD]  }
0x39: {  	_ = 	snop;
	(pc) =	sbr.ind lr, $3  }
0x3a: {  	_ = 	snop  }
0x3b: {  	_ = 	snop  }
0x3c: {  	p2 =	seq.s32 s10, $0x1;
	s10 =	sld [smem:$0x3FAC]  }
0x3d: {  	_ =	shalt  }
0x3e: {  	_ =	shalt  }
0x3f: {  	_ =	shalt  }
0x40: {  	_ =	shalt  }
0x41: {  	_ =	shalt  }
0x42: {  	_ =	shalt  }
0x43: {  	_ =	shalt  }
0x44: {  	_ =	shalt  }
0x45: {  	_ =	shalt  }
0x46: {  	_ =	shalt  }
0x47: {  	_ =	shalt  }
0x48: {  	_ =	shalt  }
0x49: {  	_ =	shalt  }
0x4a: {  	_ =	shalt  }
0x4b: {  	_ =	shalt  }
0x4c: {  	_ =	shalt  }
0x4d: {  	_ =	shalt  }
0x4e: {  	_ =	shalt  }
0x4f: {  	_ =	shalt  }
0x50: {  	_ =	shalt  }
0x51: {  	_ =	shalt  }
0x52: {  	_ =	shalt  }
0x53: {  	_ =	shalt  }
0x54: {  	_ =	shalt  }
0x55: {  	_ =	shalt  }
0x56: {  	_ =	shalt  }
0x57: {  	_ =	shalt  }
0x58: {  	_ =	shalt  }
0x59: {  	_ =	shalt  }
0x5a: {  	_ =	shalt  }
0x5b: {  	_ =	shalt  }
0x5c: {  	_ =	shalt  }
0x5d: {  	_ =	shalt  }
0x5e: {  	_ =	shalt  }
0x5f: {  	_ =	shalt  }
0x60: {  	_ =	shalt  }
0x61: {  	_ =	shalt  }
0x62: {  	_ =	shalt  }
0x63: {  	_ =	shalt  }
0x64: {  	_ =	shalt  }
0x65: {  	_ =	shalt  }
0x66: {  	_ =	shalt  }
0x67: {  	_ =	shalt  }
0x68: {  	_ =	shalt  }
0x69: {  	_ =	shalt  }
0x6a: {  	_ =	shalt  }
0x6b: {  	_ =	shalt  }
0x6c: {  	_ =	shalt  }
0x6d: {  	_ =	shalt  }
0x6e: {  	_ =	shalt  }
0x6f: {  	_ =	shalt  }
0x70: {  	_ =	shalt  }
0x71: {  	_ =	shalt  }
0x72: {  	_ =	shalt  }
0x73: {  	_ =	shalt  }
0x74: {  	_ =	shalt  }
0x75: {  	_ =	shalt  }
0x76: {  	_ =	shalt  }
0x77: {  	_ =	shalt  }
0x78: {  	_ =	shalt  }
0x79: {  	_ =	shalt  }
0x7a: {  	_ =	shalt  }
0x7b: {  	_ =	shalt  }
0x7c: {  	_ =	shalt  }
0x7d: {  	_ =	shalt  }
0x7e: {  	_ =	shalt  }
0x7f: {  	_ =	shalt  }
0x80: {  	_ =	shalt  }
0x81: {  	_ =	shalt  }
0x82: {  	_ =	shalt  }
0x83: {  	_ =	shalt  }
0x84: {  	_ =	shalt  }
0x85: {  	_ =	shalt  }
0x86: {  	_ =	shalt  }
0x87: {  	_ =	shalt  }
.Lfunc_end0:
.L_simem_size_0:
called_computation.3_lowered:
.L_overlay_start_0:
0x88: {  	s2 =	sld [smem:$0x3FD9]  }
0x89: {  	s3 =	sld [smem:$0x3FFE];
	_ =	sdelay $0x1  }
0x8a: {  	s1 =	srdreg.scid  }
0x8b: {  	s0 =	sand.u32 $0x1, s1  }
0x8c: {  	s17 =	sshll.u32 s0, $0xA;
	s2 =	sadd.s32 s3, s2  }
0x8d: {  	s2 =	sadd.s32 s2, s17  }
0x8e: {  	[smem:$0x3FB8] =	sst s2  }
0x8f: {  	_ = 	snop  }
0x90: {  	s18 =	sld [smem:$0x3FD0];
	(tm) =	ssettm $0x1  }
0x91: {  	s19 =	sld [smem:$0x3FFB];
	_ =	sdelay $0x3  }
0x92: {  	_ =	strace s19  }
0x93: {  	s2 =	sld [smem:$0x3FFC];
	_ =	sdelay $0x3  }
0x94: {  	_ =	strace s2  }
0x95: {  	s2 =	sld [smem:$0x3FFD];
	_ =	sdelay $0x3  }
0x96: {  	_ =	strace s2  }
0x97: {  	_ =	strace $0x8FFFFFFF  }
0x98: {  	s20 =	sld [smem:$0x3FDB];
	_ =	sdelay $0x1  }
0x99: {  	s4 =	simm.s32 $_scs_section_size  }
0x9a: {  	s5 =	simm.s32 $_size__tile_overlayer_lowered;
	s6 =	simm.s32 $_tile_overlayer_lowered  }
0x9b: {  	s7 =	simm.s32 $0x1BFF;
	s21 =	sshll.u32 s6, $0x1;
	s4 =	sadd.s32 s4, s20  }
0x9c: {  	s22 =	simm.s32 $0x0;
	s5 =	sshll.u32 s5, $0x1;
	s6 =	sadd.s32 s21, s4  }
0x9d: {  	[timem:s22], [sflag:s7] =	dma.local [hbm:s6], s5  }
0x9e: {  	_ =	swait.ge [sflag:s7], s5  }
0x9f: {  	s5 =	ssub.s32 $0x0, s5;
	[sflag:s7] =	ssyncset.done $0x0  }
0xa0: {  	[sflag:s7] =	ssyncadd.s32 s5;
	_ =	sdelay $0x1  }
0xa1: {  	s23 =	simm.s32 $0x1B8B  }
0xa2: {  	_ =	swait.ge [sflag:s23], $0x1  }
0xa3: {  	[sflag:s23] =	ssyncset.done $0x0  }
0xa4: {  	[sflag:s23] =	ssyncadd.s32 $0xFFFFFFFF  }
0xa5: {  	s5 =	sld [smem:$0x0]  }
0xa6: {  	s6 =	sand.u32 $0xFFFFFFFE, s1  }
0xa7: {  	p0 =	sne.s32 s1, s6  }
0xa8: {  	s6 =	sshll.u32 @p0 s6, $0xE  }
0xa9: {  	s6 =	sadd.s32 @p0 $0x11B8D, s6;
	s7 =	sshll.u32 @p0 s5, $0x11  }
0xaa: {  	s6 =	sor.u32 @p0 s7, s6  }
0xab: {  	[sflag:s6] =	ssyncadd.remote.s32 @p0 $0x1;
	_ =	sdelay $0x1  }
0xac: {  	s6 =	simm.s32 @p0 $0x1B8D  }
0xad: {  	_ =	swait.eq @p0 [sflag:s6], $0x1  }
0xae: {  	[sflag:s6] =	ssyncadd.s32 @p0 $0xFFFFFFFF  }
0xaf: {  	s7 =	sshll.u32 @!p0 s1, $0xE  }
0xb0: {  	s7 =	sor.u32 @!p0 $0x4000, s7;
	s6 =	simm.s32 @!p0 $0x1B8D  }
0xb1: {  	s5 =	sshll.u32 @!p0 s5, $0x11;
	s7 =	sadd.s32 @!p0 $0x11B8D, s7;
	_ =	swait.eq @!p0 [sflag:s6], $0x1  }
0xb2: {  	s5 =	sor.u32 @!p0 s5, s7;
	[sflag:s6] =	ssyncadd.s32 @!p0 $0xFFFFFFFF  }
0xb3: {  	s25 =	simm.s32 $0x1B8E;
	s24 =	sld [smem:$0x3FFE];
	[sflag:s5] =	ssyncadd.remote.s32 @!p0 $0x1  }
0xb4: {  	s26 =	simm.s32 $execute0_lowered;
	[smem:$0x3FD2] =	sst s25  }
0xb5: {  	s6 =	sshll.u32 s26, $0x1;
	_ =	strace $0x8000004F;
	[dreg:$0x1] =	wrdreg $0xFFFFFFFF  }
0xb6: {  	s28 =	simm.s32 $_size_execute0_lowered;
	s4 =	sadd.s32 s4, s6;
	[dreg:$0x0] =	wrdreg $0x0  }
0xb7: {  	s6 =	sshll.u32 s28, $0x1;
	[dreg:$0x2] =	wrdreg s4  }
0xb8: {  	[dreg:$0x3] =	wrdreg s6  }
0xb9: {  	[dreg:$0x4] =	wrdreg $0xC0  }
0xba: {  	_ =	task [dreg:s22], $0x5FFFF  }
0xbb: {  	[dreg:$0x1] =	wrdreg $0xFFFFFFFF  }
0xbc: {  	[dreg:$0x0] =	wrdreg $0x60  }
0xbd: {  	[dreg:$0x2] =	wrdreg s24  }
0xbe: {  	[dreg:$0x3] =	wrdreg s18  }
0xbf: {  	[dreg:$0x4] =	wrdreg $0xC  }
0xc0: {  	_ =	task.clear_ibuf [dreg:s22], $0x5FFFF;
	_ =	strace $0x9000004F  }
0xc1: {  	s29 =	simm.s32 $0xC;
	_ =	strace $0x80000051  }
0xc2: {  	_ =	swait.ge [sflag:s29], $0x1  }
0xc3: {  	[sflag:s29] =	ssyncadd.s32 $0xFFFFFFFF  }
0xc4: {  	_ =	strace $0x90000051  }
0xc5: {  	_ =	sfence  }
0xc6: {  	s30 =	sld [smem:$0x0];
	_ =	sdelay $0x2  }
0xc7: {  	s31 =	sshll.u32 s1, $0xD;
	s1 =	sshrl.u32 s1, $0x2  }
0xc8: {  	s4 =	sand.u32 $0x4000, s31;
	s1 =	sadd.s32 s1, s30  }
0xc9: {  	s0 =	sor.u32 s4, s0;
	s1 =	sshll.u32 s1, $0x11  }
0xca: {  	s0 =	sor.u32 s1, s0  }
0xcb: {  	s0 =	sadd.s32 $0x8F2B, s0  }
0xcc: {  	[sflag:s0] =	ssyncadd.remote.s32 $0x1  }
0xcd: {  	_ =	sfence.sel $0xFFFF  }
0xce: {  	[dreg:$0x0] =	wrdreg $0xFFFFFFFF;
	(pc) =	sbr.abs _section_cstart, $3  }
0xcf: {  	[dreg:$0x1] =	wrdreg $0xFFFFFFFF  }
0xd0: {  	_ =	task.clear_ibuf [dreg:s22], $0x2FFFF;
	_ =	strace $0x9FFFFFFF  }
0xd1: {  	(tm) =	ssettm $0x7FFFFFFF  }
tec
execute0_lowered:
.L_overlay_start_1:
0x0: {  	(tag) =	ssettag $0x1  }
0x1: {  	s0 =	rddreg [dreg:$0x0]  }
0x2: {  	s2 =	rddreg [dreg:$0x1];
	s1 =	simm.s32 $0x0  }
0x3: {  	s5 =	srdreg.scid;
	s8 =	stileid.u32;
	s15 =	simm.s32 $0x7  }
0x4: {  	s16 =	simm.s32 $0x40;
	s29 =	simm.s32 $0x1;
	s30 =	simm.s32 $0x2  }
0x5: {  	s31 =	simm.s32 $0x3;
	[smem:$0x7FF] =	sst s1;
	s3 =	sadd.s32 $0x18C000, s0  }
0x6: {  	s4 =	sadd.s32 $0x6C00, s0;
	s6 =	sadd.s32 $0x69200, s0;
	s5 =	sand.u32 $0x1, s5  }
0x7: {  	s12 =	sadd.s32 $0x69C00, s0;
	s8 =	sshll.u32 s8, $0x1;
	s0 =	sadd.s32 $0x79C00, s0  }
0x8: {  	_ =	strace $0x80000050;
	s7 =	ssub.s32 $0x2, s5;
	s5 =	sor.u32 s5, s8  }
0x9: {  	s9 =	sshrl.u32 s7, $0x1;
	s17 =	sshll.u32 s5, $0x7;
	s8 =	sshll.u32 s5, $0x4  }
0xa: {  	s18 =	sshll.u32 s5, $0x6;
	s10 =	smul.u32 $0x50, s5;
	s26 =	sshll.u32 s5, $0xB  }
0xb: {  	s14 =	ssub.s32 s7, s9;
	s11 =	sor.u32 $0x40, s17;
	s19 =	sadd.s32 s4, s8  }
0xc: {  	s20 =	sadd.s32 s2, s18;
	s17 =	simm.s32 $0x140;
	[dreg:$0x3] =	wrdreg s19  }
0xd: {  	s18 =	simm.s32 $0x4;
	[dreg:$0x4] =	wrdreg s20;
	s21 =	smul.u32 $0x5, s11  }
0xe: {  	s22 =	sadd.s32 s6, s10;
	s23 =	sshrl.u32 s11, $0x3;
	s24 =	sshrl.u32 s11, $0x1  }
0xf: {  	s28 =	sshll.u32 s11, $0x4;
	s10 =	sadd.s32 s12, s26;
	s11 =	sadd.s32 s0, s26  }
0x10: {  	s14 =	smax.u32 s14, $0x1;
	s19 =	simm.s32 $0x100;
	s20 =	simm.s32 $0x5  }
0x11: {  	[dreg:$0x5] =	wrdreg s22;
	s4 =	sadd.s32 s4, s23;
	s8 =	sadd.s32 s2, s24  }
0x12: {  	s12 =	sadd.s32 s12, s28;
	s13 =	sadd.s32 s0, s28;
	s22 =	simm.s32 $0x280  }
0x13: {  	s23 =	simm.s32 $0x2C0;
	s24 =	simm.s32 $0x3C0;
	s0 =	simm.s32 $0x14500  }
0x14: {  	s2 =	simm.s32 $0x16500;
	[dreg:$0x6] =	wrdreg s4;
	s25 =	sshrl.u32 s21, $0x3  }
0x15: {  	s21 =	simm.s32 $0x6;
	s9 =	sadd.s32 s6, s25;
	s25 =	simm.s32 $0x0  }
.LBB2_1:
0x16: {  	s4 =	rddreg [dreg:$0x3]  }
0x17: {  	[tilespmem:s1], [sflag:$0x7] =	stream.linear.gather [hbm4b:s4+s1], $0x40, $0x38;
	[tilespmem:$0x18500] =	vst v63  }
0x18: {  	_ =	swait.ge [sflag:s15], $0x40  }
0x19: {  	[sflag:s15] =	ssyncset.done $0x0  }
0x1a: {  	s26 =	rddreg [dreg:$0x4];
	[sflag:s15] =	ssyncadd.s32 $0xFFFFFFC0  }
0x1b: {  	[tilespmem:s16], [sflag:$0x7] =	stream.linear.gather [hbm4b:s26+s1], $0x100, $0x38;
	[tilespmem:$0x18500] =	vst v63  }
0x1c: {  	_ =	swait.ge [sflag:s15], $0x100  }
0x1d: {  	[sflag:s15] =	ssyncset.done $0x0  }
0x1e: {  	s5 =	rddreg [dreg:$0x5];
	[sflag:s15] =	ssyncadd.s32 $0xFFFFFF00  }
0x1f: {  	[tilespmem:s17], [sflag:$0x7] =	stream.linear.gather [hbm4b:s5+s1], $0x140, $0x38;
	[tilespmem:$0x18500] =	vst v63  }
0x20: {  	_ =	swait.ge [sflag:s15], $0x140  }
0x21: {  	[sflag:s15] =	ssyncset.done $0x0  }
0x22: {  	s6 =	simm.s32 $0x500;
	[sflag:s15] =	ssyncadd.s32 $0xFFFFFEC0  }
0x23: {  	[tilespmem:s6], [sflag:$0x1] =	stream.indirect.gather [hbm4b:s3+s16], $0x40, s1, s16, $0xb8;
	[tilespmem:$0x18500] =	vst v63  }
0x24: {  	s7 =	simm.s32 $0x1500  }
0x25: {  	[tilespmem:s7], [sflag:$0x2] =	stream.indirect.gather [hbm4b:s3+s19], $0x40, s16, s19, $0xb8;
	[tilespmem:$0x18500] =	vst v63  }
0x26: {  	s26 =	simm.s32 $0x5500  }
0x27: {  	[tilespmem:s26], [sflag:$0x3] =	stream.indirect.gather [hbm4b:s3+s17], $0x40, s17, s17, $0xb8;
	[tilespmem:$0x18500] =	vst v63  }
0x28: {  	s5 =	rddreg [dreg:$0x6]  }
0x29: {  	[tilespmem:s22], [sflag:$0x7] =	stream.linear.gather [hbm4b:s5+s1], $0x40, $0x38;
	[tilespmem:$0x18500] =	vst v63  }
0x2a: {  	_ =	swait.ge [sflag:s15], $0x40  }
0x2b: {  	[sflag:s15] =	ssyncset.done $0x0  }
0x2c: {  	[sflag:s15] =	ssyncadd.s32 $0xFFFFFFC0  }
0x2d: {  	[tilespmem:s23], [sflag:$0x7] =	stream.linear.gather [hbm4b:s8+s1], $0x100, $0x38;
	[tilespmem:$0x18500] =	vst v63  }
0x2e: {  	_ =	swait.ge [sflag:s15], $0x100  }
0x2f: {  	[sflag:s15] =	ssyncset.done $0x0  }
0x30: {  	[sflag:s15] =	ssyncadd.s32 $0xFFFFFF00  }
0x31: {  	[tilespmem:s24], [sflag:$0x7] =	stream.linear.gather [hbm4b:s9+s1], $0x140, $0x38;
	[tilespmem:$0x18500] =	vst v63  }
0x32: {  	_ =	swait.ge [sflag:s15], $0x140  }
0x33: {  	[sflag:s15] =	ssyncset.done $0x0  }
0x34: {  	s6 =	simm.s32 $0xA500;
	[sflag:s15] =	ssyncadd.s32 $0xFFFFFEC0  }
0x35: {  	[tilespmem:s6], [sflag:$0x4] =	stream.indirect.gather [hbm4b:s3+s16], $0x40, s22, s16, $0xb8;
	[tilespmem:$0x18500] =	vst v63  }
0x36: {  	s7 =	simm.s32 $0xB500  }
0x37: {  	[tilespmem:s7], [sflag:$0x5] =	stream.indirect.gather [hbm4b:s3+s19], $0x40, s23, s19, $0xb8;
	[tilespmem:$0x18500] =	vst v63  }
0x38: {  	s26 =	simm.s32 $0xF500  }
0x39: {  	[tilespmem:s26], [sflag:$0x6] =	stream.indirect.gather [hbm4b:s3+s17], $0x40, s24, s17, $0xb8;
	[tilespmem:$0x18500] =	vst v63  }
0x3a: {  	_ =	swait.ge [sflag:s29], $0x1000  }
0x3b: {  	[sflag:s29] =	ssyncset.done $0x0  }
0x3c: {  	[sflag:s29] =	ssyncadd.s32 $0xFFFFF000  }
0x3d: {  	_ =	swait.ge [sflag:s30], $0x4000  }
0x3e: {  	[sflag:s30] =	ssyncset.done $0x0  }
0x3f: {  	[sflag:s30] =	ssyncadd.s32 $0xFFFFC000  }
0x40: {  	_ =	swait.ge [sflag:s31], $0x5000  }
0x41: {  	[sflag:s31] =	ssyncset.done $0x0  }
0x42: {  	s26 =	simm.s32 $0x520;
	[sflag:s31] =	ssyncadd.s32 $0xFFFFB000  }
0x43: {  	v0 =	vld [tilespmem:s26+$0xFFFFFFE0];
	_ =	sdelay $0x3  }
0x44: {  	s4 =	simm.s32 $0x0  }
0x45: {  	s28 =	simm.s32 $0x1580;
	[tilespmem:s4+$0x14500] =	vst v0  }
0x46: {  	v0 =	vld [tilespmem:s28+$0xFFFFFF80]  }
0x47: {  	v1 =	vld [tilespmem:s28+$0xFFFFFFC0];
	_ =	sdelay $0x1  }
0x48: {  	v2 =	vld [tilespmem:s28+$0x0];
	_ =	sdelay $0x1  }
0x49: {  	v3 =	vld [tilespmem:s28+$0x40]  }
0x4a: {  	v0 =	vadd.f32 v1, v0;
	_ =	sdelay $0x1  }
0x4b: {  	v0 =	vadd.f32 v2, v0;
	_ =	sdelay $0x1  }
0x4c: {  	v0 =	vadd.f32 v3, v0;
	_ =	sdelay $0x1  }
0x4d: {  	s5 =	simm.s32 $0x55A0;
	[tilespmem:s4+$0x14540] =	vst v0  }
0x4e: {  	v0 =	vld [tilespmem:s5+$0xFFFFFF60]  }
0x4f: {  	v1 =	vld [tilespmem:s5+$0xFFFFFFA0];
	_ =	sdelay $0x1  }
0x50: {  	v2 =	vld [tilespmem:s5+$0xFFFFFFE0];
	_ =	sdelay $0x1  }
0x51: {  	v3 =	vld [tilespmem:s5+$0x20]  }
0x52: {  	v0 =	vadd.f32 v1, v0  }
0x53: {  	v1 =	vld [tilespmem:s5+$0x60]  }
0x54: {  	v0 =	vadd.f32 v2, v0;
	_ =	sdelay $0x1  }
0x55: {  	v0 =	vadd.f32 v3, v0;
	_ =	sdelay $0x1  }
0x56: {  	v0 =	vadd.f32 v1, v0;
	_ =	sdelay $0x1  }
0x57: {  	[tilespmem:s4+$0x16500] =	vst v0  }
0x58: {  	v0 =	vld [tilespmem:s26+$0xFFFFFFF0];
	_ =	sdelay $0x4  }
0x59: {  	[tilespmem:s4+$0x14510] =	vst v0  }
0x5a: {  	v0 =	vld [tilespmem:s28+$0xFFFFFF90]  }
0x5b: {  	v1 =	vld [tilespmem:s28+$0xFFFFFFD0];
	_ =	sdelay $0x1  }
0x5c: {  	v2 =	vld [tilespmem:s28+$0x10];
	_ =	sdelay $0x1  }
0x5d: {  	v3 =	vld [tilespmem:s28+$0x50]  }
0x5e: {  	v0 =	vadd.f32 v1, v0;
	_ =	sdelay $0x1  }
0x5f: {  	v0 =	vadd.f32 v2, v0;
	_ =	sdelay $0x1  }
0x60: {  	v0 =	vadd.f32 v3, v0;
	_ =	sdelay $0x1  }
0x61: {  	[tilespmem:s4+$0x14550] =	vst v0  }
0x62: {  	v0 =	vld [tilespmem:s5+$0xFFFFFF70]  }
0x63: {  	v1 =	vld [tilespmem:s5+$0xFFFFFFB0];
	_ =	sdelay $0x1  }
0x64: {  	v2 =	vld [tilespmem:s5+$0xFFFFFFF0];
	_ =	sdelay $0x1  }
0x65: {  	v3 =	vld [tilespmem:s5+$0x30]  }
0x66: {  	v0 =	vadd.f32 v1, v0  }
0x67: {  	v1 =	vld [tilespmem:s5+$0x70]  }
0x68: {  	v0 =	vadd.f32 v2, v0;
	_ =	sdelay $0x1  }
0x69: {  	v0 =	vadd.f32 v3, v0;
	_ =	sdelay $0x1  }
0x6a: {  	v0 =	vadd.f32 v1, v0;
	_ =	sdelay $0x1  }
0x6b: {  	[tilespmem:s4+$0x16510] =	vst v0  }
0x6c: {  	v0 =	vld [tilespmem:s26+$0x0];
	_ =	sdelay $0x4  }
0x6d: {  	[tilespmem:s4+$0x14520] =	vst v0  }
0x6e: {  	v0 =	vld [tilespmem:s28+$0xFFFFFFA0]  }
0x6f: {  	v1 =	vld [tilespmem:s28+$0xFFFFFFE0];
	_ =	sdelay $0x1  }
0x70: {  	v2 =	vld [tilespmem:s28+$0x20];
	_ =	sdelay $0x1  }
0x71: {  	v3 =	vld [tilespmem:s28+$0x60]  }
0x72: {  	v0 =	vadd.f32 v1, v0;
	_ =	sdelay $0x1  }
0x73: {  	v0 =	vadd.f32 v2, v0;
	_ =	sdelay $0x1  }
0x74: {  	v0 =	vadd.f32 v3, v0;
	_ =	sdelay $0x1  }
0x75: {  	[tilespmem:s4+$0x14560] =	vst v0  }
0x76: {  	v0 =	vld [tilespmem:s5+$0xFFFFFF80]  }
0x77: {  	v1 =	vld [tilespmem:s5+$0xFFFFFFC0];
	_ =	sdelay $0x1  }
0x78: {  	v2 =	vld [tilespmem:s5+$0x0];
	_ =	sdelay $0x1  }
0x79: {  	v3 =	vld [tilespmem:s5+$0x40]  }
0x7a: {  	v0 =	vadd.f32 v1, v0  }
0x7b: {  	v1 =	vld [tilespmem:s5+$0x80]  }
0x7c: {  	v0 =	vadd.f32 v2, v0;
	_ =	sdelay $0x1  }
0x7d: {  	v0 =	vadd.f32 v3, v0;
	_ =	sdelay $0x1  }
0x7e: {  	v0 =	vadd.f32 v1, v0;
	_ =	sdelay $0x1  }
0x7f: {  	[tilespmem:s4+$0x16520] =	vst v0  }
0x80: {  	v0 =	vld [tilespmem:s26+$0x10];
	_ =	sdelay $0x4  }
0x81: {  	[tilespmem:s4+$0x14530] =	vst v0  }
0x82: {  	v0 =	vld [tilespmem:s28+$0xFFFFFFB0]  }
0x83: {  	v1 =	vld [tilespmem:s28+$0xFFFFFFF0];
	_ =	sdelay $0x1  }
0x84: {  	v2 =	vld [tilespmem:s28+$0x30];
	_ =	sdelay $0x1  }
0x85: {  	v3 =	vld [tilespmem:s28+$0x70]  }
0x86: {  	v0 =	vadd.f32 v1, v0;
	_ =	sdelay $0x1  }
0x87: {  	v0 =	vadd.f32 v2, v0;
	_ =	sdelay $0x1  }
0x88: {  	v0 =	vadd.f32 v3, v0;
	_ =	sdelay $0x1  }
0x89: {  	[tilespmem:s4+$0x14570] =	vst v0  }
0x8a: {  	v2 =	vld [tilespmem:s5+$0xFFFFFF90]  }
0x8b: {  	v4 =	vld [tilespmem:s5+$0xFFFFFFD0]  }
0x8c: {  	v3 =	vld [tilespmem:s5+$0x10]  }
0x8d: {  	v0 =	vld [tilespmem:s5+$0x50]  }
0x8e: {  	s6 =	simm.s32 $0x200;
	v1 =	vld [tilespmem:s5+$0x90]  }
.LBB2_2:
0x8f: {  	s5 =	sadd.s32 $0x140, s5;
	s28 =	sadd.s32 $0x100, s28;
	s26 =	sadd.s32 $0x40, s26  }
0x90: {  	p0 =	sne.s32 s6, $0x7E00;
	s7 =	smov.u32 s6;
	s6 =	sadd.s32 $0x200, s6;
	v2 =	vadd.f32 v4, v2  }
0x91: {  	_ = 	snop  }
0x92: {  	v2 =	vadd.f32 v3, v2;
	_ =	sdelay $0x1  }
0x93: {  	v0 =	vadd.f32 v0, v2;
	_ =	sdelay $0x1  }
0x94: {  	v0 =	vadd.f32 v1, v0;
	_ =	sdelay $0x1  }
0x95: {  	[tilespmem:s4+$0x16530] =	vst v0  }
0x96: {  	v0 =	vld [tilespmem:s26+$0xFFFFFFE0];
	_ =	sdelay $0x3  }
0x97: {  	s4 =	sshra.s32 s7, $0x2  }
0x98: {  	[tilespmem:s4+$0x14500] =	vst v0  }
0x99: {  	v0 =	vld [tilespmem:s28+$0xFFFFFF80]  }
0x9a: {  	v1 =	vld [tilespmem:s28+$0xFFFFFFC0]  }
0x9b: {  	v2 =	vld [tilespmem:s28+$0x0];
	_ =	sdelay $0x1  }
0x9c: {  	v3 =	vld [tilespmem:s28+$0x40];
	_ =	sdelay $0x1  }
0x9d: {  	v0 =	vadd.f32 v1, v0;
	_ =	sdelay $0x1  }
0x9e: {  	v0 =	vadd.f32 v2, v0;
	_ =	sdelay $0x1  }
0x9f: {  	v0 =	vadd.f32 v3, v0;
	_ =	sdelay $0x1  }
0xa0: {  	[tilespmem:s4+$0x14540] =	vst v0  }
0xa1: {  	v0 =	vld [tilespmem:s5+$0xFFFFFF60]  }
0xa2: {  	v1 =	vld [tilespmem:s5+$0xFFFFFFA0]  }
0xa3: {  	v2 =	vld [tilespmem:s5+$0xFFFFFFE0];
	_ =	sdelay $0x2  }
0xa4: {  	v3 =	vld [tilespmem:s5+$0x20]  }
0xa5: {  	v0 =	vadd.f32 v1, v0  }
0xa6: {  	v1 =	vld [tilespmem:s5+$0x60]  }
0xa7: {  	v0 =	vadd.f32 v2, v0;
	_ =	sdelay $0x1  }
0xa8: {  	v0 =	vadd.f32 v3, v0;
	_ =	sdelay $0x1  }
0xa9: {  	v0 =	vadd.f32 v1, v0;
	_ =	sdelay $0x1  }
0xaa: {  	[tilespmem:s4+$0x16500] =	vst v0  }
0xab: {  	v0 =	vld [tilespmem:s26+$0xFFFFFFF0];
	_ =	sdelay $0x4  }
0xac: {  	[tilespmem:s4+$0x14510] =	vst v0  }
0xad: {  	v0 =	vld [tilespmem:s28+$0xFFFFFF90]  }
0xae: {  	v1 =	vld [tilespmem:s28+$0xFFFFFFD0];
	_ =	sdelay $0x1  }
0xaf: {  	v2 =	vld [tilespmem:s28+$0x10];
	_ =	sdelay $0x1  }
0xb0: {  	v3 =	vld [tilespmem:s28+$0x50]  }
0xb1: {  	v0 =	vadd.f32 v1, v0;
	_ =	sdelay $0x1  }
0xb2: {  	v0 =	vadd.f32 v2, v0;
	_ =	sdelay $0x1  }
0xb3: {  	v0 =	vadd.f32 v3, v0;
	_ =	sdelay $0x1  }
0xb4: {  	[tilespmem:s4+$0x14550] =	vst v0  }
0xb5: {  	v0 =	vld [tilespmem:s5+$0xFFFFFF70]  }
0xb6: {  	v1 =	vld [tilespmem:s5+$0xFFFFFFB0]  }
0xb7: {  	v2 =	vld [tilespmem:s5+$0xFFFFFFF0];
	_ =	sdelay $0x2  }
0xb8: {  	v3 =	vld [tilespmem:s5+$0x30]  }
0xb9: {  	v0 =	vadd.f32 v1, v0  }
0xba: {  	v1 =	vld [tilespmem:s5+$0x70]  }
0xbb: {  	v0 =	vadd.f32 v2, v0;
	_ =	sdelay $0x1  }
0xbc: {  	v0 =	vadd.f32 v3, v0;
	_ =	sdelay $0x1  }
0xbd: {  	v0 =	vadd.f32 v1, v0;
	_ =	sdelay $0x1  }
0xbe: {  	[tilespmem:s4+$0x16510] =	vst v0  }
0xbf: {  	v0 =	vld [tilespmem:s26+$0x0];
	_ =	sdelay $0x4  }
0xc0: {  	[tilespmem:s4+$0x14520] =	vst v0  }
0xc1: {  	v0 =	vld [tilespmem:s28+$0xFFFFFFA0]  }
0xc2: {  	v1 =	vld [tilespmem:s28+$0xFFFFFFE0]  }
0xc3: {  	v2 =	vld [tilespmem:s28+$0x20]  }
0xc4: {  	v3 =	vld [tilespmem:s28+$0x60];
	_ =	sdelay $0x2  }
0xc5: {  	v0 =	vadd.f32 v1, v0;
	_ =	sdelay $0x1  }
0xc6: {  	v0 =	vadd.f32 v2, v0;
	_ =	sdelay $0x1  }
0xc7: {  	v0 =	vadd.f32 v3, v0;
	_ =	sdelay $0x1  }
0xc8: {  	[tilespmem:s4+$0x14560] =	vst v0  }
0xc9: {  	v0 =	vld [tilespmem:s5+$0xFFFFFF80]  }
0xca: {  	v1 =	vld [tilespmem:s5+$0xFFFFFFC0]  }
0xcb: {  	v2 =	vld [tilespmem:s5+$0x0]  }
0xcc: {  	v3 =	vld [tilespmem:s5+$0x40]  }
0xcd: {  	v4 =	vld [tilespmem:s5+$0x80];
	_ =	sdelay $0x1  }
0xce: {  	v0 =	vadd.f32 v1, v0;
	_ =	sdelay $0x1  }
0xcf: {  	v0 =	vadd.f32 v2, v0;
	_ =	sdelay $0x1  }
0xd0: {  	v0 =	vadd.f32 v3, v0;
	_ =	sdelay $0x1  }
0xd1: {  	v0 =	vadd.f32 v4, v0;
	_ =	sdelay $0x1  }
0xd2: {  	[tilespmem:s4+$0x16520] =	vst v0  }
0xd3: {  	v0 =	vld [tilespmem:s26+$0x10];
	_ =	sdelay $0x4  }
0xd4: {  	[tilespmem:s4+$0x14530] =	vst v0  }
0xd5: {  	v0 =	vld [tilespmem:s28+$0xFFFFFFB0]  }
0xd6: {  	v1 =	vld [tilespmem:s28+$0xFFFFFFF0]  }
0xd7: {  	v2 =	vld [tilespmem:s28+$0x30]  }
0xd8: {  	v3 =	vld [tilespmem:s28+$0x70];
	_ =	sdelay $0x2  }
0xd9: {  	v0 =	vadd.f32 v1, v0;
	_ =	sdelay $0x1  }
0xda: {  	v0 =	vadd.f32 v2, v0;
	_ =	sdelay $0x1  }
0xdb: {  	v0 =	vadd.f32 v3, v0;
	_ =	sdelay $0x1  }
0xdc: {  	[tilespmem:s4+$0x14570] =	vst v0  }
.Ltmp0:
0xdd: {  	v2 =	vld [tilespmem:s5+$0xFFFFFF90];
	(pc) =	sbr.rel @p0 .LBB2_2-.Ltmp0, $4  }
0xde: {  	v4 =	vld [tilespmem:s5+$0xFFFFFFD0]  }
0xdf: {  	v3 =	vld [tilespmem:s5+$0x10]  }
0xe0: {  	v0 =	vld [tilespmem:s5+$0x50]  }
0xe1: {  	v1 =	vld [tilespmem:s5+$0x90]  }
0xe2: {  	_ = 	snop  }
0xe3: {  	v2 =	vadd.f32 v4, v2;
	_ =	sdelay $0x1  }
0xe4: {  	v2 =	vadd.f32 v3, v2;
	_ =	sdelay $0x1  }
0xe5: {  	v0 =	vadd.f32 v0, v2;
	_ =	sdelay $0x1  }
0xe6: {  	v0 =	vadd.f32 v1, v0;
	_ =	sdelay $0x1  }
0xe7: {  	s26 =	simm.s32 $0x0;
	[tilespmem:s4+$0x16530] =	vst v0  }
0xe8: {  	[hbm4b:s10+s26] =	stream.linear.scatter [tilespmem:s0], [sflag:$0x7], $0x2000, $0x38;
	[tilespmem:$0x18500] =	vst v63  }
0xe9: {  	_ =	swait.ge [sflag:s15], $0x2000  }
0xea: {  	[sflag:s15] =	ssyncset.done $0x0  }
0xeb: {  	[sflag:s15] =	ssyncadd.s32 $0xFFFFE000  }
0xec: {  	[hbm4b:s11+s26] =	stream.linear.scatter [tilespmem:s2], [sflag:$0x7], $0x2000, $0x38;
	[tilespmem:$0x18500] =	vst v63  }
0xed: {  	_ =	swait.ge [sflag:s15], $0x2000  }
0xee: {  	[sflag:s15] =	ssyncset.done $0x0  }
0xef: {  	[sflag:s15] =	ssyncadd.s32 $0xFFFFE000  }
0xf0: {  	_ =	swait.ge [sflag:s18], $0x1000  }
0xf1: {  	[sflag:s18] =	ssyncset.done $0x0  }
0xf2: {  	[sflag:s18] =	ssyncadd.s32 $0xFFFFF000  }
0xf3: {  	_ =	swait.ge [sflag:s20], $0x4000  }
0xf4: {  	[sflag:s20] =	ssyncset.done $0x0  }
0xf5: {  	[sflag:s20] =	ssyncadd.s32 $0xFFFFC000  }
0xf6: {  	_ =	swait.ge [sflag:s21], $0x5000  }
0xf7: {  	[sflag:s21] =	ssyncset.done $0x0  }
0xf8: {  	s26 =	simm.s32 $0xA520;
	[sflag:s21] =	ssyncadd.s32 $0xFFFFB000  }
0xf9: {  	v0 =	vld [tilespmem:s26+$0xFFFFFFE0];
	_ =	sdelay $0x3  }
0xfa: {  	s4 =	simm.s32 $0x0  }
0xfb: {  	s28 =	simm.s32 $0xB580;
	[tilespmem:s4+$0x14500] =	vst v0  }
0xfc: {  	v0 =	vld [tilespmem:s28+$0xFFFFFF80]  }
0xfd: {  	v1 =	vld [tilespmem:s28+$0xFFFFFFC0];
	_ =	sdelay $0x1  }
0xfe: {  	v2 =	vld [tilespmem:s28+$0x0];
	_ =	sdelay $0x1  }
0xff: {  	v3 =	vld [tilespmem:s28+$0x40]  }
0x100: {  	v0 =	vadd.f32 v1, v0;
	_ =	sdelay $0x1  }
0x101: {  	v0 =	vadd.f32 v2, v0;
	_ =	sdelay $0x1  }
0x102: {  	v0 =	vadd.f32 v3, v0;
	_ =	sdelay $0x1  }
0x103: {  	s5 =	simm.s32 $0xF5A0;
	[tilespmem:s4+$0x14540] =	vst v0  }
0x104: {  	v0 =	vld [tilespmem:s5+$0xFFFFFF60]  }
0x105: {  	v1 =	vld [tilespmem:s5+$0xFFFFFFA0];
	_ =	sdelay $0x1  }
0x106: {  	v2 =	vld [tilespmem:s5+$0xFFFFFFE0];
	_ =	sdelay $0x1  }
0x107: {  	v3 =	vld [tilespmem:s5+$0x20]  }
0x108: {  	v0 =	vadd.f32 v1, v0  }
0x109: {  	v1 =	vld [tilespmem:s5+$0x60]  }
0x10a: {  	v0 =	vadd.f32 v2, v0;
	_ =	sdelay $0x1  }
0x10b: {  	v0 =	vadd.f32 v3, v0;
	_ =	sdelay $0x1  }
0x10c: {  	v0 =	vadd.f32 v1, v0;
	_ =	sdelay $0x1  }
0x10d: {  	[tilespmem:s4+$0x16500] =	vst v0  }
0x10e: {  	v0 =	vld [tilespmem:s26+$0xFFFFFFF0];
	_ =	sdelay $0x4  }
0x10f: {  	[tilespmem:s4+$0x14510] =	vst v0  }
0x110: {  	v0 =	vld [tilespmem:s28+$0xFFFFFF90]  }
0x111: {  	v1 =	vld [tilespmem:s28+$0xFFFFFFD0];
	_ =	sdelay $0x1  }
0x112: {  	v2 =	vld [tilespmem:s28+$0x10];
	_ =	sdelay $0x1  }
0x113: {  	v3 =	vld [tilespmem:s28+$0x50]  }
0x114: {  	v0 =	vadd.f32 v1, v0;
	_ =	sdelay $0x1  }
0x115: {  	v0 =	vadd.f32 v2, v0;
	_ =	sdelay $0x1  }
0x116: {  	v0 =	vadd.f32 v3, v0;
	_ =	sdelay $0x1  }
0x117: {  	[tilespmem:s4+$0x14550] =	vst v0  }
0x118: {  	v0 =	vld [tilespmem:s5+$0xFFFFFF70]  }
0x119: {  	v1 =	vld [tilespmem:s5+$0xFFFFFFB0];
	_ =	sdelay $0x1  }
0x11a: {  	v2 =	vld [tilespmem:s5+$0xFFFFFFF0];
	_ =	sdelay $0x1  }
0x11b: {  	v3 =	vld [tilespmem:s5+$0x30]  }
0x11c: {  	v0 =	vadd.f32 v1, v0  }
0x11d: {  	v1 =	vld [tilespmem:s5+$0x70]  }
0x11e: {  	v0 =	vadd.f32 v2, v0;
	_ =	sdelay $0x1  }
0x11f: {  	v0 =	vadd.f32 v3, v0;
	_ =	sdelay $0x1  }
0x120: {  	v0 =	vadd.f32 v1, v0;
	_ =	sdelay $0x1  }
0x121: {  	[tilespmem:s4+$0x16510] =	vst v0  }
0x122: {  	v0 =	vld [tilespmem:s26+$0x0];
	_ =	sdelay $0x4  }
0x123: {  	[tilespmem:s4+$0x14520] =	vst v0  }
0x124: {  	v0 =	vld [tilespmem:s28+$0xFFFFFFA0]  }
0x125: {  	v1 =	vld [tilespmem:s28+$0xFFFFFFE0];
	_ =	sdelay $0x1  }
0x126: {  	v2 =	vld [tilespmem:s28+$0x20];
	_ =	sdelay $0x1  }
0x127: {  	v3 =	vld [tilespmem:s28+$0x60]  }
0x128: {  	v0 =	vadd.f32 v1, v0;
	_ =	sdelay $0x1  }
0x129: {  	v0 =	vadd.f32 v2, v0;
	_ =	sdelay $0x1  }
0x12a: {  	v0 =	vadd.f32 v3, v0;
	_ =	sdelay $0x1  }
0x12b: {  	[tilespmem:s4+$0x14560] =	vst v0  }
0x12c: {  	v0 =	vld [tilespmem:s5+$0xFFFFFF80]  }
0x12d: {  	v1 =	vld [tilespmem:s5+$0xFFFFFFC0];
	_ =	sdelay $0x1  }
0x12e: {  	v2 =	vld [tilespmem:s5+$0x0];
	_ =	sdelay $0x1  }
0x12f: {  	v3 =	vld [tilespmem:s5+$0x40]  }
0x130: {  	v0 =	vadd.f32 v1, v0  }
0x131: {  	v1 =	vld [tilespmem:s5+$0x80]  }
0x132: {  	v0 =	vadd.f32 v2, v0;
	_ =	sdelay $0x1  }
0x133: {  	v0 =	vadd.f32 v3, v0;
	_ =	sdelay $0x1  }
0x134: {  	v0 =	vadd.f32 v1, v0;
	_ =	sdelay $0x1  }
0x135: {  	[tilespmem:s4+$0x16520] =	vst v0  }
0x136: {  	v0 =	vld [tilespmem:s26+$0x10];
	_ =	sdelay $0x4  }
0x137: {  	[tilespmem:s4+$0x14530] =	vst v0  }
0x138: {  	v0 =	vld [tilespmem:s28+$0xFFFFFFB0]  }
0x139: {  	v1 =	vld [tilespmem:s28+$0xFFFFFFF0];
	_ =	sdelay $0x1  }
0x13a: {  	v2 =	vld [tilespmem:s28+$0x30];
	_ =	sdelay $0x1  }
0x13b: {  	v3 =	vld [tilespmem:s28+$0x70]  }
0x13c: {  	v0 =	vadd.f32 v1, v0;
	_ =	sdelay $0x1  }
0x13d: {  	v0 =	vadd.f32 v2, v0;
	_ =	sdelay $0x1  }
0x13e: {  	v0 =	vadd.f32 v3, v0;
	_ =	sdelay $0x1  }
0x13f: {  	[tilespmem:s4+$0x14570] =	vst v0  }
0x140: {  	v2 =	vld [tilespmem:s5+$0xFFFFFF90]  }
0x141: {  	v4 =	vld [tilespmem:s5+$0xFFFFFFD0]  }
0x142: {  	v3 =	vld [tilespmem:s5+$0x10]  }
0x143: {  	v0 =	vld [tilespmem:s5+$0x50]  }
0x144: {  	s6 =	simm.s32 $0x200;
	v1 =	vld [tilespmem:s5+$0x90]  }
.LBB2_4:
0x145: {  	s5 =	sadd.s32 $0x140, s5;
	s28 =	sadd.s32 $0x100, s28;
	s26 =	sadd.s32 $0x40, s26  }
0x146: {  	p0 =	sne.s32 s6, $0x7E00;
	s7 =	smov.u32 s6;
	s6 =	sadd.s32 $0x200, s6;
	v2 =	vadd.f32 v4, v2  }
0x147: {  	_ = 	snop  }
0x148: {  	v2 =	vadd.f32 v3, v2;
	_ =	sdelay $0x1  }
0x149: {  	v0 =	vadd.f32 v0, v2;
	_ =	sdelay $0x1  }
0x14a: {  	v0 =	vadd.f32 v1, v0;
	_ =	sdelay $0x1  }
0x14b: {  	[tilespmem:s4+$0x16530] =	vst v0  }
0x14c: {  	v0 =	vld [tilespmem:s26+$0xFFFFFFE0];
	_ =	sdelay $0x3  }
0x14d: {  	s4 =	sshra.s32 s7, $0x2  }
0x14e: {  	[tilespmem:s4+$0x14500] =	vst v0  }
0x14f: {  	v0 =	vld [tilespmem:s28+$0xFFFFFF80]  }
0x150: {  	v1 =	vld [tilespmem:s28+$0xFFFFFFC0]  }
0x151: {  	v2 =	vld [tilespmem:s28+$0x0];
	_ =	sdelay $0x1  }
0x152: {  	v3 =	vld [tilespmem:s28+$0x40];
	_ =	sdelay $0x1  }
0x153: {  	v0 =	vadd.f32 v1, v0;
	_ =	sdelay $0x1  }
0x154: {  	v0 =	vadd.f32 v2, v0;
	_ =	sdelay $0x1  }
0x155: {  	v0 =	vadd.f32 v3, v0;
	_ =	sdelay $0x1  }
0x156: {  	[tilespmem:s4+$0x14540] =	vst v0  }
0x157: {  	v0 =	vld [tilespmem:s5+$0xFFFFFF60]  }
0x158: {  	v1 =	vld [tilespmem:s5+$0xFFFFFFA0]  }
0x159: {  	v2 =	vld [tilespmem:s5+$0xFFFFFFE0];
	_ =	sdelay $0x2  }
0x15a: {  	v3 =	vld [tilespmem:s5+$0x20]  }
0x15b: {  	v0 =	vadd.f32 v1, v0  }
0x15c: {  	v1 =	vld [tilespmem:s5+$0x60]  }
0x15d: {  	v0 =	vadd.f32 v2, v0;
	_ =	sdelay $0x1  }
0x15e: {  	v0 =	vadd.f32 v3, v0;
	_ =	sdelay $0x1  }
0x15f: {  	v0 =	vadd.f32 v1, v0;
	_ =	sdelay $0x1  }
0x160: {  	[tilespmem:s4+$0x16500] =	vst v0  }
0x161: {  	v0 =	vld [tilespmem:s26+$0xFFFFFFF0];
	_ =	sdelay $0x4  }
0x162: {  	[tilespmem:s4+$0x14510] =	vst v0  }
0x163: {  	v0 =	vld [tilespmem:s28+$0xFFFFFF90]  }
0x164: {  	v1 =	vld [tilespmem:s28+$0xFFFFFFD0];
	_ =	sdelay $0x1  }
0x165: {  	v2 =	vld [tilespmem:s28+$0x10];
	_ =	sdelay $0x1  }
0x166: {  	v3 =	vld [tilespmem:s28+$0x50]  }
0x167: {  	v0 =	vadd.f32 v1, v0;
	_ =	sdelay $0x1  }
0x168: {  	v0 =	vadd.f32 v2, v0;
	_ =	sdelay $0x1  }
0x169: {  	v0 =	vadd.f32 v3, v0;
	_ =	sdelay $0x1  }
0x16a: {  	[tilespmem:s4+$0x14550] =	vst v0  }
0x16b: {  	v0 =	vld [tilespmem:s5+$0xFFFFFF70]  }
0x16c: {  	v1 =	vld [tilespmem:s5+$0xFFFFFFB0]  }
0x16d: {  	v2 =	vld [tilespmem:s5+$0xFFFFFFF0];
	_ =	sdelay $0x2  }
0x16e: {  	v3 =	vld [tilespmem:s5+$0x30]  }
0x16f: {  	v0 =	vadd.f32 v1, v0  }
0x170: {  	v1 =	vld [tilespmem:s5+$0x70]  }
0x171: {  	v0 =	vadd.f32 v2, v0;
	_ =	sdelay $0x1  }
0x172: {  	v0 =	vadd.f32 v3, v0;
	_ =	sdelay $0x1  }
0x173: {  	v0 =	vadd.f32 v1, v0;
	_ =	sdelay $0x1  }
0x174: {  	[tilespmem:s4+$0x16510] =	vst v0  }
0x175: {  	v0 =	vld [tilespmem:s26+$0x0];
	_ =	sdelay $0x4  }
0x176: {  	[tilespmem:s4+$0x14520] =	vst v0  }
0x177: {  	v0 =	vld [tilespmem:s28+$0xFFFFFFA0]  }
0x178: {  	v1 =	vld [tilespmem:s28+$0xFFFFFFE0]  }
0x179: {  	v2 =	vld [tilespmem:s28+$0x20]  }
0x17a: {  	v3 =	vld [tilespmem:s28+$0x60];
	_ =	sdelay $0x2  }
0x17b: {  	v0 =	vadd.f32 v1, v0;
	_ =	sdelay $0x1  }
0x17c: {  	v0 =	vadd.f32 v2, v0;
	_ =	sdelay $0x1  }
0x17d: {  	v0 =	vadd.f32 v3, v0;
	_ =	sdelay $0x1  }
0x17e: {  	[tilespmem:s4+$0x14560] =	vst v0  }
0x17f: {  	v0 =	vld [tilespmem:s5+$0xFFFFFF80]  }
0x180: {  	v1 =	vld [tilespmem:s5+$0xFFFFFFC0]  }
0x181: {  	v2 =	vld [tilespmem:s5+$0x0]  }
0x182: {  	v3 =	vld [tilespmem:s5+$0x40]  }
0x183: {  	v4 =	vld [tilespmem:s5+$0x80];
	_ =	sdelay $0x1  }
0x184: {  	v0 =	vadd.f32 v1, v0;
	_ =	sdelay $0x1  }
0x185: {  	v0 =	vadd.f32 v2, v0;
	_ =	sdelay $0x1  }
0x186: {  	v0 =	vadd.f32 v3, v0;
	_ =	sdelay $0x1  }
0x187: {  	v0 =	vadd.f32 v4, v0;
	_ =	sdelay $0x1  }
0x188: {  	[tilespmem:s4+$0x16520] =	vst v0  }
0x189: {  	v0 =	vld [tilespmem:s26+$0x10];
	_ =	sdelay $0x4  }
0x18a: {  	[tilespmem:s4+$0x14530] =	vst v0  }
0x18b: {  	v0 =	vld [tilespmem:s28+$0xFFFFFFB0]  }
0x18c: {  	v1 =	vld [tilespmem:s28+$0xFFFFFFF0]  }
0x18d: {  	v2 =	vld [tilespmem:s28+$0x30]  }
0x18e: {  	v3 =	vld [tilespmem:s28+$0x70];
	_ =	sdelay $0x2  }
0x18f: {  	v0 =	vadd.f32 v1, v0;
	_ =	sdelay $0x1  }
0x190: {  	v0 =	vadd.f32 v2, v0;
	_ =	sdelay $0x1  }
0x191: {  	v0 =	vadd.f32 v3, v0;
	_ =	sdelay $0x1  }
0x192: {  	[tilespmem:s4+$0x14570] =	vst v0  }
.Ltmp1:
0x193: {  	v2 =	vld [tilespmem:s5+$0xFFFFFF90];
	(pc) =	sbr.rel @p0 .LBB2_4-.Ltmp1, $4  }
0x194: {  	v4 =	vld [tilespmem:s5+$0xFFFFFFD0]  }
0x195: {  	v3 =	vld [tilespmem:s5+$0x10]  }
0x196: {  	v0 =	vld [tilespmem:s5+$0x50]  }
0x197: {  	v1 =	vld [tilespmem:s5+$0x90]  }
0x198: {  	_ = 	snop  }
0x199: {  	v2 =	vadd.f32 v4, v2;
	_ =	sdelay $0x1  }
0x19a: {  	v2 =	vadd.f32 v3, v2;
	_ =	sdelay $0x1  }
0x19b: {  	v0 =	vadd.f32 v0, v2;
	_ =	sdelay $0x1  }
0x19c: {  	v0 =	vadd.f32 v1, v0;
	_ =	sdelay $0x1  }
0x19d: {  	[tilespmem:s4+$0x16530] =	vst v0  }
0x19e: {  	[hbm4b:s12+s1] =	stream.linear.scatter [tilespmem:s0], [sflag:$0x7], $0x2000, $0x38;
	[tilespmem:$0x18500] =	vst v63  }
0x19f: {  	s25 =	sadd.s32 $0x1, s25;
	_ =	swait.ge [sflag:s15], $0x2000  }
0x1a0: {  	p0 =	sne.s32 s25, s14;
	[sflag:s15] =	ssyncset.done $0x0  }
.Ltmp2:
0x1a1: {  	[sflag:s15] =	ssyncadd.s32 $0xFFFFE000;
	(pc) =	sbr.rel @p0 .LBB2_1-.Ltmp2, $4  }
0x1a2: {  	[hbm4b:s13+s1] =	stream.linear.scatter [tilespmem:s2], [sflag:$0x7], $0x2000, $0x38;
	[tilespmem:$0x18500] =	vst v63  }
0x1a3: {  	_ =	swait.ge [sflag:s15], $0x2000  }
0x1a4: {  	[sflag:s15] =	ssyncset.done $0x0  }
0x1a5: {  	[sflag:s15] =	ssyncadd.s32 $0xFFFFE000  }
0x1a6: {  	_ =	sfence.sel $0x180000  }
0x1a7: {  	[bflag:$0x0] =	sbarrier.arrive $0xFFFF  }
0x1a8: {  	_ =	strace $0x90000050  }
0x1a9: {  	s0 =	stileid.u32;
	[bflag:$0x2] =	sbarrier.arrive $0xFFFF  }
0x1aa: {  	p0 =	sne.s32 s0, $0x0;
	s0 =	rddreg [dreg:$0x2]  }
0x1ab: {  	s0 =	sadd.s32 @!p0 $0x100000, s0  }
0x1ac: {  	[sflag:s0] =	ssyncadd.tile.s32 @!p0 $0x1;
	_ =	shalt  }
.Lfunc_end2:
_tile_overlayer_lowered:
.L_overlay_start_2:
0x1ad: {  	(tag) =	ssettag $0x2  }
0x1ae: {  	s0 =	rddreg [dreg:$0x0];
	s2 =	stileid.u32  }
0x1af: {  	s1 =	rddreg [dreg:$0x1];
	p0 =	sne.s32 s2, $0x0  }
0x1b0: {  	s3 =	rddreg [dreg:$0x2];
	[bflag:$0x3] =	sbarrier.arrive $0xFFFF;
	s2 =	simm.s32 @!p0 $0x1C07  }
0x1b1: {  	[timem:s3], [sflag:s2] =	dma.local @!p0 [hbm:s0], s1  }
0x1b2: {  	s0 =	simm.s32 @!p0 $0x7  }
0x1b3: {  	_ =	swait.ge @!p0 [sflag:s0], s1  }
0x1b4: {  	s1 =	ssub.s32 @!p0 $0x0, s1;
	[sflag:s0] =	ssyncset.done @!p0 $0x0  }
0x1b5: {  	[sflag:s0] =	ssyncadd.s32 @!p0 s1  }
0x1b6: {  	[bflag:$0x3] =	sbarrier.arrive $0xFFFF  }
0x1b7: {  	_ =	shalt  }

</sc_bundles>
